<compile_context>
chip_gen: v7x
topology: tpu7x:2x2x1
jax: 0.10.2.dev20260603
libtpu: 0.0.44.dev20260713+nightly
codegen_flags: <defaults>
</compile_context>

<pallas_src>
import functools
import math

import jax
import jax.numpy as jnp
from jax import lax
from jax.experimental import pallas as pl
from jax.experimental.pallas import tpu as pltpu
from jax.experimental.pallas import tpu_sc as plsc

_N = 10000
_E = 320000
_DIN = 128
_HC = 128
_NC = 2
_NS = 16
_CH = 16
_NW = _NC * _NS
_EP_PAD = ((_E + _CH * _NW - 1) // (_CH * _NW)) * (_CH * _NW)
_EPW = _EP_PAD // _NW
_IB = 64
_IBE = _IB * _CH
_IDX_PAD = _EP_PAD + _IBE
_NP = ((_N + _CH - 1) // _CH) * _CH
_TRASH = _N + 8
_NPAD_X = 10240


def _pack2(lo_f32, hi_f32):
    lo = lax.bitcast_convert_type(lo_f32.astype(jnp.bfloat16),
                                  jnp.uint16).astype(jnp.int32)
    hi = lax.bitcast_convert_type(hi_f32.astype(jnp.bfloat16),
                                  jnp.uint16).astype(jnp.int32)
    return lax.bitwise_or(lo, lax.shift_left(hi, 16))


def _prep_body(x_ref, w_ref, b_ref, q_ref, kv_ref, sk_ref):
    acc = jnp.dot(x_ref[...], w_ref[...],
                  preferred_element_type=jnp.float32) + b_ref[...]
    q_ref[...] = acc[:, 0:128]
    k = acc[:, 128:256]
    v = acc[:, 256:384]
    kv_ref[...] = jnp.concatenate(
        [_pack2(k[:, 0:64], k[:, 64:128]),
         _pack2(v[:, 0:64], v[:, 64:128])], axis=1)
    sk_ref[...] = acc[:, 384:512]


def _ep_body(a_ref, w_ref, o_ref):
    e = jnp.dot(a_ref[...], w_ref[...], preferred_element_type=jnp.float32)
    o_ref[...] = _pack2(e[:, 0:64], e[:, 64:128])


def _edge_kernel_body(q_hbm, kv_hbm, ep_hbm, src_hbm, dst_hbm,
                      out_hbm, sout_hbm,
                      srcva, dstva, qva, kvva, eva,
                      srcvb, dstvb, qvb, kvvb, evb,
                      srcblk, dstblk,
                      rowv, slocal, idx160, acc, s_acc,
                      sqa, ska, sea, sqb, skb, seb):
    c = lax.axis_index("c")
    s = lax.axis_index("s")
    wid = c * _NS + s
    iot = lax.iota(jnp.int32, 16)

    def _zrow(i, _):
        for k in range(8):
            rowv[i, 16 * k:16 * k + 16] = jnp.zeros((16,), jnp.float32)
        return 0

    lax.fori_loop(0, _CH, _zrow, 0)

    def _zs(i, _):
        for k in range(8):
            slocal[i, 16 * k:16 * k + 16] = jnp.zeros((16,), jnp.float32)
        return 0

    lax.fori_loop(0, 160, _zs, 0)

    def _zi(t, _):
        idx160[pl.ds(t * 16, 16)] = iot + t * 16
        return 0

    lax.fori_loop(0, 10, _zi, 0)

    def _zacc(t, _):
        j = s + t * _NS

        @pl.when(j < _NP // _CH)
        def _():
            rb = pl.multiple_of(j * _CH, 8)
            pltpu.sync_copy(rowv, acc.at[pl.ds(rb, _CH)])

        return 0

    lax.fori_loop(0, _NP // _CH // _NS + 1, _zacc, 0)

    @pl.when(s < 10)
    def _():
        rb = pl.multiple_of(s * 16, 8)
        pltpu.sync_copy(rowv.at[pl.ds(0, 16)], s_acc.at[pl.ds(rb, 16)])

    plsc.subcore_barrier()

    inv_sqrt_c = jnp.float32(1.0 / math.sqrt(64.0))
    bufs_a = (srcva, dstva, qva, kvva, eva, sqa, ska, sea)
    bufs_b = (srcvb, dstvb, qvb, kvvb, evb, sqb, skb, seb)

    def prefetch(tch, bufs):
        srcx, dstx, qx, kvx, ex, sq, sk_, se = bufs
        t_loc = lax.bitwise_and(tch, _IB - 1)

        @pl.when(t_loc == 0)
        def _():
            bb = pl.multiple_of(wid * _EPW + (tch // _IB) * _IBE, 8)
            pltpu.sync_copy(src_hbm.at[pl.ds(bb, _IBE)], srcblk)
            pltpu.sync_copy(dst_hbm.at[pl.ds(bb, _IBE)], dstblk)

        off = pl.multiple_of(t_loc * _CH, 8)
        srcx[pl.ds(0, 16)] = srcblk[pl.ds(off, 16)]
        dstx[pl.ds(0, 16)] = dstblk[pl.ds(off, 16)]
        base = pl.multiple_of(wid * _EPW + tch * _CH, 8)
        pltpu.async_copy(q_hbm.at[dstx], qx, sq)
        pltpu.async_copy(kv_hbm.at[srcx], kvx, sk_)
        pltpu.async_copy(ep_hbm.at[pl.ds(base, _CH)], ex, se)

    def compute(bufs):
        srcx, dstx, qx, kvx, ex, sq, sk_, se = bufs
        pltpu.make_async_copy(q_hbm.at[dstx], qx, sq).wait()
        pltpu.make_async_copy(kv_hbm.at[srcx], kvx, sk_).wait()
        pltpu.make_async_copy(ep_hbm.at[pl.ds(0, _CH)], ex, se).wait()
        for g in range(_CH // 16):
            gb = g * 16
            z16 = jnp.zeros((16,), jnp.float32)

            def _edge_body(i, carry):
                wv0, wv1 = carry
                ii = gb + i
                es = []
                p0 = z16
                p1 = z16
                for j in range(4):
                    kp = kvx[ii, 16 * j:16 * j + 16]
                    epj = ex[ii, 16 * j:16 * j + 16]
                    k0, k1 = plsc.unpack(plsc.bitcast(kp, jnp.bfloat16),
                                         format=plsc.PackFormat.INTERLEAVED)
                    e0, e1 = plsc.unpack(plsc.bitcast(epj, jnp.bfloat16),
                                         format=plsc.PackFormat.INTERLEAVED)
                    q0 = qx[ii, 16 * j:16 * j + 16]
                    q1 = qx[ii, 64 + 16 * j:64 + 16 * j + 16]
                    p0 = p0 + q0 * (k0 + e0)
                    p1 = p1 + q1 * (k1 + e1)
                    es.append((e0, e1))
                a0 = jnp.sum(p0) * inv_sqrt_c
                a1 = jnp.sum(p1) * inv_sqrt_c
                w0 = jnp.exp(jnp.broadcast_to(a0, (16,)))
                w1 = jnp.exp(jnp.broadcast_to(a1, (16,)))
                wv0 = jnp.where(iot == i, w0, wv0)
                wv1 = jnp.where(iot == i, w1, wv1)
                for j in range(4):
                    vp = kvx[ii, 64 + 16 * j:64 + 16 * j + 16]
                    v0, v1 = plsc.unpack(plsc.bitcast(vp, jnp.bfloat16),
                                         format=plsc.PackFormat.INTERLEAVED)
                    e0, e1 = es[j]
                    rowv[ii, 16 * j:16 * j + 16] = (v0 + e0) * w0
                    rowv[ii, 64 + 16 * j:64 + 16 * j + 16] = (v1 + e1) * w1
                return (wv0, wv1)

            wv0, wv1 = plsc.parallel_loop(
                0, 16, unroll=4, carry=(z16, z16))(_edge_body)

            d16 = dstx[pl.ds(gb, 16)]
            f0 = d16 * 2
            row0 = lax.shift_right_logical(f0, 7)
            col0 = lax.bitwise_and(f0, 127)
            plsc.addupdate_scatter(slocal, [row0, col0], wv0)
            plsc.addupdate_scatter(slocal, [row0, col0 + 1], wv1)
        pltpu.sync_copy(rowv, acc.at[dstx], add=True)

    n_per_w = _EP_PAD // _CH // _NW
    prefetch(0, bufs_a)

    def step(t, _):
        prefetch(2 * t + 1, bufs_b)
        compute(bufs_a)
        prefetch(2 * t + 2, bufs_a)
        compute(bufs_b)
        return 0

    lax.fori_loop(0, (n_per_w - 1) // 2, step, 0)
    compute(bufs_a)

    pltpu.sync_copy(slocal, s_acc.at[idx160], add=True)
    plsc.subcore_barrier()

    @pl.when(s < 10)
    def _():
        rb = pl.multiple_of(s * 16, 8)
        pltpu.sync_copy(s_acc.at[pl.ds(rb, 16)],
                        sout_hbm.at[c, pl.ds(rb, 16)])

    def _dump(t, _):
        j = s + t * _NS

        @pl.when(j < _NP // _CH)
        def _():
            rb = pl.multiple_of(j * _CH, 8)
            pltpu.sync_copy(acc.at[pl.ds(rb, _CH)],
                            out_hbm.at[c, pl.ds(rb, _CH)])

        return 0

    lax.fori_loop(0, _NP // _CH // _NS + 1, _dump, 0)


_edge_kernel = functools.partial(
    pl.kernel,
    compiler_params=pltpu.CompilerParams(needs_layout_passes=False),
    out_type=(jax.ShapeDtypeStruct((_NC, _NP, 128), jnp.float32),
              jax.ShapeDtypeStruct((_NC, 160, 128), jnp.float32)),
    mesh=plsc.VectorSubcoreMesh(core_axis_name="c", subcore_axis_name="s"),
    scratch_types=[
        pltpu.VMEM((_CH,), jnp.int32),
        pltpu.VMEM((_CH,), jnp.int32),
        pltpu.VMEM((_CH, 128), jnp.float32),
        pltpu.VMEM((_CH, 128), jnp.int32),
        pltpu.VMEM((_CH, 64), jnp.int32),
        pltpu.VMEM((_CH,), jnp.int32),
        pltpu.VMEM((_CH,), jnp.int32),
        pltpu.VMEM((_CH, 128), jnp.float32),
        pltpu.VMEM((_CH, 128), jnp.int32),
        pltpu.VMEM((_CH, 64), jnp.int32),
        pltpu.VMEM((_IBE,), jnp.int32),
        pltpu.VMEM((_IBE,), jnp.int32),
        pltpu.VMEM((_CH, 128), jnp.float32),
        pltpu.VMEM((160, 128), jnp.float32),
        pltpu.VMEM((160,), jnp.int32),
        pltpu.VMEM_SHARED((_NP, 128), jnp.float32),
        pltpu.VMEM_SHARED((160, 128), jnp.float32),
        pltpu.SemaphoreType.DMA,
        pltpu.SemaphoreType.DMA,
        pltpu.SemaphoreType.DMA,
        pltpu.SemaphoreType.DMA,
        pltpu.SemaphoreType.DMA,
        pltpu.SemaphoreType.DMA,
    ],
)(_edge_kernel_body)


def _fin_body(p_ref, s_ref, sk_ref, o_ref):
    a = p_ref[0] + p_ref[1]
    sv = s_ref[0] + s_ref[1]
    s0 = sv[:, 0:1]
    s1 = sv[:, 1:2]
    o_ref[...] = jnp.concatenate(
        [a[:, 0:64] / (s0 + 1e-16), a[:, 64:128] / (s1 + 1e-16)],
        axis=1) + sk_ref[...]


def kernel(x, edge_index, edge_attr, Wq, bq, Wk, bk, Wv, bv, We, Wskip, bskip):
    w_all = jnp.concatenate([Wq, Wk, Wv, Wskip], axis=1)
    b_all = jnp.concatenate([bq, bk, bv, bskip]).reshape(1, 512)
    x_pad = jnp.pad(x, ((0, _NPAD_X - _N), (0, 0)))

    q, kv, sk = pl.pallas_call(
        _prep_body,
        grid=(5,),
        in_specs=[
            pl.BlockSpec((2048, 128), lambda i: (i, 0)),
            pl.BlockSpec((128, 512), lambda i: (0, 0)),
            pl.BlockSpec((1, 512), lambda i: (0, 0)),
        ],
        out_specs=[
            pl.BlockSpec((2048, 128), lambda i: (i, 0)),
            pl.BlockSpec((2048, 128), lambda i: (i, 0)),
            pl.BlockSpec((2048, 128), lambda i: (i, 0)),
        ],
        out_shape=[
            jax.ShapeDtypeStruct((_NPAD_X, 128), jnp.float32),
            jax.ShapeDtypeStruct((_NPAD_X, 128), jnp.int32),
            jax.ShapeDtypeStruct((_NPAD_X, 128), jnp.float32),
        ],
    )(x_pad, w_all, b_all)

    ep = pl.pallas_call(
        _ep_body,
        grid=(40,),
        in_specs=[
            pl.BlockSpec((8000, 16), lambda i: (i, 0)),
            pl.BlockSpec((16, 128), lambda i: (0, 0)),
        ],
        out_specs=pl.BlockSpec((8000, 64), lambda i: (i, 0)),
        out_shape=jax.ShapeDtypeStruct((_E, 64), jnp.int32),
    )(edge_attr, We)

    ep_pad = jnp.pad(ep, ((0, _EP_PAD - _E), (0, 0)))
    src_pad = jnp.pad(edge_index[0], (0, _IDX_PAD - _E))
    dst_pad = jnp.pad(edge_index[1], (0, _IDX_PAD - _E),
                      constant_values=_TRASH)

    partial, s_out = _edge_kernel(q, kv, ep_pad, src_pad, dst_pad)
    partial = partial[:, :_N]
    s_out = s_out.reshape(_NC, 160 * 128)[:, :2 * _N].reshape(_NC, _N, 2)

    out = pl.pallas_call(
        _fin_body,
        grid=(10,),
        in_specs=[
            pl.BlockSpec((2, 1000, 128), lambda i: (0, i, 0)),
            pl.BlockSpec((2, 1000, 2), lambda i: (0, i, 0)),
            pl.BlockSpec((1000, 128), lambda i: (i, 0)),
        ],
        out_specs=pl.BlockSpec((1000, 128), lambda i: (i, 0)),
        out_shape=jax.ShapeDtypeStruct((_N, _HC), jnp.float32),
    )(partial, s_out, sk[:_N])
    return out

# --- scband reference (transcript-rebuilt; emitter-appended) ---
"""Pipeline reference for scband-transformer-52819507806815 (READ-ONLY COPY).

The authoritative reference and input builder live on the scoring server;
editing this copy changes nothing except your own understanding.
"""

import jax, jax.numpy as jnp
import numpy as np
import math

N = 10000
E = 320000
D_IN = 128
HEADS = 2
C = 64
D_EDGE = 16
HC = HEADS * C


def setup_inputs(seed: int = 0) -> dict:
    key = jax.random.key(seed)
    ks = jax.random.split(key, 12)
    x = jax.random.normal(ks[0], (N, D_IN), dtype=jnp.float32)
    edge_index = jax.random.randint(ks[1], (2, E), 0, N, dtype=jnp.int32)
    edge_attr = jax.random.normal(ks[2], (E, D_EDGE), dtype=jnp.float32)
    s_in = 1.0 / math.sqrt(D_IN)
    s_e = 1.0 / math.sqrt(D_EDGE)
    Wq = jax.random.normal(ks[3], (D_IN, HC), dtype=jnp.float32) * s_in
    bq = jnp.zeros((HC,), dtype=jnp.float32)
    Wk = jax.random.normal(ks[4], (D_IN, HC), dtype=jnp.float32) * s_in
    bk = jnp.zeros((HC,), dtype=jnp.float32)
    Wv = jax.random.normal(ks[5], (D_IN, HC), dtype=jnp.float32) * s_in
    bv = jnp.zeros((HC,), dtype=jnp.float32)
    We = jax.random.normal(ks[6], (D_EDGE, HC), dtype=jnp.float32) * s_e
    Wskip = jax.random.normal(ks[7], (D_IN, HC), dtype=jnp.float32) * s_in
    bskip = jnp.zeros((HC,), dtype=jnp.float32)
    return {"x": x, "edge_index": edge_index, "edge_attr": edge_attr,
            "Wq": Wq, "bq": bq, "Wk": Wk, "bk": bk, "Wv": Wv, "bv": bv,
            "We": We, "Wskip": Wskip, "bskip": bskip}


def reference(x, edge_index, edge_attr, Wq, bq, Wk, bk, Wv, bv, We, Wskip, bskip):
    # PyG TransformerConv, flow=source_to_target: src=edge_index[0], dst=edge_index[1]
    src = edge_index[0]
    dst = edge_index[1]
    q = (x @ Wq + bq)[dst].reshape(E, HEADS, C)
    k = (x[src] @ Wk + bk).reshape(E, HEADS, C)
    v = (x[src] @ Wv + bv).reshape(E, HEADS, C)
    e = (edge_attr @ We).reshape(E, HEADS, C)
    k = k + e
    alpha = (q * k).sum(axis=-1) / math.sqrt(C)  # [E, H]
    # segment softmax over edges grouped by dst node
    m = jax.ops.segment_max(alpha, dst, num_segments=N)  # [N, H]
    alpha = jnp.exp(alpha - m[dst])
    s = jax.ops.segment_sum(alpha, dst, num_segments=N)
    alpha = alpha / (s[dst] + 1e-16)
    # dropout on alpha is identity in eval mode
    msg = (v + e) * alpha[..., None]  # [E, H, C]
    out = jax.ops.segment_sum(msg, dst, num_segments=N).reshape(N, HC)
    # root_weight skip connection (concat=True)
    out = out + (x @ Wskip + bskip)
    return out

if __name__ == "__main__":
    import jax
    _d = setup_inputs()
    print(jax.jit(kernel)(*tuple(_d.values())))

</pallas_src>

<mosaic_0001>
#map = affine_map<(d0, d1) -> (0, 0)>
#map1 = affine_map<(d0, d1) -> (0)>
#map2 = affine_map<(d0, d1) -> (0, 0, 0)>
module attributes {stable_mosaic.version = 14 : i64} {
  func.func @_edge_kernel_body(%arg0: i32, %arg1: i32, %arg2: memref<10240x128xf32, #tpu.memory_space<hbm>>, %arg3: memref<10240x128xi32, #tpu.memory_space<hbm>>, %arg4: memref<320000x64xi32, #tpu.memory_space<hbm>>, %arg5: memref<321024xi32, #tpu.memory_space<hbm>>, %arg6: memref<321024xi32, #tpu.memory_space<hbm>>, %arg7: memref<2x10000x128xf32, #tpu.memory_space<hbm>>, %arg8: memref<2x160x128xf32, #tpu.memory_space<hbm>>, %arg9: memref<16xi32, #tpu.memory_space<vmem>>, %arg10: memref<16xi32, #tpu.memory_space<vmem>>, %arg11: memref<16x128xf32, #tpu.memory_space<vmem>>, %arg12: memref<16x128xi32, #tpu.memory_space<vmem>>, %arg13: memref<16x64xi32, #tpu.memory_space<vmem>>, %arg14: memref<16xi32, #tpu.memory_space<vmem>>, %arg15: memref<16xi32, #tpu.memory_space<vmem>>, %arg16: memref<16x128xf32, #tpu.memory_space<vmem>>, %arg17: memref<16x128xi32, #tpu.memory_space<vmem>>, %arg18: memref<16x64xi32, #tpu.memory_space<vmem>>, %arg19: memref<1024xi32, #tpu.memory_space<vmem>>, %arg20: memref<1024xi32, #tpu.memory_space<vmem>>, %arg21: memref<16x128xf32, #tpu.memory_space<vmem>>, %arg22: memref<160x128xf32, #tpu.memory_space<vmem>>, %arg23: memref<160xi32, #tpu.memory_space<vmem>>, %arg24: memref<10000x128xf32, #tpu.memory_space<vmem_shared>>, %arg25: memref<160x128xf32, #tpu.memory_space<vmem_shared>>, %arg26: memref<!tpu.dma_semaphore, #tpu.memory_space<semaphore_mem>>, %arg27: memref<!tpu.dma_semaphore, #tpu.memory_space<semaphore_mem>>, %arg28: memref<!tpu.dma_semaphore, #tpu.memory_space<semaphore_mem>>, %arg29: memref<!tpu.dma_semaphore, #tpu.memory_space<semaphore_mem>>, %arg30: memref<!tpu.dma_semaphore, #tpu.memory_space<semaphore_mem>>, %arg31: memref<!tpu.dma_semaphore, #tpu.memory_space<semaphore_mem>>) attributes {dimension_semantics = [#tpu.dimension_semantics<core_parallel>, #tpu.dimension_semantics<subcore_parallel>], iteration_bounds = array<i64: 2, 16>, scalar_prefetch = 0 : i64, scratch_operands = 23 : i64, tpu.core_type = #tpu.core_type<sc_vector_subcore>, window_params = [{transform_indices = #map}, {transform_indices = #map}, {transform_indices = #map}, {transform_indices = #map1}, {transform_indices = #map1}, {transform_indices = #map2}, {transform_indices = #map2}]} {
    %mul3A = arith.constant 16 : i32
    %mul3A_0 = arith.muli %arg0, %mul3A : i32
    %add3A = arith.addi %mul3A_0, %arg1 : i32
    %iota3A = tpu.iota {dimensions = array<i32: 0>} : vector<16xi32>
    %scan3A = arith.constant 0 : i32
    %scan3A_1 = arith.constant 0 : i32
    %scan3A_2 = arith.constant 16 : i32
    %scan3A_3 = arith.addi %scan3A_1, %scan3A_2 : i32
    %scan3A_4 = arith.constant 1 : i32
    %scan3A_5 = scf.for %scan3A_108 = %scan3A_1 to %scan3A_3 step %scan3A_4 iter_args(%scan3A_109 = %scan3A) -> (i32)  : i32 {
      %broadcast_in_dim3A_110 = arith.constant 0.000000e+00 : f32
      %broadcast_in_dim3A_111 = vector.broadcast %broadcast_in_dim3A_110 : f32 to vector<16xf32>
      %swap3A_112 = arith.index_cast %scan3A_108 : i32 to index
      %swap3A_113 = arith.constant 0 : index
      %swap3A_114 = tpu.vector_load %arg21[%swap3A_112, %swap3A_113] {strides = array<i32>} : memref<16x128xf32, #tpu.memory_space<vmem>>, vector<16xf32>,
      tpu.vector_store %arg21[%swap3A_112, %swap3A_113], %broadcast_in_dim3A_111 {strides = array<i32>} : memref<16x128xf32, #tpu.memory_space<vmem>>, vector<16xf32>,
      %broadcast_in_dim3A_115 = arith.constant 0.000000e+00 : f32
      %broadcast_in_dim3A_116 = vector.broadcast %broadcast_in_dim3A_115 : f32 to vector<16xf32>
      %swap3A_117 = arith.index_cast %scan3A_108 : i32 to index
      %swap3A_118 = arith.constant 16 : index
      %swap3A_119 = tpu.vector_load %arg21[%swap3A_117, %swap3A_118] {strides = array<i32>} : memref<16x128xf32, #tpu.memory_space<vmem>>, vector<16xf32>,
      tpu.vector_store %arg21[%swap3A_117, %swap3A_118], %broadcast_in_dim3A_116 {strides = array<i32>} : memref<16x128xf32, #tpu.memory_space<vmem>>, vector<16xf32>,
      %broadcast_in_dim3A_120 = arith.constant 0.000000e+00 : f32
      %broadcast_in_dim3A_121 = vector.broadcast %broadcast_in_dim3A_120 : f32 to vector<16xf32>
      %swap3A_122 = arith.index_cast %scan3A_108 : i32 to index
      %swap3A_123 = arith.constant 32 : index
      %swap3A_124 = tpu.vector_load %arg21[%swap3A_122, %swap3A_123] {strides = array<i32>} : memref<16x128xf32, #tpu.memory_space<vmem>>, vector<16xf32>,
      tpu.vector_store %arg21[%swap3A_122, %swap3A_123], %broadcast_in_dim3A_121 {strides = array<i32>} : memref<16x128xf32, #tpu.memory_space<vmem>>, vector<16xf32>,
      %broadcast_in_dim3A_125 = arith.constant 0.000000e+00 : f32
      %broadcast_in_dim3A_126 = vector.broadcast %broadcast_in_dim3A_125 : f32 to vector<16xf32>
      %swap3A_127 = arith.index_cast %scan3A_108 : i32 to index
      %swap3A_128 = arith.constant 48 : index
      %swap3A_129 = tpu.vector_load %arg21[%swap3A_127, %swap3A_128] {strides = array<i32>} : memref<16x128xf32, #tpu.memory_space<vmem>>, vector<16xf32>,
      tpu.vector_store %arg21[%swap3A_127, %swap3A_128], %broadcast_in_dim3A_126 {strides = array<i32>} : memref<16x128xf32, #tpu.memory_space<vmem>>, vector<16xf32>,
      %broadcast_in_dim3A_130 = arith.constant 0.000000e+00 : f32
      %broadcast_in_dim3A_131 = vector.broadcast %broadcast_in_dim3A_130 : f32 to vector<16xf32>
      %swap3A_132 = arith.index_cast %scan3A_108 : i32 to index
      %swap3A_133 = arith.constant 64 : index
      %swap3A_134 = tpu.vector_load %arg21[%swap3A_132, %swap3A_133] {strides = array<i32>} : memref<16x128xf32, #tpu.memory_space<vmem>>, vector<16xf32>,
      tpu.vector_store %arg21[%swap3A_132, %swap3A_133], %broadcast_in_dim3A_131 {strides = array<i32>} : memref<16x128xf32, #tpu.memory_space<vmem>>, vector<16xf32>,
      %broadcast_in_dim3A_135 = arith.constant 0.000000e+00 : f32
      %broadcast_in_dim3A_136 = vector.broadcast %broadcast_in_dim3A_135 : f32 to vector<16xf32>
      %swap3A_137 = arith.index_cast %scan3A_108 : i32 to index
      %swap3A_138 = arith.constant 80 : index
      %swap3A_139 = tpu.vector_load %arg21[%swap3A_137, %swap3A_138] {strides = array<i32>} : memref<16x128xf32, #tpu.memory_space<vmem>>, vector<16xf32>,
      tpu.vector_store %arg21[%swap3A_137, %swap3A_138], %broadcast_in_dim3A_136 {strides = array<i32>} : memref<16x128xf32, #tpu.memory_space<vmem>>, vector<16xf32>,
      %broadcast_in_dim3A_140 = arith.constant 0.000000e+00 : f32
      %broadcast_in_dim3A_141 = vector.broadcast %broadcast_in_dim3A_140 : f32 to vector<16xf32>
      %swap3A_142 = arith.index_cast %scan3A_108 : i32 to index
      %swap3A_143 = arith.constant 96 : index
      %swap3A_144 = tpu.vector_load %arg21[%swap3A_142, %swap3A_143] {strides = array<i32>} : memref<16x128xf32, #tpu.memory_space<vmem>>, vector<16xf32>,
      tpu.vector_store %arg21[%swap3A_142, %swap3A_143], %broadcast_in_dim3A_141 {strides = array<i32>} : memref<16x128xf32, #tpu.memory_space<vmem>>, vector<16xf32>,
      %broadcast_in_dim3A_145 = arith.constant 0.000000e+00 : f32
      %broadcast_in_dim3A_146 = vector.broadcast %broadcast_in_dim3A_145 : f32 to vector<16xf32>
      %swap3A_147 = arith.index_cast %scan3A_108 : i32 to index
      %swap3A_148 = arith.constant 112 : index
      %swap3A_149 = tpu.vector_load %arg21[%swap3A_147, %swap3A_148] {strides = array<i32>} : memref<16x128xf32, #tpu.memory_space<vmem>>, vector<16xf32>,
      tpu.vector_store %arg21[%swap3A_147, %swap3A_148], %broadcast_in_dim3A_146 {strides = array<i32>} : memref<16x128xf32, #tpu.memory_space<vmem>>, vector<16xf32>,
      %scan3A_150 = arith.constant 0 : i32
      scf.yield %scan3A_150 : i32
    }
    %scan3A_6 = arith.constant 16 : i32
    %scan3A_7 = arith.constant 0 : i32
    %scan3A_8 = arith.constant 0 : i32
    %scan3A_9 = arith.constant 160 : i32
    %scan3A_10 = arith.addi %scan3A_8, %scan3A_9 : i32
    %scan3A_11 = arith.constant 1 : i32
    %scan3A_12 = scf.for %scan3A_108 = %scan3A_8 to %scan3A_10 step %scan3A_11 iter_args(%scan3A_109 = %scan3A_7) -> (i32)  : i32 {
      %broadcast_in_dim3A_110 = arith.constant 0.000000e+00 : f32
      %broadcast_in_dim3A_111 = vector.broadcast %broadcast_in_dim3A_110 : f32 to vector<16xf32>
      %swap3A_112 = arith.index_cast %scan3A_108 : i32 to index
      %swap3A_113 = arith.constant 0 : index
      %swap3A_114 = tpu.vector_load %arg22[%swap3A_112, %swap3A_113] {strides = array<i32>} : memref<160x128xf32, #tpu.memory_space<vmem>>, vector<16xf32>,
      tpu.vector_store %arg22[%swap3A_112, %swap3A_113], %broadcast_in_dim3A_111 {strides = array<i32>} : memref<160x128xf32, #tpu.memory_space<vmem>>, vector<16xf32>,
      %broadcast_in_dim3A_115 = arith.constant 0.000000e+00 : f32
      %broadcast_in_dim3A_116 = vector.broadcast %broadcast_in_dim3A_115 : f32 to vector<16xf32>
      %swap3A_117 = arith.index_cast %scan3A_108 : i32 to index
      %swap3A_118 = arith.constant 16 : index
      %swap3A_119 = tpu.vector_load %arg22[%swap3A_117, %swap3A_118] {strides = array<i32>} : memref<160x128xf32, #tpu.memory_space<vmem>>, vector<16xf32>,
      tpu.vector_store %arg22[%swap3A_117, %swap3A_118], %broadcast_in_dim3A_116 {strides = array<i32>} : memref<160x128xf32, #tpu.memory_space<vmem>>, vector<16xf32>,
      %broadcast_in_dim3A_120 = arith.constant 0.000000e+00 : f32
      %broadcast_in_dim3A_121 = vector.broadcast %broadcast_in_dim3A_120 : f32 to vector<16xf32>
      %swap3A_122 = arith.index_cast %scan3A_108 : i32 to index
      %swap3A_123 = arith.constant 32 : index
      %swap3A_124 = tpu.vector_load %arg22[%swap3A_122, %swap3A_123] {strides = array<i32>} : memref<160x128xf32, #tpu.memory_space<vmem>>, vector<16xf32>,
      tpu.vector_store %arg22[%swap3A_122, %swap3A_123], %broadcast_in_dim3A_121 {strides = array<i32>} : memref<160x128xf32, #tpu.memory_space<vmem>>, vector<16xf32>,
      %broadcast_in_dim3A_125 = arith.constant 0.000000e+00 : f32
      %broadcast_in_dim3A_126 = vector.broadcast %broadcast_in_dim3A_125 : f32 to vector<16xf32>
      %swap3A_127 = arith.index_cast %scan3A_108 : i32 to index
      %swap3A_128 = arith.constant 48 : index
      %swap3A_129 = tpu.vector_load %arg22[%swap3A_127, %swap3A_128] {strides = array<i32>} : memref<160x128xf32, #tpu.memory_space<vmem>>, vector<16xf32>,
      tpu.vector_store %arg22[%swap3A_127, %swap3A_128], %broadcast_in_dim3A_126 {strides = array<i32>} : memref<160x128xf32, #tpu.memory_space<vmem>>, vector<16xf32>,
      %broadcast_in_dim3A_130 = arith.constant 0.000000e+00 : f32
      %broadcast_in_dim3A_131 = vector.broadcast %broadcast_in_dim3A_130 : f32 to vector<16xf32>
      %swap3A_132 = arith.index_cast %scan3A_108 : i32 to index
      %swap3A_133 = arith.constant 64 : index
      %swap3A_134 = tpu.vector_load %arg22[%swap3A_132, %swap3A_133] {strides = array<i32>} : memref<160x128xf32, #tpu.memory_space<vmem>>, vector<16xf32>,
      tpu.vector_store %arg22[%swap3A_132, %swap3A_133], %broadcast_in_dim3A_131 {strides = array<i32>} : memref<160x128xf32, #tpu.memory_space<vmem>>, vector<16xf32>,
      %broadcast_in_dim3A_135 = arith.constant 0.000000e+00 : f32
      %broadcast_in_dim3A_136 = vector.broadcast %broadcast_in_dim3A_135 : f32 to vector<16xf32>
      %swap3A_137 = arith.index_cast %scan3A_108 : i32 to index
      %swap3A_138 = arith.constant 80 : index
      %swap3A_139 = tpu.vector_load %arg22[%swap3A_137, %swap3A_138] {strides = array<i32>} : memref<160x128xf32, #tpu.memory_space<vmem>>, vector<16xf32>,
      tpu.vector_store %arg22[%swap3A_137, %swap3A_138], %broadcast_in_dim3A_136 {strides = array<i32>} : memref<160x128xf32, #tpu.memory_space<vmem>>, vector<16xf32>,
      %broadcast_in_dim3A_140 = arith.constant 0.000000e+00 : f32
      %broadcast_in_dim3A_141 = vector.broadcast %broadcast_in_dim3A_140 : f32 to vector<16xf32>
      %swap3A_142 = arith.index_cast %scan3A_108 : i32 to index
      %swap3A_143 = arith.constant 96 : index
      %swap3A_144 = tpu.vector_load %arg22[%swap3A_142, %swap3A_143] {strides = array<i32>} : memref<160x128xf32, #tpu.memory_space<vmem>>, vector<16xf32>,
      tpu.vector_store %arg22[%swap3A_142, %swap3A_143], %broadcast_in_dim3A_141 {strides = array<i32>} : memref<160x128xf32, #tpu.memory_space<vmem>>, vector<16xf32>,
      %broadcast_in_dim3A_145 = arith.constant 0.000000e+00 : f32
      %broadcast_in_dim3A_146 = vector.broadcast %broadcast_in_dim3A_145 : f32 to vector<16xf32>
      %swap3A_147 = arith.index_cast %scan3A_108 : i32 to index
      %swap3A_148 = arith.constant 112 : index
      %swap3A_149 = tpu.vector_load %arg22[%swap3A_147, %swap3A_148] {strides = array<i32>} : memref<160x128xf32, #tpu.memory_space<vmem>>, vector<16xf32>,
      tpu.vector_store %arg22[%swap3A_147, %swap3A_148], %broadcast_in_dim3A_146 {strides = array<i32>} : memref<160x128xf32, #tpu.memory_space<vmem>>, vector<16xf32>,
      %scan3A_150 = arith.constant 0 : i32
      scf.yield %scan3A_150 : i32
    }
    %scan3A_13 = arith.constant 160 : i32
    %scan3A_14 = arith.constant 0 : i32
    %scan3A_15 = arith.constant 0 : i32
    %scan3A_16 = arith.constant 10 : i32
    %scan3A_17 = arith.addi %scan3A_15, %scan3A_16 : i32
    %scan3A_18 = arith.constant 1 : i32
    %scan3A_19 = scf.for %scan3A_108 = %scan3A_15 to %scan3A_17 step %scan3A_18 iter_args(%scan3A_109 = %scan3A_14) -> (i32)  : i32 {
      %mul3A_110 = arith.constant 16 : i32
      %mul3A_111 = arith.muli %scan3A_108, %mul3A_110 : i32
      %add3A_112 = vector.broadcast %mul3A_111 : i32 to vector<16xi32>
      %add3A_113 = arith.addi %iota3A, %add3A_112 : vector<16xi32>
      %mul3A_114 = arith.constant 16 : i32
      %mul3A_115 = arith.muli %scan3A_108, %mul3A_114 : i32
      %swap3A_116 = arith.index_cast %mul3A_115 : i32 to index
      %swap3A_117 = tpu.vector_load %arg23[%swap3A_116] {strides = array<i32>} : memref<160xi32, #tpu.memory_space<vmem>>, vector<16xi32>,
      tpu.vector_store %arg23[%swap3A_116], %add3A_113 {strides = array<i32>} : memref<160xi32, #tpu.memory_space<vmem>>, vector<16xi32>,
      %scan3A_118 = arith.constant 0 : i32
      scf.yield %scan3A_118 : i32
    }
    %scan3A_20 = arith.constant 10 : i32
    %scan3A_21 = arith.constant 0 : i32
    %scan3A_22 = arith.constant 0 : i32
    %scan3A_23 = arith.constant 40 : i32
    %scan3A_24 = arith.addi %scan3A_22, %scan3A_23 : i32
    %scan3A_25 = arith.constant 1 : i32
    %scan3A_26 = scf.for %scan3A_108 = %scan3A_22 to %scan3A_24 step %scan3A_25 iter_args(%scan3A_109 = %scan3A_21) -> (i32)  : i32 {
      %mul3A_110 = arith.constant 16 : i32
      %mul3A_111 = arith.muli %scan3A_108, %mul3A_110 : i32
      %add3A_112 = arith.addi %arg1, %mul3A_111 : i32
      %lt3A_113 = arith.constant 625 : i32
      %lt3A_114 = arith.cmpi slt, %add3A_112, %lt3A_113 : i32
      %convert_element_type3A_115 = arith.extui %lt3A_114 : i1 to i32
      %cond3A_116 = arith.constant 0 : i32
      %cond3A_117 = arith.cmpi ne, %convert_element_type3A_115, %cond3A_116 : i32
      scf.if %cond3A_117 {
        %mul3A_119 = arith.constant 16 : i32
        %mul3A_120 = arith.muli %add3A_112, %mul3A_119 : i32
        %multiple_of3A_121 = tpu.assume_multiple %mul3A_120, 8 : i32
        "tpu.region"() ({
          %run_scoped3A = tpu.sem_alloc : memref<!tpu.dma_semaphore, #tpu.memory_space<semaphore_mem>>
          %dma_start3A_122 = arith.constant 0 : i32
          %dma_start3A_123 = tpu.memref_slice %arg24[%multiple_of3A_121, %dma_start3A_122] : memref<10000x128xf32, #tpu.memory_space<vmem_shared>> -> memref<16x128xf32, #tpu.memory_space<vmem_shared>>
          %dma_start3A_124 = arith.constant 0 : i32
          %dma_start3A_125 = tpu.memref_slice %arg24[%multiple_of3A_121, %dma_start3A_124] : memref<10000x128xf32, #tpu.memory_space<vmem_shared>> -> memref<16x128xf32, #tpu.memory_space<vmem_shared>>
          tpu.enqueue_dma source(%arg21 : memref<16x128xf32, #tpu.memory_space<vmem>>) target(%dma_start3A_125 : memref<16x128xf32, #tpu.memory_space<vmem_shared>>) target_semaphore(%run_scoped3A : memref<!tpu.dma_semaphore, #tpu.memory_space<semaphore_mem>>)
          %dma_wait3A_126 = arith.constant 0 : i32
          %dma_wait3A_127 = tpu.memref_slice %arg24[%multiple_of3A_121, %dma_wait3A_126] : memref<10000x128xf32, #tpu.memory_space<vmem_shared>> -> memref<16x128xf32, #tpu.memory_space<vmem_shared>>
          %dma_wait3A_128 = arith.constant 0 : i32
          %dma_wait3A_129 = tpu.memref_slice %arg24[%multiple_of3A_121, %dma_wait3A_128] : memref<10000x128xf32, #tpu.memory_space<vmem_shared>> -> memref<16x128xf32, #tpu.memory_space<vmem_shared>>
          tpu.wait_dma2 semaphore(%run_scoped3A : memref<!tpu.dma_semaphore, #tpu.memory_space<semaphore_mem>>) src(%arg21 : memref<16x128xf32, #tpu.memory_space<vmem>>) dst(%dma_wait3A_129 : memref<16x128xf32, #tpu.memory_space<vmem_shared>>)
          tpu.yield
        }) : () -> ()
      } else {
      }
      %scan3A_118 = arith.constant 0 : i32
      scf.yield %scan3A_118 : i32
    }
    %scan3A_27 = arith.constant 40 : i32
    %lt3A = arith.constant 10 : i32
    %lt3A_28 = arith.cmpi slt, %arg1, %lt3A : i32
    %convert_element_type3A = arith.extui %lt3A_28 : i1 to i32
    %cond3A = arith.constant 0 : i32
    %cond3A_29 = arith.cmpi ne, %convert_element_type3A, %cond3A : i32
    scf.if %cond3A_29 {
      %mul3A_108 = arith.constant 16 : i32
      %mul3A_109 = arith.muli %arg1, %mul3A_108 : i32
      %multiple_of3A_110 = tpu.assume_multiple %mul3A_109, 8 : i32
      "tpu.region"() ({
        %run_scoped3A = tpu.sem_alloc : memref<!tpu.dma_semaphore, #tpu.memory_space<semaphore_mem>>
        %dma_start3A_111 = arith.constant 0 : i32
        %dma_start3A_112 = arith.constant 0 : i32
        %dma_start3A_113 = tpu.memref_slice %arg21[%dma_start3A_111, %dma_start3A_112] : memref<16x128xf32, #tpu.memory_space<vmem>> -> memref<16x128xf32, #tpu.memory_space<vmem>>
        %dma_start3A_114 = arith.constant 0 : i32
        %dma_start3A_115 = tpu.memref_slice %arg25[%multiple_of3A_110, %dma_start3A_114] : memref<160x128xf32, #tpu.memory_space<vmem_shared>> -> memref<16x128xf32, #tpu.memory_space<vmem_shared>>
        %dma_start3A_116 = arith.constant 0 : i32
        %dma_start3A_117 = tpu.memref_slice %arg25[%multiple_of3A_110, %dma_start3A_116] : memref<160x128xf32, #tpu.memory_space<vmem_shared>> -> memref<16x128xf32, #tpu.memory_space<vmem_shared>>
        %dma_start3A_118 = arith.constant 0 : i32
        %dma_start3A_119 = arith.constant 0 : i32
        %dma_start3A_120 = tpu.memref_slice %arg21[%dma_start3A_118, %dma_start3A_119] : memref<16x128xf32, #tpu.memory_space<vmem>> -> memref<16x128xf32, #tpu.memory_space<vmem>>
        tpu.enqueue_dma source(%dma_start3A_120 : memref<16x128xf32, #tpu.memory_space<vmem>>) target(%dma_start3A_117 : memref<16x128xf32, #tpu.memory_space<vmem_shared>>) target_semaphore(%run_scoped3A : memref<!tpu.dma_semaphore, #tpu.memory_space<semaphore_mem>>)
        %dma_wait3A_121 = arith.constant 0 : i32
        %dma_wait3A_122 = arith.constant 0 : i32
        %dma_wait3A_123 = tpu.memref_slice %arg21[%dma_wait3A_121, %dma_wait3A_122] : memref<16x128xf32, #tpu.memory_space<vmem>> -> memref<16x128xf32, #tpu.memory_space<vmem>>
        %dma_wait3A_124 = arith.constant 0 : i32
        %dma_wait3A_125 = tpu.memref_slice %arg25[%multiple_of3A_110, %dma_wait3A_124] : memref<160x128xf32, #tpu.memory_space<vmem_shared>> -> memref<16x128xf32, #tpu.memory_space<vmem_shared>>
        %dma_wait3A_126 = arith.constant 0 : i32
        %dma_wait3A_127 = tpu.memref_slice %arg25[%multiple_of3A_110, %dma_wait3A_126] : memref<160x128xf32, #tpu.memory_space<vmem_shared>> -> memref<16x128xf32, #tpu.memory_space<vmem_shared>>
        %dma_wait3A_128 = arith.constant 0 : i32
        %dma_wait3A_129 = arith.constant 0 : i32
        %dma_wait3A_130 = tpu.memref_slice %arg21[%dma_wait3A_128, %dma_wait3A_129] : memref<16x128xf32, #tpu.memory_space<vmem>> -> memref<16x128xf32, #tpu.memory_space<vmem>>
        tpu.wait_dma2 semaphore(%run_scoped3A : memref<!tpu.dma_semaphore, #tpu.memory_space<semaphore_mem>>) src(%dma_wait3A_130 : memref<16x128xf32, #tpu.memory_space<vmem>>) dst(%dma_wait3A_127 : memref<16x128xf32, #tpu.memory_space<vmem_shared>>)
        tpu.yield
      }) : () -> ()
    } else {
    }
    %barrier3A = arith.constant 0 : index
    tpu.barrier barrier_id(%barrier3A)
    %and3A = arith.constant 0 : i32
    %and3A_30 = arith.constant 63 : i32
    %and3A_31 = arith.andi %and3A, %and3A_30 : i32
    %eq3A = arith.constant 0 : i32
    %eq3A_32 = arith.cmpi eq, %and3A_31, %eq3A : i32
    %convert_element_type3A_33 = arith.extui %eq3A_32 : i1 to i32
    %cond3A_34 = arith.constant 0 : i32
    %cond3A_35 = arith.cmpi ne, %convert_element_type3A_33, %cond3A_34 : i32
    scf.if %cond3A_35 {
      %mul3A_108 = arith.constant 10000 : i32
      %mul3A_109 = arith.muli %add3A, %mul3A_108 : i32
      %add3A_110 = arith.constant 0 : i32
      %add3A_111 = arith.addi %mul3A_109, %add3A_110 : i32
      %multiple_of3A_112 = tpu.assume_multiple %add3A_111, 8 : i32
      "tpu.region"() ({
        %run_scoped3A = tpu.sem_alloc : memref<!tpu.dma_semaphore, #tpu.memory_space<semaphore_mem>>
        %dma_start3A_113 = tpu.memref_slice %arg5[%multiple_of3A_112] : memref<321024xi32, #tpu.memory_space<hbm>> -> memref<1024xi32, #tpu.memory_space<hbm>>
        %dma_start3A_114 = tpu.memref_slice %arg5[%multiple_of3A_112] : memref<321024xi32, #tpu.memory_space<hbm>> -> memref<1024xi32, #tpu.memory_space<hbm>>
        tpu.enqueue_dma source(%dma_start3A_114 : memref<1024xi32, #tpu.memory_space<hbm>>) target(%arg19 : memref<1024xi32, #tpu.memory_space<vmem>>) target_semaphore(%run_scoped3A : memref<!tpu.dma_semaphore, #tpu.memory_space<semaphore_mem>>)
        %dma_wait3A_115 = tpu.memref_slice %arg5[%multiple_of3A_112] : memref<321024xi32, #tpu.memory_space<hbm>> -> memref<1024xi32, #tpu.memory_space<hbm>>
        %dma_wait3A_116 = tpu.memref_slice %arg5[%multiple_of3A_112] : memref<321024xi32, #tpu.memory_space<hbm>> -> memref<1024xi32, #tpu.memory_space<hbm>>
        tpu.wait_dma2 semaphore(%run_scoped3A : memref<!tpu.dma_semaphore, #tpu.memory_space<semaphore_mem>>) src(%dma_wait3A_116 : memref<1024xi32, #tpu.memory_space<hbm>>) dst(%arg19 : memref<1024xi32, #tpu.memory_space<vmem>>)
        tpu.yield
      }) : () -> ()
      "tpu.region"() ({
        %run_scoped3A = tpu.sem_alloc : memref<!tpu.dma_semaphore, #tpu.memory_space<semaphore_mem>>
        %dma_start3A_113 = tpu.memref_slice %arg6[%multiple_of3A_112] : memref<321024xi32, #tpu.memory_space<hbm>> -> memref<1024xi32, #tpu.memory_space<hbm>>
        %dma_start3A_114 = tpu.memref_slice %arg6[%multiple_of3A_112] : memref<321024xi32, #tpu.memory_space<hbm>> -> memref<1024xi32, #tpu.memory_space<hbm>>
        tpu.enqueue_dma source(%dma_start3A_114 : memref<1024xi32, #tpu.memory_space<hbm>>) target(%arg20 : memref<1024xi32, #tpu.memory_space<vmem>>) target_semaphore(%run_scoped3A : memref<!tpu.dma_semaphore, #tpu.memory_space<semaphore_mem>>)
        %dma_wait3A_115 = tpu.memref_slice %arg6[%multiple_of3A_112] : memref<321024xi32, #tpu.memory_space<hbm>> -> memref<1024xi32, #tpu.memory_space<hbm>>
        %dma_wait3A_116 = tpu.memref_slice %arg6[%multiple_of3A_112] : memref<321024xi32, #tpu.memory_space<hbm>> -> memref<1024xi32, #tpu.memory_space<hbm>>
        tpu.wait_dma2 semaphore(%run_scoped3A : memref<!tpu.dma_semaphore, #tpu.memory_space<semaphore_mem>>) src(%dma_wait3A_116 : memref<1024xi32, #tpu.memory_space<hbm>>) dst(%arg20 : memref<1024xi32, #tpu.memory_space<vmem>>)
        tpu.yield
      }) : () -> ()
    } else {
    }
    %mul3A_36 = arith.constant 16 : i32
    %mul3A_37 = arith.muli %and3A_31, %mul3A_36 : i32
    %multiple_of3A = tpu.assume_multiple %mul3A_37, 8 : i32
    %get3A = arith.index_cast %multiple_of3A : i32 to index
    %get3A_38 = tpu.vector_load %arg19[%get3A] {strides = array<i32>} : memref<1024xi32, #tpu.memory_space<vmem>>, vector<16xi32>,
    %swap3A = arith.constant 0 : index
    %swap3A_39 = tpu.vector_load %arg9[%swap3A] {strides = array<i32>} : memref<16xi32, #tpu.memory_space<vmem>>, vector<16xi32>,
    tpu.vector_store %arg9[%swap3A], %get3A_38 {strides = array<i32>} : memref<16xi32, #tpu.memory_space<vmem>>, vector<16xi32>,
    %get3A_40 = arith.index_cast %multiple_of3A : i32 to index
    %get3A_41 = tpu.vector_load %arg20[%get3A_40] {strides = array<i32>} : memref<1024xi32, #tpu.memory_space<vmem>>, vector<16xi32>,
    %swap3A_42 = arith.constant 0 : index
    %swap3A_43 = tpu.vector_load %arg10[%swap3A_42] {strides = array<i32>} : memref<16xi32, #tpu.memory_space<vmem>>, vector<16xi32>,
    tpu.vector_store %arg10[%swap3A_42], %get3A_41 {strides = array<i32>} : memref<16xi32, #tpu.memory_space<vmem>>, vector<16xi32>,
    %mul3A_44 = arith.constant 10000 : i32
    %mul3A_45 = arith.muli %add3A, %mul3A_44 : i32
    %add3A_46 = arith.constant 0 : i32
    %add3A_47 = arith.addi %mul3A_45, %add3A_46 : i32
    %multiple_of3A_48 = tpu.assume_multiple %add3A_47, 8 : i32
    %dma_start3A = arith.constant 0 : i32
    %dma_start3A_49 = arith.constant 0 : i32
    %dma_start3A_50 = tpu.memref_slice %arg2[%dma_start3A, %dma_start3A_49] : memref<10240x128xf32, #tpu.memory_space<hbm>> -> memref<10240x128xf32, #tpu.memory_space<hbm>>
    tpu.enqueue_indirect_dma source(%dma_start3A_50 : memref<10240x128xf32, #tpu.memory_space<hbm>>) target(%arg11 : memref<16x128xf32, #tpu.memory_space<vmem>>) offsets(%arg10 : memref<16xi32, #tpu.memory_space<vmem>>) semaphore(%arg26 : memref<!tpu.dma_semaphore, #tpu.memory_space<semaphore_mem>>)
    %dma_start3A_51 = arith.constant 0 : i32
    %dma_start3A_52 = arith.constant 0 : i32
    %dma_start3A_53 = tpu.memref_slice %arg3[%dma_start3A_51, %dma_start3A_52] : memref<10240x128xi32, #tpu.memory_space<hbm>> -> memref<10240x128xi32, #tpu.memory_space<hbm>>
    tpu.enqueue_indirect_dma source(%dma_start3A_53 : memref<10240x128xi32, #tpu.memory_space<hbm>>) target(%arg12 : memref<16x128xi32, #tpu.memory_space<vmem>>) offsets(%arg9 : memref<16xi32, #tpu.memory_space<vmem>>) semaphore(%arg27 : memref<!tpu.dma_semaphore, #tpu.memory_space<semaphore_mem>>)
    %dma_start3A_54 = arith.constant 0 : i32
    %dma_start3A_55 = tpu.memref_slice %arg4[%multiple_of3A_48, %dma_start3A_54] : memref<320000x64xi32, #tpu.memory_space<hbm>> -> memref<16x64xi32, #tpu.memory_space<hbm>>
    %dma_start3A_56 = arith.constant 0 : i32
    %dma_start3A_57 = tpu.memref_slice %arg4[%multiple_of3A_48, %dma_start3A_56] : memref<320000x64xi32, #tpu.memory_space<hbm>> -> memref<16x64xi32, #tpu.memory_space<hbm>>
    tpu.enqueue_dma source(%dma_start3A_57 : memref<16x64xi32, #tpu.memory_space<hbm>>) target(%arg13 : memref<16x64xi32, #tpu.memory_space<vmem>>) target_semaphore(%arg28 : memref<!tpu.dma_semaphore, #tpu.memory_space<semaphore_mem>>)
    %scan3A_58 = arith.constant 1.250000e-01 : f32
    %scan3A_59 = arith.constant 0 : i32
    %scan3A_60 = arith.constant 0 : i32
    %scan3A_61 = arith.constant 312 : i32
    %scan3A_62 = arith.addi %scan3A_60, %scan3A_61 : i32
    %scan3A_63 = arith.constant 1 : i32
    %scan3A_64 = scf.for %scan3A_108 = %scan3A_60 to %scan3A_62 step %scan3A_63 iter_args(%scan3A_109 = %scan3A_59) -> (i32)  : i32 {
      %mul3A_110 = arith.constant 2 : i32
      %mul3A_111 = arith.muli %mul3A_110, %scan3A_108 : i32
      %add3A_112 = arith.constant 1 : i32
      %add3A_113 = arith.addi %mul3A_111, %add3A_112 : i32
      %and3A_114 = arith.constant 63 : i32
      %and3A_115 = arith.andi %add3A_113, %and3A_114 : i32
      %eq3A_116 = arith.constant 0 : i32
      %eq3A_117 = arith.cmpi eq, %and3A_115, %eq3A_116 : i32
      %convert_element_type3A_118 = arith.extui %eq3A_117 : i1 to i32
      %cond3A_119 = arith.constant 0 : i32
      %cond3A_120 = arith.cmpi ne, %convert_element_type3A_118, %cond3A_119 : i32
      scf.if %cond3A_120 {
        %mul3A_251 = arith.constant 10000 : i32
        %mul3A_252 = arith.muli %add3A, %mul3A_251 : i32
        %jit3A = arith.constant 64 : i32
        %div3A = arith.divsi %add3A_113, %jit3A : i32
        %sign3A = arith.constant 0 : i32
        %sign3A_253 = arith.cmpi sgt, %add3A_113, %sign3A : i32
        %sign3A_254 = arith.extui %sign3A_253 : i1 to i32
        %sign3A_255 = arith.constant 0 : i32
        %sign3A_256 = arith.cmpi slt, %add3A_113, %sign3A_255 : i32
        %sign3A_257 = arith.extui %sign3A_256 : i1 to i32
        %sign3A_258 = arith.subi %sign3A_254, %sign3A_257 : i32
        %sign3A_259 = arith.constant 0 : i32
        %sign3A_260 = arith.cmpi sgt, %jit3A, %sign3A_259 : i32
        %sign3A_261 = arith.extui %sign3A_260 : i1 to i32
        %sign3A_262 = arith.constant 0 : i32
        %sign3A_263 = arith.cmpi slt, %jit3A, %sign3A_262 : i32
        %sign3A_264 = arith.extui %sign3A_263 : i1 to i32
        %sign3A_265 = arith.subi %sign3A_261, %sign3A_264 : i32
        %ne3A = arith.cmpi ne, %sign3A_258, %sign3A_265 : i32
        %rem3A = arith.remsi %add3A_113, %jit3A : i32
        %ne3A_266 = arith.constant 0 : i32
        %ne3A_267 = arith.cmpi ne, %rem3A, %ne3A_266 : i32
        %and3A_268 = arith.andi %ne3A, %ne3A_267 : i1
        %sub3A = arith.constant 1 : i32
        %sub3A_269 = arith.subi %div3A, %sub3A : i32
        %select_n3A = arith.select %and3A_268, %sub3A_269, %div3A : i32
        %mul3A_270 = arith.constant 1024 : i32
        %mul3A_271 = arith.muli %select_n3A, %mul3A_270 : i32
        %add3A_272 = arith.addi %mul3A_252, %mul3A_271 : i32
        %multiple_of3A_273 = tpu.assume_multiple %add3A_272, 8 : i32
        "tpu.region"() ({
          %run_scoped3A = tpu.sem_alloc : memref<!tpu.dma_semaphore, #tpu.memory_space<semaphore_mem>>
          %dma_start3A_274 = tpu.memref_slice %arg5[%multiple_of3A_273] : memref<321024xi32, #tpu.memory_space<hbm>> -> memref<1024xi32, #tpu.memory_space<hbm>>
          %dma_start3A_275 = tpu.memref_slice %arg5[%multiple_of3A_273] : memref<321024xi32, #tpu.memory_space<hbm>> -> memref<1024xi32, #tpu.memory_space<hbm>>
          tpu.enqueue_dma source(%dma_start3A_275 : memref<1024xi32, #tpu.memory_space<hbm>>) target(%arg19 : memref<1024xi32, #tpu.memory_space<vmem>>) target_semaphore(%run_scoped3A : memref<!tpu.dma_semaphore, #tpu.memory_space<semaphore_mem>>)
          %dma_wait3A_276 = tpu.memref_slice %arg5[%multiple_of3A_273] : memref<321024xi32, #tpu.memory_space<hbm>> -> memref<1024xi32, #tpu.memory_space<hbm>>
          %dma_wait3A_277 = tpu.memref_slice %arg5[%multiple_of3A_273] : memref<321024xi32, #tpu.memory_space<hbm>> -> memref<1024xi32, #tpu.memory_space<hbm>>
          tpu.wait_dma2 semaphore(%run_scoped3A : memref<!tpu.dma_semaphore, #tpu.memory_space<semaphore_mem>>) src(%dma_wait3A_277 : memref<1024xi32, #tpu.memory_space<hbm>>) dst(%arg19 : memref<1024xi32, #tpu.memory_space<vmem>>)
          tpu.yield
        }) : () -> ()
        "tpu.region"() ({
          %run_scoped3A = tpu.sem_alloc : memref<!tpu.dma_semaphore, #tpu.memory_space<semaphore_mem>>
          %dma_start3A_274 = tpu.memref_slice %arg6[%multiple_of3A_273] : memref<321024xi32, #tpu.memory_space<hbm>> -> memref<1024xi32, #tpu.memory_space<hbm>>
          %dma_start3A_275 = tpu.memref_slice %arg6[%multiple_of3A_273] : memref<321024xi32, #tpu.memory_space<hbm>> -> memref<1024xi32, #tpu.memory_space<hbm>>
          tpu.enqueue_dma source(%dma_start3A_275 : memref<1024xi32, #tpu.memory_space<hbm>>) target(%arg20 : memref<1024xi32, #tpu.memory_space<vmem>>) target_semaphore(%run_scoped3A : memref<!tpu.dma_semaphore, #tpu.memory_space<semaphore_mem>>)
          %dma_wait3A_276 = tpu.memref_slice %arg6[%multiple_of3A_273] : memref<321024xi32, #tpu.memory_space<hbm>> -> memref<1024xi32, #tpu.memory_space<hbm>>
          %dma_wait3A_277 = tpu.memref_slice %arg6[%multiple_of3A_273] : memref<321024xi32, #tpu.memory_space<hbm>> -> memref<1024xi32, #tpu.memory_space<hbm>>
          tpu.wait_dma2 semaphore(%run_scoped3A : memref<!tpu.dma_semaphore, #tpu.memory_space<semaphore_mem>>) src(%dma_wait3A_277 : memref<1024xi32, #tpu.memory_space<hbm>>) dst(%arg20 : memref<1024xi32, #tpu.memory_space<vmem>>)
          tpu.yield
        }) : () -> ()
      } else {
      }
      %mul3A_121 = arith.constant 16 : i32
      %mul3A_122 = arith.muli %and3A_115, %mul3A_121 : i32
      %multiple_of3A_123 = tpu.assume_multiple %mul3A_122, 8 : i32
      %get3A_124 = arith.index_cast %multiple_of3A_123 : i32 to index
      %get3A_125 = tpu.vector_load %arg19[%get3A_124] {strides = array<i32>} : memref<1024xi32, #tpu.memory_space<vmem>>, vector<16xi32>,
      %swap3A_126 = arith.constant 0 : index
      %swap3A_127 = tpu.vector_load %arg14[%swap3A_126] {strides = array<i32>} : memref<16xi32, #tpu.memory_space<vmem>>, vector<16xi32>,
      tpu.vector_store %arg14[%swap3A_126], %get3A_125 {strides = array<i32>} : memref<16xi32, #tpu.memory_space<vmem>>, vector<16xi32>,
      %get3A_128 = arith.index_cast %multiple_of3A_123 : i32 to index
      %get3A_129 = tpu.vector_load %arg20[%get3A_128] {strides = array<i32>} : memref<1024xi32, #tpu.memory_space<vmem>>, vector<16xi32>,
      %swap3A_130 = arith.constant 0 : index
      %swap3A_131 = tpu.vector_load %arg15[%swap3A_130] {strides = array<i32>} : memref<16xi32, #tpu.memory_space<vmem>>, vector<16xi32>,
      tpu.vector_store %arg15[%swap3A_130], %get3A_129 {strides = array<i32>} : memref<16xi32, #tpu.memory_space<vmem>>, vector<16xi32>,
      %mul3A_132 = arith.constant 10000 : i32
      %mul3A_133 = arith.muli %add3A, %mul3A_132 : i32
      %mul3A_134 = arith.constant 16 : i32
      %mul3A_135 = arith.muli %add3A_113, %mul3A_134 : i32
      %add3A_136 = arith.addi %mul3A_133, %mul3A_135 : i32
      %multiple_of3A_137 = tpu.assume_multiple %add3A_136, 8 : i32
      %dma_start3A_138 = arith.constant 0 : i32
      %dma_start3A_139 = arith.constant 0 : i32
      %dma_start3A_140 = tpu.memref_slice %arg2[%dma_start3A_138, %dma_start3A_139] : memref<10240x128xf32, #tpu.memory_space<hbm>> -> memref<10240x128xf32, #tpu.memory_space<hbm>>
      tpu.enqueue_indirect_dma source(%dma_start3A_140 : memref<10240x128xf32, #tpu.memory_space<hbm>>) target(%arg16 : memref<16x128xf32, #tpu.memory_space<vmem>>) offsets(%arg15 : memref<16xi32, #tpu.memory_space<vmem>>) semaphore(%arg29 : memref<!tpu.dma_semaphore, #tpu.memory_space<semaphore_mem>>)
      %dma_start3A_141 = arith.constant 0 : i32
      %dma_start3A_142 = arith.constant 0 : i32
      %dma_start3A_143 = tpu.memref_slice %arg3[%dma_start3A_141, %dma_start3A_142] : memref<10240x128xi32, #tpu.memory_space<hbm>> -> memref<10240x128xi32, #tpu.memory_space<hbm>>
      tpu.enqueue_indirect_dma source(%dma_start3A_143 : memref<10240x128xi32, #tpu.memory_space<hbm>>) target(%arg17 : memref<16x128xi32, #tpu.memory_space<vmem>>) offsets(%arg14 : memref<16xi32, #tpu.memory_space<vmem>>) semaphore(%arg30 : memref<!tpu.dma_semaphore, #tpu.memory_space<semaphore_mem>>)
      %dma_start3A_144 = arith.constant 0 : i32
      %dma_start3A_145 = tpu.memref_slice %arg4[%multiple_of3A_137, %dma_start3A_144] : memref<320000x64xi32, #tpu.memory_space<hbm>> -> memref<16x64xi32, #tpu.memory_space<hbm>>
      %dma_start3A_146 = arith.constant 0 : i32
      %dma_start3A_147 = tpu.memref_slice %arg4[%multiple_of3A_137, %dma_start3A_146] : memref<320000x64xi32, #tpu.memory_space<hbm>> -> memref<16x64xi32, #tpu.memory_space<hbm>>
      tpu.enqueue_dma source(%dma_start3A_147 : memref<16x64xi32, #tpu.memory_space<hbm>>) target(%arg18 : memref<16x64xi32, #tpu.memory_space<vmem>>) target_semaphore(%arg31 : memref<!tpu.dma_semaphore, #tpu.memory_space<semaphore_mem>>)
      %dma_wait3A_148 = arith.constant 0 : i32
      %dma_wait3A_149 = arith.constant 0 : i32
      %dma_wait3A_150 = tpu.memref_slice %arg2[%dma_wait3A_148, %dma_wait3A_149] : memref<10240x128xf32, #tpu.memory_space<hbm>> -> memref<10240x128xf32, #tpu.memory_space<hbm>>
      tpu.wait_indirect_dma semaphore(%arg26 : memref<!tpu.dma_semaphore, #tpu.memory_space<semaphore_mem>>) src(%dma_wait3A_150 : memref<10240x128xf32, #tpu.memory_space<hbm>>) dst(%arg11 : memref<16x128xf32, #tpu.memory_space<vmem>>)
      %dma_wait3A_151 = arith.constant 0 : i32
      %dma_wait3A_152 = arith.constant 0 : i32
      %dma_wait3A_153 = tpu.memref_slice %arg3[%dma_wait3A_151, %dma_wait3A_152] : memref<10240x128xi32, #tpu.memory_space<hbm>> -> memref<10240x128xi32, #tpu.memory_space<hbm>>
      tpu.wait_indirect_dma semaphore(%arg27 : memref<!tpu.dma_semaphore, #tpu.memory_space<semaphore_mem>>) src(%dma_wait3A_153 : memref<10240x128xi32, #tpu.memory_space<hbm>>) dst(%arg12 : memref<16x128xi32, #tpu.memory_space<vmem>>)
      %dma_wait3A_154 = arith.constant 0 : i32
      %dma_wait3A_155 = arith.constant 0 : i32
      %dma_wait3A_156 = tpu.memref_slice %arg4[%dma_wait3A_154, %dma_wait3A_155] : memref<320000x64xi32, #tpu.memory_space<hbm>> -> memref<16x64xi32, #tpu.memory_space<hbm>>
      %dma_wait3A_157 = arith.constant 0 : i32
      %dma_wait3A_158 = arith.constant 0 : i32
      %dma_wait3A_159 = tpu.memref_slice %arg4[%dma_wait3A_157, %dma_wait3A_158] : memref<320000x64xi32, #tpu.memory_space<hbm>> -> memref<16x64xi32, #tpu.memory_space<hbm>>
      tpu.wait_dma2 semaphore(%arg28 : memref<!tpu.dma_semaphore, #tpu.memory_space<semaphore_mem>>) src(%dma_wait3A_159 : memref<16x64xi32, #tpu.memory_space<hbm>>) dst(%arg13 : memref<16x64xi32, #tpu.memory_space<vmem>>)
      %broadcast_in_dim3A_160 = arith.constant 0.000000e+00 : f32
      %broadcast_in_dim3A_161 = vector.broadcast %broadcast_in_dim3A_160 : f32 to vector<16xf32>
      %parallel_loop3A_162 = arith.constant 0 : i32
      %parallel_loop3A_163 = arith.constant 16 : i32
      %parallel_loop3A_164 = arith.constant 1 : i32
      %parallel_loop3A_165:2 = scf.for %parallel_loop3A_251 = %parallel_loop3A_162 to %parallel_loop3A_163 step %parallel_loop3A_164 iter_args(%parallel_loop3A_252 = %broadcast_in_dim3A_161, %parallel_loop3A_253 = %broadcast_in_dim3A_161) -> (vector<16xf32>, vector<16xf32>)  : i32 {
        %parallel_loop3A_254 = arith.constant 0 : i32
        %parallel_loop3A_255 = arith.addi %parallel_loop3A_254, %parallel_loop3A_251 : i32
        %parallel_loop3A_256 = arith.index_cast %parallel_loop3A_255 : i32 to index
        %parallel_loop3A_257 = arith.constant 0 : index
        %parallel_loop3A_258 = tpu.vector_load %arg12[%parallel_loop3A_256, %parallel_loop3A_257] {strides = array<i32>} : memref<16x128xi32, #tpu.memory_space<vmem>>, vector<16xi32>,
        %parallel_loop3A_259 = arith.index_cast %parallel_loop3A_255 : i32 to index
        %parallel_loop3A_260 = arith.constant 0 : index
        %parallel_loop3A_261 = tpu.vector_load %arg13[%parallel_loop3A_259, %parallel_loop3A_260] {strides = array<i32>} : memref<16x64xi32, #tpu.memory_space<vmem>>, vector<16xi32>,
        %parallel_loop3A_262 = vector.bitcast %parallel_loop3A_258 : vector<16xi32> to vector<32xbf16>
        %parallel_loop3A_263 = tpu.unpack_subelements %parallel_loop3A_262, 0 {pack_format = #tpu.pack_format<interleaved>} : vector<32xbf16> -> vector<16xf32>
        %parallel_loop3A_264 = tpu.unpack_subelements %parallel_loop3A_262, 1 {pack_format = #tpu.pack_format<interleaved>} : vector<32xbf16> -> vector<16xf32>
        %parallel_loop3A_265 = vector.bitcast %parallel_loop3A_261 : vector<16xi32> to vector<32xbf16>
        %parallel_loop3A_266 = tpu.unpack_subelements %parallel_loop3A_265, 0 {pack_format = #tpu.pack_format<interleaved>} : vector<32xbf16> -> vector<16xf32>
        %parallel_loop3A_267 = tpu.unpack_subelements %parallel_loop3A_265, 1 {pack_format = #tpu.pack_format<interleaved>} : vector<32xbf16> -> vector<16xf32>
        %parallel_loop3A_268 = arith.index_cast %parallel_loop3A_255 : i32 to index
        %parallel_loop3A_269 = arith.constant 0 : index
        %parallel_loop3A_270 = tpu.vector_load %arg11[%parallel_loop3A_268, %parallel_loop3A_269] {strides = array<i32>} : memref<16x128xf32, #tpu.memory_space<vmem>>, vector<16xf32>,
        %parallel_loop3A_271 = arith.index_cast %parallel_loop3A_255 : i32 to index
        %parallel_loop3A_272 = arith.constant 64 : index
        %parallel_loop3A_273 = tpu.vector_load %arg11[%parallel_loop3A_271, %parallel_loop3A_272] {strides = array<i32>} : memref<16x128xf32, #tpu.memory_space<vmem>>, vector<16xf32>,
        %parallel_loop3A_274 = arith.addf %parallel_loop3A_263, %parallel_loop3A_266 : vector<16xf32>
        %parallel_loop3A_275 = arith.mulf %parallel_loop3A_270, %parallel_loop3A_274 : vector<16xf32>
        %parallel_loop3A_276 = arith.addf %broadcast_in_dim3A_161, %parallel_loop3A_275 : vector<16xf32>
        %parallel_loop3A_277 = arith.addf %parallel_loop3A_264, %parallel_loop3A_267 : vector<16xf32>
        %parallel_loop3A_278 = arith.mulf %parallel_loop3A_273, %parallel_loop3A_277 : vector<16xf32>
        %parallel_loop3A_279 = arith.addf %broadcast_in_dim3A_161, %parallel_loop3A_278 : vector<16xf32>
        %parallel_loop3A_280 = arith.index_cast %parallel_loop3A_255 : i32 to index
        %parallel_loop3A_281 = arith.constant 16 : index
        %parallel_loop3A_282 = tpu.vector_load %arg12[%parallel_loop3A_280, %parallel_loop3A_281] {strides = array<i32>} : memref<16x128xi32, #tpu.memory_space<vmem>>, vector<16xi32>,
        %parallel_loop3A_283 = arith.index_cast %parallel_loop3A_255 : i32 to index
        %parallel_loop3A_284 = arith.constant 16 : index
        %parallel_loop3A_285 = tpu.vector_load %arg13[%parallel_loop3A_283, %parallel_loop3A_284] {strides = array<i32>} : memref<16x64xi32, #tpu.memory_space<vmem>>, vector<16xi32>,
        %parallel_loop3A_286 = vector.bitcast %parallel_loop3A_282 : vector<16xi32> to vector<32xbf16>
        %parallel_loop3A_287 = tpu.unpack_subelements %parallel_loop3A_286, 0 {pack_format = #tpu.pack_format<interleaved>} : vector<32xbf16> -> vector<16xf32>
        %parallel_loop3A_288 = tpu.unpack_subelements %parallel_loop3A_286, 1 {pack_format = #tpu.pack_format<interleaved>} : vector<32xbf16> -> vector<16xf32>
        %parallel_loop3A_289 = vector.bitcast %parallel_loop3A_285 : vector<16xi32> to vector<32xbf16>
        %parallel_loop3A_290 = tpu.unpack_subelements %parallel_loop3A_289, 0 {pack_format = #tpu.pack_format<interleaved>} : vector<32xbf16> -> vector<16xf32>
        %parallel_loop3A_291 = tpu.unpack_subelements %parallel_loop3A_289, 1 {pack_format = #tpu.pack_format<interleaved>} : vector<32xbf16> -> vector<16xf32>
        %parallel_loop3A_292 = arith.index_cast %parallel_loop3A_255 : i32 to index
        %parallel_loop3A_293 = arith.constant 16 : index
        %parallel_loop3A_294 = tpu.vector_load %arg11[%parallel_loop3A_292, %parallel_loop3A_293] {strides = array<i32>} : memref<16x128xf32, #tpu.memory_space<vmem>>, vector<16xf32>,
        %parallel_loop3A_295 = arith.index_cast %parallel_loop3A_255 : i32 to index
        %parallel_loop3A_296 = arith.constant 80 : index
        %parallel_loop3A_297 = tpu.vector_load %arg11[%parallel_loop3A_295, %parallel_loop3A_296] {strides = array<i32>} : memref<16x128xf32, #tpu.memory_space<vmem>>, vector<16xf32>,
        %parallel_loop3A_298 = arith.addf %parallel_loop3A_287, %parallel_loop3A_290 : vector<16xf32>
        %parallel_loop3A_299 = arith.mulf %parallel_loop3A_294, %parallel_loop3A_298 : vector<16xf32>
        %parallel_loop3A_300 = arith.addf %parallel_loop3A_276, %parallel_loop3A_299 : vector<16xf32>
        %parallel_loop3A_301 = arith.addf %parallel_loop3A_288, %parallel_loop3A_291 : vector<16xf32>
        %parallel_loop3A_302 = arith.mulf %parallel_loop3A_297, %parallel_loop3A_301 : vector<16xf32>
        %parallel_loop3A_303 = arith.addf %parallel_loop3A_279, %parallel_loop3A_302 : vector<16xf32>
        %parallel_loop3A_304 = arith.index_cast %parallel_loop3A_255 : i32 to index
        %parallel_loop3A_305 = arith.constant 32 : index
        %parallel_loop3A_306 = tpu.vector_load %arg12[%parallel_loop3A_304, %parallel_loop3A_305] {strides = array<i32>} : memref<16x128xi32, #tpu.memory_space<vmem>>, vector<16xi32>,
        %parallel_loop3A_307 = arith.index_cast %parallel_loop3A_255 : i32 to index
        %parallel_loop3A_308 = arith.constant 32 : index
        %parallel_loop3A_309 = tpu.vector_load %arg13[%parallel_loop3A_307, %parallel_loop3A_308] {strides = array<i32>} : memref<16x64xi32, #tpu.memory_space<vmem>>, vector<16xi32>,
        %parallel_loop3A_310 = vector.bitcast %parallel_loop3A_306 : vector<16xi32> to vector<32xbf16>
        %parallel_loop3A_311 = tpu.unpack_subelements %parallel_loop3A_310, 0 {pack_format = #tpu.pack_format<interleaved>} : vector<32xbf16> -> vector<16xf32>
        %parallel_loop3A_312 = tpu.unpack_subelements %parallel_loop3A_310, 1 {pack_format = #tpu.pack_format<interleaved>} : vector<32xbf16> -> vector<16xf32>
        %parallel_loop3A_313 = vector.bitcast %parallel_loop3A_309 : vector<16xi32> to vector<32xbf16>
        %parallel_loop3A_314 = tpu.unpack_subelements %parallel_loop3A_313, 0 {pack_format = #tpu.pack_format<interleaved>} : vector<32xbf16> -> vector<16xf32>
        %parallel_loop3A_315 = tpu.unpack_subelements %parallel_loop3A_313, 1 {pack_format = #tpu.pack_format<interleaved>} : vector<32xbf16> -> vector<16xf32>
        %parallel_loop3A_316 = arith.index_cast %parallel_loop3A_255 : i32 to index
        %parallel_loop3A_317 = arith.constant 32 : index
        %parallel_loop3A_318 = tpu.vector_load %arg11[%parallel_loop3A_316, %parallel_loop3A_317] {strides = array<i32>} : memref<16x128xf32, #tpu.memory_space<vmem>>, vector<16xf32>,
        %parallel_loop3A_319 = arith.index_cast %parallel_loop3A_255 : i32 to index
        %parallel_loop3A_320 = arith.constant 96 : index
        %parallel_loop3A_321 = tpu.vector_load %arg11[%parallel_loop3A_319, %parallel_loop3A_320] {strides = array<i32>} : memref<16x128xf32, #tpu.memory_space<vmem>>, vector<16xf32>,
        %parallel_loop3A_322 = arith.addf %parallel_loop3A_311, %parallel_loop3A_314 : vector<16xf32>
        %parallel_loop3A_323 = arith.mulf %parallel_loop3A_318, %parallel_loop3A_322 : vector<16xf32>
        %parallel_loop3A_324 = arith.addf %parallel_loop3A_300, %parallel_loop3A_323 : vector<16xf32>
        %parallel_loop3A_325 = arith.addf %parallel_loop3A_312, %parallel_loop3A_315 : vector<16xf32>
        %parallel_loop3A_326 = arith.mulf %parallel_loop3A_321, %parallel_loop3A_325 : vector<16xf32>
        %parallel_loop3A_327 = arith.addf %parallel_loop3A_303, %parallel_loop3A_326 : vector<16xf32>
        %parallel_loop3A_328 = arith.index_cast %parallel_loop3A_255 : i32 to index
        %parallel_loop3A_329 = arith.constant 48 : index
        %parallel_loop3A_330 = tpu.vector_load %arg12[%parallel_loop3A_328, %parallel_loop3A_329] {strides = array<i32>} : memref<16x128xi32, #tpu.memory_space<vmem>>, vector<16xi32>,
        %parallel_loop3A_331 = arith.index_cast %parallel_loop3A_255 : i32 to index
        %parallel_loop3A_332 = arith.constant 48 : index
        %parallel_loop3A_333 = tpu.vector_load %arg13[%parallel_loop3A_331, %parallel_loop3A_332] {strides = array<i32>} : memref<16x64xi32, #tpu.memory_space<vmem>>, vector<16xi32>,
        %parallel_loop3A_334 = vector.bitcast %parallel_loop3A_330 : vector<16xi32> to vector<32xbf16>
        %parallel_loop3A_335 = tpu.unpack_subelements %parallel_loop3A_334, 0 {pack_format = #tpu.pack_format<interleaved>} : vector<32xbf16> -> vector<16xf32>
        %parallel_loop3A_336 = tpu.unpack_subelements %parallel_loop3A_334, 1 {pack_format = #tpu.pack_format<interleaved>} : vector<32xbf16> -> vector<16xf32>
        %parallel_loop3A_337 = vector.bitcast %parallel_loop3A_333 : vector<16xi32> to vector<32xbf16>
        %parallel_loop3A_338 = tpu.unpack_subelements %parallel_loop3A_337, 0 {pack_format = #tpu.pack_format<interleaved>} : vector<32xbf16> -> vector<16xf32>
        %parallel_loop3A_339 = tpu.unpack_subelements %parallel_loop3A_337, 1 {pack_format = #tpu.pack_format<interleaved>} : vector<32xbf16> -> vector<16xf32>
        %parallel_loop3A_340 = arith.index_cast %parallel_loop3A_255 : i32 to index
        %parallel_loop3A_341 = arith.constant 48 : index
        %parallel_loop3A_342 = tpu.vector_load %arg11[%parallel_loop3A_340, %parallel_loop3A_341] {strides = array<i32>} : memref<16x128xf32, #tpu.memory_space<vmem>>, vector<16xf32>,
        %parallel_loop3A_343 = arith.index_cast %parallel_loop3A_255 : i32 to index
        %parallel_loop3A_344 = arith.constant 112 : index
        %parallel_loop3A_345 = tpu.vector_load %arg11[%parallel_loop3A_343, %parallel_loop3A_344] {strides = array<i32>} : memref<16x128xf32, #tpu.memory_space<vmem>>, vector<16xf32>,
        %parallel_loop3A_346 = arith.addf %parallel_loop3A_335, %parallel_loop3A_338 : vector<16xf32>
        %parallel_loop3A_347 = arith.mulf %parallel_loop3A_342, %parallel_loop3A_346 : vector<16xf32>
        %parallel_loop3A_348 = arith.addf %parallel_loop3A_324, %parallel_loop3A_347 : vector<16xf32>
        %parallel_loop3A_349 = arith.addf %parallel_loop3A_336, %parallel_loop3A_339 : vector<16xf32>
        %parallel_loop3A_350 = arith.mulf %parallel_loop3A_345, %parallel_loop3A_349 : vector<16xf32>
        %parallel_loop3A_351 = arith.addf %parallel_loop3A_327, %parallel_loop3A_350 : vector<16xf32>
        %parallel_loop3A_352 = arith.constant true
        %parallel_loop3A_353 = vector.broadcast %parallel_loop3A_352 : i1 to vector<16xi1>
        %parallel_loop3A_354 = tpu.scan <sum>, %parallel_loop3A_348 masked %parallel_loop3A_353 : vector<16xf32>, vector<16xi1> -> vector<16xf32>
        %parallel_loop3A_355 = vector.extract %parallel_loop3A_354[15] : f32 from vector<16xf32>
        %parallel_loop3A_356 = arith.mulf %parallel_loop3A_355, %scan3A_58 : f32
        %parallel_loop3A_357 = arith.constant true
        %parallel_loop3A_358 = vector.broadcast %parallel_loop3A_357 : i1 to vector<16xi1>
        %parallel_loop3A_359 = tpu.scan <sum>, %parallel_loop3A_351 masked %parallel_loop3A_358 : vector<16xf32>, vector<16xi1> -> vector<16xf32>
        %parallel_loop3A_360 = vector.extract %parallel_loop3A_359[15] : f32 from vector<16xf32>
        %parallel_loop3A_361 = arith.mulf %parallel_loop3A_360, %scan3A_58 : f32
        %parallel_loop3A_362 = vector.broadcast %parallel_loop3A_356 : f32 to vector<16xf32>
        %parallel_loop3A_363 = math.exp %parallel_loop3A_362 : vector<16xf32>
        %parallel_loop3A_364 = vector.broadcast %parallel_loop3A_361 : f32 to vector<16xf32>
        %parallel_loop3A_365 = math.exp %parallel_loop3A_364 : vector<16xf32>
        %parallel_loop3A_366 = vector.broadcast %parallel_loop3A_251 : i32 to vector<16xi32>
        %parallel_loop3A_367 = arith.cmpi eq, %iota3A, %parallel_loop3A_366 : vector<16xi32>
        %parallel_loop3A_368 = arith.select %parallel_loop3A_367, %parallel_loop3A_363, %parallel_loop3A_252 : vector<16xi1>, vector<16xf32>
        %parallel_loop3A_369 = vector.broadcast %parallel_loop3A_251 : i32 to vector<16xi32>
        %parallel_loop3A_370 = arith.cmpi eq, %iota3A, %parallel_loop3A_369 : vector<16xi32>
        %parallel_loop3A_371 = arith.select %parallel_loop3A_370, %parallel_loop3A_365, %parallel_loop3A_253 : vector<16xi1>, vector<16xf32>
        %parallel_loop3A_372 = arith.index_cast %parallel_loop3A_255 : i32 to index
        %parallel_loop3A_373 = arith.constant 64 : index
        %parallel_loop3A_374 = tpu.vector_load %arg12[%parallel_loop3A_372, %parallel_loop3A_373] {strides = array<i32>} : memref<16x128xi32, #tpu.memory_space<vmem>>, vector<16xi32>,
        %parallel_loop3A_375 = vector.bitcast %parallel_loop3A_374 : vector<16xi32> to vector<32xbf16>
        %parallel_loop3A_376 = tpu.unpack_subelements %parallel_loop3A_375, 0 {pack_format = #tpu.pack_format<interleaved>} : vector<32xbf16> -> vector<16xf32>
        %parallel_loop3A_377 = tpu.unpack_subelements %parallel_loop3A_375, 1 {pack_format = #tpu.pack_format<interleaved>} : vector<32xbf16> -> vector<16xf32>
        %parallel_loop3A_378 = arith.addf %parallel_loop3A_376, %parallel_loop3A_266 : vector<16xf32>
        %parallel_loop3A_379 = arith.mulf %parallel_loop3A_378, %parallel_loop3A_363 : vector<16xf32>
        %parallel_loop3A_380 = arith.index_cast %parallel_loop3A_255 : i32 to index
        %parallel_loop3A_381 = arith.constant 0 : index
        %parallel_loop3A_382 = tpu.vector_load %arg21[%parallel_loop3A_380, %parallel_loop3A_381] {strides = array<i32>} : memref<16x128xf32, #tpu.memory_space<vmem>>, vector<16xf32>,
        tpu.vector_store %arg21[%parallel_loop3A_380, %parallel_loop3A_381], %parallel_loop3A_379 {strides = array<i32>} : memref<16x128xf32, #tpu.memory_space<vmem>>, vector<16xf32>,
        %parallel_loop3A_383 = arith.addf %parallel_loop3A_377, %parallel_loop3A_267 : vector<16xf32>
        %parallel_loop3A_384 = arith.mulf %parallel_loop3A_383, %parallel_loop3A_365 : vector<16xf32>
        %parallel_loop3A_385 = arith.index_cast %parallel_loop3A_255 : i32 to index
        %parallel_loop3A_386 = arith.constant 64 : index
        %parallel_loop3A_387 = tpu.vector_load %arg21[%parallel_loop3A_385, %parallel_loop3A_386] {strides = array<i32>} : memref<16x128xf32, #tpu.memory_space<vmem>>, vector<16xf32>,
        tpu.vector_store %arg21[%parallel_loop3A_385, %parallel_loop3A_386], %parallel_loop3A_384 {strides = array<i32>} : memref<16x128xf32, #tpu.memory_space<vmem>>, vector<16xf32>,
        %parallel_loop3A_388 = arith.index_cast %parallel_loop3A_255 : i32 to index
        %parallel_loop3A_389 = arith.constant 80 : index
        %parallel_loop3A_390 = tpu.vector_load %arg12[%parallel_loop3A_388, %parallel_loop3A_389] {strides = array<i32>} : memref<16x128xi32, #tpu.memory_space<vmem>>, vector<16xi32>,
        %parallel_loop3A_391 = vector.bitcast %parallel_loop3A_390 : vector<16xi32> to vector<32xbf16>
        %parallel_loop3A_392 = tpu.unpack_subelements %parallel_loop3A_391, 0 {pack_format = #tpu.pack_format<interleaved>} : vector<32xbf16> -> vector<16xf32>
        %parallel_loop3A_393 = tpu.unpack_subelements %parallel_loop3A_391, 1 {pack_format = #tpu.pack_format<interleaved>} : vector<32xbf16> -> vector<16xf32>
        %parallel_loop3A_394 = arith.addf %parallel_loop3A_392, %parallel_loop3A_290 : vector<16xf32>
        %parallel_loop3A_395 = arith.mulf %parallel_loop3A_394, %parallel_loop3A_363 : vector<16xf32>
        %parallel_loop3A_396 = arith.index_cast %parallel_loop3A_255 : i32 to index
        %parallel_loop3A_397 = arith.constant 16 : index
        %parallel_loop3A_398 = tpu.vector_load %arg21[%parallel_loop3A_396, %parallel_loop3A_397] {strides = array<i32>} : memref<16x128xf32, #tpu.memory_space<vmem>>, vector<16xf32>,
        tpu.vector_store %arg21[%parallel_loop3A_396, %parallel_loop3A_397], %parallel_loop3A_395 {strides = array<i32>} : memref<16x128xf32, #tpu.memory_space<vmem>>, vector<16xf32>,
        %parallel_loop3A_399 = arith.addf %parallel_loop3A_393, %parallel_loop3A_291 : vector<16xf32>
        %parallel_loop3A_400 = arith.mulf %parallel_loop3A_399, %parallel_loop3A_365 : vector<16xf32>
        %parallel_loop3A_401 = arith.index_cast %parallel_loop3A_255 : i32 to index
        %parallel_loop3A_402 = arith.constant 80 : index
        %parallel_loop3A_403 = tpu.vector_load %arg21[%parallel_loop3A_401, %parallel_loop3A_402] {strides = array<i32>} : memref<16x128xf32, #tpu.memory_space<vmem>>, vector<16xf32>,
        tpu.vector_store %arg21[%parallel_loop3A_401, %parallel_loop3A_402], %parallel_loop3A_400 {strides = array<i32>} : memref<16x128xf32, #tpu.memory_space<vmem>>, vector<16xf32>,
        %parallel_loop3A_404 = arith.index_cast %parallel_loop3A_255 : i32 to index
        %parallel_loop3A_405 = arith.constant 96 : index
        %parallel_loop3A_406 = tpu.vector_load %arg12[%parallel_loop3A_404, %parallel_loop3A_405] {strides = array<i32>} : memref<16x128xi32, #tpu.memory_space<vmem>>, vector<16xi32>,
        %parallel_loop3A_407 = vector.bitcast %parallel_loop3A_406 : vector<16xi32> to vector<32xbf16>
        %parallel_loop3A_408 = tpu.unpack_subelements %parallel_loop3A_407, 0 {pack_format = #tpu.pack_format<interleaved>} : vector<32xbf16> -> vector<16xf32>
        %parallel_loop3A_409 = tpu.unpack_subelements %parallel_loop3A_407, 1 {pack_format = #tpu.pack_format<interleaved>} : vector<32xbf16> -> vector<16xf32>
        %parallel_loop3A_410 = arith.addf %parallel_loop3A_408, %parallel_loop3A_314 : vector<16xf32>
        %parallel_loop3A_411 = arith.mulf %parallel_loop3A_410, %parallel_loop3A_363 : vector<16xf32>
        %parallel_loop3A_412 = arith.index_cast %parallel_loop3A_255 : i32 to index
        %parallel_loop3A_413 = arith.constant 32 : index
        %parallel_loop3A_414 = tpu.vector_load %arg21[%parallel_loop3A_412, %parallel_loop3A_413] {strides = array<i32>} : memref<16x128xf32, #tpu.memory_space<vmem>>, vector<16xf32>,
        tpu.vector_store %arg21[%parallel_loop3A_412, %parallel_loop3A_413], %parallel_loop3A_411 {strides = array<i32>} : memref<16x128xf32, #tpu.memory_space<vmem>>, vector<16xf32>,
        %parallel_loop3A_415 = arith.addf %parallel_loop3A_409, %parallel_loop3A_315 : vector<16xf32>
        %parallel_loop3A_416 = arith.mulf %parallel_loop3A_415, %parallel_loop3A_365 : vector<16xf32>
        %parallel_loop3A_417 = arith.index_cast %parallel_loop3A_255 : i32 to index
        %parallel_loop3A_418 = arith.constant 96 : index
        %parallel_loop3A_419 = tpu.vector_load %arg21[%parallel_loop3A_417, %parallel_loop3A_418] {strides = array<i32>} : memref<16x128xf32, #tpu.memory_space<vmem>>, vector<16xf32>,
        tpu.vector_store %arg21[%parallel_loop3A_417, %parallel_loop3A_418], %parallel_loop3A_416 {strides = array<i32>} : memref<16x128xf32, #tpu.memory_space<vmem>>, vector<16xf32>,
        %parallel_loop3A_420 = arith.index_cast %parallel_loop3A_255 : i32 to index
        %parallel_loop3A_421 = arith.constant 112 : index
        %parallel_loop3A_422 = tpu.vector_load %arg12[%parallel_loop3A_420, %parallel_loop3A_421] {strides = array<i32>} : memref<16x128xi32, #tpu.memory_space<vmem>>, vector<16xi32>,
        %parallel_loop3A_423 = vector.bitcast %parallel_loop3A_422 : vector<16xi32> to vector<32xbf16>
        %parallel_loop3A_424 = tpu.unpack_subelements %parallel_loop3A_423, 0 {pack_format = #tpu.pack_format<interleaved>} : vector<32xbf16> -> vector<16xf32>
        %parallel_loop3A_425 = tpu.unpack_subelements %parallel_loop3A_423, 1 {pack_format = #tpu.pack_format<interleaved>} : vector<32xbf16> -> vector<16xf32>
        %parallel_loop3A_426 = arith.addf %parallel_loop3A_424, %parallel_loop3A_338 : vector<16xf32>
        %parallel_loop3A_427 = arith.mulf %parallel_loop3A_426, %parallel_loop3A_363 : vector<16xf32>
        %parallel_loop3A_428 = arith.index_cast %parallel_loop3A_255 : i32 to index
        %parallel_loop3A_429 = arith.constant 48 : index
        %parallel_loop3A_430 = tpu.vector_load %arg21[%parallel_loop3A_428, %parallel_loop3A_429] {strides = array<i32>} : memref<16x128xf32, #tpu.memory_space<vmem>>, vector<16xf32>,
        tpu.vector_store %arg21[%parallel_loop3A_428, %parallel_loop3A_429], %parallel_loop3A_427 {strides = array<i32>} : memref<16x128xf32, #tpu.memory_space<vmem>>, vector<16xf32>,
        %parallel_loop3A_431 = arith.addf %parallel_loop3A_425, %parallel_loop3A_339 : vector<16xf32>
        %parallel_loop3A_432 = arith.mulf %parallel_loop3A_431, %parallel_loop3A_365 : vector<16xf32>
        %parallel_loop3A_433 = arith.index_cast %parallel_loop3A_255 : i32 to index
        %parallel_loop3A_434 = arith.constant 112 : index
        %parallel_loop3A_435 = tpu.vector_load %arg21[%parallel_loop3A_433, %parallel_loop3A_434] {strides = array<i32>} : memref<16x128xf32, #tpu.memory_space<vmem>>, vector<16xf32>,
        tpu.vector_store %arg21[%parallel_loop3A_433, %parallel_loop3A_434], %parallel_loop3A_432 {strides = array<i32>} : memref<16x128xf32, #tpu.memory_space<vmem>>, vector<16xf32>,
        scf.yield %parallel_loop3A_368, %parallel_loop3A_371 : vector<16xf32>, vector<16xf32>
      } {sc.loop_unroll_factor = 4 : i64, sc.parallel_access}
      %get3A_166 = arith.constant 0 : index
      %get3A_167 = tpu.vector_load %arg10[%get3A_166] {strides = array<i32>} : memref<16xi32, #tpu.memory_space<vmem>>, vector<16xi32>,
      %mul3A_168 = arith.constant 2 : i32
      %mul3A_169 = vector.broadcast %mul3A_168 : i32 to vector<16xi32>
      %mul3A_170 = arith.muli %get3A_167, %mul3A_169 : vector<16xi32>
      %shift_right_logical3A_171 = arith.constant 7 : i32
      %shift_right_logical3A_172 = vector.broadcast %shift_right_logical3A_171 : i32 to vector<16xi32>
      %shift_right_logical3A_173 = arith.shrui %mul3A_170, %shift_right_logical3A_172 : vector<16xi32>
      %and3A_174 = arith.constant 127 : i32
      %and3A_175 = vector.broadcast %and3A_174 : i32 to vector<16xi32>
      %and3A_176 = arith.andi %mul3A_170, %and3A_175 : vector<16xi32>
      tpu.vector_store_idx %arg22[%shift_right_logical3A_173, %and3A_176], %parallel_loop3A_165#0 {add = true} : memref<160x128xf32, #tpu.memory_space<vmem>>[vector<16xi32>, vector<16xi32>], vector<16xf32>,
      %add3A_177 = arith.constant 1 : i32
      %add3A_178 = vector.broadcast %add3A_177 : i32 to vector<16xi32>
      %add3A_179 = arith.addi %and3A_176, %add3A_178 : vector<16xi32>
      tpu.vector_store_idx %arg22[%shift_right_logical3A_173, %add3A_179], %parallel_loop3A_165#1 {add = true} : memref<160x128xf32, #tpu.memory_space<vmem>>[vector<16xi32>, vector<16xi32>], vector<16xf32>,
      "tpu.region"() ({
        %run_scoped3A = tpu.sem_alloc : memref<!tpu.dma_semaphore, #tpu.memory_space<semaphore_mem>>
        %dma_start3A_251 = arith.constant 0 : i32
        %dma_start3A_252 = arith.constant 0 : i32
        %dma_start3A_253 = tpu.memref_slice %arg24[%dma_start3A_251, %dma_start3A_252] : memref<10000x128xf32, #tpu.memory_space<vmem_shared>> -> memref<10000x128xf32, #tpu.memory_space<vmem_shared>>
        tpu.enqueue_indirect_dma source(%arg21 : memref<16x128xf32, #tpu.memory_space<vmem>>) target(%dma_start3A_253 : memref<10000x128xf32, #tpu.memory_space<vmem_shared>>) offsets(%arg10 : memref<16xi32, #tpu.memory_space<vmem>>) semaphore(%run_scoped3A : memref<!tpu.dma_semaphore, #tpu.memory_space<semaphore_mem>>) {add = true}
        %dma_wait3A_254 = arith.constant 0 : i32
        %dma_wait3A_255 = arith.constant 0 : i32
        %dma_wait3A_256 = tpu.memref_slice %arg24[%dma_wait3A_254, %dma_wait3A_255] : memref<10000x128xf32, #tpu.memory_space<vmem_shared>> -> memref<10000x128xf32, #tpu.memory_space<vmem_shared>>
        tpu.wait_indirect_dma semaphore(%run_scoped3A : memref<!tpu.dma_semaphore, #tpu.memory_space<semaphore_mem>>) src(%arg21 : memref<16x128xf32, #tpu.memory_space<vmem>>) dst(%dma_wait3A_256 : memref<10000x128xf32, #tpu.memory_space<vmem_shared>>)
        tpu.yield
      }) : () -> ()
      %mul3A_180 = arith.constant 2 : i32
      %mul3A_181 = arith.muli %mul3A_180, %scan3A_108 : i32
      %add3A_182 = arith.constant 2 : i32
      %add3A_183 = arith.addi %mul3A_181, %add3A_182 : i32
      %and3A_184 = arith.constant 63 : i32
      %and3A_185 = arith.andi %add3A_183, %and3A_184 : i32
      %eq3A_186 = arith.constant 0 : i32
      %eq3A_187 = arith.cmpi eq, %and3A_185, %eq3A_186 : i32
      %convert_element_type3A_188 = arith.extui %eq3A_187 : i1 to i32
      %cond3A_189 = arith.constant 0 : i32
      %cond3A_190 = arith.cmpi ne, %convert_element_type3A_188, %cond3A_189 : i32
      scf.if %cond3A_190 {
        %mul3A_251 = arith.constant 10000 : i32
        %mul3A_252 = arith.muli %add3A, %mul3A_251 : i32
        %jit3A = arith.constant 64 : i32
        %div3A = arith.divsi %add3A_183, %jit3A : i32
        %sign3A = arith.constant 0 : i32
        %sign3A_253 = arith.cmpi sgt, %add3A_183, %sign3A : i32
        %sign3A_254 = arith.extui %sign3A_253 : i1 to i32
        %sign3A_255 = arith.constant 0 : i32
        %sign3A_256 = arith.cmpi slt, %add3A_183, %sign3A_255 : i32
        %sign3A_257 = arith.extui %sign3A_256 : i1 to i32
        %sign3A_258 = arith.subi %sign3A_254, %sign3A_257 : i32
        %sign3A_259 = arith.constant 0 : i32
        %sign3A_260 = arith.cmpi sgt, %jit3A, %sign3A_259 : i32
        %sign3A_261 = arith.extui %sign3A_260 : i1 to i32
        %sign3A_262 = arith.constant 0 : i32
        %sign3A_263 = arith.cmpi slt, %jit3A, %sign3A_262 : i32
        %sign3A_264 = arith.extui %sign3A_263 : i1 to i32
        %sign3A_265 = arith.subi %sign3A_261, %sign3A_264 : i32
        %ne3A = arith.cmpi ne, %sign3A_258, %sign3A_265 : i32
        %rem3A = arith.remsi %add3A_183, %jit3A : i32
        %ne3A_266 = arith.constant 0 : i32
        %ne3A_267 = arith.cmpi ne, %rem3A, %ne3A_266 : i32
        %and3A_268 = arith.andi %ne3A, %ne3A_267 : i1
        %sub3A = arith.constant 1 : i32
        %sub3A_269 = arith.subi %div3A, %sub3A : i32
        %select_n3A = arith.select %and3A_268, %sub3A_269, %div3A : i32
        %mul3A_270 = arith.constant 1024 : i32
        %mul3A_271 = arith.muli %select_n3A, %mul3A_270 : i32
        %add3A_272 = arith.addi %mul3A_252, %mul3A_271 : i32
        %multiple_of3A_273 = tpu.assume_multiple %add3A_272, 8 : i32
        "tpu.region"() ({
          %run_scoped3A = tpu.sem_alloc : memref<!tpu.dma_semaphore, #tpu.memory_space<semaphore_mem>>
          %dma_start3A_274 = tpu.memref_slice %arg5[%multiple_of3A_273] : memref<321024xi32, #tpu.memory_space<hbm>> -> memref<1024xi32, #tpu.memory_space<hbm>>
          %dma_start3A_275 = tpu.memref_slice %arg5[%multiple_of3A_273] : memref<321024xi32, #tpu.memory_space<hbm>> -> memref<1024xi32, #tpu.memory_space<hbm>>
          tpu.enqueue_dma source(%dma_start3A_275 : memref<1024xi32, #tpu.memory_space<hbm>>) target(%arg19 : memref<1024xi32, #tpu.memory_space<vmem>>) target_semaphore(%run_scoped3A : memref<!tpu.dma_semaphore, #tpu.memory_space<semaphore_mem>>)
          %dma_wait3A_276 = tpu.memref_slice %arg5[%multiple_of3A_273] : memref<321024xi32, #tpu.memory_space<hbm>> -> memref<1024xi32, #tpu.memory_space<hbm>>
          %dma_wait3A_277 = tpu.memref_slice %arg5[%multiple_of3A_273] : memref<321024xi32, #tpu.memory_space<hbm>> -> memref<1024xi32, #tpu.memory_space<hbm>>
          tpu.wait_dma2 semaphore(%run_scoped3A : memref<!tpu.dma_semaphore, #tpu.memory_space<semaphore_mem>>) src(%dma_wait3A_277 : memref<1024xi32, #tpu.memory_space<hbm>>) dst(%arg19 : memref<1024xi32, #tpu.memory_space<vmem>>)
          tpu.yield
        }) : () -> ()
        "tpu.region"() ({
          %run_scoped3A = tpu.sem_alloc : memref<!tpu.dma_semaphore, #tpu.memory_space<semaphore_mem>>
          %dma_start3A_274 = tpu.memref_slice %arg6[%multiple_of3A_273] : memref<321024xi32, #tpu.memory_space<hbm>> -> memref<1024xi32, #tpu.memory_space<hbm>>
          %dma_start3A_275 = tpu.memref_slice %arg6[%multiple_of3A_273] : memref<321024xi32, #tpu.memory_space<hbm>> -> memref<1024xi32, #tpu.memory_space<hbm>>
          tpu.enqueue_dma source(%dma_start3A_275 : memref<1024xi32, #tpu.memory_space<hbm>>) target(%arg20 : memref<1024xi32, #tpu.memory_space<vmem>>) target_semaphore(%run_scoped3A : memref<!tpu.dma_semaphore, #tpu.memory_space<semaphore_mem>>)
          %dma_wait3A_276 = tpu.memref_slice %arg6[%multiple_of3A_273] : memref<321024xi32, #tpu.memory_space<hbm>> -> memref<1024xi32, #tpu.memory_space<hbm>>
          %dma_wait3A_277 = tpu.memref_slice %arg6[%multiple_of3A_273] : memref<321024xi32, #tpu.memory_space<hbm>> -> memref<1024xi32, #tpu.memory_space<hbm>>
          tpu.wait_dma2 semaphore(%run_scoped3A : memref<!tpu.dma_semaphore, #tpu.memory_space<semaphore_mem>>) src(%dma_wait3A_277 : memref<1024xi32, #tpu.memory_space<hbm>>) dst(%arg20 : memref<1024xi32, #tpu.memory_space<vmem>>)
          tpu.yield
        }) : () -> ()
      } else {
      }
      %mul3A_191 = arith.constant 16 : i32
      %mul3A_192 = arith.muli %and3A_185, %mul3A_191 : i32
      %multiple_of3A_193 = tpu.assume_multiple %mul3A_192, 8 : i32
      %get3A_194 = arith.index_cast %multiple_of3A_193 : i32 to index
      %get3A_195 = tpu.vector_load %arg19[%get3A_194] {strides = array<i32>} : memref<1024xi32, #tpu.memory_space<vmem>>, vector<16xi32>,
      %swap3A_196 = arith.constant 0 : index
      %swap3A_197 = tpu.vector_load %arg9[%swap3A_196] {strides = array<i32>} : memref<16xi32, #tpu.memory_space<vmem>>, vector<16xi32>,
      tpu.vector_store %arg9[%swap3A_196], %get3A_195 {strides = array<i32>} : memref<16xi32, #tpu.memory_space<vmem>>, vector<16xi32>,
      %get3A_198 = arith.index_cast %multiple_of3A_193 : i32 to index
      %get3A_199 = tpu.vector_load %arg20[%get3A_198] {strides = array<i32>} : memref<1024xi32, #tpu.memory_space<vmem>>, vector<16xi32>,
      %swap3A_200 = arith.constant 0 : index
      %swap3A_201 = tpu.vector_load %arg10[%swap3A_200] {strides = array<i32>} : memref<16xi32, #tpu.memory_space<vmem>>, vector<16xi32>,
      tpu.vector_store %arg10[%swap3A_200], %get3A_199 {strides = array<i32>} : memref<16xi32, #tpu.memory_space<vmem>>, vector<16xi32>,
      %mul3A_202 = arith.constant 10000 : i32
      %mul3A_203 = arith.muli %add3A, %mul3A_202 : i32
      %mul3A_204 = arith.constant 16 : i32
      %mul3A_205 = arith.muli %add3A_183, %mul3A_204 : i32
      %add3A_206 = arith.addi %mul3A_203, %mul3A_205 : i32
      %multiple_of3A_207 = tpu.assume_multiple %add3A_206, 8 : i32
      %dma_start3A_208 = arith.constant 0 : i32
      %dma_start3A_209 = arith.constant 0 : i32
      %dma_start3A_210 = tpu.memref_slice %arg2[%dma_start3A_208, %dma_start3A_209] : memref<10240x128xf32, #tpu.memory_space<hbm>> -> memref<10240x128xf32, #tpu.memory_space<hbm>>
      tpu.enqueue_indirect_dma source(%dma_start3A_210 : memref<10240x128xf32, #tpu.memory_space<hbm>>) target(%arg11 : memref<16x128xf32, #tpu.memory_space<vmem>>) offsets(%arg10 : memref<16xi32, #tpu.memory_space<vmem>>) semaphore(%arg26 : memref<!tpu.dma_semaphore, #tpu.memory_space<semaphore_mem>>)
      %dma_start3A_211 = arith.constant 0 : i32
      %dma_start3A_212 = arith.constant 0 : i32
      %dma_start3A_213 = tpu.memref_slice %arg3[%dma_start3A_211, %dma_start3A_212] : memref<10240x128xi32, #tpu.memory_space<hbm>> -> memref<10240x128xi32, #tpu.memory_space<hbm>>
      tpu.enqueue_indirect_dma source(%dma_start3A_213 : memref<10240x128xi32, #tpu.memory_space<hbm>>) target(%arg12 : memref<16x128xi32, #tpu.memory_space<vmem>>) offsets(%arg9 : memref<16xi32, #tpu.memory_space<vmem>>) semaphore(%arg27 : memref<!tpu.dma_semaphore, #tpu.memory_space<semaphore_mem>>)
      %dma_start3A_214 = arith.constant 0 : i32
      %dma_start3A_215 = tpu.memref_slice %arg4[%multiple_of3A_207, %dma_start3A_214] : memref<320000x64xi32, #tpu.memory_space<hbm>> -> memref<16x64xi32, #tpu.memory_space<hbm>>
      %dma_start3A_216 = arith.constant 0 : i32
      %dma_start3A_217 = tpu.memref_slice %arg4[%multiple_of3A_207, %dma_start3A_216] : memref<320000x64xi32, #tpu.memory_space<hbm>> -> memref<16x64xi32, #tpu.memory_space<hbm>>
      tpu.enqueue_dma source(%dma_start3A_217 : memref<16x64xi32, #tpu.memory_space<hbm>>) target(%arg13 : memref<16x64xi32, #tpu.memory_space<vmem>>) target_semaphore(%arg28 : memref<!tpu.dma_semaphore, #tpu.memory_space<semaphore_mem>>)
      %dma_wait3A_218 = arith.constant 0 : i32
      %dma_wait3A_219 = arith.constant 0 : i32
      %dma_wait3A_220 = tpu.memref_slice %arg2[%dma_wait3A_218, %dma_wait3A_219] : memref<10240x128xf32, #tpu.memory_space<hbm>> -> memref<10240x128xf32, #tpu.memory_space<hbm>>
      tpu.wait_indirect_dma semaphore(%arg29 : memref<!tpu.dma_semaphore, #tpu.memory_space<semaphore_mem>>) src(%dma_wait3A_220 : memref<10240x128xf32, #tpu.memory_space<hbm>>) dst(%arg16 : memref<16x128xf32, #tpu.memory_space<vmem>>)
      %dma_wait3A_221 = arith.constant 0 : i32
      %dma_wait3A_222 = arith.constant 0 : i32
      %dma_wait3A_223 = tpu.memref_slice %arg3[%dma_wait3A_221, %dma_wait3A_222] : memref<10240x128xi32, #tpu.memory_space<hbm>> -> memref<10240x128xi32, #tpu.memory_space<hbm>>
      tpu.wait_indirect_dma semaphore(%arg30 : memref<!tpu.dma_semaphore, #tpu.memory_space<semaphore_mem>>) src(%dma_wait3A_223 : memref<10240x128xi32, #tpu.memory_space<hbm>>) dst(%arg17 : memref<16x128xi32, #tpu.memory_space<vmem>>)
      %dma_wait3A_224 = arith.constant 0 : i32
      %dma_wait3A_225 = arith.constant 0 : i32
      %dma_wait3A_226 = tpu.memref_slice %arg4[%dma_wait3A_224, %dma_wait3A_225] : memref<320000x64xi32, #tpu.memory_space<hbm>> -> memref<16x64xi32, #tpu.memory_space<hbm>>
      %dma_wait3A_227 = arith.constant 0 : i32
      %dma_wait3A_228 = arith.constant 0 : i32
      %dma_wait3A_229 = tpu.memref_slice %arg4[%dma_wait3A_227, %dma_wait3A_228] : memref<320000x64xi32, #tpu.memory_space<hbm>> -> memref<16x64xi32, #tpu.memory_space<hbm>>
      tpu.wait_dma2 semaphore(%arg31 : memref<!tpu.dma_semaphore, #tpu.memory_space<semaphore_mem>>) src(%dma_wait3A_229 : memref<16x64xi32, #tpu.memory_space<hbm>>) dst(%arg18 : memref<16x64xi32, #tpu.memory_space<vmem>>)
      %broadcast_in_dim3A_230 = arith.constant 0.000000e+00 : f32
      %broadcast_in_dim3A_231 = vector.broadcast %broadcast_in_dim3A_230 : f32 to vector<16xf32>
      %parallel_loop3A_232 = arith.constant 0 : i32
      %parallel_loop3A_233 = arith.constant 16 : i32
      %parallel_loop3A_234 = arith.constant 1 : i32
      %parallel_loop3A_235:2 = scf.for %parallel_loop3A_251 = %parallel_loop3A_232 to %parallel_loop3A_233 step %parallel_loop3A_234 iter_args(%parallel_loop3A_252 = %broadcast_in_dim3A_231, %parallel_loop3A_253 = %broadcast_in_dim3A_231) -> (vector<16xf32>, vector<16xf32>)  : i32 {
        %parallel_loop3A_254 = arith.constant 0 : i32
        %parallel_loop3A_255 = arith.addi %parallel_loop3A_254, %parallel_loop3A_251 : i32
        %parallel_loop3A_256 = arith.index_cast %parallel_loop3A_255 : i32 to index
        %parallel_loop3A_257 = arith.constant 0 : index
        %parallel_loop3A_258 = tpu.vector_load %arg17[%parallel_loop3A_256, %parallel_loop3A_257] {strides = array<i32>} : memref<16x128xi32, #tpu.memory_space<vmem>>, vector<16xi32>,
        %parallel_loop3A_259 = arith.index_cast %parallel_loop3A_255 : i32 to index
        %parallel_loop3A_260 = arith.constant 0 : index
        %parallel_loop3A_261 = tpu.vector_load %arg18[%parallel_loop3A_259, %parallel_loop3A_260] {strides = array<i32>} : memref<16x64xi32, #tpu.memory_space<vmem>>, vector<16xi32>,
        %parallel_loop3A_262 = vector.bitcast %parallel_loop3A_258 : vector<16xi32> to vector<32xbf16>
        %parallel_loop3A_263 = tpu.unpack_subelements %parallel_loop3A_262, 0 {pack_format = #tpu.pack_format<interleaved>} : vector<32xbf16> -> vector<16xf32>
        %parallel_loop3A_264 = tpu.unpack_subelements %parallel_loop3A_262, 1 {pack_format = #tpu.pack_format<interleaved>} : vector<32xbf16> -> vector<16xf32>
        %parallel_loop3A_265 = vector.bitcast %parallel_loop3A_261 : vector<16xi32> to vector<32xbf16>
        %parallel_loop3A_266 = tpu.unpack_subelements %parallel_loop3A_265, 0 {pack_format = #tpu.pack_format<interleaved>} : vector<32xbf16> -> vector<16xf32>
        %parallel_loop3A_267 = tpu.unpack_subelements %parallel_loop3A_265, 1 {pack_format = #tpu.pack_format<interleaved>} : vector<32xbf16> -> vector<16xf32>
        %parallel_loop3A_268 = arith.index_cast %parallel_loop3A_255 : i32 to index
        %parallel_loop3A_269 = arith.constant 0 : index
        %parallel_loop3A_270 = tpu.vector_load %arg16[%parallel_loop3A_268, %parallel_loop3A_269] {strides = array<i32>} : memref<16x128xf32, #tpu.memory_space<vmem>>, vector<16xf32>,
        %parallel_loop3A_271 = arith.index_cast %parallel_loop3A_255 : i32 to index
        %parallel_loop3A_272 = arith.constant 64 : index
        %parallel_loop3A_273 = tpu.vector_load %arg16[%parallel_loop3A_271, %parallel_loop3A_272] {strides = array<i32>} : memref<16x128xf32, #tpu.memory_space<vmem>>, vector<16xf32>,
        %parallel_loop3A_274 = arith.addf %parallel_loop3A_263, %parallel_loop3A_266 : vector<16xf32>
        %parallel_loop3A_275 = arith.mulf %parallel_loop3A_270, %parallel_loop3A_274 : vector<16xf32>
        %parallel_loop3A_276 = arith.addf %broadcast_in_dim3A_231, %parallel_loop3A_275 : vector<16xf32>
        %parallel_loop3A_277 = arith.addf %parallel_loop3A_264, %parallel_loop3A_267 : vector<16xf32>
        %parallel_loop3A_278 = arith.mulf %parallel_loop3A_273, %parallel_loop3A_277 : vector<16xf32>
        %parallel_loop3A_279 = arith.addf %broadcast_in_dim3A_231, %parallel_loop3A_278 : vector<16xf32>
        %parallel_loop3A_280 = arith.index_cast %parallel_loop3A_255 : i32 to index
        %parallel_loop3A_281 = arith.constant 16 : index
        %parallel_loop3A_282 = tpu.vector_load %arg17[%parallel_loop3A_280, %parallel_loop3A_281] {strides = array<i32>} : memref<16x128xi32, #tpu.memory_space<vmem>>, vector<16xi32>,
        %parallel_loop3A_283 = arith.index_cast %parallel_loop3A_255 : i32 to index
        %parallel_loop3A_284 = arith.constant 16 : index
        %parallel_loop3A_285 = tpu.vector_load %arg18[%parallel_loop3A_283, %parallel_loop3A_284] {strides = array<i32>} : memref<16x64xi32, #tpu.memory_space<vmem>>, vector<16xi32>,
        %parallel_loop3A_286 = vector.bitcast %parallel_loop3A_282 : vector<16xi32> to vector<32xbf16>
        %parallel_loop3A_287 = tpu.unpack_subelements %parallel_loop3A_286, 0 {pack_format = #tpu.pack_format<interleaved>} : vector<32xbf16> -> vector<16xf32>
        %parallel_loop3A_288 = tpu.unpack_subelements %parallel_loop3A_286, 1 {pack_format = #tpu.pack_format<interleaved>} : vector<32xbf16> -> vector<16xf32>
        %parallel_loop3A_289 = vector.bitcast %parallel_loop3A_285 : vector<16xi32> to vector<32xbf16>
        %parallel_loop3A_290 = tpu.unpack_subelements %parallel_loop3A_289, 0 {pack_format = #tpu.pack_format<interleaved>} : vector<32xbf16> -> vector<16xf32>
        %parallel_loop3A_291 = tpu.unpack_subelements %parallel_loop3A_289, 1 {pack_format = #tpu.pack_format<interleaved>} : vector<32xbf16> -> vector<16xf32>
        %parallel_loop3A_292 = arith.index_cast %parallel_loop3A_255 : i32 to index
        %parallel_loop3A_293 = arith.constant 16 : index
        %parallel_loop3A_294 = tpu.vector_load %arg16[%parallel_loop3A_292, %parallel_loop3A_293] {strides = array<i32>} : memref<16x128xf32, #tpu.memory_space<vmem>>, vector<16xf32>,
        %parallel_loop3A_295 = arith.index_cast %parallel_loop3A_255 : i32 to index
        %parallel_loop3A_296 = arith.constant 80 : index
        %parallel_loop3A_297 = tpu.vector_load %arg16[%parallel_loop3A_295, %parallel_loop3A_296] {strides = array<i32>} : memref<16x128xf32, #tpu.memory_space<vmem>>, vector<16xf32>,
        %parallel_loop3A_298 = arith.addf %parallel_loop3A_287, %parallel_loop3A_290 : vector<16xf32>
        %parallel_loop3A_299 = arith.mulf %parallel_loop3A_294, %parallel_loop3A_298 : vector<16xf32>
        %parallel_loop3A_300 = arith.addf %parallel_loop3A_276, %parallel_loop3A_299 : vector<16xf32>
        %parallel_loop3A_301 = arith.addf %parallel_loop3A_288, %parallel_loop3A_291 : vector<16xf32>
        %parallel_loop3A_302 = arith.mulf %parallel_loop3A_297, %parallel_loop3A_301 : vector<16xf32>
        %parallel_loop3A_303 = arith.addf %parallel_loop3A_279, %parallel_loop3A_302 : vector<16xf32>
        %parallel_loop3A_304 = arith.index_cast %parallel_loop3A_255 : i32 to index
        %parallel_loop3A_305 = arith.constant 32 : index
        %parallel_loop3A_306 = tpu.vector_load %arg17[%parallel_loop3A_304, %parallel_loop3A_305] {strides = array<i32>} : memref<16x128xi32, #tpu.memory_space<vmem>>, vector<16xi32>,
        %parallel_loop3A_307 = arith.index_cast %parallel_loop3A_255 : i32 to index
        %parallel_loop3A_308 = arith.constant 32 : index
        %parallel_loop3A_309 = tpu.vector_load %arg18[%parallel_loop3A_307, %parallel_loop3A_308] {strides = array<i32>} : memref<16x64xi32, #tpu.memory_space<vmem>>, vector<16xi32>,
        %parallel_loop3A_310 = vector.bitcast %parallel_loop3A_306 : vector<16xi32> to vector<32xbf16>
        %parallel_loop3A_311 = tpu.unpack_subelements %parallel_loop3A_310, 0 {pack_format = #tpu.pack_format<interleaved>} : vector<32xbf16> -> vector<16xf32>
        %parallel_loop3A_312 = tpu.unpack_subelements %parallel_loop3A_310, 1 {pack_format = #tpu.pack_format<interleaved>} : vector<32xbf16> -> vector<16xf32>
        %parallel_loop3A_313 = vector.bitcast %parallel_loop3A_309 : vector<16xi32> to vector<32xbf16>
        %parallel_loop3A_314 = tpu.unpack_subelements %parallel_loop3A_313, 0 {pack_format = #tpu.pack_format<interleaved>} : vector<32xbf16> -> vector<16xf32>
        %parallel_loop3A_315 = tpu.unpack_subelements %parallel_loop3A_313, 1 {pack_format = #tpu.pack_format<interleaved>} : vector<32xbf16> -> vector<16xf32>
        %parallel_loop3A_316 = arith.index_cast %parallel_loop3A_255 : i32 to index
        %parallel_loop3A_317 = arith.constant 32 : index
        %parallel_loop3A_318 = tpu.vector_load %arg16[%parallel_loop3A_316, %parallel_loop3A_317] {strides = array<i32>} : memref<16x128xf32, #tpu.memory_space<vmem>>, vector<16xf32>,
        %parallel_loop3A_319 = arith.index_cast %parallel_loop3A_255 : i32 to index
        %parallel_loop3A_320 = arith.constant 96 : index
        %parallel_loop3A_321 = tpu.vector_load %arg16[%parallel_loop3A_319, %parallel_loop3A_320] {strides = array<i32>} : memref<16x128xf32, #tpu.memory_space<vmem>>, vector<16xf32>,
        %parallel_loop3A_322 = arith.addf %parallel_loop3A_311, %parallel_loop3A_314 : vector<16xf32>
        %parallel_loop3A_323 = arith.mulf %parallel_loop3A_318, %parallel_loop3A_322 : vector<16xf32>
        %parallel_loop3A_324 = arith.addf %parallel_loop3A_300, %parallel_loop3A_323 : vector<16xf32>
        %parallel_loop3A_325 = arith.addf %parallel_loop3A_312, %parallel_loop3A_315 : vector<16xf32>
        %parallel_loop3A_326 = arith.mulf %parallel_loop3A_321, %parallel_loop3A_325 : vector<16xf32>
        %parallel_loop3A_327 = arith.addf %parallel_loop3A_303, %parallel_loop3A_326 : vector<16xf32>
        %parallel_loop3A_328 = arith.index_cast %parallel_loop3A_255 : i32 to index
        %parallel_loop3A_329 = arith.constant 48 : index
        %parallel_loop3A_330 = tpu.vector_load %arg17[%parallel_loop3A_328, %parallel_loop3A_329] {strides = array<i32>} : memref<16x128xi32, #tpu.memory_space<vmem>>, vector<16xi32>,
        %parallel_loop3A_331 = arith.index_cast %parallel_loop3A_255 : i32 to index
        %parallel_loop3A_332 = arith.constant 48 : index
        %parallel_loop3A_333 = tpu.vector_load %arg18[%parallel_loop3A_331, %parallel_loop3A_332] {strides = array<i32>} : memref<16x64xi32, #tpu.memory_space<vmem>>, vector<16xi32>,
        %parallel_loop3A_334 = vector.bitcast %parallel_loop3A_330 : vector<16xi32> to vector<32xbf16>
        %parallel_loop3A_335 = tpu.unpack_subelements %parallel_loop3A_334, 0 {pack_format = #tpu.pack_format<interleaved>} : vector<32xbf16> -> vector<16xf32>
        %parallel_loop3A_336 = tpu.unpack_subelements %parallel_loop3A_334, 1 {pack_format = #tpu.pack_format<interleaved>} : vector<32xbf16> -> vector<16xf32>
        %parallel_loop3A_337 = vector.bitcast %parallel_loop3A_333 : vector<16xi32> to vector<32xbf16>
        %parallel_loop3A_338 = tpu.unpack_subelements %parallel_loop3A_337, 0 {pack_format = #tpu.pack_format<interleaved>} : vector<32xbf16> -> vector<16xf32>
        %parallel_loop3A_339 = tpu.unpack_subelements %parallel_loop3A_337, 1 {pack_format = #tpu.pack_format<interleaved>} : vector<32xbf16> -> vector<16xf32>
        %parallel_loop3A_340 = arith.index_cast %parallel_loop3A_255 : i32 to index
        %parallel_loop3A_341 = arith.constant 48 : index
        %parallel_loop3A_342 = tpu.vector_load %arg16[%parallel_loop3A_340, %parallel_loop3A_341] {strides = array<i32>} : memref<16x128xf32, #tpu.memory_space<vmem>>, vector<16xf32>,
        %parallel_loop3A_343 = arith.index_cast %parallel_loop3A_255 : i32 to index
        %parallel_loop3A_344 = arith.constant 112 : index
        %parallel_loop3A_345 = tpu.vector_load %arg16[%parallel_loop3A_343, %parallel_loop3A_344] {strides = array<i32>} : memref<16x128xf32, #tpu.memory_space<vmem>>, vector<16xf32>,
        %parallel_loop3A_346 = arith.addf %parallel_loop3A_335, %parallel_loop3A_338 : vector<16xf32>
        %parallel_loop3A_347 = arith.mulf %parallel_loop3A_342, %parallel_loop3A_346 : vector<16xf32>
        %parallel_loop3A_348 = arith.addf %parallel_loop3A_324, %parallel_loop3A_347 : vector<16xf32>
        %parallel_loop3A_349 = arith.addf %parallel_loop3A_336, %parallel_loop3A_339 : vector<16xf32>
        %parallel_loop3A_350 = arith.mulf %parallel_loop3A_345, %parallel_loop3A_349 : vector<16xf32>
        %parallel_loop3A_351 = arith.addf %parallel_loop3A_327, %parallel_loop3A_350 : vector<16xf32>
        %parallel_loop3A_352 = arith.constant true
        %parallel_loop3A_353 = vector.broadcast %parallel_loop3A_352 : i1 to vector<16xi1>
        %parallel_loop3A_354 = tpu.scan <sum>, %parallel_loop3A_348 masked %parallel_loop3A_353 : vector<16xf32>, vector<16xi1> -> vector<16xf32>
        %parallel_loop3A_355 = vector.extract %parallel_loop3A_354[15] : f32 from vector<16xf32>
        %parallel_loop3A_356 = arith.mulf %parallel_loop3A_355, %scan3A_58 : f32
        %parallel_loop3A_357 = arith.constant true
        %parallel_loop3A_358 = vector.broadcast %parallel_loop3A_357 : i1 to vector<16xi1>
        %parallel_loop3A_359 = tpu.scan <sum>, %parallel_loop3A_351 masked %parallel_loop3A_358 : vector<16xf32>, vector<16xi1> -> vector<16xf32>
        %parallel_loop3A_360 = vector.extract %parallel_loop3A_359[15] : f32 from vector<16xf32>
        %parallel_loop3A_361 = arith.mulf %parallel_loop3A_360, %scan3A_58 : f32
        %parallel_loop3A_362 = vector.broadcast %parallel_loop3A_356 : f32 to vector<16xf32>
        %parallel_loop3A_363 = math.exp %parallel_loop3A_362 : vector<16xf32>
        %parallel_loop3A_364 = vector.broadcast %parallel_loop3A_361 : f32 to vector<16xf32>
        %parallel_loop3A_365 = math.exp %parallel_loop3A_364 : vector<16xf32>
        %parallel_loop3A_366 = vector.broadcast %parallel_loop3A_251 : i32 to vector<16xi32>
        %parallel_loop3A_367 = arith.cmpi eq, %iota3A, %parallel_loop3A_366 : vector<16xi32>
        %parallel_loop3A_368 = arith.select %parallel_loop3A_367, %parallel_loop3A_363, %parallel_loop3A_252 : vector<16xi1>, vector<16xf32>
        %parallel_loop3A_369 = vector.broadcast %parallel_loop3A_251 : i32 to vector<16xi32>
        %parallel_loop3A_370 = arith.cmpi eq, %iota3A, %parallel_loop3A_369 : vector<16xi32>
        %parallel_loop3A_371 = arith.select %parallel_loop3A_370, %parallel_loop3A_365, %parallel_loop3A_253 : vector<16xi1>, vector<16xf32>
        %parallel_loop3A_372 = arith.index_cast %parallel_loop3A_255 : i32 to index
        %parallel_loop3A_373 = arith.constant 64 : index
        %parallel_loop3A_374 = tpu.vector_load %arg17[%parallel_loop3A_372, %parallel_loop3A_373] {strides = array<i32>} : memref<16x128xi32, #tpu.memory_space<vmem>>, vector<16xi32>,
        %parallel_loop3A_375 = vector.bitcast %parallel_loop3A_374 : vector<16xi32> to vector<32xbf16>
        %parallel_loop3A_376 = tpu.unpack_subelements %parallel_loop3A_375, 0 {pack_format = #tpu.pack_format<interleaved>} : vector<32xbf16> -> vector<16xf32>
        %parallel_loop3A_377 = tpu.unpack_subelements %parallel_loop3A_375, 1 {pack_format = #tpu.pack_format<interleaved>} : vector<32xbf16> -> vector<16xf32>
        %parallel_loop3A_378 = arith.addf %parallel_loop3A_376, %parallel_loop3A_266 : vector<16xf32>
        %parallel_loop3A_379 = arith.mulf %parallel_loop3A_378, %parallel_loop3A_363 : vector<16xf32>
        %parallel_loop3A_380 = arith.index_cast %parallel_loop3A_255 : i32 to index
        %parallel_loop3A_381 = arith.constant 0 : index
        %parallel_loop3A_382 = tpu.vector_load %arg21[%parallel_loop3A_380, %parallel_loop3A_381] {strides = array<i32>} : memref<16x128xf32, #tpu.memory_space<vmem>>, vector<16xf32>,
        tpu.vector_store %arg21[%parallel_loop3A_380, %parallel_loop3A_381], %parallel_loop3A_379 {strides = array<i32>} : memref<16x128xf32, #tpu.memory_space<vmem>>, vector<16xf32>,
        %parallel_loop3A_383 = arith.addf %parallel_loop3A_377, %parallel_loop3A_267 : vector<16xf32>
        %parallel_loop3A_384 = arith.mulf %parallel_loop3A_383, %parallel_loop3A_365 : vector<16xf32>
        %parallel_loop3A_385 = arith.index_cast %parallel_loop3A_255 : i32 to index
        %parallel_loop3A_386 = arith.constant 64 : index
        %parallel_loop3A_387 = tpu.vector_load %arg21[%parallel_loop3A_385, %parallel_loop3A_386] {strides = array<i32>} : memref<16x128xf32, #tpu.memory_space<vmem>>, vector<16xf32>,
        tpu.vector_store %arg21[%parallel_loop3A_385, %parallel_loop3A_386], %parallel_loop3A_384 {strides = array<i32>} : memref<16x128xf32, #tpu.memory_space<vmem>>, vector<16xf32>,
        %parallel_loop3A_388 = arith.index_cast %parallel_loop3A_255 : i32 to index
        %parallel_loop3A_389 = arith.constant 80 : index
        %parallel_loop3A_390 = tpu.vector_load %arg17[%parallel_loop3A_388, %parallel_loop3A_389] {strides = array<i32>} : memref<16x128xi32, #tpu.memory_space<vmem>>, vector<16xi32>,
        %parallel_loop3A_391 = vector.bitcast %parallel_loop3A_390 : vector<16xi32> to vector<32xbf16>
        %parallel_loop3A_392 = tpu.unpack_subelements %parallel_loop3A_391, 0 {pack_format = #tpu.pack_format<interleaved>} : vector<32xbf16> -> vector<16xf32>
        %parallel_loop3A_393 = tpu.unpack_subelements %parallel_loop3A_391, 1 {pack_format = #tpu.pack_format<interleaved>} : vector<32xbf16> -> vector<16xf32>
        %parallel_loop3A_394 = arith.addf %parallel_loop3A_392, %parallel_loop3A_290 : vector<16xf32>
        %parallel_loop3A_395 = arith.mulf %parallel_loop3A_394, %parallel_loop3A_363 : vector<16xf32>
        %parallel_loop3A_396 = arith.index_cast %parallel_loop3A_255 : i32 to index
        %parallel_loop3A_397 = arith.constant 16 : index
        %parallel_loop3A_398 = tpu.vector_load %arg21[%parallel_loop3A_396, %parallel_loop3A_397] {strides = array<i32>} : memref<16x128xf32, #tpu.memory_space<vmem>>, vector<16xf32>,
        tpu.vector_store %arg21[%parallel_loop3A_396, %parallel_loop3A_397], %parallel_loop3A_395 {strides = array<i32>} : memref<16x128xf32, #tpu.memory_space<vmem>>, vector<16xf32>,
        %parallel_loop3A_399 = arith.addf %parallel_loop3A_393, %parallel_loop3A_291 : vector<16xf32>
        %parallel_loop3A_400 = arith.mulf %parallel_loop3A_399, %parallel_loop3A_365 : vector<16xf32>
        %parallel_loop3A_401 = arith.index_cast %parallel_loop3A_255 : i32 to index
        %parallel_loop3A_402 = arith.constant 80 : index
        %parallel_loop3A_403 = tpu.vector_load %arg21[%parallel_loop3A_401, %parallel_loop3A_402] {strides = array<i32>} : memref<16x128xf32, #tpu.memory_space<vmem>>, vector<16xf32>,
        tpu.vector_store %arg21[%parallel_loop3A_401, %parallel_loop3A_402], %parallel_loop3A_400 {strides = array<i32>} : memref<16x128xf32, #tpu.memory_space<vmem>>, vector<16xf32>,
        %parallel_loop3A_404 = arith.index_cast %parallel_loop3A_255 : i32 to index
        %parallel_loop3A_405 = arith.constant 96 : index
        %parallel_loop3A_406 = tpu.vector_load %arg17[%parallel_loop3A_404, %parallel_loop3A_405] {strides = array<i32>} : memref<16x128xi32, #tpu.memory_space<vmem>>, vector<16xi32>,
        %parallel_loop3A_407 = vector.bitcast %parallel_loop3A_406 : vector<16xi32> to vector<32xbf16>
        %parallel_loop3A_408 = tpu.unpack_subelements %parallel_loop3A_407, 0 {pack_format = #tpu.pack_format<interleaved>} : vector<32xbf16> -> vector<16xf32>
        %parallel_loop3A_409 = tpu.unpack_subelements %parallel_loop3A_407, 1 {pack_format = #tpu.pack_format<interleaved>} : vector<32xbf16> -> vector<16xf32>
        %parallel_loop3A_410 = arith.addf %parallel_loop3A_408, %parallel_loop3A_314 : vector<16xf32>
        %parallel_loop3A_411 = arith.mulf %parallel_loop3A_410, %parallel_loop3A_363 : vector<16xf32>
        %parallel_loop3A_412 = arith.index_cast %parallel_loop3A_255 : i32 to index
        %parallel_loop3A_413 = arith.constant 32 : index
        %parallel_loop3A_414 = tpu.vector_load %arg21[%parallel_loop3A_412, %parallel_loop3A_413] {strides = array<i32>} : memref<16x128xf32, #tpu.memory_space<vmem>>, vector<16xf32>,
        tpu.vector_store %arg21[%parallel_loop3A_412, %parallel_loop3A_413], %parallel_loop3A_411 {strides = array<i32>} : memref<16x128xf32, #tpu.memory_space<vmem>>, vector<16xf32>,
        %parallel_loop3A_415 = arith.addf %parallel_loop3A_409, %parallel_loop3A_315 : vector<16xf32>
        %parallel_loop3A_416 = arith.mulf %parallel_loop3A_415, %parallel_loop3A_365 : vector<16xf32>
        %parallel_loop3A_417 = arith.index_cast %parallel_loop3A_255 : i32 to index
        %parallel_loop3A_418 = arith.constant 96 : index
        %parallel_loop3A_419 = tpu.vector_load %arg21[%parallel_loop3A_417, %parallel_loop3A_418] {strides = array<i32>} : memref<16x128xf32, #tpu.memory_space<vmem>>, vector<16xf32>,
        tpu.vector_store %arg21[%parallel_loop3A_417, %parallel_loop3A_418], %parallel_loop3A_416 {strides = array<i32>} : memref<16x128xf32, #tpu.memory_space<vmem>>, vector<16xf32>,
        %parallel_loop3A_420 = arith.index_cast %parallel_loop3A_255 : i32 to index
        %parallel_loop3A_421 = arith.constant 112 : index
        %parallel_loop3A_422 = tpu.vector_load %arg17[%parallel_loop3A_420, %parallel_loop3A_421] {strides = array<i32>} : memref<16x128xi32, #tpu.memory_space<vmem>>, vector<16xi32>,
        %parallel_loop3A_423 = vector.bitcast %parallel_loop3A_422 : vector<16xi32> to vector<32xbf16>
        %parallel_loop3A_424 = tpu.unpack_subelements %parallel_loop3A_423, 0 {pack_format = #tpu.pack_format<interleaved>} : vector<32xbf16> -> vector<16xf32>
        %parallel_loop3A_425 = tpu.unpack_subelements %parallel_loop3A_423, 1 {pack_format = #tpu.pack_format<interleaved>} : vector<32xbf16> -> vector<16xf32>
        %parallel_loop3A_426 = arith.addf %parallel_loop3A_424, %parallel_loop3A_338 : vector<16xf32>
        %parallel_loop3A_427 = arith.mulf %parallel_loop3A_426, %parallel_loop3A_363 : vector<16xf32>
        %parallel_loop3A_428 = arith.index_cast %parallel_loop3A_255 : i32 to index
        %parallel_loop3A_429 = arith.constant 48 : index
        %parallel_loop3A_430 = tpu.vector_load %arg21[%parallel_loop3A_428, %parallel_loop3A_429] {strides = array<i32>} : memref<16x128xf32, #tpu.memory_space<vmem>>, vector<16xf32>,
        tpu.vector_store %arg21[%parallel_loop3A_428, %parallel_loop3A_429], %parallel_loop3A_427 {strides = array<i32>} : memref<16x128xf32, #tpu.memory_space<vmem>>, vector<16xf32>,
        %parallel_loop3A_431 = arith.addf %parallel_loop3A_425, %parallel_loop3A_339 : vector<16xf32>
        %parallel_loop3A_432 = arith.mulf %parallel_loop3A_431, %parallel_loop3A_365 : vector<16xf32>
        %parallel_loop3A_433 = arith.index_cast %parallel_loop3A_255 : i32 to index
        %parallel_loop3A_434 = arith.constant 112 : index
        %parallel_loop3A_435 = tpu.vector_load %arg21[%parallel_loop3A_433, %parallel_loop3A_434] {strides = array<i32>} : memref<16x128xf32, #tpu.memory_space<vmem>>, vector<16xf32>,
        tpu.vector_store %arg21[%parallel_loop3A_433, %parallel_loop3A_434], %parallel_loop3A_432 {strides = array<i32>} : memref<16x128xf32, #tpu.memory_space<vmem>>, vector<16xf32>,
        scf.yield %parallel_loop3A_368, %parallel_loop3A_371 : vector<16xf32>, vector<16xf32>
      } {sc.loop_unroll_factor = 4 : i64, sc.parallel_access}
      %get3A_236 = arith.constant 0 : index
      %get3A_237 = tpu.vector_load %arg15[%get3A_236] {strides = array<i32>} : memref<16xi32, #tpu.memory_space<vmem>>, vector<16xi32>,
      %mul3A_238 = arith.constant 2 : i32
      %mul3A_239 = vector.broadcast %mul3A_238 : i32 to vector<16xi32>
      %mul3A_240 = arith.muli %get3A_237, %mul3A_239 : vector<16xi32>
      %shift_right_logical3A_241 = arith.constant 7 : i32
      %shift_right_logical3A_242 = vector.broadcast %shift_right_logical3A_241 : i32 to vector<16xi32>
      %shift_right_logical3A_243 = arith.shrui %mul3A_240, %shift_right_logical3A_242 : vector<16xi32>
      %and3A_244 = arith.constant 127 : i32
      %and3A_245 = vector.broadcast %and3A_244 : i32 to vector<16xi32>
      %and3A_246 = arith.andi %mul3A_240, %and3A_245 : vector<16xi32>
      tpu.vector_store_idx %arg22[%shift_right_logical3A_243, %and3A_246], %parallel_loop3A_235#0 {add = true} : memref<160x128xf32, #tpu.memory_space<vmem>>[vector<16xi32>, vector<16xi32>], vector<16xf32>,
      %add3A_247 = arith.constant 1 : i32
      %add3A_248 = vector.broadcast %add3A_247 : i32 to vector<16xi32>
      %add3A_249 = arith.addi %and3A_246, %add3A_248 : vector<16xi32>
      tpu.vector_store_idx %arg22[%shift_right_logical3A_243, %add3A_249], %parallel_loop3A_235#1 {add = true} : memref<160x128xf32, #tpu.memory_space<vmem>>[vector<16xi32>, vector<16xi32>], vector<16xf32>,
      "tpu.region"() ({
        %run_scoped3A = tpu.sem_alloc : memref<!tpu.dma_semaphore, #tpu.memory_space<semaphore_mem>>
        %dma_start3A_251 = arith.constant 0 : i32
        %dma_start3A_252 = arith.constant 0 : i32
        %dma_start3A_253 = tpu.memref_slice %arg24[%dma_start3A_251, %dma_start3A_252] : memref<10000x128xf32, #tpu.memory_space<vmem_shared>> -> memref<10000x128xf32, #tpu.memory_space<vmem_shared>>
        tpu.enqueue_indirect_dma source(%arg21 : memref<16x128xf32, #tpu.memory_space<vmem>>) target(%dma_start3A_253 : memref<10000x128xf32, #tpu.memory_space<vmem_shared>>) offsets(%arg15 : memref<16xi32, #tpu.memory_space<vmem>>) semaphore(%run_scoped3A : memref<!tpu.dma_semaphore, #tpu.memory_space<semaphore_mem>>) {add = true}
        %dma_wait3A_254 = arith.constant 0 : i32
        %dma_wait3A_255 = arith.constant 0 : i32
        %dma_wait3A_256 = tpu.memref_slice %arg24[%dma_wait3A_254, %dma_wait3A_255] : memref<10000x128xf32, #tpu.memory_space<vmem_shared>> -> memref<10000x128xf32, #tpu.memory_space<vmem_shared>>
        tpu.wait_indirect_dma semaphore(%run_scoped3A : memref<!tpu.dma_semaphore, #tpu.memory_space<semaphore_mem>>) src(%arg21 : memref<16x128xf32, #tpu.memory_space<vmem>>) dst(%dma_wait3A_256 : memref<10000x128xf32, #tpu.memory_space<vmem_shared>>)
        tpu.yield
      }) : () -> ()
      %scan3A_250 = arith.constant 0 : i32
      scf.yield %scan3A_250 : i32
    }
    %scan3A_65 = arith.constant 312 : i32
    %dma_wait3A = arith.constant 0 : i32
    %dma_wait3A_66 = arith.constant 0 : i32
    %dma_wait3A_67 = tpu.memref_slice %arg2[%dma_wait3A, %dma_wait3A_66] : memref<10240x128xf32, #tpu.memory_space<hbm>> -> memref<10240x128xf32, #tpu.memory_space<hbm>>
    tpu.wait_indirect_dma semaphore(%arg26 : memref<!tpu.dma_semaphore, #tpu.memory_space<semaphore_mem>>) src(%dma_wait3A_67 : memref<10240x128xf32, #tpu.memory_space<hbm>>) dst(%arg11 : memref<16x128xf32, #tpu.memory_space<vmem>>)
    %dma_wait3A_68 = arith.constant 0 : i32
    %dma_wait3A_69 = arith.constant 0 : i32
    %dma_wait3A_70 = tpu.memref_slice %arg3[%dma_wait3A_68, %dma_wait3A_69] : memref<10240x128xi32, #tpu.memory_space<hbm>> -> memref<10240x128xi32, #tpu.memory_space<hbm>>
    tpu.wait_indirect_dma semaphore(%arg27 : memref<!tpu.dma_semaphore, #tpu.memory_space<semaphore_mem>>) src(%dma_wait3A_70 : memref<10240x128xi32, #tpu.memory_space<hbm>>) dst(%arg12 : memref<16x128xi32, #tpu.memory_space<vmem>>)
    %dma_wait3A_71 = arith.constant 0 : i32
    %dma_wait3A_72 = arith.constant 0 : i32
    %dma_wait3A_73 = tpu.memref_slice %arg4[%dma_wait3A_71, %dma_wait3A_72] : memref<320000x64xi32, #tpu.memory_space<hbm>> -> memref<16x64xi32, #tpu.memory_space<hbm>>
    %dma_wait3A_74 = arith.constant 0 : i32
    %dma_wait3A_75 = arith.constant 0 : i32
    %dma_wait3A_76 = tpu.memref_slice %arg4[%dma_wait3A_74, %dma_wait3A_75] : memref<320000x64xi32, #tpu.memory_space<hbm>> -> memref<16x64xi32, #tpu.memory_space<hbm>>
    tpu.wait_dma2 semaphore(%arg28 : memref<!tpu.dma_semaphore, #tpu.memory_space<semaphore_mem>>) src(%dma_wait3A_76 : memref<16x64xi32, #tpu.memory_space<hbm>>) dst(%arg13 : memref<16x64xi32, #tpu.memory_space<vmem>>)
    %broadcast_in_dim3A = arith.constant 0.000000e+00 : f32
    %broadcast_in_dim3A_77 = vector.broadcast %broadcast_in_dim3A : f32 to vector<16xf32>
    %parallel_loop3A = arith.constant 0 : i32
    %parallel_loop3A_78 = arith.constant 16 : i32
    %parallel_loop3A_79 = arith.constant 1 : i32
    %parallel_loop3A_80 = arith.constant 1.250000e-01 : f32
    %parallel_loop3A_81:2 = scf.for %parallel_loop3A_108 = %parallel_loop3A to %parallel_loop3A_78 step %parallel_loop3A_79 iter_args(%parallel_loop3A_109 = %broadcast_in_dim3A_77, %parallel_loop3A_110 = %broadcast_in_dim3A_77) -> (vector<16xf32>, vector<16xf32>)  : i32 {
      %parallel_loop3A_111 = arith.constant 0 : i32
      %parallel_loop3A_112 = arith.addi %parallel_loop3A_111, %parallel_loop3A_108 : i32
      %parallel_loop3A_113 = arith.index_cast %parallel_loop3A_112 : i32 to index
      %parallel_loop3A_114 = arith.constant 0 : index
      %parallel_loop3A_115 = tpu.vector_load %arg12[%parallel_loop3A_113, %parallel_loop3A_114] {strides = array<i32>} : memref<16x128xi32, #tpu.memory_space<vmem>>, vector<16xi32>,
      %parallel_loop3A_116 = arith.index_cast %parallel_loop3A_112 : i32 to index
      %parallel_loop3A_117 = arith.constant 0 : index
      %parallel_loop3A_118 = tpu.vector_load %arg13[%parallel_loop3A_116, %parallel_loop3A_117] {strides = array<i32>} : memref<16x64xi32, #tpu.memory_space<vmem>>, vector<16xi32>,
      %parallel_loop3A_119 = vector.bitcast %parallel_loop3A_115 : vector<16xi32> to vector<32xbf16>
      %parallel_loop3A_120 = tpu.unpack_subelements %parallel_loop3A_119, 0 {pack_format = #tpu.pack_format<interleaved>} : vector<32xbf16> -> vector<16xf32>
      %parallel_loop3A_121 = tpu.unpack_subelements %parallel_loop3A_119, 1 {pack_format = #tpu.pack_format<interleaved>} : vector<32xbf16> -> vector<16xf32>
      %parallel_loop3A_122 = vector.bitcast %parallel_loop3A_118 : vector<16xi32> to vector<32xbf16>
      %parallel_loop3A_123 = tpu.unpack_subelements %parallel_loop3A_122, 0 {pack_format = #tpu.pack_format<interleaved>} : vector<32xbf16> -> vector<16xf32>
      %parallel_loop3A_124 = tpu.unpack_subelements %parallel_loop3A_122, 1 {pack_format = #tpu.pack_format<interleaved>} : vector<32xbf16> -> vector<16xf32>
      %parallel_loop3A_125 = arith.index_cast %parallel_loop3A_112 : i32 to index
      %parallel_loop3A_126 = arith.constant 0 : index
      %parallel_loop3A_127 = tpu.vector_load %arg11[%parallel_loop3A_125, %parallel_loop3A_126] {strides = array<i32>} : memref<16x128xf32, #tpu.memory_space<vmem>>, vector<16xf32>,
      %parallel_loop3A_128 = arith.index_cast %parallel_loop3A_112 : i32 to index
      %parallel_loop3A_129 = arith.constant 64 : index
      %parallel_loop3A_130 = tpu.vector_load %arg11[%parallel_loop3A_128, %parallel_loop3A_129] {strides = array<i32>} : memref<16x128xf32, #tpu.memory_space<vmem>>, vector<16xf32>,
      %parallel_loop3A_131 = arith.addf %parallel_loop3A_120, %parallel_loop3A_123 : vector<16xf32>
      %parallel_loop3A_132 = arith.mulf %parallel_loop3A_127, %parallel_loop3A_131 : vector<16xf32>
      %parallel_loop3A_133 = arith.addf %broadcast_in_dim3A_77, %parallel_loop3A_132 : vector<16xf32>
      %parallel_loop3A_134 = arith.addf %parallel_loop3A_121, %parallel_loop3A_124 : vector<16xf32>
      %parallel_loop3A_135 = arith.mulf %parallel_loop3A_130, %parallel_loop3A_134 : vector<16xf32>
      %parallel_loop3A_136 = arith.addf %broadcast_in_dim3A_77, %parallel_loop3A_135 : vector<16xf32>
      %parallel_loop3A_137 = arith.index_cast %parallel_loop3A_112 : i32 to index
      %parallel_loop3A_138 = arith.constant 16 : index
      %parallel_loop3A_139 = tpu.vector_load %arg12[%parallel_loop3A_137, %parallel_loop3A_138] {strides = array<i32>} : memref<16x128xi32, #tpu.memory_space<vmem>>, vector<16xi32>,
      %parallel_loop3A_140 = arith.index_cast %parallel_loop3A_112 : i32 to index
      %parallel_loop3A_141 = arith.constant 16 : index
      %parallel_loop3A_142 = tpu.vector_load %arg13[%parallel_loop3A_140, %parallel_loop3A_141] {strides = array<i32>} : memref<16x64xi32, #tpu.memory_space<vmem>>, vector<16xi32>,
      %parallel_loop3A_143 = vector.bitcast %parallel_loop3A_139 : vector<16xi32> to vector<32xbf16>
      %parallel_loop3A_144 = tpu.unpack_subelements %parallel_loop3A_143, 0 {pack_format = #tpu.pack_format<interleaved>} : vector<32xbf16> -> vector<16xf32>
      %parallel_loop3A_145 = tpu.unpack_subelements %parallel_loop3A_143, 1 {pack_format = #tpu.pack_format<interleaved>} : vector<32xbf16> -> vector<16xf32>
      %parallel_loop3A_146 = vector.bitcast %parallel_loop3A_142 : vector<16xi32> to vector<32xbf16>
      %parallel_loop3A_147 = tpu.unpack_subelements %parallel_loop3A_146, 0 {pack_format = #tpu.pack_format<interleaved>} : vector<32xbf16> -> vector<16xf32>
      %parallel_loop3A_148 = tpu.unpack_subelements %parallel_loop3A_146, 1 {pack_format = #tpu.pack_format<interleaved>} : vector<32xbf16> -> vector<16xf32>
      %parallel_loop3A_149 = arith.index_cast %parallel_loop3A_112 : i32 to index
      %parallel_loop3A_150 = arith.constant 16 : index
      %parallel_loop3A_151 = tpu.vector_load %arg11[%parallel_loop3A_149, %parallel_loop3A_150] {strides = array<i32>} : memref<16x128xf32, #tpu.memory_space<vmem>>, vector<16xf32>,
      %parallel_loop3A_152 = arith.index_cast %parallel_loop3A_112 : i32 to index
      %parallel_loop3A_153 = arith.constant 80 : index
      %parallel_loop3A_154 = tpu.vector_load %arg11[%parallel_loop3A_152, %parallel_loop3A_153] {strides = array<i32>} : memref<16x128xf32, #tpu.memory_space<vmem>>, vector<16xf32>,
      %parallel_loop3A_155 = arith.addf %parallel_loop3A_144, %parallel_loop3A_147 : vector<16xf32>
      %parallel_loop3A_156 = arith.mulf %parallel_loop3A_151, %parallel_loop3A_155 : vector<16xf32>
      %parallel_loop3A_157 = arith.addf %parallel_loop3A_133, %parallel_loop3A_156 : vector<16xf32>
      %parallel_loop3A_158 = arith.addf %parallel_loop3A_145, %parallel_loop3A_148 : vector<16xf32>
      %parallel_loop3A_159 = arith.mulf %parallel_loop3A_154, %parallel_loop3A_158 : vector<16xf32>
      %parallel_loop3A_160 = arith.addf %parallel_loop3A_136, %parallel_loop3A_159 : vector<16xf32>
      %parallel_loop3A_161 = arith.index_cast %parallel_loop3A_112 : i32 to index
      %parallel_loop3A_162 = arith.constant 32 : index
      %parallel_loop3A_163 = tpu.vector_load %arg12[%parallel_loop3A_161, %parallel_loop3A_162] {strides = array<i32>} : memref<16x128xi32, #tpu.memory_space<vmem>>, vector<16xi32>,
      %parallel_loop3A_164 = arith.index_cast %parallel_loop3A_112 : i32 to index
      %parallel_loop3A_165 = arith.constant 32 : index
      %parallel_loop3A_166 = tpu.vector_load %arg13[%parallel_loop3A_164, %parallel_loop3A_165] {strides = array<i32>} : memref<16x64xi32, #tpu.memory_space<vmem>>, vector<16xi32>,
      %parallel_loop3A_167 = vector.bitcast %parallel_loop3A_163 : vector<16xi32> to vector<32xbf16>
      %parallel_loop3A_168 = tpu.unpack_subelements %parallel_loop3A_167, 0 {pack_format = #tpu.pack_format<interleaved>} : vector<32xbf16> -> vector<16xf32>
      %parallel_loop3A_169 = tpu.unpack_subelements %parallel_loop3A_167, 1 {pack_format = #tpu.pack_format<interleaved>} : vector<32xbf16> -> vector<16xf32>
      %parallel_loop3A_170 = vector.bitcast %parallel_loop3A_166 : vector<16xi32> to vector<32xbf16>
      %parallel_loop3A_171 = tpu.unpack_subelements %parallel_loop3A_170, 0 {pack_format = #tpu.pack_format<interleaved>} : vector<32xbf16> -> vector<16xf32>
      %parallel_loop3A_172 = tpu.unpack_subelements %parallel_loop3A_170, 1 {pack_format = #tpu.pack_format<interleaved>} : vector<32xbf16> -> vector<16xf32>
      %parallel_loop3A_173 = arith.index_cast %parallel_loop3A_112 : i32 to index
      %parallel_loop3A_174 = arith.constant 32 : index
      %parallel_loop3A_175 = tpu.vector_load %arg11[%parallel_loop3A_173, %parallel_loop3A_174] {strides = array<i32>} : memref<16x128xf32, #tpu.memory_space<vmem>>, vector<16xf32>,
      %parallel_loop3A_176 = arith.index_cast %parallel_loop3A_112 : i32 to index
      %parallel_loop3A_177 = arith.constant 96 : index
      %parallel_loop3A_178 = tpu.vector_load %arg11[%parallel_loop3A_176, %parallel_loop3A_177] {strides = array<i32>} : memref<16x128xf32, #tpu.memory_space<vmem>>, vector<16xf32>,
      %parallel_loop3A_179 = arith.addf %parallel_loop3A_168, %parallel_loop3A_171 : vector<16xf32>
      %parallel_loop3A_180 = arith.mulf %parallel_loop3A_175, %parallel_loop3A_179 : vector<16xf32>
      %parallel_loop3A_181 = arith.addf %parallel_loop3A_157, %parallel_loop3A_180 : vector<16xf32>
      %parallel_loop3A_182 = arith.addf %parallel_loop3A_169, %parallel_loop3A_172 : vector<16xf32>
      %parallel_loop3A_183 = arith.mulf %parallel_loop3A_178, %parallel_loop3A_182 : vector<16xf32>
      %parallel_loop3A_184 = arith.addf %parallel_loop3A_160, %parallel_loop3A_183 : vector<16xf32>
      %parallel_loop3A_185 = arith.index_cast %parallel_loop3A_112 : i32 to index
      %parallel_loop3A_186 = arith.constant 48 : index
      %parallel_loop3A_187 = tpu.vector_load %arg12[%parallel_loop3A_185, %parallel_loop3A_186] {strides = array<i32>} : memref<16x128xi32, #tpu.memory_space<vmem>>, vector<16xi32>,
      %parallel_loop3A_188 = arith.index_cast %parallel_loop3A_112 : i32 to index
      %parallel_loop3A_189 = arith.constant 48 : index
      %parallel_loop3A_190 = tpu.vector_load %arg13[%parallel_loop3A_188, %parallel_loop3A_189] {strides = array<i32>} : memref<16x64xi32, #tpu.memory_space<vmem>>, vector<16xi32>,
      %parallel_loop3A_191 = vector.bitcast %parallel_loop3A_187 : vector<16xi32> to vector<32xbf16>
      %parallel_loop3A_192 = tpu.unpack_subelements %parallel_loop3A_191, 0 {pack_format = #tpu.pack_format<interleaved>} : vector<32xbf16> -> vector<16xf32>
      %parallel_loop3A_193 = tpu.unpack_subelements %parallel_loop3A_191, 1 {pack_format = #tpu.pack_format<interleaved>} : vector<32xbf16> -> vector<16xf32>
      %parallel_loop3A_194 = vector.bitcast %parallel_loop3A_190 : vector<16xi32> to vector<32xbf16>
      %parallel_loop3A_195 = tpu.unpack_subelements %parallel_loop3A_194, 0 {pack_format = #tpu.pack_format<interleaved>} : vector<32xbf16> -> vector<16xf32>
      %parallel_loop3A_196 = tpu.unpack_subelements %parallel_loop3A_194, 1 {pack_format = #tpu.pack_format<interleaved>} : vector<32xbf16> -> vector<16xf32>
      %parallel_loop3A_197 = arith.index_cast %parallel_loop3A_112 : i32 to index
      %parallel_loop3A_198 = arith.constant 48 : index
      %parallel_loop3A_199 = tpu.vector_load %arg11[%parallel_loop3A_197, %parallel_loop3A_198] {strides = array<i32>} : memref<16x128xf32, #tpu.memory_space<vmem>>, vector<16xf32>,
      %parallel_loop3A_200 = arith.index_cast %parallel_loop3A_112 : i32 to index
      %parallel_loop3A_201 = arith.constant 112 : index
      %parallel_loop3A_202 = tpu.vector_load %arg11[%parallel_loop3A_200, %parallel_loop3A_201] {strides = array<i32>} : memref<16x128xf32, #tpu.memory_space<vmem>>, vector<16xf32>,
      %parallel_loop3A_203 = arith.addf %parallel_loop3A_192, %parallel_loop3A_195 : vector<16xf32>
      %parallel_loop3A_204 = arith.mulf %parallel_loop3A_199, %parallel_loop3A_203 : vector<16xf32>
      %parallel_loop3A_205 = arith.addf %parallel_loop3A_181, %parallel_loop3A_204 : vector<16xf32>
      %parallel_loop3A_206 = arith.addf %parallel_loop3A_193, %parallel_loop3A_196 : vector<16xf32>
      %parallel_loop3A_207 = arith.mulf %parallel_loop3A_202, %parallel_loop3A_206 : vector<16xf32>
      %parallel_loop3A_208 = arith.addf %parallel_loop3A_184, %parallel_loop3A_207 : vector<16xf32>
      %parallel_loop3A_209 = arith.constant true
      %parallel_loop3A_210 = vector.broadcast %parallel_loop3A_209 : i1 to vector<16xi1>
      %parallel_loop3A_211 = tpu.scan <sum>, %parallel_loop3A_205 masked %parallel_loop3A_210 : vector<16xf32>, vector<16xi1> -> vector<16xf32>
      %parallel_loop3A_212 = vector.extract %parallel_loop3A_211[15] : f32 from vector<16xf32>
      %parallel_loop3A_213 = arith.mulf %parallel_loop3A_212, %parallel_loop3A_80 : f32
      %parallel_loop3A_214 = arith.constant true
      %parallel_loop3A_215 = vector.broadcast %parallel_loop3A_214 : i1 to vector<16xi1>
      %parallel_loop3A_216 = tpu.scan <sum>, %parallel_loop3A_208 masked %parallel_loop3A_215 : vector<16xf32>, vector<16xi1> -> vector<16xf32>
      %parallel_loop3A_217 = vector.extract %parallel_loop3A_216[15] : f32 from vector<16xf32>
      %parallel_loop3A_218 = arith.mulf %parallel_loop3A_217, %parallel_loop3A_80 : f32
      %parallel_loop3A_219 = vector.broadcast %parallel_loop3A_213 : f32 to vector<16xf32>
      %parallel_loop3A_220 = math.exp %parallel_loop3A_219 : vector<16xf32>
      %parallel_loop3A_221 = vector.broadcast %parallel_loop3A_218 : f32 to vector<16xf32>
      %parallel_loop3A_222 = math.exp %parallel_loop3A_221 : vector<16xf32>
      %parallel_loop3A_223 = vector.broadcast %parallel_loop3A_108 : i32 to vector<16xi32>
      %parallel_loop3A_224 = arith.cmpi eq, %iota3A, %parallel_loop3A_223 : vector<16xi32>
      %parallel_loop3A_225 = arith.select %parallel_loop3A_224, %parallel_loop3A_220, %parallel_loop3A_109 : vector<16xi1>, vector<16xf32>
      %parallel_loop3A_226 = vector.broadcast %parallel_loop3A_108 : i32 to vector<16xi32>
      %parallel_loop3A_227 = arith.cmpi eq, %iota3A, %parallel_loop3A_226 : vector<16xi32>
      %parallel_loop3A_228 = arith.select %parallel_loop3A_227, %parallel_loop3A_222, %parallel_loop3A_110 : vector<16xi1>, vector<16xf32>
      %parallel_loop3A_229 = arith.index_cast %parallel_loop3A_112 : i32 to index
      %parallel_loop3A_230 = arith.constant 64 : index
      %parallel_loop3A_231 = tpu.vector_load %arg12[%parallel_loop3A_229, %parallel_loop3A_230] {strides = array<i32>} : memref<16x128xi32, #tpu.memory_space<vmem>>, vector<16xi32>,
      %parallel_loop3A_232 = vector.bitcast %parallel_loop3A_231 : vector<16xi32> to vector<32xbf16>
      %parallel_loop3A_233 = tpu.unpack_subelements %parallel_loop3A_232, 0 {pack_format = #tpu.pack_format<interleaved>} : vector<32xbf16> -> vector<16xf32>
      %parallel_loop3A_234 = tpu.unpack_subelements %parallel_loop3A_232, 1 {pack_format = #tpu.pack_format<interleaved>} : vector<32xbf16> -> vector<16xf32>
      %parallel_loop3A_235 = arith.addf %parallel_loop3A_233, %parallel_loop3A_123 : vector<16xf32>
      %parallel_loop3A_236 = arith.mulf %parallel_loop3A_235, %parallel_loop3A_220 : vector<16xf32>
      %parallel_loop3A_237 = arith.index_cast %parallel_loop3A_112 : i32 to index
      %parallel_loop3A_238 = arith.constant 0 : index
      %parallel_loop3A_239 = tpu.vector_load %arg21[%parallel_loop3A_237, %parallel_loop3A_238] {strides = array<i32>} : memref<16x128xf32, #tpu.memory_space<vmem>>, vector<16xf32>,
      tpu.vector_store %arg21[%parallel_loop3A_237, %parallel_loop3A_238], %parallel_loop3A_236 {strides = array<i32>} : memref<16x128xf32, #tpu.memory_space<vmem>>, vector<16xf32>,
      %parallel_loop3A_240 = arith.addf %parallel_loop3A_234, %parallel_loop3A_124 : vector<16xf32>
      %parallel_loop3A_241 = arith.mulf %parallel_loop3A_240, %parallel_loop3A_222 : vector<16xf32>
      %parallel_loop3A_242 = arith.index_cast %parallel_loop3A_112 : i32 to index
      %parallel_loop3A_243 = arith.constant 64 : index
      %parallel_loop3A_244 = tpu.vector_load %arg21[%parallel_loop3A_242, %parallel_loop3A_243] {strides = array<i32>} : memref<16x128xf32, #tpu.memory_space<vmem>>, vector<16xf32>,
      tpu.vector_store %arg21[%parallel_loop3A_242, %parallel_loop3A_243], %parallel_loop3A_241 {strides = array<i32>} : memref<16x128xf32, #tpu.memory_space<vmem>>, vector<16xf32>,
      %parallel_loop3A_245 = arith.index_cast %parallel_loop3A_112 : i32 to index
      %parallel_loop3A_246 = arith.constant 80 : index
      %parallel_loop3A_247 = tpu.vector_load %arg12[%parallel_loop3A_245, %parallel_loop3A_246] {strides = array<i32>} : memref<16x128xi32, #tpu.memory_space<vmem>>, vector<16xi32>,
      %parallel_loop3A_248 = vector.bitcast %parallel_loop3A_247 : vector<16xi32> to vector<32xbf16>
      %parallel_loop3A_249 = tpu.unpack_subelements %parallel_loop3A_248, 0 {pack_format = #tpu.pack_format<interleaved>} : vector<32xbf16> -> vector<16xf32>
      %parallel_loop3A_250 = tpu.unpack_subelements %parallel_loop3A_248, 1 {pack_format = #tpu.pack_format<interleaved>} : vector<32xbf16> -> vector<16xf32>
      %parallel_loop3A_251 = arith.addf %parallel_loop3A_249, %parallel_loop3A_147 : vector<16xf32>
      %parallel_loop3A_252 = arith.mulf %parallel_loop3A_251, %parallel_loop3A_220 : vector<16xf32>
      %parallel_loop3A_253 = arith.index_cast %parallel_loop3A_112 : i32 to index
      %parallel_loop3A_254 = arith.constant 16 : index
      %parallel_loop3A_255 = tpu.vector_load %arg21[%parallel_loop3A_253, %parallel_loop3A_254] {strides = array<i32>} : memref<16x128xf32, #tpu.memory_space<vmem>>, vector<16xf32>,
      tpu.vector_store %arg21[%parallel_loop3A_253, %parallel_loop3A_254], %parallel_loop3A_252 {strides = array<i32>} : memref<16x128xf32, #tpu.memory_space<vmem>>, vector<16xf32>,
      %parallel_loop3A_256 = arith.addf %parallel_loop3A_250, %parallel_loop3A_148 : vector<16xf32>
      %parallel_loop3A_257 = arith.mulf %parallel_loop3A_256, %parallel_loop3A_222 : vector<16xf32>
      %parallel_loop3A_258 = arith.index_cast %parallel_loop3A_112 : i32 to index
      %parallel_loop3A_259 = arith.constant 80 : index
      %parallel_loop3A_260 = tpu.vector_load %arg21[%parallel_loop3A_258, %parallel_loop3A_259] {strides = array<i32>} : memref<16x128xf32, #tpu.memory_space<vmem>>, vector<16xf32>,
      tpu.vector_store %arg21[%parallel_loop3A_258, %parallel_loop3A_259], %parallel_loop3A_257 {strides = array<i32>} : memref<16x128xf32, #tpu.memory_space<vmem>>, vector<16xf32>,
      %parallel_loop3A_261 = arith.index_cast %parallel_loop3A_112 : i32 to index
      %parallel_loop3A_262 = arith.constant 96 : index
      %parallel_loop3A_263 = tpu.vector_load %arg12[%parallel_loop3A_261, %parallel_loop3A_262] {strides = array<i32>} : memref<16x128xi32, #tpu.memory_space<vmem>>, vector<16xi32>,
      %parallel_loop3A_264 = vector.bitcast %parallel_loop3A_263 : vector<16xi32> to vector<32xbf16>
      %parallel_loop3A_265 = tpu.unpack_subelements %parallel_loop3A_264, 0 {pack_format = #tpu.pack_format<interleaved>} : vector<32xbf16> -> vector<16xf32>
      %parallel_loop3A_266 = tpu.unpack_subelements %parallel_loop3A_264, 1 {pack_format = #tpu.pack_format<interleaved>} : vector<32xbf16> -> vector<16xf32>
      %parallel_loop3A_267 = arith.addf %parallel_loop3A_265, %parallel_loop3A_171 : vector<16xf32>
      %parallel_loop3A_268 = arith.mulf %parallel_loop3A_267, %parallel_loop3A_220 : vector<16xf32>
      %parallel_loop3A_269 = arith.index_cast %parallel_loop3A_112 : i32 to index
      %parallel_loop3A_270 = arith.constant 32 : index
      %parallel_loop3A_271 = tpu.vector_load %arg21[%parallel_loop3A_269, %parallel_loop3A_270] {strides = array<i32>} : memref<16x128xf32, #tpu.memory_space<vmem>>, vector<16xf32>,
      tpu.vector_store %arg21[%parallel_loop3A_269, %parallel_loop3A_270], %parallel_loop3A_268 {strides = array<i32>} : memref<16x128xf32, #tpu.memory_space<vmem>>, vector<16xf32>,
      %parallel_loop3A_272 = arith.addf %parallel_loop3A_266, %parallel_loop3A_172 : vector<16xf32>
      %parallel_loop3A_273 = arith.mulf %parallel_loop3A_272, %parallel_loop3A_222 : vector<16xf32>
      %parallel_loop3A_274 = arith.index_cast %parallel_loop3A_112 : i32 to index
      %parallel_loop3A_275 = arith.constant 96 : index
      %parallel_loop3A_276 = tpu.vector_load %arg21[%parallel_loop3A_274, %parallel_loop3A_275] {strides = array<i32>} : memref<16x128xf32, #tpu.memory_space<vmem>>, vector<16xf32>,
      tpu.vector_store %arg21[%parallel_loop3A_274, %parallel_loop3A_275], %parallel_loop3A_273 {strides = array<i32>} : memref<16x128xf32, #tpu.memory_space<vmem>>, vector<16xf32>,
      %parallel_loop3A_277 = arith.index_cast %parallel_loop3A_112 : i32 to index
      %parallel_loop3A_278 = arith.constant 112 : index
      %parallel_loop3A_279 = tpu.vector_load %arg12[%parallel_loop3A_277, %parallel_loop3A_278] {strides = array<i32>} : memref<16x128xi32, #tpu.memory_space<vmem>>, vector<16xi32>,
      %parallel_loop3A_280 = vector.bitcast %parallel_loop3A_279 : vector<16xi32> to vector<32xbf16>
      %parallel_loop3A_281 = tpu.unpack_subelements %parallel_loop3A_280, 0 {pack_format = #tpu.pack_format<interleaved>} : vector<32xbf16> -> vector<16xf32>
      %parallel_loop3A_282 = tpu.unpack_subelements %parallel_loop3A_280, 1 {pack_format = #tpu.pack_format<interleaved>} : vector<32xbf16> -> vector<16xf32>
      %parallel_loop3A_283 = arith.addf %parallel_loop3A_281, %parallel_loop3A_195 : vector<16xf32>
      %parallel_loop3A_284 = arith.mulf %parallel_loop3A_283, %parallel_loop3A_220 : vector<16xf32>
      %parallel_loop3A_285 = arith.index_cast %parallel_loop3A_112 : i32 to index
      %parallel_loop3A_286 = arith.constant 48 : index
      %parallel_loop3A_287 = tpu.vector_load %arg21[%parallel_loop3A_285, %parallel_loop3A_286] {strides = array<i32>} : memref<16x128xf32, #tpu.memory_space<vmem>>, vector<16xf32>,
      tpu.vector_store %arg21[%parallel_loop3A_285, %parallel_loop3A_286], %parallel_loop3A_284 {strides = array<i32>} : memref<16x128xf32, #tpu.memory_space<vmem>>, vector<16xf32>,
      %parallel_loop3A_288 = arith.addf %parallel_loop3A_282, %parallel_loop3A_196 : vector<16xf32>
      %parallel_loop3A_289 = arith.mulf %parallel_loop3A_288, %parallel_loop3A_222 : vector<16xf32>
      %parallel_loop3A_290 = arith.index_cast %parallel_loop3A_112 : i32 to index
      %parallel_loop3A_291 = arith.constant 112 : index
      %parallel_loop3A_292 = tpu.vector_load %arg21[%parallel_loop3A_290, %parallel_loop3A_291] {strides = array<i32>} : memref<16x128xf32, #tpu.memory_space<vmem>>, vector<16xf32>,
      tpu.vector_store %arg21[%parallel_loop3A_290, %parallel_loop3A_291], %parallel_loop3A_289 {strides = array<i32>} : memref<16x128xf32, #tpu.memory_space<vmem>>, vector<16xf32>,
      scf.yield %parallel_loop3A_225, %parallel_loop3A_228 : vector<16xf32>, vector<16xf32>
    } {sc.loop_unroll_factor = 4 : i64, sc.parallel_access}
    %get3A_82 = arith.constant 0 : index
    %get3A_83 = tpu.vector_load %arg10[%get3A_82] {strides = array<i32>} : memref<16xi32, #tpu.memory_space<vmem>>, vector<16xi32>,
    %mul3A_84 = arith.constant 2 : i32
    %mul3A_85 = vector.broadcast %mul3A_84 : i32 to vector<16xi32>
    %mul3A_86 = arith.muli %get3A_83, %mul3A_85 : vector<16xi32>
    %shift_right_logical3A = arith.constant 7 : i32
    %shift_right_logical3A_87 = vector.broadcast %shift_right_logical3A : i32 to vector<16xi32>
    %shift_right_logical3A_88 = arith.shrui %mul3A_86, %shift_right_logical3A_87 : vector<16xi32>
    %and3A_89 = arith.constant 127 : i32
    %and3A_90 = vector.broadcast %and3A_89 : i32 to vector<16xi32>
    %and3A_91 = arith.andi %mul3A_86, %and3A_90 : vector<16xi32>
    tpu.vector_store_idx %arg22[%shift_right_logical3A_88, %and3A_91], %parallel_loop3A_81#0 {add = true} : memref<160x128xf32, #tpu.memory_space<vmem>>[vector<16xi32>, vector<16xi32>], vector<16xf32>,
    %add3A_92 = arith.constant 1 : i32
    %add3A_93 = vector.broadcast %add3A_92 : i32 to vector<16xi32>
    %add3A_94 = arith.addi %and3A_91, %add3A_93 : vector<16xi32>
    tpu.vector_store_idx %arg22[%shift_right_logical3A_88, %add3A_94], %parallel_loop3A_81#1 {add = true} : memref<160x128xf32, #tpu.memory_space<vmem>>[vector<16xi32>, vector<16xi32>], vector<16xf32>,
    "tpu.region"() ({
      %run_scoped3A = tpu.sem_alloc : memref<!tpu.dma_semaphore, #tpu.memory_space<semaphore_mem>>
      %dma_start3A_108 = arith.constant 0 : i32
      %dma_start3A_109 = arith.constant 0 : i32
      %dma_start3A_110 = tpu.memref_slice %arg24[%dma_start3A_108, %dma_start3A_109] : memref<10000x128xf32, #tpu.memory_space<vmem_shared>> -> memref<10000x128xf32, #tpu.memory_space<vmem_shared>>
      tpu.enqueue_indirect_dma source(%arg21 : memref<16x128xf32, #tpu.memory_space<vmem>>) target(%dma_start3A_110 : memref<10000x128xf32, #tpu.memory_space<vmem_shared>>) offsets(%arg10 : memref<16xi32, #tpu.memory_space<vmem>>) semaphore(%run_scoped3A : memref<!tpu.dma_semaphore, #tpu.memory_space<semaphore_mem>>) {add = true}
      %dma_wait3A_111 = arith.constant 0 : i32
      %dma_wait3A_112 = arith.constant 0 : i32
      %dma_wait3A_113 = tpu.memref_slice %arg24[%dma_wait3A_111, %dma_wait3A_112] : memref<10000x128xf32, #tpu.memory_space<vmem_shared>> -> memref<10000x128xf32, #tpu.memory_space<vmem_shared>>
      tpu.wait_indirect_dma semaphore(%run_scoped3A : memref<!tpu.dma_semaphore, #tpu.memory_space<semaphore_mem>>) src(%arg21 : memref<16x128xf32, #tpu.memory_space<vmem>>) dst(%dma_wait3A_113 : memref<10000x128xf32, #tpu.memory_space<vmem_shared>>)
      tpu.yield
    }) : () -> ()
    "tpu.region"() ({
      %run_scoped3A = tpu.sem_alloc : memref<!tpu.dma_semaphore, #tpu.memory_space<semaphore_mem>>
      %dma_start3A_108 = arith.constant 0 : i32
      %dma_start3A_109 = arith.constant 0 : i32
      %dma_start3A_110 = tpu.memref_slice %arg25[%dma_start3A_108, %dma_start3A_109] : memref<160x128xf32, #tpu.memory_space<vmem_shared>> -> memref<160x128xf32, #tpu.memory_space<vmem_shared>>
      tpu.enqueue_indirect_dma source(%arg22 : memref<160x128xf32, #tpu.memory_space<vmem>>) target(%dma_start3A_110 : memref<160x128xf32, #tpu.memory_space<vmem_shared>>) offsets(%arg23 : memref<160xi32, #tpu.memory_space<vmem>>) semaphore(%run_scoped3A : memref<!tpu.dma_semaphore, #tpu.memory_space<semaphore_mem>>) {add = true}
      %dma_wait3A_111 = arith.constant 0 : i32
      %dma_wait3A_112 = arith.constant 0 : i32
      %dma_wait3A_113 = tpu.memref_slice %arg25[%dma_wait3A_111, %dma_wait3A_112] : memref<160x128xf32, #tpu.memory_space<vmem_shared>> -> memref<160x128xf32, #tpu.memory_space<vmem_shared>>
      tpu.wait_indirect_dma semaphore(%run_scoped3A : memref<!tpu.dma_semaphore, #tpu.memory_space<semaphore_mem>>) src(%arg22 : memref<160x128xf32, #tpu.memory_space<vmem>>) dst(%dma_wait3A_113 : memref<160x128xf32, #tpu.memory_space<vmem_shared>>)
      tpu.yield
    }) : () -> ()
    %barrier3A_95 = arith.constant 0 : index
    tpu.barrier barrier_id(%barrier3A_95)
    %lt3A_96 = arith.constant 10 : i32
    %lt3A_97 = arith.cmpi slt, %arg1, %lt3A_96 : i32
    %convert_element_type3A_98 = arith.extui %lt3A_97 : i1 to i32
    %cond3A_99 = arith.constant 0 : i32
    %cond3A_100 = arith.cmpi ne, %convert_element_type3A_98, %cond3A_99 : i32
    scf.if %cond3A_100 {
      %mul3A_108 = arith.constant 16 : i32
      %mul3A_109 = arith.muli %arg1, %mul3A_108 : i32
      %multiple_of3A_110 = tpu.assume_multiple %mul3A_109, 8 : i32
      "tpu.region"() ({
        %run_scoped3A = tpu.sem_alloc : memref<!tpu.dma_semaphore, #tpu.memory_space<semaphore_mem>>
        %dma_start3A_111 = arith.constant 0 : i32
        %dma_start3A_112 = tpu.memref_slice %arg8[%arg0, %multiple_of3A_110, %dma_start3A_111] : memref<2x160x128xf32, #tpu.memory_space<hbm>> -> memref<1x16x128xf32, #tpu.memory_space<hbm>>
        %dma_start3A_113 = tpu.memref_squeeze %dma_start3A_112 : memref<1x16x128xf32, #tpu.memory_space<hbm>> -> memref<16x128xf32, #tpu.memory_space<hbm>>
        %dma_start3A_114 = arith.constant 0 : i32
        %dma_start3A_115 = tpu.memref_slice %arg25[%multiple_of3A_110, %dma_start3A_114] : memref<160x128xf32, #tpu.memory_space<vmem_shared>> -> memref<16x128xf32, #tpu.memory_space<vmem_shared>>
        tpu.enqueue_dma source(%dma_start3A_115 : memref<16x128xf32, #tpu.memory_space<vmem_shared>>) target(%dma_start3A_113 : memref<16x128xf32, #tpu.memory_space<hbm>>) target_semaphore(%run_scoped3A : memref<!tpu.dma_semaphore, #tpu.memory_space<semaphore_mem>>)
        %dma_wait3A_116 = arith.constant 0 : i32
        %dma_wait3A_117 = tpu.memref_slice %arg8[%arg0, %multiple_of3A_110, %dma_wait3A_116] : memref<2x160x128xf32, #tpu.memory_space<hbm>> -> memref<1x16x128xf32, #tpu.memory_space<hbm>>
        %dma_wait3A_118 = tpu.memref_squeeze %dma_wait3A_117 : memref<1x16x128xf32, #tpu.memory_space<hbm>> -> memref<16x128xf32, #tpu.memory_space<hbm>>
        %dma_wait3A_119 = arith.constant 0 : i32
        %dma_wait3A_120 = tpu.memref_slice %arg25[%multiple_of3A_110, %dma_wait3A_119] : memref<160x128xf32, #tpu.memory_space<vmem_shared>> -> memref<16x128xf32, #tpu.memory_space<vmem_shared>>
        tpu.wait_dma2 semaphore(%run_scoped3A : memref<!tpu.dma_semaphore, #tpu.memory_space<semaphore_mem>>) src(%dma_wait3A_120 : memref<16x128xf32, #tpu.memory_space<vmem_shared>>) dst(%dma_wait3A_118 : memref<16x128xf32, #tpu.memory_space<hbm>>)
        tpu.yield
      }) : () -> ()
    } else {
    }
    %scan3A_101 = arith.constant 0 : i32
    %scan3A_102 = arith.constant 0 : i32
    %scan3A_103 = arith.constant 40 : i32
    %scan3A_104 = arith.addi %scan3A_102, %scan3A_103 : i32
    %scan3A_105 = arith.constant 1 : i32
    %scan3A_106 = scf.for %scan3A_108 = %scan3A_102 to %scan3A_104 step %scan3A_105 iter_args(%scan3A_109 = %scan3A_101) -> (i32)  : i32 {
      %mul3A_110 = arith.constant 16 : i32
      %mul3A_111 = arith.muli %scan3A_108, %mul3A_110 : i32
      %add3A_112 = arith.addi %arg1, %mul3A_111 : i32
      %lt3A_113 = arith.constant 625 : i32
      %lt3A_114 = arith.cmpi slt, %add3A_112, %lt3A_113 : i32
      %convert_element_type3A_115 = arith.extui %lt3A_114 : i1 to i32
      %cond3A_116 = arith.constant 0 : i32
      %cond3A_117 = arith.cmpi ne, %convert_element_type3A_115, %cond3A_116 : i32
      scf.if %cond3A_117 {
        %mul3A_119 = arith.constant 16 : i32
        %mul3A_120 = arith.muli %add3A_112, %mul3A_119 : i32
        %multiple_of3A_121 = tpu.assume_multiple %mul3A_120, 8 : i32
        "tpu.region"() ({
          %run_scoped3A = tpu.sem_alloc : memref<!tpu.dma_semaphore, #tpu.memory_space<semaphore_mem>>
          %dma_start3A_122 = arith.constant 0 : i32
          %dma_start3A_123 = tpu.memref_slice %arg7[%arg0, %multiple_of3A_121, %dma_start3A_122] : memref<2x10000x128xf32, #tpu.memory_space<hbm>> -> memref<1x16x128xf32, #tpu.memory_space<hbm>>
          %dma_start3A_124 = tpu.memref_squeeze %dma_start3A_123 : memref<1x16x128xf32, #tpu.memory_space<hbm>> -> memref<16x128xf32, #tpu.memory_space<hbm>>
          %dma_start3A_125 = arith.constant 0 : i32
          %dma_start3A_126 = tpu.memref_slice %arg24[%multiple_of3A_121, %dma_start3A_125] : memref<10000x128xf32, #tpu.memory_space<vmem_shared>> -> memref<16x128xf32, #tpu.memory_space<vmem_shared>>
          tpu.enqueue_dma source(%dma_start3A_126 : memref<16x128xf32, #tpu.memory_space<vmem_shared>>) target(%dma_start3A_124 : memref<16x128xf32, #tpu.memory_space<hbm>>) target_semaphore(%run_scoped3A : memref<!tpu.dma_semaphore, #tpu.memory_space<semaphore_mem>>)
          %dma_wait3A_127 = arith.constant 0 : i32
          %dma_wait3A_128 = tpu.memref_slice %arg7[%arg0, %multiple_of3A_121, %dma_wait3A_127] : memref<2x10000x128xf32, #tpu.memory_space<hbm>> -> memref<1x16x128xf32, #tpu.memory_space<hbm>>
          %dma_wait3A_129 = tpu.memref_squeeze %dma_wait3A_128 : memref<1x16x128xf32, #tpu.memory_space<hbm>> -> memref<16x128xf32, #tpu.memory_space<hbm>>
          %dma_wait3A_130 = arith.constant 0 : i32
          %dma_wait3A_131 = tpu.memref_slice %arg24[%multiple_of3A_121, %dma_wait3A_130] : memref<10000x128xf32, #tpu.memory_space<vmem_shared>> -> memref<16x128xf32, #tpu.memory_space<vmem_shared>>
          tpu.wait_dma2 semaphore(%run_scoped3A : memref<!tpu.dma_semaphore, #tpu.memory_space<semaphore_mem>>) src(%dma_wait3A_131 : memref<16x128xf32, #tpu.memory_space<vmem_shared>>) dst(%dma_wait3A_129 : memref<16x128xf32, #tpu.memory_space<hbm>>)
          tpu.yield
        }) : () -> ()
      } else {
      }
      %scan3A_118 = arith.constant 0 : i32
      scf.yield %scan3A_118 : i32
    }
    %scan3A_107 = arith.constant 40 : i32
    return
  }
}

module attributes {stable_mosaic.version = 14 : i64} {
  func.func @_ep_body(%arg0: i32, %arg1: memref<8000x16xf32, #tpu.memory_space<vmem>>, %arg2: memref<16x128xf32, #tpu.memory_space<vmem>>, %arg3: memref<8000x64xi32, #tpu.memory_space<vmem>>) attributes {dimension_semantics = [#tpu.dimension_semantics<arbitrary>], iteration_bounds = array<i64: 40>, scalar_prefetch = 0 : i64, scratch_operands = 0 : i64, tpu.core_type = #tpu.core_type<tc>, window_params = [{transform_indices = @transform_0, window_bounds = array<i64: 8000, 16>}, {pipeline_mode = #tpu.pipeline_mode<synchronous>, transform_indices = @transform_1, window_bounds = array<i64: 16, 128>}, {transform_indices = @transform_2, window_bounds = array<i64: 8000, 64>}]} {
    %get3A = arith.constant 0 : index
    %get3A_0 = arith.constant 0 : index
    %get3A_1 = vector.load %arg1[%get3A, %get3A_0] : memref<8000x16xf32, #tpu.memory_space<vmem>>, vector<8000x16xf32>
    %get3A_2 = arith.constant 0 : index
    %get3A_3 = arith.constant 0 : index
    %get3A_4 = vector.load %arg2[%get3A_2, %get3A_3] : memref<16x128xf32, #tpu.memory_space<vmem>>, vector<16x128xf32>
    %dot_general3A = arith.constant dense<0.000000e+00> : vector<8000x128xf32>
    %dot_general3A_5 = tpu.matmul %get3A_1, %get3A_4, %dot_general3A {dimension_numbers = #tpu.dot_dimension_numbers<[1], [0], [0], [1], [0, 0, 1, 1], [], []>, transpose_lhs_hint = false} : vector<8000x16xf32>, vector<16x128xf32>, vector<8000x128xf32> -> vector<8000x128xf32>
    %slice3A = vector.extract_strided_slice %dot_general3A_5 {offsets = [0, 0], sizes = [8000, 64], strides = [1, 1]} : vector<8000x128xf32> to vector<8000x64xf32>
    %slice3A_6 = vector.extract_strided_slice %dot_general3A_5 {offsets = [0, 64], sizes = [8000, 64], strides = [1, 1]} : vector<8000x128xf32> to vector<8000x64xf32>
    %convert_element_type3A = arith.truncf %slice3A : vector<8000x64xf32> to vector<8000x64xbf16>
    %bitcast_convert_type3A = tpu.bitcast %convert_element_type3A : vector<8000x64xbf16> -> vector<8000x64xi16>
    %convert_element_type3A_7 = arith.extui %bitcast_convert_type3A : vector<8000x64xi16> to vector<8000x64xi32>
    %convert_element_type3A_8 = arith.truncf %slice3A_6 : vector<8000x64xf32> to vector<8000x64xbf16>
    %bitcast_convert_type3A_9 = tpu.bitcast %convert_element_type3A_8 : vector<8000x64xbf16> -> vector<8000x64xi16>
    %convert_element_type3A_10 = arith.extui %bitcast_convert_type3A_9 : vector<8000x64xi16> to vector<8000x64xi32>
    %shift_left3A = arith.constant 16 : i32
    %shift_left3A_11 = vector.broadcast %shift_left3A : i32 to vector<8000x64xi32>
    %shift_left3A_12 = arith.shli %convert_element_type3A_10, %shift_left3A_11 : vector<8000x64xi32>
    %or3A = arith.ori %convert_element_type3A_7, %shift_left3A_12 : vector<8000x64xi32>
    %swap3A = arith.constant 0 : index
    %swap3A_13 = arith.constant 0 : index
    %swap3A_14 = vector.load %arg3[%swap3A, %swap3A_13] : memref<8000x64xi32, #tpu.memory_space<vmem>>, vector<8000x64xi32>
    tpu.vector_store %arg3[%swap3A, %swap3A_13], %or3A {strides = array<i32>} : memref<8000x64xi32, #tpu.memory_space<vmem>>, vector<8000x64xi32>,
    return
  }
  func.func @transform_0(%arg0: i32) -> (i32, i32) {
    %c0_i32 = arith.constant 0 : i32
    %c0_i32_0 = arith.constant 0 : i32
    return %arg0, %c0_i32 : i32, i32
  }
  func.func @transform_1(%arg0: i32) -> (i32, i32) {
    %c0_i32 = arith.constant 0 : i32
    %c0_i32_0 = arith.constant 0 : i32
    %c0_i32_1 = arith.constant 0 : i32
    return %c0_i32, %c0_i32_0 : i32, i32
  }
  func.func @transform_2(%arg0: i32) -> (i32, i32) {
    %c0_i32 = arith.constant 0 : i32
    %c0_i32_0 = arith.constant 0 : i32
    return %arg0, %c0_i32 : i32, i32
  }
}

module attributes {stable_mosaic.version = 14 : i64} {
  func.func @_prep_body(%arg0: i32, %arg1: memref<2048x128xf32, #tpu.memory_space<vmem>>, %arg2: memref<128x512xf32, #tpu.memory_space<vmem>>, %arg3: memref<1x512xf32, #tpu.memory_space<vmem>>, %arg4: memref<2048x128xf32, #tpu.memory_space<vmem>>, %arg5: memref<2048x128xi32, #tpu.memory_space<vmem>>, %arg6: memref<2048x128xf32, #tpu.memory_space<vmem>>) attributes {dimension_semantics = [#tpu.dimension_semantics<arbitrary>], iteration_bounds = array<i64: 5>, scalar_prefetch = 0 : i64, scratch_operands = 0 : i64, tpu.core_type = #tpu.core_type<tc>, window_params = [{transform_indices = @transform_0, window_bounds = array<i64: 2048, 128>}, {pipeline_mode = #tpu.pipeline_mode<synchronous>, transform_indices = @transform_1, window_bounds = array<i64: 128, 512>}, {pipeline_mode = #tpu.pipeline_mode<synchronous>, transform_indices = @transform_2, window_bounds = array<i64: 1, 512>}, {transform_indices = @transform_3, window_bounds = array<i64: 2048, 128>}, {transform_indices = @transform_4, window_bounds = array<i64: 2048, 128>}, {transform_indices = @transform_5, window_bounds = array<i64: 2048, 128>}]} {
    %get3A = arith.constant 0 : index
    %get3A_0 = arith.constant 0 : index
    %get3A_1 = vector.load %arg1[%get3A, %get3A_0] : memref<2048x128xf32, #tpu.memory_space<vmem>>, vector<2048x128xf32>
    %get3A_2 = arith.constant 0 : index
    %get3A_3 = arith.constant 0 : index
    %get3A_4 = vector.load %arg2[%get3A_2, %get3A_3] : memref<128x512xf32, #tpu.memory_space<vmem>>, vector<128x512xf32>
    %dot_general3A = arith.constant dense<0.000000e+00> : vector<2048x512xf32>
    %dot_general3A_5 = tpu.matmul %get3A_1, %get3A_4, %dot_general3A {dimension_numbers = #tpu.dot_dimension_numbers<[1], [0], [0], [1], [0, 0, 1, 1], [], []>, transpose_lhs_hint = false} : vector<2048x128xf32>, vector<128x512xf32>, vector<2048x512xf32> -> vector<2048x512xf32>
    %get3A_6 = arith.constant 0 : index
    %get3A_7 = arith.constant 0 : index
    %get3A_8 = vector.load %arg3[%get3A_6, %get3A_7] : memref<1x512xf32, #tpu.memory_space<vmem>>, vector<1x512xf32>
    %add3A = vector.broadcast %get3A_8 : vector<1x512xf32> to vector<2048x512xf32>
    %add3A_9 = arith.addf %dot_general3A_5, %add3A : vector<2048x512xf32>
    %slice3A = vector.extract_strided_slice %add3A_9 {offsets = [0, 0], sizes = [2048, 128], strides = [1, 1]} : vector<2048x512xf32> to vector<2048x128xf32>
    %swap3A = arith.constant 0 : index
    %swap3A_10 = arith.constant 0 : index
    %swap3A_11 = vector.load %arg4[%swap3A, %swap3A_10] : memref<2048x128xf32, #tpu.memory_space<vmem>>, vector<2048x128xf32>
    tpu.vector_store %arg4[%swap3A, %swap3A_10], %slice3A {strides = array<i32>} : memref<2048x128xf32, #tpu.memory_space<vmem>>, vector<2048x128xf32>,
    %slice3A_12 = vector.extract_strided_slice %add3A_9 {offsets = [0, 128], sizes = [2048, 128], strides = [1, 1]} : vector<2048x512xf32> to vector<2048x128xf32>
    %slice3A_13 = vector.extract_strided_slice %add3A_9 {offsets = [0, 256], sizes = [2048, 128], strides = [1, 1]} : vector<2048x512xf32> to vector<2048x128xf32>
    %slice3A_14 = vector.extract_strided_slice %slice3A_12 {offsets = [0, 0], sizes = [2048, 64], strides = [1, 1]} : vector<2048x128xf32> to vector<2048x64xf32>
    %slice3A_15 = vector.extract_strided_slice %slice3A_12 {offsets = [0, 64], sizes = [2048, 64], strides = [1, 1]} : vector<2048x128xf32> to vector<2048x64xf32>
    %convert_element_type3A = arith.truncf %slice3A_14 : vector<2048x64xf32> to vector<2048x64xbf16>
    %bitcast_convert_type3A = tpu.bitcast %convert_element_type3A : vector<2048x64xbf16> -> vector<2048x64xi16>
    %convert_element_type3A_16 = arith.extui %bitcast_convert_type3A : vector<2048x64xi16> to vector<2048x64xi32>
    %convert_element_type3A_17 = arith.truncf %slice3A_15 : vector<2048x64xf32> to vector<2048x64xbf16>
    %bitcast_convert_type3A_18 = tpu.bitcast %convert_element_type3A_17 : vector<2048x64xbf16> -> vector<2048x64xi16>
    %convert_element_type3A_19 = arith.extui %bitcast_convert_type3A_18 : vector<2048x64xi16> to vector<2048x64xi32>
    %shift_left3A = arith.constant 16 : i32
    %shift_left3A_20 = vector.broadcast %shift_left3A : i32 to vector<2048x64xi32>
    %shift_left3A_21 = arith.shli %convert_element_type3A_19, %shift_left3A_20 : vector<2048x64xi32>
    %or3A = arith.ori %convert_element_type3A_16, %shift_left3A_21 : vector<2048x64xi32>
    %slice3A_22 = vector.extract_strided_slice %slice3A_13 {offsets = [0, 0], sizes = [2048, 64], strides = [1, 1]} : vector<2048x128xf32> to vector<2048x64xf32>
    %slice3A_23 = vector.extract_strided_slice %slice3A_13 {offsets = [0, 64], sizes = [2048, 64], strides = [1, 1]} : vector<2048x128xf32> to vector<2048x64xf32>
    %convert_element_type3A_24 = arith.truncf %slice3A_22 : vector<2048x64xf32> to vector<2048x64xbf16>
    %bitcast_convert_type3A_25 = tpu.bitcast %convert_element_type3A_24 : vector<2048x64xbf16> -> vector<2048x64xi16>
    %convert_element_type3A_26 = arith.extui %bitcast_convert_type3A_25 : vector<2048x64xi16> to vector<2048x64xi32>
    %convert_element_type3A_27 = arith.truncf %slice3A_23 : vector<2048x64xf32> to vector<2048x64xbf16>
    %bitcast_convert_type3A_28 = tpu.bitcast %convert_element_type3A_27 : vector<2048x64xbf16> -> vector<2048x64xi16>
    %convert_element_type3A_29 = arith.extui %bitcast_convert_type3A_28 : vector<2048x64xi16> to vector<2048x64xi32>
    %shift_left3A_30 = arith.constant 16 : i32
    %shift_left3A_31 = vector.broadcast %shift_left3A_30 : i32 to vector<2048x64xi32>
    %shift_left3A_32 = arith.shli %convert_element_type3A_29, %shift_left3A_31 : vector<2048x64xi32>
    %or3A_33 = arith.ori %convert_element_type3A_26, %shift_left3A_32 : vector<2048x64xi32>
    %concatenate3A = tpu.concatenate %or3A, %or3A_33 in 1 : vector<2048x64xi32>, vector<2048x64xi32> -> vector<2048x128xi32>
    %swap3A_34 = arith.constant 0 : index
    %swap3A_35 = arith.constant 0 : index
    %swap3A_36 = vector.load %arg5[%swap3A_34, %swap3A_35] : memref<2048x128xi32, #tpu.memory_space<vmem>>, vector<2048x128xi32>
    tpu.vector_store %arg5[%swap3A_34, %swap3A_35], %concatenate3A {strides = array<i32>} : memref<2048x128xi32, #tpu.memory_space<vmem>>, vector<2048x128xi32>,
    %slice3A_37 = vector.extract_strided_slice %add3A_9 {offsets = [0, 384], sizes = [2048, 128], strides = [1, 1]} : vector<2048x512xf32> to vector<2048x128xf32>
    %swap3A_38 = arith.constant 0 : index
    %swap3A_39 = arith.constant 0 : index
    %swap3A_40 = vector.load %arg6[%swap3A_38, %swap3A_39] : memref<2048x128xf32, #tpu.memory_space<vmem>>, vector<2048x128xf32>
    tpu.vector_store %arg6[%swap3A_38, %swap3A_39], %slice3A_37 {strides = array<i32>} : memref<2048x128xf32, #tpu.memory_space<vmem>>, vector<2048x128xf32>,
    return
  }
  func.func @transform_0(%arg0: i32) -> (i32, i32) {
    %c0_i32 = arith.constant 0 : i32
    %c0_i32_0 = arith.constant 0 : i32
    return %arg0, %c0_i32 : i32, i32
  }
  func.func @transform_1(%arg0: i32) -> (i32, i32) {
    %c0_i32 = arith.constant 0 : i32
    %c0_i32_0 = arith.constant 0 : i32
    %c0_i32_1 = arith.constant 0 : i32
    return %c0_i32, %c0_i32_0 : i32, i32
  }
  func.func @transform_2(%arg0: i32) -> (i32, i32) {
    %c0_i32 = arith.constant 0 : i32
    %c0_i32_0 = arith.constant 0 : i32
    %c0_i32_1 = arith.constant 0 : i32
    return %c0_i32, %c0_i32_0 : i32, i32
  }
  func.func @transform_3(%arg0: i32) -> (i32, i32) {
    %c0_i32 = arith.constant 0 : i32
    %c0_i32_0 = arith.constant 0 : i32
    return %arg0, %c0_i32 : i32, i32
  }
  func.func @transform_4(%arg0: i32) -> (i32, i32) {
    %c0_i32 = arith.constant 0 : i32
    %c0_i32_0 = arith.constant 0 : i32
    return %arg0, %c0_i32 : i32, i32
  }
  func.func @transform_5(%arg0: i32) -> (i32, i32) {
    %c0_i32 = arith.constant 0 : i32
    %c0_i32_0 = arith.constant 0 : i32
    return %arg0, %c0_i32 : i32, i32
  }
}

module attributes {stable_mosaic.version = 14 : i64} {
  func.func @_fin_body(%arg0: i32, %arg1: memref<2x1000x128xf32, #tpu.memory_space<vmem>>, %arg2: memref<2x1000x2xf32, #tpu.memory_space<vmem>>, %arg3: memref<1000x128xf32, #tpu.memory_space<vmem>>, %arg4: memref<1000x128xf32, #tpu.memory_space<vmem>>) attributes {dimension_semantics = [#tpu.dimension_semantics<arbitrary>], iteration_bounds = array<i64: 10>, scalar_prefetch = 0 : i64, scratch_operands = 0 : i64, tpu.core_type = #tpu.core_type<tc>, window_params = [{transform_indices = @transform_0, window_bounds = array<i64: 2, 1000, 128>}, {transform_indices = @transform_1, window_bounds = array<i64: 2, 1000, 2>}, {transform_indices = @transform_2, window_bounds = array<i64: 1000, 128>}, {transform_indices = @transform_3, window_bounds = array<i64: 1000, 128>}]} {
    %get3A = arith.constant 0 : index
    %get3A_0 = arith.constant 0 : index
    %get3A_1 = arith.constant 0 : index
    %get3A_2 = vector.load %arg1[%get3A, %get3A_0, %get3A_1] : memref<2x1000x128xf32, #tpu.memory_space<vmem>>, vector<1x1000x128xf32>
    %get3A_3 = vector.shape_cast %get3A_2 : vector<1x1000x128xf32> to vector<1000x128xf32>
    %get3A_4 = arith.constant 1 : index
    %get3A_5 = arith.constant 0 : index
    %get3A_6 = arith.constant 0 : index
    %get3A_7 = vector.load %arg1[%get3A_4, %get3A_5, %get3A_6] : memref<2x1000x128xf32, #tpu.memory_space<vmem>>, vector<1x1000x128xf32>
    %get3A_8 = vector.shape_cast %get3A_7 : vector<1x1000x128xf32> to vector<1000x128xf32>
    %add3A = arith.addf %get3A_3, %get3A_8 : vector<1000x128xf32>
    %get3A_9 = arith.constant 0 : index
    %get3A_10 = arith.constant 0 : index
    %get3A_11 = arith.constant 0 : index
    %get3A_12 = vector.load %arg2[%get3A_9, %get3A_10, %get3A_11] : memref<2x1000x2xf32, #tpu.memory_space<vmem>>, vector<1x1000x2xf32>
    %get3A_13 = vector.shape_cast %get3A_12 : vector<1x1000x2xf32> to vector<1000x2xf32>
    %get3A_14 = arith.constant 1 : index
    %get3A_15 = arith.constant 0 : index
    %get3A_16 = arith.constant 0 : index
    %get3A_17 = vector.load %arg2[%get3A_14, %get3A_15, %get3A_16] : memref<2x1000x2xf32, #tpu.memory_space<vmem>>, vector<1x1000x2xf32>
    %get3A_18 = vector.shape_cast %get3A_17 : vector<1x1000x2xf32> to vector<1000x2xf32>
    %add3A_19 = arith.addf %get3A_13, %get3A_18 : vector<1000x2xf32>
    %slice3A = vector.extract_strided_slice %add3A_19 {offsets = [0, 0], sizes = [1000, 1], strides = [1, 1]} : vector<1000x2xf32> to vector<1000x1xf32>
    %slice3A_20 = vector.extract_strided_slice %add3A_19 {offsets = [0, 1], sizes = [1000, 1], strides = [1, 1]} : vector<1000x2xf32> to vector<1000x1xf32>
    %slice3A_21 = vector.extract_strided_slice %add3A {offsets = [0, 0], sizes = [1000, 64], strides = [1, 1]} : vector<1000x128xf32> to vector<1000x64xf32>
    %add3A_22 = arith.constant 1.000000e-16 : f32
    %add3A_23 = vector.broadcast %add3A_22 : f32 to vector<1000x1xf32>
    %add3A_24 = arith.addf %slice3A, %add3A_23 : vector<1000x1xf32>
    %div3A = vector.broadcast %add3A_24 : vector<1000x1xf32> to vector<1000x64xf32>
    %div3A_25 = arith.divf %slice3A_21, %div3A : vector<1000x64xf32>
    %slice3A_26 = vector.extract_strided_slice %add3A {offsets = [0, 64], sizes = [1000, 64], strides = [1, 1]} : vector<1000x128xf32> to vector<1000x64xf32>
    %add3A_27 = arith.constant 1.000000e-16 : f32
    %add3A_28 = vector.broadcast %add3A_27 : f32 to vector<1000x1xf32>
    %add3A_29 = arith.addf %slice3A_20, %add3A_28 : vector<1000x1xf32>
    %div3A_30 = vector.broadcast %add3A_29 : vector<1000x1xf32> to vector<1000x64xf32>
    %div3A_31 = arith.divf %slice3A_26, %div3A_30 : vector<1000x64xf32>
    %concatenate3A = tpu.concatenate %div3A_25, %div3A_31 in 1 : vector<1000x64xf32>, vector<1000x64xf32> -> vector<1000x128xf32>
    %get3A_32 = arith.constant 0 : index
    %get3A_33 = arith.constant 0 : index
    %get3A_34 = vector.load %arg3[%get3A_32, %get3A_33] : memref<1000x128xf32, #tpu.memory_space<vmem>>, vector<1000x128xf32>
    %add3A_35 = arith.addf %concatenate3A, %get3A_34 : vector<1000x128xf32>
    %swap3A = arith.constant 0 : index
    %swap3A_36 = arith.constant 0 : index
    %swap3A_37 = vector.load %arg4[%swap3A, %swap3A_36] : memref<1000x128xf32, #tpu.memory_space<vmem>>, vector<1000x128xf32>
    tpu.vector_store %arg4[%swap3A, %swap3A_36], %add3A_35 {strides = array<i32>} : memref<1000x128xf32, #tpu.memory_space<vmem>>, vector<1000x128xf32>,
    return
  }
  func.func @transform_0(%arg0: i32) -> (i32, i32, i32) {
    %c0_i32 = arith.constant 0 : i32
    %c0_i32_0 = arith.constant 0 : i32
    %c0_i32_1 = arith.constant 0 : i32
    return %c0_i32, %arg0, %c0_i32_0 : i32, i32, i32
  }
  func.func @transform_1(%arg0: i32) -> (i32, i32, i32) {
    %c0_i32 = arith.constant 0 : i32
    %c0_i32_0 = arith.constant 0 : i32
    %c0_i32_1 = arith.constant 0 : i32
    return %c0_i32, %arg0, %c0_i32_0 : i32, i32, i32
  }
  func.func @transform_2(%arg0: i32) -> (i32, i32) {
    %c0_i32 = arith.constant 0 : i32
    %c0_i32_0 = arith.constant 0 : i32
    return %arg0, %c0_i32 : i32, i32
  }
  func.func @transform_3(%arg0: i32) -> (i32, i32) {
    %c0_i32 = arith.constant 0 : i32
    %c0_i32_0 = arith.constant 0 : i32
    return %arg0, %c0_i32 : i32, i32
  }
}

</mosaic_0001>

<sc_bundles>
// kernel: kernel.6.cloned.1.call-start
scs
__scs_entry_jumppad:
0x0: {  	(pc) =	sbr.rel $0x88, $3  }
0x1: {  	(tag) =	ssettag $0x0;
	lr =	simm.s32 $0x1  }
0x2: {  	[smem:$0x3F95] =	sst lr;
	_ =	strace $0xD0000000  }
0x3: {  	_ = 	snop  }
0x4: {  	_ = 	snop  }
0x5: {  	_ = 	snop  }
0x6: {  	_ = 	snop  }
0x7: {  	_ = 	snop  }
__scs_overlays_trampoline_lowered:
0x8: {  	[smem:$0x3FA4] =	sst s0  }
0x9: {  	[smem:$0x3FA5] =	sst s1  }
0xa: {  	[smem:$0x3FA6] =	sst s2  }
0xb: {  	[smem:$0x3FA7] =	sst s3  }
0xc: {  	[smem:$0x3FA8] =	sst s4  }
0xd: {  	[smem:$0x3FA9] =	sst s5  }
0xe: {  	[smem:$0x3FAA] =	sst s6  }
0xf: {  	[smem:$0x3FAB] =	sst s7  }
0x10: {  	[smem:$0x3FAC] =	sst s8  }
0x11: {  	[smem:$0x3FAD] =	sst s9;
	s0 =	simm.s32 @!p0 $0x0  }
0x12: {  	s1 =	sld [smem:$0x3F93];
	s0 =	simm.s32 @p0 $0x1  }
0x13: {  	[smem:$0x3FAE] =	sst s0;
	s0 =	simm.s32 @!p1 $0x0  }
0x14: {  	s2 =	sld [smem:$0x3F92];
	s0 =	simm.s32 @p1 $0x1  }
0x15: {  	[smem:$0x3FAF] =	sst s0;
	s0 =	simm.s32 @!p2 $0x0  }
0x16: {  	s3 =	sld [smem:$0x3FDB];
	s0 =	simm.s32 @p2 $0x1  }
0x17: {  	s4 =	simm.s32 $0x1BF5;
	[smem:$0x3FB1] =	sst s0  }
0x18: {  	s0 =	sld [smem:$0x3F94];
	_ =	swait.ge [sflag:s4], $0x0  }
0x19: {  	s7 =	sld [smem:$0x3F95]  }
0x1a: {  	s8 =	sadd.s32 $0xFFFFE003, lr  }
0x1b: {  	s9 =	sadd.s32 $0xFFFFFEF7, lr;
	s5 =	simm.s32 $0xFFFFFFFF;
	p2 =	slt.u32 s8, $0xFFFFF086  }
0x1c: {  	p1 =	slt.u32 s9, $0xF7A;
	s5 =	simm.s32 @!p2 $0x0  }
0x1d: {  	s5 =	simm.s32 @p1 $0x1;
	p0 =	seq.s32 s7, s2  }
0x1e: {  	s7 =	smul.u32 @!p0 $0xF7A, s2;
	p2 =	seq.s32 @!p0 s5, $0x0  }
0x1f: {  	s9 =	smul.u32 $0xF7A, s1;
	s8 =	simm.s32 @!p0 $0x1BF5;
	p2 =	por !p2, p0  }
0x20: {  	[sflag:s8] =	ssyncset.s32 @!p0 $0xFFFFF086;
	s6 =	sadd.s32 @!p0 s3, s7;
	s7 =	simm.s32 @!p0 $0x108  }
0x21: {  	s3 =	sadd.s32 s3, s9;
	s6 =	sadd.s32 @!p0 $0x88, s6;
	s7 =	simm.s32 @p2 $0x1082  }
0x22: {  	[simem:s7], [sflag:s8] =	dma.local @!p0 [hbm:s6], $0xF7A  }
0x23: {  	s9 =	sor.u32 $0xD0000000, s2;
	s6 =	simm.s32 $0x108;
	_ =	swait.ge @!p0 [sflag:s8], $0x0  }
0x24: {  	s3 =	sadd.s32 $0x88, s3;
	s6 =	simm.s32 @!p1 $0x1082;
	[sflag:s4] =	ssyncset.s32 $0xFFFFF086  }
0x25: {  	[simem:s6], [sflag:s4] =	dma.local [hbm:s3], $0xF7A  }
0x26: {  	[smem:$0x3F95] =	sst s1;
	(tag) =	ssettag s2;
	_ =	strace s9  }
0x27: {  	s1 =	sld [smem:$0x3FA5]  }
0x28: {  	s2 =	sld [smem:$0x3FA6]  }
0x29: {  	s4 =	sld [smem:$0x3FA8]  }
0x2a: {  	p0 =	seq.s32 s5, $0x0;
	s5 =	sld [smem:$0x3FA9]  }
0x2b: {  	s6 =	sld [smem:$0x3FAA]  }
0x2c: {  	s7 =	sld [smem:$0x3FAB]  }
0x2d: {  	s3 =	simm.s32 $0x108;
	s8 =	sld [smem:$0x3FAC]  }
0x2e: {  	s3 =	simm.s32 @!p0 $0x1082;
	s9 =	sld [smem:$0x3FAD]  }
0x2f: {  	lr =	sadd.s32 s0, s3;
	s0 =	sld [smem:$0x3FA4]  }
0x30: {  	s3 =	sld [smem:$0x3FA7]  }
0x31: {  	[smem:$0x3FB0] =	sst s10  }
0x32: {  	s10 =	sld [smem:$0x3FAE];
	_ =	sdelay $0x3  }
0x33: {  	p0 =	seq.s32 s10, $0x1;
	s10 =	sld [smem:$0x3FB0];
	_ =	sdelay $0x3  }
0x34: {  	[smem:$0x3FB0] =	sst s10  }
0x35: {  	s10 =	sld [smem:$0x3FAF];
	_ =	sdelay $0x3  }
0x36: {  	p1 =	seq.s32 s10, $0x1;
	s10 =	sld [smem:$0x3FB0];
	_ =	sdelay $0x3  }
0x37: {  	[smem:$0x3FB0] =	sst s10  }
0x38: {  	s10 =	sld [smem:$0x3FB1]  }
0x39: {  	_ = 	snop;
	(pc) =	sbr.ind lr, $3  }
0x3a: {  	_ = 	snop  }
0x3b: {  	_ = 	snop  }
0x3c: {  	p2 =	seq.s32 s10, $0x1;
	s10 =	sld [smem:$0x3FB0]  }
0x3d: {  	_ =	shalt  }
0x3e: {  	_ =	shalt  }
0x3f: {  	_ =	shalt  }
0x40: {  	_ =	shalt  }
0x41: {  	_ =	shalt  }
0x42: {  	_ =	shalt  }
0x43: {  	_ =	shalt  }
0x44: {  	_ =	shalt  }
0x45: {  	_ =	shalt  }
0x46: {  	_ =	shalt  }
0x47: {  	_ =	shalt  }
0x48: {  	_ =	shalt  }
0x49: {  	_ =	shalt  }
0x4a: {  	_ =	shalt  }
0x4b: {  	_ =	shalt  }
0x4c: {  	_ =	shalt  }
0x4d: {  	_ =	shalt  }
0x4e: {  	_ =	shalt  }
0x4f: {  	_ =	shalt  }
0x50: {  	_ =	shalt  }
0x51: {  	_ =	shalt  }
0x52: {  	_ =	shalt  }
0x53: {  	_ =	shalt  }
0x54: {  	_ =	shalt  }
0x55: {  	_ =	shalt  }
0x56: {  	_ =	shalt  }
0x57: {  	_ =	shalt  }
0x58: {  	_ =	shalt  }
0x59: {  	_ =	shalt  }
0x5a: {  	_ =	shalt  }
0x5b: {  	_ =	shalt  }
0x5c: {  	_ =	shalt  }
0x5d: {  	_ =	shalt  }
0x5e: {  	_ =	shalt  }
0x5f: {  	_ =	shalt  }
0x60: {  	_ =	shalt  }
0x61: {  	_ =	shalt  }
0x62: {  	_ =	shalt  }
0x63: {  	_ =	shalt  }
0x64: {  	_ =	shalt  }
0x65: {  	_ =	shalt  }
0x66: {  	_ =	shalt  }
0x67: {  	_ =	shalt  }
0x68: {  	_ =	shalt  }
0x69: {  	_ =	shalt  }
0x6a: {  	_ =	shalt  }
0x6b: {  	_ =	shalt  }
0x6c: {  	_ =	shalt  }
0x6d: {  	_ =	shalt  }
0x6e: {  	_ =	shalt  }
0x6f: {  	_ =	shalt  }
0x70: {  	_ =	shalt  }
0x71: {  	_ =	shalt  }
0x72: {  	_ =	shalt  }
0x73: {  	_ =	shalt  }
0x74: {  	_ =	shalt  }
0x75: {  	_ =	shalt  }
0x76: {  	_ =	shalt  }
0x77: {  	_ =	shalt  }
0x78: {  	_ =	shalt  }
0x79: {  	_ =	shalt  }
0x7a: {  	_ =	shalt  }
0x7b: {  	_ =	shalt  }
0x7c: {  	_ =	shalt  }
0x7d: {  	_ =	shalt  }
0x7e: {  	_ =	shalt  }
0x7f: {  	_ =	shalt  }
0x80: {  	_ =	shalt  }
0x81: {  	_ =	shalt  }
0x82: {  	_ =	shalt  }
0x83: {  	_ =	shalt  }
0x84: {  	_ =	shalt  }
0x85: {  	_ =	shalt  }
0x86: {  	_ =	shalt  }
0x87: {  	_ =	shalt  }
.Lfunc_end0:
.L_simem_size_0:
called_computation_lowered:
.L_overlay_start_0:
0x88: {  	s2 =	sld [smem:$0x3FD9]  }
0x89: {  	s3 =	sld [smem:$0x3FFE];
	_ =	sdelay $0x1  }
0x8a: {  	s1 =	srdreg.scid  }
0x8b: {  	s0 =	sand.u32 $0x1, s1  }
0x8c: {  	s17 =	sshll.u32 s0, $0xA;
	s2 =	sadd.s32 s3, s2  }
0x8d: {  	s2 =	sadd.s32 s2, s17  }
0x8e: {  	[smem:$0x3FBC] =	sst s2  }
0x8f: {  	_ = 	snop  }
0x90: {  	s2 =	sld [smem:$0x3FD0];
	(tm) =	ssettm $0x1  }
0x91: {  	s18 =	sld [smem:$0x3FFB];
	_ =	sdelay $0x3  }
0x92: {  	_ =	strace s18  }
0x93: {  	s3 =	sld [smem:$0x3FFC];
	_ =	sdelay $0x3  }
0x94: {  	_ =	strace s3  }
0x95: {  	s3 =	sld [smem:$0x3FFD];
	_ =	sdelay $0x3  }
0x96: {  	_ =	strace s3  }
0x97: {  	_ =	strace $0x8FFFFFFF  }
0x98: {  	s19 =	sld [smem:$0x3FDB];
	_ =	sdelay $0x1  }
0x99: {  	s4 =	simm.s32 $_scs_section_size  }
0x9a: {  	s5 =	simm.s32 $_size__tile_overlayer_lowered;
	s6 =	simm.s32 $_tile_overlayer_lowered  }
0x9b: {  	s22 =	simm.s32 $0x1BFF;
	s21 =	sshll.u32 s6, $0x1;
	s3 =	sadd.s32 s4, s19  }
0x9c: {  	s7 =	simm.s32 $0x0;
	s20 =	sshll.u32 s5, $0x1;
	s5 =	sadd.s32 s21, s3  }
0x9d: {  	[timem:s7], [sflag:s22] =	dma.local [hbm:s5], s20  }
0x9e: {  	_ =	swait.ge [sflag:s22], s20  }
0x9f: {  	s4 =	ssub.s32 $0x0, s20;
	[sflag:s22] =	ssyncset.done $0x0  }
0xa0: {  	[sflag:s22] =	ssyncadd.s32 s4;
	_ =	sdelay $0x1  }
0xa1: {  	s23 =	simm.s32 $0x1B8B  }
0xa2: {  	_ =	swait.ge [sflag:s23], $0x1  }
0xa3: {  	[sflag:s23] =	ssyncset.done $0x0  }
0xa4: {  	s25 =	simm.s32 $0x1B8E;
	s24 =	sld [smem:$0x3FFE];
	[sflag:s23] =	ssyncadd.s32 $0xFFFFFFFF  }
0xa5: {  	s26 =	simm.s32 $execute0_lowered;
	[smem:$0x3FD2] =	sst s25  }
0xa6: {  	s5 =	sshll.u32 s26, $0x1;
	_ =	strace $0x80000046;
	[dreg:$0x1] =	wrdreg $0xFFFFFFFF  }
0xa7: {  	s28 =	simm.s32 $_size_execute0_lowered;
	s3 =	sadd.s32 s3, s5;
	[dreg:$0x0] =	wrdreg $0x0  }
0xa8: {  	s5 =	sshll.u32 s28, $0x1;
	[dreg:$0x2] =	wrdreg s3  }
0xa9: {  	[dreg:$0x3] =	wrdreg s5  }
0xaa: {  	[dreg:$0x4] =	wrdreg $0xC0  }
0xab: {  	_ =	task [dreg:s7], $0x5FFFF  }
0xac: {  	[dreg:$0x1] =	wrdreg $0xFFFFFFFF  }
0xad: {  	[dreg:$0x0] =	wrdreg $0x60  }
0xae: {  	[dreg:$0x2] =	wrdreg s24  }
0xaf: {  	[dreg:$0x3] =	wrdreg s2  }
0xb0: {  	[dreg:$0x4] =	wrdreg $0x93000  }
0xb1: {  	[dreg:$0x5] =	wrdreg $0x1CB800  }
0xb2: {  	[dreg:$0x6] =	wrdreg $0x9  }
0xb3: {  	_ =	task.clear_ibuf [dreg:s7], $0x7FFFF;
	_ =	strace $0x90000046  }
0xb4: {  	s29 =	simm.s32 $0x9;
	_ =	strace $0x80000048  }
0xb5: {  	_ =	swait.ge [sflag:s29], $0x1  }
0xb6: {  	[sflag:s29] =	ssyncadd.s32 $0xFFFFFFFF  }
0xb7: {  	_ =	strace $0x90000048  }
0xb8: {  	_ =	sfence  }
0xb9: {  	s30 =	sld [smem:$0x0];
	_ =	sdelay $0x2  }
0xba: {  	s31 =	sshll.u32 s1, $0xD;
	s1 =	sshrl.u32 s1, $0x2  }
0xbb: {  	s3 =	sand.u32 $0x4000, s31;
	s1 =	sadd.s32 s1, s30  }
0xbc: {  	s0 =	sor.u32 s3, s0;
	s1 =	sshll.u32 s1, $0x11  }
0xbd: {  	s0 =	sor.u32 s1, s0  }
0xbe: {  	s0 =	sadd.s32 $0x8F2B, s0  }
0xbf: {  	[sflag:s0] =	ssyncadd.remote.s32 $0x1  }
0xc0: {  	_ =	sfence.sel $0xFFFF  }
0xc1: {  	[dreg:$0x0] =	wrdreg $0xFFFFFFFF;
	(pc) =	sbr.abs _section_cstart, $3  }
0xc2: {  	[dreg:$0x1] =	wrdreg $0xFFFFFFFF  }
0xc3: {  	_ =	task.clear_ibuf [dreg:s7], $0x2FFFF;
	_ =	strace $0x9FFFFFFF  }
0xc4: {  	(tm) =	ssettm $0x7FFFFFFF  }
0xc5: {  	_ =	shalt  }
tec
execute0_lowered:
.L_overlay_start_1:
0x0: {  	(tag) =	ssettag $0x1  }
0x1: {  	s0 =	rddreg [dreg:$0x0]  }
0x2: {  	s2 =	rddreg [dreg:$0x1]  }
0x3: {  	s31 =	rddreg [dreg:$0x2]  }
0x4: {  	s9 =	rddreg [dreg:$0x3]  }
0x5: {  	s14 =	simm.s32 $0x0;
	s1 =	srdreg.scid;
	s5 =	stileid.u32  }
0x6: {  	s21 =	simm.s32 $0x7;
	s16 =	simm.s32 $0x80;
	s29 =	simm.s32 $0x1980  }
0x7: {  	s17 =	simm.s32 $0x5;
	[smem:$0x7FF] =	sst s14;
	s6 =	sadd.s32 $0xBC00, s0  }
0x8: {  	s1 =	sand.u32 $0x1, s1;
	s7 =	sadd.s32 $0x33C00, s0;
	s8 =	sadd.s32 $0x4E3E00, s0  }
0x9: {  	s4 =	sshll.u32 s5, $0xB;
	s15 =	sadd.s32 $0x1E00, s0;
	s3 =	smul.u32 $0x138800, s1  }
0xa: {  	p0 =	sgt.u32 s5, $0x9;
	_ =	strace $0x80000047;
	s10 =	smul.u32 $0x5000, s1  }
0xb: {  	s11 =	sshll.u32 s1, $0x4;
	s1 =	ssub.s32 $0x2, s1;
	s20 =	sadd.s32 s4, s9  }
0xc: {  	[dreg:$0x6] =	wrdreg s15;
	s11 =	sor.u32 s5, s11;
	s23 =	sshrl.u32 s1, $0x1  }
0xd: {  	[dreg:$0x8] =	wrdreg s20;
	s3 =	sadd.s32 s4, s3;
	s22 =	smul.u32 $0x2710, s11  }
0xe: {  	s10 =	sadd.s32 s4, s10;
	s1 =	ssub.s32 s1, s23;
	s13 =	smul.u32 $0x27100, s11  }
0xf: {  	s23 =	simm.s32 $0x10;
	s3 =	sshrl.u32 s3, $0x3;
	s12 =	sshrl.u32 s10, $0x3  }
0x10: {  	s28 =	smax.u32 s1, $0x1;
	s3 =	sadd.s32 s3, s0;
	[dreg:$0x7] =	wrdreg s22  }
0x11: {  	s24 =	sshrl.u32 s22, $0x3;
	s26 =	sadd.s32 s8, s13;
	[dreg:$0xd] =	wrdreg s28  }
0x12: {  	s0 =	sadd.s32 s12, s0;
	s2 =	sadd.s32 s2, s24;
	[dreg:$0xb] =	wrdreg s26  }
0x13: {  	s22 =	simm.s32 $0x1;
	s25 =	sadd.s32 s15, s24;
	[dreg:$0x9] =	wrdreg s2  }
0x14: {  	s12 =	simm.s32 $0x3;
	s0 =	sadd.s32 $0x5BC00, s0;
	[dreg:$0xa] =	wrdreg s25  }
0x15: {  	s13 =	simm.s32 $0x4200;
	s30 =	sadd.s32 $0x5D000, s3;
	[dreg:$0xc] =	wrdreg s0  }
0x16: {  	s15 =	smul.u32 $0x138800, s11;
	s24 =	sadd.s32 s4, s31;
	[dreg:$0xf] =	wrdreg s30  }
0x17: {  	v0 =	vimm.f32 $0.0e+00;
	v16 =	vlaneseq.u32;
	s3 =	simm.s32 $0x2;
	s11 =	simm.s32 $0x6;
	[dreg:$0xe] =	wrdreg s24  }
.LBB2_1:
0x18: {  	s1 =	simm.s32 $0x0;
	s0 =	simm.s32 $0x200  }
.LBB2_2:
0x19: {  	p1 =	sne.s32 s0, $0x1E00;
	[tilespmem:s1+$0x3A70] =	vst v0  }
0x1a: {  	[tilespmem:s1+$0x3A00] =	vst v0  }
0x1b: {  	[tilespmem:s1+$0x3A10] =	vst v0  }
.Ltmp0:
0x1c: {  	[tilespmem:s1+$0x3A20] =	vst v0;
	(pc) =	sbr.rel @p1 .LBB2_2-.Ltmp0, $4  }
0x1d: {  	[tilespmem:s1+$0x3A30] =	vst v0  }
0x1e: {  	[tilespmem:s1+$0x3A40] =	vst v0  }
0x1f: {  	[tilespmem:s1+$0x3A50] =	vst v0  }
0x20: {  	[tilespmem:s1+$0x3A60] =	vst v0;
	s1 =	sshra.s32 s0, $0x2;
	s0 =	sadd.s32 $0x200, s0  }
0x21: {  	[tilespmem:s1+$0x3A70] =	vst v0  }
0x22: {  	[tilespmem:s1+$0x3A00] =	vst v0  }
0x23: {  	[tilespmem:s1+$0x3A10] =	vst v0  }
0x24: {  	[tilespmem:s1+$0x3A20] =	vst v0  }
0x25: {  	[tilespmem:s1+$0x3A30] =	vst v0  }
0x26: {  	[tilespmem:s1+$0x3A40] =	vst v0  }
0x27: {  	[tilespmem:s1+$0x3A50] =	vst v0  }
0x28: {  	s0 =	simm.s32 $0x0;
	[tilespmem:s1+$0x3A60] =	vst v0;
	s1 =	simm.s32 $0x0;
	s4 =	simm.s32 $0x200  }
.LBB2_4:
0x29: {  	p1 =	sne.s32 s4, $0x13E00;
	[tilespmem:s1+$0x4270] =	vst v0  }
0x2a: {  	[tilespmem:s1+$0x4200] =	vst v0  }
0x2b: {  	[tilespmem:s1+$0x4210] =	vst v0  }
.Ltmp1:
0x2c: {  	[tilespmem:s1+$0x4220] =	vst v0;
	(pc) =	sbr.rel @p1 .LBB2_4-.Ltmp1, $4  }
0x2d: {  	[tilespmem:s1+$0x4230] =	vst v0  }
0x2e: {  	[tilespmem:s1+$0x4240] =	vst v0  }
0x2f: {  	[tilespmem:s1+$0x4250] =	vst v0  }
0x30: {  	[tilespmem:s1+$0x4260] =	vst v0;
	s1 =	sshra.s32 s4, $0x2;
	s4 =	sadd.s32 $0x200, s4  }
0x31: {  	[tilespmem:s1+$0x4270] =	vst v0  }
0x32: {  	[tilespmem:s1+$0x4200] =	vst v0  }
0x33: {  	[tilespmem:s1+$0x4210] =	vst v0  }
0x34: {  	[tilespmem:s1+$0x4220] =	vst v0  }
0x35: {  	[tilespmem:s1+$0x4230] =	vst v0  }
0x36: {  	[tilespmem:s1+$0x4240] =	vst v0  }
0x37: {  	[tilespmem:s1+$0x4250] =	vst v0  }
0x38: {  	[tilespmem:s1+$0x4260] =	vst v0;
	s1 =	simm.s32 $0x9200  }
.LBB2_6:
0x39: {  	p1 =	sne.s32 s0, $0x90  }
.Ltmp2:
0x3a: {  	_ = 	snop;
	(pc) =	sbr.rel @p1 .LBB2_6-.Ltmp2, $3  }
0x3b: {  	_ =	sdelay $0x1  }
0x3c: {  	v0 =	vor.u32 s0, v16  }
0x3d: {  	s0 =	sadd.s32 $0x10, s0;
	[tilespmem:s1+$0x0] =	vst v0;
	s1 =	sadd.s32 $0x10, s1  }
0x3e: {  	s0 =	sadd.s32 $0x0, s5  }
0x3f: {  	p1 =	sgt.u32 s0, $0x270  }
0x40: {  	[dreg:$0x5] =	wrdreg s14;
	s0 =	simm.s32 @!p1 $0x3A00;
	s18 =	simm.s32 @!p1 $0x7  }
0x41: {  	[spmem:s24] =	stream.linear.scatter @!p1 [tilespmem:s0], [sflag:$0x7], $0x800, $0x38;
	[tilespmem:$0x1D080] =	vst v63  }
0x42: {  	s1 =	simm.s32 $0x10;
	_ =	swait.ge @!p1 [sflag:s18], $0x800  }
0x43: {  	s4 =	simm.s32 $0x20;
	s0 =	sadd.s32 $0x8000, s24;
	[sflag:s18] =	ssyncset.done @!p1 $0x0  }
.LBB2_8:
0x44: {  	s19 =	sadd.s32 s1, s5;
	s1 =	smov.u32 s4;
	s4 =	sadd.s32 $0x10, s4  }
0x45: {  	[sflag:s18] =	ssyncadd.s32 @!p1 $0xFFFFF800;
	p2 =	sne.s32 s4, $0x280  }
.Ltmp3:
0x46: {  	p1 =	sgt.u32 s19, $0x270;
	(pc) =	sbr.rel @p2 .LBB2_8-.Ltmp3, $4  }
0x47: {  	s19 =	simm.s32 @!p1 $0x3A00;
	s18 =	simm.s32 @!p1 $0x7  }
0x48: {  	[spmem:s0] =	stream.linear.scatter @!p1 [tilespmem:s19], [sflag:$0x7], $0x800, $0x38;
	[tilespmem:$0x1D080] =	vst v63  }
0x49: {  	_ =	swait.ge @!p1 [sflag:s18], $0x800  }
0x4a: {  	s0 =	sadd.s32 $0x8000, s0;
	[sflag:s18] =	ssyncset.done @!p1 $0x0  }
0x4b: {  	s1 =	sadd.s32 s1, s5  }
0x4c: {  	p2 =	sgt.u32 s1, $0x270  }
0x4d: {  	[sflag:s18] =	ssyncadd.s32 @!p1 $0xFFFFF800;
	s1 =	simm.s32 @!p2 $0x3A00;
	s4 =	simm.s32 @!p2 $0x7  }
0x4e: {  	[spmem:s0] =	stream.linear.scatter @!p2 [tilespmem:s1], [sflag:$0x7], $0x800, $0x38;
	[tilespmem:$0x1D080] =	vst v63  }
0x4f: {  	_ =	swait.ge @!p2 [sflag:s4], $0x800  }
0x50: {  	[sflag:s4] =	ssyncset.done @!p2 $0x0  }
0x51: {  	s0 =	simm.s32 @!p0 $0x3A00;
	[sflag:s4] =	ssyncadd.s32 @!p2 $0xFFFFF800  }
0x52: {  	[spmem:s20] =	stream.linear.scatter @!p0 [tilespmem:s0], [sflag:$0x7], $0x800, $0x38;
	[tilespmem:$0x1D080] =	vst v63  }
0x53: {  	s0 =	simm.s32 @!p0 $0x7  }
0x54: {  	_ =	swait.ge @!p0 [sflag:s0], $0x800  }
0x55: {  	[sflag:s0] =	ssyncset.done @!p0 $0x0  }
0x56: {  	[sflag:s0] =	ssyncadd.s32 @!p0 $0xFFFFF800  }
0x57: {  	[bflag:$0x0] =	sbarrier.arrive $0xFFFF  }
0x58: {  	s19 =	simm.s32 $0x0;
	s18 =	simm.s32 $0x3200;
	s14 =	rddreg [dreg:$0x9]  }
0x59: {  	[tilespmem:s18], [sflag:$0x7] =	stream.linear.gather [hbm4b:s14+s19], $0x400, $0x38;
	[tilespmem:$0x1D080] =	vst v63  }
0x5a: {  	_ =	swait.ge [sflag:s21], $0x400  }
0x5b: {  	[sflag:s21] =	ssyncset.done $0x0  }
0x5c: {  	s24 =	simm.s32 $0x3600;
	s20 =	rddreg [dreg:$0xa];
	[sflag:s21] =	ssyncadd.s32 $0xFFFFFC00  }
0x5d: {  	[tilespmem:s24], [sflag:$0x7] =	stream.linear.gather [hbm4b:s20+s19], $0x400, $0x38;
	[tilespmem:$0x1D080] =	vst v63  }
0x5e: {  	_ =	swait.ge [sflag:s21], $0x400  }
0x5f: {  	[sflag:s21] =	ssyncset.done $0x0  }
0x60: {  	[sflag:s21] =	ssyncadd.s32 $0xFFFFFC00  }
0x61: {  	v0 =	vld [tilespmem:$0x3200]  }
0x62: {  	v1 =	vld [tilespmem:$0x3600];
	_ =	sdelay $0x3  }
0x63: {  	[tilespmem:$0x0] =	vst v0  }
0x64: {  	s25 =	simm.s32 $0x100;
	[tilespmem:$0x80] =	vst v1  }
0x65: {  	[tilespmem:s25], [sflag:$0x1] =	stream.indirect.gather [hbm4b:s6+s23], $0x80, s16, s23, $0xb8;
	[tilespmem:$0x1D080] =	vst v63  }
0x66: {  	s26 =	simm.s32 $0x900  }
0x67: {  	[tilespmem:s26], [sflag:$0x2] =	stream.indirect.gather [hbm4b:s7+s23], $0x80, s19, s23, $0xb8;
	[tilespmem:$0x1D080] =	vst v63  }
0x68: {  	s30 =	simm.s32 $0x1100;
	s18 =	simm.s32 $0x0;
	s28 =	rddreg [dreg:$0xb]  }
0x69: {  	[tilespmem:s30], [sflag:$0x3] =	stream.linear.gather [hbm4b:s28+s19], $0x800, $0x38;
	[tilespmem:$0x1D080] =	vst v63  }
.LBB2_10:
0x6a: {  	s0 =	sshllo.u32 s18, $0x1  }
0x6b: {  	s1 =	sshll.u32 s0, $0x4  }
0x6c: {  	s1 =	sand.u32 $0x3F0, s1  }
0x6d: {  	v0 =	vld [tilespmem:s1+$0x3200];
	_ =	sdelay $0x4  }
0x6e: {  	[tilespmem:$0x1900] =	vst v0  }
0x6f: {  	v0 =	vld [tilespmem:s1+$0x3600];
	_ =	sdelay $0x3  }
0x70: {  	s0 =	sshll.u32 s0, $0xB  }
0x71: {  	s20 =	simm.s32 $0x1A00;
	s0 =	sadd.s32 s15, s0;
	[tilespmem:$0x1980] =	vst v0  }
0x72: {  	[tilespmem:s20], [sflag:$0x4] =	stream.indirect.gather [hbm4b:s6+s23], $0x80, s29, s23, $0xb8;
	[tilespmem:$0x1D080] =	vst v63  }
0x73: {  	s25 =	simm.s32 $0x1900;
	s2 =	simm.s32 $0x2200;
	s0 =	sshrl.u32 s0, $0x3  }
0x74: {  	[tilespmem:s2], [sflag:$0x5] =	stream.indirect.gather [hbm4b:s7+s23], $0x80, s25, s23, $0xb8;
	[tilespmem:$0x1D080] =	vst v63  }
0x75: {  	s26 =	simm.s32 $0x2A00;
	s0 =	sadd.s32 s8, s0  }
0x76: {  	[tilespmem:s26], [sflag:$0x6] =	stream.linear.gather [hbm4b:s0+s19], $0x800, $0x38;
	[tilespmem:$0x1D080] =	vst v63  }
0x77: {  	_ =	swait.ge [sflag:s22], $0x800  }
0x78: {  	[sflag:s22] =	ssyncset.done $0x0  }
0x79: {  	[sflag:s22] =	ssyncadd.s32 $0xFFFFF800  }
0x7a: {  	_ =	swait.ge [sflag:s3], $0x800  }
0x7b: {  	[sflag:s3] =	ssyncset.done $0x0  }
0x7c: {  	[sflag:s3] =	ssyncadd.s32 $0xFFFFF800  }
0x7d: {  	_ =	swait.ge [sflag:s12], $0x800  }
0x7e: {  	[sflag:s12] =	ssyncset.done $0x0  }
0x7f: {  	s29 =	simm.s32 $0x200;
	[sflag:s12] =	ssyncadd.s32 $0xFFFFF800  }
0x80: {  	s4 =	simm.s32 $0xA00;
	v6 =	vld [tilespmem:s29+$0xFFFFFF30]  }
0x81: {  	s2 =	simm.s32 $0x1200;
	v0 =	vld [tilespmem:s4+$0xFFFFFF30]  }
0x82: {  	v1 =	vld [tilespmem:s2+$0xFFFFFF30]  }
0x83: {  	v2 =	vld [tilespmem:s4+$0xFFFFFFB0]  }
0x84: {  	v3 =	vld [tilespmem:s2+$0xFFFFFFB0]  }
0x85: {  	v5 =	vld [tilespmem:s4+$0x30]  }
0x86: {  	v7 =	vld [tilespmem:s2+$0x30]  }
0x87: {  	v8 =	vld [tilespmem:s4+$0xB0]  }
0x88: {  	v4 =	vld [tilespmem:s2+$0xB0]  }
0x89: {  	v9 =	vld [tilespmem:s4+$0xFFFFFF20]  }
0x8a: {  	v10 =	vld [tilespmem:s2+$0xFFFFFF20]  }
0x8b: {  	v11 =	vld [tilespmem:s4+$0xFFFFFFA0]  }
0x8c: {  	v12 =	vld [tilespmem:s2+$0xFFFFFFA0]  }
0x8d: {  	v13 =	vld [tilespmem:s4+$0x20]  }
0x8e: {  	v14 =	vld [tilespmem:s2+$0x20]  }
0x8f: {  	v18 =	vld [tilespmem:s4+$0xA0]  }
0x90: {  	v19 =	vld [tilespmem:s4+$0xFFFFFF10]  }
0x91: {  	v23 =	vld [tilespmem:s4+$0x10]  }
0x92: {  	v27 =	vld [tilespmem:s2+$0x10]  }
0x93: {  	v34 =	vld [tilespmem:s2+$0x90]  }
0x94: {  	v36 =	vld [tilespmem:s2+$0xFFFFFF00]  }
0x95: {  	v40 =	vld [tilespmem:s2+$0xFFFFFF80]  }
0x96: {  	v44 =	vld [tilespmem:s29+$0xFFFFFF70]  }
0x97: {  	v46 =	vld [tilespmem:s29+$0xFFFFFF10];
	v25 =	vunpack.i.u.bf16.f32 v0;
	v26 =	vunpack.i.l.bf16.f32 v0  }
0x98: {  	v0 =	vld [tilespmem:s2+$0xA0];
	v17 =	vunpack.i.u.bf16.f32 v1;
	v21 =	vunpack.i.l.bf16.f32 v1;
	v28 =	vunpack.i.u.bf16.f32 v2  }
0x99: {  	v29 =	vunpack.i.l.bf16.f32 v2;
	v1 =	vld [tilespmem:s2+$0xFFFFFF10];
	v15 =	vunpack.i.u.bf16.f32 v3;
	v20 =	vunpack.i.l.bf16.f32 v3  }
0x9a: {  	v30 =	vunpack.i.u.bf16.f32 v5;
	v2 =	vld [tilespmem:s4+$0xFFFFFF90];
	v31 =	vunpack.i.l.bf16.f32 v5;
	v22 =	vunpack.i.u.bf16.f32 v7  }
0x9b: {  	v53 =	vunpack.i.l.bf16.f32 v7;
	v3 =	vld [tilespmem:s2+$0xFFFFFF90];
	v57 =	vunpack.i.u.bf16.f32 v10;
	v52 =	vunpack.i.l.bf16.f32 v10  }
0x9c: {  	v56 =	vunpack.i.u.bf16.f32 v12;
	v54 =	vunpack.i.u.bf16.f32 v14;
	v55 =	vunpack.i.l.bf16.f32 v14;
	v14 =	vld [tilespmem:s4+$0xFFFFFF00]  }
0x9d: {  	v47 =	vld [tilespmem:s4+$0x0];
	v58 =	vunpack.i.l.bf16.f32 v12;
	v10 =	vunpack.i.u.bf16.f32 v18;
	v35 =	vunpack.i.l.bf16.f32 v18  }
0x9e: {  	v50 =	vld [tilespmem:s29+$0xFFFFFF40];
	v37 =	vunpack.i.u.bf16.f32 v19;
	v38 =	vunpack.i.l.bf16.f32 v19;
	v18 =	vunpack.i.u.bf16.f32 v0  }
0x9f: {  	v12 =	vld [tilespmem:s4+$0x90];
	v19 =	vunpack.i.l.bf16.f32 v0;
	v59 =	vunpack.i.u.bf16.f32 v1;
	v51 =	vunpack.i.l.bf16.f32 v1  }
0xa0: {  	v0 =	vld [tilespmem:s4+$0xFFFFFF80];
	v39 =	vunpack.i.u.bf16.f32 v2;
	v41 =	vunpack.i.l.bf16.f32 v2;
	v60 =	vunpack.i.u.bf16.f32 v3  }
0xa1: {  	v61 =	vunpack.i.l.bf16.f32 v3;
	v2 =	vld [tilespmem:s29+$0xFFFFFF00];
	v3 =	vunpack.i.l.bf16.f32 v14;
	v1 =	vunpack.i.l.bf16.f32 v36  }
0xa2: {  	v5 =	vunpack.i.u.bf16.f32 v8;
	v48 =	vadd.f32 v1, v3;
	v3 =	vunpack.i.u.bf16.f32 v36;
	v36 =	vld [tilespmem:s29+$0xFFFFFF20];
	[tilespmem:$0x1FE60] =	vst v51  }
0xa3: {  	v7 =	vunpack.i.l.bf16.f32 v8;
	v24 =	vunpack.i.l.bf16.f32 v4;
	v8 =	vunpack.i.u.bf16.f32 v9;
	[tilespmem:$0x1FE70] =	vst v21  }
0xa4: {  	v9 =	vunpack.i.l.bf16.f32 v9;
	v32 =	vunpack.i.u.bf16.f32 v11;
	v11 =	vunpack.i.l.bf16.f32 v11;
	[tilespmem:$0x1FE80] =	vst v17  }
0xa5: {  	v33 =	vunpack.i.u.bf16.f32 v13;
	v13 =	vunpack.i.l.bf16.f32 v13;
	v38 =	vadd.f32 v51, v38;
	v51 =	vld [tilespmem:s29+$0xFFFFFFB0]  }
0xa6: {  	v26 =	vadd.f32 v21, v26;
	v25 =	vadd.f32 v17, v25;
	v2 =	vmul.f32 v48, v2;
	v48 =	vld [tilespmem:s29+$0xFFFFFF50];
	[tilespmem:$0x1FE90] =	vst v52  }
0xa7: {  	v9 =	vadd.f32 v52, v9;
	v29 =	vadd.f32 v20, v29;
	v38 =	vmul.f32 v38, v46;
	v46 =	vld [tilespmem:s2+$0x0];
	[tilespmem:$0x1FEA0] =	vst v20  }
0xa8: {  	v42 =	vunpack.i.u.bf16.f32 v23;
	v31 =	vadd.f32 v53, v31;
	[tilespmem:$0x1FEB0] =	vst v59;
	v17 =	vadd.f32 $0.0e+00, v2  }
0xa9: {  	v43 =	vunpack.i.l.bf16.f32 v23;
	v30 =	vadd.f32 v22, v30;
	v8 =	vadd.f32 v57, v8;
	v20 =	vld [tilespmem:s29+$0xFFFFFF80]  }
0xaa: {  	v11 =	vadd.f32 v58, v11;
	v9 =	vmul.f32 v9, v36;
	v21 =	vld [tilespmem:s29+$0xFFFFFF60];
	[tilespmem:$0x1FEC0] =	vst v53;
	v38 =	vadd.f32 v38, v17  }
0xab: {  	v23 =	vunpack.i.u.bf16.f32 v27;
	v32 =	vadd.f32 v56, v32;
	v37 =	vadd.f32 v59, v37;
	v59 =	vld [tilespmem:s29+$0xFFFFFF90]  }
0xac: {  	v63 =	vunpack.i.l.bf16.f32 v27;
	v13 =	vadd.f32 v55, v13;
	v9 =	vadd.f32 v9, v38;
	v38 =	vld [tilespmem:s29+$0xFFFFFFF0];
	[tilespmem:$0x1FED0] =	vst v22  }
0xad: {  	v33 =	vadd.f32 v54, v33;
	v6 =	vmul.f32 v26, v6;
	v14 =	vunpack.i.u.bf16.f32 v14;
	v26 =	vld [tilespmem:s4+$0x80];
	[tilespmem:$0x1FEE0] =	vst v57  }
0xae: {  	v62 =	vunpack.i.l.bf16.f32 v34;
	v43 =	vadd.f32 v63, v43;
	v14 =	vadd.f32 v3, v14;
	[tilespmem:$0x1FEF0] =	vst v24  }
0xaf: {  	v49 =	vunpack.i.l.bf16.f32 v0;
	v52 =	vadd.f32 v24, v7;
	v2 =	vunpack.i.l.bf16.f32 v40;
	[tilespmem:$0x1FF00] =	vst v61  }
0xb0: {  	v27 =	vmovc v15;
	v15 =	vunpack.i.u.bf16.f32 v34;
	v7 =	vadd.f32 v61, v41;
	v49 =	vadd.f32 v2, v49;
	v61 =	vld [tilespmem:s29+$0xFFFFFFC0];
	[tilespmem:$0x1FF10] =	vst v58  }
0xb1: {  	v42 =	vadd.f32 v23, v42;
	v28 =	vadd.f32 v27, v28;
	v14 =	vmul.f32 v50, v14;
	v17 =	vld [tilespmem:s29+$0xFFFFFFA0];
	[tilespmem:$0x1FF20] =	vst v56  }
0xb2: {  	v34 =	vunpack.i.u.bf16.f32 v0;
	v0 =	vunpack.i.u.bf16.f32 v40;
	v40 =	vmul.f32 v49, v20;
	v20 =	vld [tilespmem:s29+$0xFFFFFFD0]  }
0xb3: {  	v45 =	vunpack.i.u.bf16.f32 v12;
	v12 =	vunpack.i.l.bf16.f32 v12;
	v8 =	vmul.f32 v21, v8;
	v21 =	vld [tilespmem:s2+$0x80]  }
0xb4: {  	v35 =	vadd.f32 v19, v35;
	v14 =	vadd.f32 $0.0e+00, v14;
	v37 =	vmul.f32 v48, v37;
	v53 =	vld [tilespmem:s29+$0x30];
	[tilespmem:$0x1FF30] =	vst v55  }
0xb5: {  	v25 =	vmul.f32 v44, v25;
	v12 =	vadd.f32 v62, v12;
	v45 =	vadd.f32 v15, v45;
	[tilespmem:$0x1FF40] =	vst v60  }
0xb6: {  	v10 =	vadd.f32 v18, v10;
	v36 =	vunpack.i.u.bf16.f32 v47;
	v14 =	vadd.f32 v37, v14;
	v22 =	vld [tilespmem:s29+$0x0]  }
0xb7: {  	v50 =	vadd.f32 v6, v9;
	v9 =	vmul.f32 v7, v59;
	v40 =	vadd.f32 $0.0e+00, v40;
	v55 =	vld [tilespmem:s29+$0x70];
	[tilespmem:$0x1FF50] =	vst v54  }
0xb8: {  	v47 =	vunpack.i.l.bf16.f32 v47;
	v34 =	vadd.f32 v0, v34;
	v6 =	vunpack.i.u.bf16.f32 v46;
	v57 =	vld [tilespmem:s29+$0xFFFFFFE0]  }
0xb9: {  	v14 =	vadd.f32 v8, v14;
	v9 =	vadd.f32 v9, v40;
	v59 =	vld [tilespmem:s29+$0x10];
	[tilespmem:$0x1FF60] =	vst v19;
	v11 =	vmul.f32 v11, v17  }
0xba: {  	v7 =	vunpack.i.l.bf16.f32 v46;
	v8 =	vadd.f32 v60, v39;
	v36 =	vadd.f32 v6, v36;
	v60 =	vld [tilespmem:s29+$0x40];
	[tilespmem:$0x1FF70] =	vst v63  }
0xbb: {  	v29 =	vmul.f32 v29, v51;
	[tilespmem:$0x1FF80] =	vst v23;
	v11 =	vadd.f32 v11, v9;
	v9 =	vadd.f32 v7, v47  }
0xbc: {  	v14 =	vadd.f32 v25, v14;
	v28 =	vmul.f32 v38, v28;
	v34 =	vmul.f32 v61, v34;
	v61 =	vld [tilespmem:s29+$0x20];
	[tilespmem:$0x1FF90] =	vst v62  }
0xbd: {  	v56 =	vunpack.i.u.bf16.f32 v26;
	v26 =	vunpack.i.l.bf16.f32 v26;
	v63 =	vld [tilespmem:s29+$0x50];
	[tilespmem:$0x1FFA0] =	vst v15;
	v39 =	vmul.f32 v9, v22  }
0xbe: {  	v58 =	vmul.f32 v20, v8;
	v8 =	vunpack.i.u.bf16.f32 v21;
	v34 =	vadd.f32 $0.0e+00, v34;
	v17 =	vld [tilespmem:s29+$0x80]  }
0xbf: {  	v20 =	vld [tilespmem:s29+$0x60];
	v37 =	vadd.f32 v8, v56;
	v19 =	vmul.f32 v43, v59;
	v25 =	vadd.f32 $0.0e+00, v39  }
0xc0: {  	v34 =	vadd.f32 v58, v34;
	v32 =	vmul.f32 v57, v32;
	v9 =	vunpack.i.l.bf16.f32 v21;
	v22 =	vld [tilespmem:s29+$0x90]  }
0xc1: {  	v23 =	vld [tilespmem:s29+$0xC0];
	v13 =	vmul.f32 v13, v61;
	v26 =	vadd.f32 v9, v26;
	v25 =	vadd.f32 v19, v25  }
0xc2: {  	v46 =	vld [tilespmem:s29+$0xA0];
	v11 =	vadd.f32 v29, v11;
	v21 =	vmul.f32 v60, v36;
	v29 =	vadd.f32 v32, v34  }
0xc3: {  	v26 =	vmul.f32 v26, v17;
	v13 =	vadd.f32 v13, v25;
	v25 =	vmul.f32 v31, v53;
	v31 =	vld [tilespmem:s29+$0xD0]  }
0xc4: {  	v47 =	vld [tilespmem:s29+$0xB0];
	v32 =	vadd.f32 $0.0e+00, v21;
	v44 =	vmul.f32 v63, v42;
	v39 =	vunpack.i.u.bf16.f32 v4  }
0xc5: {  	v28 =	vadd.f32 v28, v29;
	v29 =	vld [tilespmem:s29+$0xE0];
	v26 =	vadd.f32 $0.0e+00, v26;
	v12 =	vmul.f32 v12, v22  }
0xc6: {  	v33 =	vmul.f32 v20, v33;
	v48 =	vmul.f32 v23, v37;
	v32 =	vadd.f32 v44, v32  }
0xc7: {  	v49 =	vld [tilespmem:s29+$0xF0];
	v12 =	vadd.f32 v12, v26;
	v26 =	vmul.f32 v35, v46;
	v13 =	vadd.f32 v25, v13  }
0xc8: {  	(xrf2) =	vadd.scan.msk.f32 $0xffff, v50;
	v25 =	vadd.f32 v33, v32;
	v32 =	vadd.f32 $0.0e+00, v48;
	v31 =	vmul.f32 v31, v45  }
0xc9: {  	(xrf2) =	vadd.scan.msk.f32 $0xffff, v14;
	v30 =	vmul.f32 v55, v30;
	v4 =	vmul.f32 v52, v47;
	v5 =	vadd.f32 v39, v5  }
0xca: {  	(xrf2) =	vadd.scan.msk.f32 $0xffff, v11;
	v10 =	vmul.f32 v29, v10;
	v12 =	vadd.f32 v26, v12;
	v11 =	vadd.f32 v31, v32  }
0xcb: {  	(xrf2) =	vadd.scan.msk.f32 $0xffff, v28;
	v14 =	vadd.f32 v30, v25  }
0xcc: {  	v5 =	vmul.f32 v49, v5;
	(xrf2) =	vadd.scan.msk.f32 $0xffff, v13;
	v4 =	vadd.f32 v4, v12;
	v10 =	vadd.f32 v10, v11  }
0xcd: {  	(xrf2) =	vadd.scan.msk.f32 $0xffff, v14  }
0xce: {  	(xrf2) =	vadd.scan.msk.f32 $0xffff, v4;
	v4 =	vadd.f32 v5, v10;
	_ =	sdelay $0x3  }
0xcf: {  	(xrf2) =	vadd.scan.msk.f32 $0xffff, v4;
	v4, _, _ =	vpop (xrf2)  }
0xd0: {  	v5, _, _ =	vpop (xrf2);
	(v2sf) =	vpush v4, $0xF  }
0xd1: {  	v4, _, _ =	vpop (xrf2);
	(v2sf) =	vpush v5, $0xF  }
0xd2: {  	(v2sf) =	vpush v4, $0xF;
	_ =	sdelay $0x2  }
0xd3: {  	v5, _, _ =	vpop (xrf2)  }
0xd4: {  	v4, _, _ =	vpop (xrf2);
	(v2sf) =	vpush v5, $0xF  }
0xd5: {  	v5, _, _ =	vpop (xrf2);
	(v2sf) =	vpush v4, $0xF  }
0xd6: {  	v4, _, _ =	vpop (xrf2);
	(v2sf) =	vpush v5, $0xF  }
0xd7: {  	(v2sf) =	vpush v4, $0xF  }
0xd8: {  	v4, _, _ =	vpop (xrf2)  }
0xd9: {  	(v2sf) =	vpush v4, $0xF;
	_ =	sdelay $0x3  }
0xda: {  	s9 =	spop (v2sf)  }
0xdb: {  	s0 =	smul.f32 $1.250000000e-01, s9;
	s10 =	spop (v2sf)  }
0xdc: {  	[tilespmem:$0x1FFB0] =	vst v18;
	s1 =	smul.f32 $1.250000000e-01, s10;
	s20 =	spop (v2sf)  }
0xdd: {  	v4 =	vld [tilespmem:s4+$0xFFFFFF40];
	s20 =	smul.f32 $1.250000000e-01, s20;
	v10 =	vmov s0  }
0xde: {  	v11 =	vmov s1;
	v10 =	vmul.f32 $1.442695020e+00, v10  }
0xdf: {  	v12 =	vmov s20;
	v11 =	vmul.f32 $1.442695020e+00, v11  }
0xe0: {  	s25 =	spop (v2sf);
	v12 =	vmul.f32 $1.442695020e+00, v12;
	v10 =	vbroadcast v10, $0x0  }
0xe1: {  	s25 =	smul.f32 $1.250000000e-01, s25;
	s26 =	spop (v2sf);
	v11 =	vbroadcast v11, $0x0  }
0xe2: {  	v5 =	vunpack.i.u.bf16.f32 v4;
	s14 =	smul.f32 $1.250000000e-01, s26;
	s16 =	spop (v2sf);
	(erf) = vpow2.f32 v10;
	v12 =	vbroadcast v12, $0x0  }
0xe3: {  	v26 =	vld [tilespmem:s4+$0xFFFFFFC0];
	v4 =	vunpack.i.l.bf16.f32 v4;
	v13 =	vmov s25;
	s26 =	smul.f32 $1.250000000e-01, s16;
	s29 =	spop (v2sf);
	s25 =	simm.s32 $0x400;
	(erf) = vpow2.f32 v11  }
0xe4: {  	v1 =	vadd.f32 v4, v1;
	s2 =	smul.f32 $1.250000000e-01, s29;
	(erf) = vpow2.f32 v12;
	v12 =	vld [tilespmem:s25+$0xFFFFFF30]  }
0xe5: {  	v14 =	vmov s14;
	v13 =	vmul.f32 $1.442695020e+00, v13;
	s9 =	spop (v2sf);
	v25 =	vmov s26  }
0xe6: {  	v14 =	vmul.f32 $1.442695020e+00, v14;
	s10 =	smul.f32 $1.250000000e-01, s9;
	v25 =	vmul.f32 $1.442695020e+00, v25;
	v28 =	vmov s2  }
0xe7: {  	v3 =	vadd.f32 v5, v3;
	v13 =	vbroadcast v13, $0x0;
	v28 =	vmul.f32 $1.442695020e+00, v28  }
0xe8: {  	v10 =	vld [tilespmem:s4+$0x40];
	v5 =	vbroadcast v14, $0x0;
	v29 =	vmov s10;
	v14 =	vbroadcast v25, $0x0  }
0xe9: {  	s1 =	simm.s32 $0xC00;
	v11 =	vld [tilespmem:s4+$0xC0];
	(erf) = vpow2.f32 v13;
	v25 =	vunpack.i.l.bf16.f32 v26;
	v4 =	vmul.f32 $1.442695020e+00, v29;
	[tilespmem:$0x1FFC0] =	vst v12  }
0xea: {  	s26 =	simm.s32 $0x1400;
	(erf) = vpow2.f32 v5;
	v12 =	vunpack.i.u.bf16.f32 v26;
	v26 =	vbroadcast v28, $0x0;
	v13 =	vld [tilespmem:s1+$0xFFFFFF30]  }
0xeb: {  	(erf) = vpow2.f32 v14;
	v4 =	vbroadcast v4, $0x0;
	v50 =	vld [tilespmem:s26+$0xFFFFFF30]  }
0xec: {  	v14 =	vld [tilespmem:s1+$0xFFFFFFB0];
	(erf) = vpow2.f32 v26  }
0xed: {  	v37 =	vld [tilespmem:s26+$0xFFFFFFB0];
	(erf) = vpow2.f32 v4  }
0xee: {  	v5 =	vunpack.i.u.bf16.f32 v10;
	v0 =	vadd.f32 v12, v0;
	v12 =	vld [tilespmem:s1+$0x30]  }
0xef: {  	s16 =	simm.s32 $0x2;
	v2 =	vadd.f32 v25, v2;
	v25 =	vunpack.i.u.bf16.f32 v11;
	v5 =	vadd.f32 v5, v6;
	v6 =	vld [tilespmem:s26+$0x30];
	v40 =	vpop (erf)  }
0xf0: {  	v10 =	vunpack.i.l.bf16.f32 v10;
	v8 =	vadd.f32 v25, v8;
	v25 =	vmov s16;
	v19 =	vld [tilespmem:s26+$0xB0];
	v28 =	vpop (erf)  }
0xf1: {  	v7 =	vadd.f32 v10, v7;
	v10 =	vimm.f32 $0.0e+00;
	v38 =	vld [tilespmem:s1+$0xFFFFFF20];
	vm14 =	veq.s32 v25, v16;
	v41 =	vpop (erf)  }
0xf2: {  	v43 =	vld [tilespmem:s1+$0xFFFFFFA0];
	v4 =	vunpack.i.l.bf16.f32 v11;
	v1 =	vmul.f32 v40, v1;
	v11 =	vmov s19;
	v42 =	vpop (erf)  }
0xf3: {  	s14 =	simm.s32 $0x1;
	v46 =	vld [tilespmem:s26+$0xFFFFFFA0];
	v4 =	vadd.f32 v4, v9;
	v3 =	vmul.f32 v28, v3;
	vm0 =	veq.s32 v11, v16;
	v30 =	vpop (erf)  }
0xf4: {  	s29 =	simm.s32 $0x3;
	v15 =	vld [tilespmem:s26+$0x20];
	v11 =	vmov s14;
	v26 =	vsel vm0, v40, v10;
	v10 =	vsel vm0, v28, v10;
	v31 =	vpop (erf)  }
0xf5: {  	v9 =	vld [tilespmem:s1+$0xB0];
	vm13 =	veq.s32 v11, v16;
	v44 =	vmul.f32 v41, v2;
	v2 =	vmov s29;
	v32 =	vpop (erf)  }
0xf6: {  	v11 =	vld [tilespmem:s26+$0xFFFFFF20];
	v26 =	vsel vm13, v41, v26;
	v10 =	vsel vm13, v42, v10;
	v34 =	vmul.f32 v42, v0;
	v0 =	vpop (erf)  }
0xf7: {  	s20 =	simm.s32 $0x3B00;
	vm15 =	veq.s32 v2, v16;
	v16 =	vld [tilespmem:s1+$0x20];
	v22 =	vunpack.i.u.bf16.f32 v50;
	v48 =	vunpack.i.l.bf16.f32 v50;
	[tilespmem:$0x1FFD0] =	vst v0  }
0xf8: {  	v2 =	vunpack.i.l.bf16.f32 v14;
	v23 =	vunpack.i.u.bf16.f32 v37;
	v37 =	vunpack.i.l.bf16.f32 v37;
	v58 =	vld [tilespmem:s1+$0xA0];
	[tilespmem:s20+$0xFFFFFF00] =	vst v1  }
0xf9: {  	v55 =	vunpack.i.u.bf16.f32 v12;
	v7 =	vmul.f32 v30, v7;
	v10 =	vsel vm14, v31, v10;
	v63 =	vld [tilespmem:s26+$0xA0];
	[tilespmem:s20+$0xFFFFFF40] =	vst v3  }
0xfa: {  	v61 =	vsel vm15, v0, v10;
	v20 =	vmul.f32 v0, v8;
	v0 =	vld [tilespmem:s1+$0xFFFFFF10];
	[tilespmem:s20+$0xFFFFFF80] =	vst v44;
	v3 =	vunpack.i.l.bf16.f32 v12  }
0xfb: {  	v1 =	vld [tilespmem:s26+$0xFFFFFF10];
	v12 =	vunpack.i.u.bf16.f32 v6;
	v44 =	vunpack.i.l.bf16.f32 v6;
	[tilespmem:s20+$0xFFFFFFC0] =	vst v34;
	v6 =	vunpack.i.u.bf16.f32 v9  }
0xfc: {  	v49 =	vunpack.i.u.bf16.f32 v46;
	v29 =	vunpack.i.l.bf16.f32 v15;
	v35 =	vmul.f32 v31, v5;
	v56 =	vld [tilespmem:s1+$0xFFFFFF90];
	[tilespmem:$0x1FFE0] =	vst v6  }
0xfd: {  	v47 =	vunpack.i.l.bf16.f32 v19;
	v25 =	vsel vm14, v30, v26;
	v10 =	vmul.f32 v32, v4;
	[tilespmem:s20+$0x0] =	vst v7  }
0xfe: {  	v5 =	vunpack.i.u.bf16.f32 v13;
	v60 =	vunpack.i.l.bf16.f32 v9;
	v53 =	vunpack.i.u.bf16.f32 v11;
	v62 =	vld [tilespmem:s26+$0xFFFFFF90];
	[tilespmem:s20+$0x40] =	vst v35  }
0xff: {  	v50 =	vunpack.i.l.bf16.f32 v11;
	v11 =	vunpack.i.u.bf16.f32 v43;
	v59 =	vunpack.i.u.bf16.f32 v16;
	v9 =	vld [tilespmem:s1+$0x10];
	[tilespmem:s20+$0x80] =	vst v10  }
0x100: {  	v52 =	vsel vm15, v32, v25;
	v8 =	vunpack.i.l.bf16.f32 v13;
	v4 =	vunpack.i.u.bf16.f32 v14;
	v54 =	vld [tilespmem:s26+$0x10];
	[tilespmem:s20+$0xC0] =	vst v20  }
0x101: {  	s24 =	smov.u32 s31;
	s30 =	sshll.u32 s18, $0x1;
	v13 =	vunpack.i.u.bf16.f32 v38;
	v14 =	vunpack.i.l.bf16.f32 v38;
	v38 =	vunpack.i.u.bf16.f32 v15;
	v45 =	vmovc v12;
	v57 =	vld [tilespmem:s1+$0x90];
	[tilespmem:$0x1FFF0] =	vst v19  }
0x102: {  	s31 =	simm.s32 $0x4;
	s28 =	simm.s32 $0x8;
	s0 =	simm.s32 $0x3B00;
	v12 =	vunpack.i.l.bf16.f32 v43;
	v43 =	vmovc v22;
	v35 =	vunpack.i.l.bf16.f32 v46;
	v46 =	vmovc v23;
	v10 =	vunpack.i.l.bf16.f32 v16;
	v7 =	vld [tilespmem:s26+$0x90]  }
.LBB2_11:
0x103: {  	[tilespmem:$0x1FD30] =	vst v28  }
0x104: {  	[tilespmem:$0x1FD60] =	vst v30;
	v28 =	vadd.f32 v43, v5;
	v51 =	vadd.f32 v37, v2  }
0x105: {  	v15 =	vld [tilespmem:s1+$0xFFFFFF00];
	v30 =	vadd.f32 v46, v4;
	[tilespmem:$0x1FE40] =	vst v44;
	v44 =	vadd.f32 v44, v3  }
0x106: {  	[tilespmem:$0x1FD50] =	vst v42;
	v42 =	vld [tilespmem:s26+$0xFFFFFF00];
	v3 =	vadd.f32 v45, v55;
	v14 =	vadd.f32 v50, v14  }
0x107: {  	[tilespmem:$0x1FD40] =	vst v41;
	v19 =	vld [tilespmem:s1+$0xFFFFFF80];
	v2 =	vadd.f32 v47, v60;
	v13 =	vadd.f32 v53, v13  }
0x108: {  	[tilespmem:$0x1FDC0] =	vst v43;
	v21 =	vld [tilespmem:s26+$0xFFFFFF80];
	v12 =	vadd.f32 v35, v12;
	v60 =	vadd.f32 v49, v11  }
0x109: {  	[tilespmem:$0x1FE50] =	vst v47;
	v23 =	vld [tilespmem:s25+$0xFFFFFF70];
	v6 =	vunpack.i.u.bf16.f32 v58;
	v16 =	vunpack.i.l.bf16.f32 v58;
	v33 =	vunpack.i.l.bf16.f32 v63  }
0x10a: {  	v26 =	vld [tilespmem:s1+$0x0];
	v47 =	vadd.f32 v29, v10;
	[tilespmem:$0x1FD10] =	vst v6;
	v6 =	vunpack.i.u.bf16.f32 v63;
	v16 =	vadd.f32 v33, v16  }
0x10b: {  	[tilespmem:$0x1FE10] =	vst v52;
	v52 =	vld [tilespmem:s25+$0xFFFFFFB0];
	v17 =	vunpack.i.u.bf16.f32 v0;
	v18 =	vunpack.i.l.bf16.f32 v0;
	v63 =	vunpack.i.u.bf16.f32 v1  }
0x10c: {  	[tilespmem:$0x1FE00] =	vst v39;
	v39 =	vld [tilespmem:s26+$0x0];
	v0 =	vunpack.i.l.bf16.f32 v1;
	v20 =	vunpack.i.u.bf16.f32 v56;
	v22 =	vunpack.i.l.bf16.f32 v56  }
0x10d: {  	[tilespmem:$0x1FE20] =	vst v61;
	v41 =	vld [tilespmem:s25+$0xFFFFFFF0];
	v61 =	vunpack.i.u.bf16.f32 v62;
	v1 =	vunpack.i.l.bf16.f32 v62;
	v24 =	vunpack.i.u.bf16.f32 v9  }
0x10e: {  	[tilespmem:$0x1FDE0] =	vst v27;
	v43 =	vld [tilespmem:s25+$0x30];
	v25 =	vunpack.i.l.bf16.f32 v9;
	v62 =	vunpack.i.u.bf16.f32 v54;
	v54 =	vunpack.i.l.bf16.f32 v54  }
0x10f: {  	[tilespmem:$0x1FE30] =	vst v45;
	v45 =	vld [tilespmem:s26+$0x80];
	v27 =	vunpack.i.u.bf16.f32 v57;
	v36 =	vunpack.i.l.bf16.f32 v57;
	v56 =	vunpack.i.u.bf16.f32 v7  }
0x110: {  	[tilespmem:$0x1FDF0] =	vst v46;
	v46 =	vld [tilespmem:s25+$0xFFFFFF00];
	v57 =	vunpack.i.l.bf16.f32 v7;
	v34 =	vunpack.i.u.bf16.f32 v15;
	v15 =	vunpack.i.l.bf16.f32 v15  }
0x111: {  	[tilespmem:$0x1FD20] =	vst v40;
	v4 =	vld [tilespmem:s25+$0x70];
	v7 =	vunpack.i.u.bf16.f32 v42;
	v9 =	vunpack.i.l.bf16.f32 v42;
	v40 =	vunpack.i.u.bf16.f32 v19  }
0x112: {  	[tilespmem:$0x1FD80] =	vst v32;
	v32 =	vld [tilespmem:s25+$0xFFFFFF40];
	v19 =	vunpack.i.l.bf16.f32 v19;
	v58 =	vunpack.i.u.bf16.f32 v21;
	v42 =	vadd.f32 v48, v8  }
0x113: {  	v5 =	vunpack.i.l.bf16.f32 v21;
	v8 =	vunpack.i.u.bf16.f32 v39;
	v55 =	vunpack.i.l.bf16.f32 v39;
	v39 =	vld [tilespmem:s25+$0xFFFFFF10]  }
0x114: {  	[tilespmem:$0x1FD70] =	vst v31;
	v31 =	vunpack.i.u.bf16.f32 v26;
	v11 =	vadd.f32 v9, v15;
	v15 =	vadd.f32 v38, v59;
	v59 =	vld [tilespmem:s25+$0xFFFFFF20]  }
0x115: {  	[tilespmem:$0x1FDA0] =	vst v33;
	v33 =	vld [tilespmem:s25+$0xFFFFFF50];
	v26 =	vunpack.i.l.bf16.f32 v26;
	v18 =	vadd.f32 v0, v18;
	v17 =	vadd.f32 v63, v17  }
0x116: {  	v21 =	vld [tilespmem:s1+$0x80];
	v10 =	vunpack.i.u.bf16.f32 v45;
	v22 =	vadd.f32 v1, v22;
	v20 =	vadd.f32 v61, v20  }
0x117: {  	[tilespmem:$0x1FDD0] =	vst v37;
	v25 =	vadd.f32 v54, v25;
	v37 =	vadd.f32 v7, v34;
	v34 =	vld [tilespmem:s25+$0xFFFFFF80];
	v46 =	vmul.f32 v11, v46  }
0x118: {  	v24 =	vadd.f32 v62, v24;
	v36 =	vadd.f32 v57, v36;
	v18 =	vmul.f32 v18, v39;
	v39 =	vld [tilespmem:s25+$0xFFFFFF60]  }
0x119: {  	v11 =	vunpack.i.l.bf16.f32 v45;
	v45 =	vadd.f32 $0.0e+00, v46;
	v14 =	vmul.f32 v14, v59;
	v59 =	vld [tilespmem:$0x1FFC0]  }
0x11a: {  	v27 =	vadd.f32 v56, v27;
	v19 =	vadd.f32 v5, v19;
	v32 =	vmul.f32 v32, v37;
	v37 =	vld [tilespmem:s25+$0xFFFFFF90]  }
0x11b: {  	v26 =	vadd.f32 v55, v26;
	v18 =	vadd.f32 v18, v45;
	v45 =	vld [tilespmem:s25+$0xFFFFFFC0]  }
0x11c: {  	[tilespmem:$0x1FDB0] =	vst v48;
	v17 =	vmul.f32 v33, v17;
	v33 =	vld [tilespmem:s25+$0xFFFFFFA0];
	v48 =	vunpack.i.u.bf16.f32 v21;
	v21 =	vunpack.i.l.bf16.f32 v21  }
0x11d: {  	v32 =	vadd.f32 $0.0e+00, v32;
	v46 =	vadd.f32 v58, v40;
	v19 =	vmul.f32 v19, v34;
	v34 =	vld [tilespmem:s25+$0xFFFFFFD0]  }
0x11e: {  	v14 =	vadd.f32 v14, v18;
	v13 =	vmul.f32 v39, v13;
	v39 =	vld [tilespmem:s25+$0x0];
	v18 =	vmul.f32 v42, v59  }
0x11f: {  	v40 =	vld [tilespmem:s25+$0xFFFFFFE0];
	v17 =	vadd.f32 v17, v32;
	v37 =	vmul.f32 v22, v37;
	v59 =	vadd.f32 $0.0e+00, v19  }
0x120: {  	v42 =	vmul.f32 v23, v28;
	v28 =	vld [tilespmem:s25+$0x10];
	v45 =	vmul.f32 v45, v46;
	v14 =	vadd.f32 v18, v14  }
0x121: {  	v12 =	vmul.f32 v12, v33;
	v13 =	vadd.f32 v13, v17;
	v46 =	vld [tilespmem:s25+$0x40];
	v18 =	vadd.f32 v37, v59  }
0x122: {  	v32 =	vld [tilespmem:s25+$0x20];
	v33 =	vmul.f32 v51, v52;
	v59 =	vmul.f32 v34, v20;
	(xrf2) =	vadd.scan.msk.f32 $0xffff, v14;
	v14 =	vadd.f32 $0.0e+00, v45  }
0x123: {  	v13 =	vadd.f32 v42, v13;
	v12 =	vadd.f32 v12, v18;
	v34 =	vmul.f32 v26, v39;
	v26 =	vld [tilespmem:s25+$0x50]  }
0x124: {  	[tilespmem:$0x1FD90] =	vst v29;
	v29 =	vld [tilespmem:s25+$0x80];
	v37 =	vmul.f32 v40, v60;
	v39 =	vadd.f32 v8, v31;
	v14 =	vadd.f32 v59, v14  }
0x125: {  	v42 =	vld [tilespmem:s25+$0x60];
	v45 =	vmul.f32 v41, v30;
	(xrf2) =	vadd.scan.msk.f32 $0xffff, v13;
	v40 =	vmul.f32 v25, v28;
	v13 =	vadd.f32 $0.0e+00, v34  }
0x126: {  	v12 =	vadd.f32 v33, v12;
	v19 =	vmul.f32 v46, v39;
	v46 =	vld [tilespmem:s25+$0x90];
	v14 =	vadd.f32 v37, v14  }
0x127: {  	v21 =	vadd.f32 v11, v21;
	v52 =	vld [tilespmem:s25+$0xC0];
	v51 =	vmul.f32 v47, v32;
	v13 =	vadd.f32 v40, v13  }
0x128: {  	v60 =	vld [tilespmem:s25+$0xA0];
	(xrf2) =	vadd.scan.msk.f32 $0xffff, v12;
	v59 =	vmul.f32 v26, v24;
	v12 =	vadd.f32 v45, v14;
	v14 =	vadd.f32 $0.0e+00, v19  }
0x129: {  	v21 =	vmul.f32 v21, v29;
	v32 =	vmul.f32 v44, v43;
	v24 =	vld [tilespmem:s25+$0xD0];
	v13 =	vadd.f32 v51, v13  }
0x12a: {  	v22 =	vld [tilespmem:$0x1FD30];
	v33 =	vadd.f32 v10, v48;
	v15 =	vmul.f32 v42, v15;
	v14 =	vadd.f32 v59, v14  }
0x12b: {  	v25 =	vld [tilespmem:s1+$0xFFFFFF40];
	v36 =	vmul.f32 v36, v46;
	(xrf2) =	vadd.scan.msk.f32 $0xffff, v12;
	v12 =	vadd.f32 v32, v13;
	v13 =	vadd.f32 $0.0e+00, v21  }
0x12c: {  	v3 =	vmul.f32 v4, v3;
	v34 =	vld [tilespmem:s25+$0xB0];
	v4 =	vmul.f32 v52, v33;
	v14 =	vadd.f32 v15, v14  }
0x12d: {  	v28 =	vmov v6;
	v6 =	vld [tilespmem:$0x1FD10];
	v39, _, _ =	vpop (xrf2);
	v13 =	vadd.f32 v36, v13;
	v15 =	vmul.f32 v16, v60;
	(xrf2) =	vadd.scan.msk.f32 $0xffff, v12  }
0x12e: {  	v4 =	vadd.f32 $0.0e+00, v4;
	v12 =	vld [tilespmem:s1+$0xFFFFFFC0];
	v3 =	vadd.f32 v3, v14;
	v14 =	vmul.f32 v24, v27  }
0x12f: {  	v13 =	vadd.f32 v15, v13;
	v15 =	vld [tilespmem:$0x1FFF0]  }
0x130: {  	v14 =	vadd.f32 v14, v4;
	v4 =	vld [tilespmem:$0x1FFE0]  }
0x131: {  	v37 =	vld [tilespmem:s25+$0xE0];
	v2 =	vmul.f32 v2, v34  }
0x132: {  	v43 =	vld [tilespmem:s1+$0xC0];
	v6 =	vadd.f32 v28, v6  }
0x133: {  	v40 =	vld [tilespmem:s25+$0xF0];
	v41, _, _ =	vpop (xrf2);
	(v2sf) =	vpush v39, $0xF;
	(xrf2) =	vadd.scan.msk.f32 $0xffff, v3;
	v3 =	vunpack.i.u.bf16.f32 v25;
	v13 =	vadd.f32 v2, v13  }
0x134: {  	v42 =	vld [tilespmem:s1+$0x40];
	v2 =	vadd.f32 v3, v7;
	v7 =	vunpack.i.u.bf16.f32 v12;
	v24 =	vunpack.i.u.bf16.f32 v15  }
0x135: {  	v48 =	vld [tilespmem:$0x1FEB0];
	(v2sf) =	vpush v41, $0xF;
	v44, _, _ =	vpop (xrf2);
	v15 =	vadd.f32 v24, v4;
	v4 =	vunpack.i.l.bf16.f32 v25  }
0x136: {  	v45 =	vld [tilespmem:s4+$0xFFFFFF50];
	v6 =	vmul.f32 v37, v6;
	(v2sf) =	vpush v44, $0xF;
	v4 =	vadd.f32 v4, v9;
	v9, _, _ =	vpop (xrf2)  }
0x137: {  	v3 =	vunpack.i.l.bf16.f32 v12;
	v12 =	vld [tilespmem:s4+$0x50];
	v60 =	vadd.f32 v7, v58;
	v7, _, _ =	vpop (xrf2);
	(v2sf) =	vpush v9, $0xF  }
0x138: {  	(v2sf) =	vpush v7, $0xF;
	v7 =	vld [tilespmem:$0x1FF70]  }
0x139: {  	v6 =	vadd.f32 v6, v14;
	v14 =	vld [tilespmem:s4+$0xFFFFFFD0];
	v16 =	vmul.f32 v40, v15;
	v15 =	vunpack.i.l.bf16.f32 v42  }
0x13a: {  	v47 =	vunpack.i.l.bf16.f32 v43;
	v55 =	vadd.f32 v15, v55;
	v15 =	vld [tilespmem:$0x1FE60]  }
0x13b: {  	v23 =	vadd.f32 v47, v11;
	(xrf2) =	vadd.scan.msk.f32 $0xffff, v13;
	v13 =	vunpack.i.u.bf16.f32 v42;
	v9 =	vld [tilespmem:$0x1FF40];
	v6 =	vadd.f32 v16, v6  }
0x13c: {  	v51 =	vmovc v63;
	v63 =	vld [tilespmem:$0x1FD20];
	v3 =	vadd.f32 v3, v5;
	v11 =	vunpack.i.u.bf16.f32 v12;
	v12 =	vunpack.i.l.bf16.f32 v12  }
0x13d: {  	v5 =	vunpack.i.u.bf16.f32 v43;
	(xrf2) =	vadd.scan.msk.f32 $0xffff, v6;
	v6 =	vunpack.i.u.bf16.f32 v45;
	v7 =	vadd.f32 v12, v7;
	v12 =	vld [tilespmem:$0x1FD50]  }
0x13e: {  	v59 =	vadd.f32 v13, v8;
	v8 =	vunpack.i.l.bf16.f32 v45;
	v6 =	vadd.f32 v6, v48  }
0x13f: {  	v26 =	vld [tilespmem:$0x1FD70];
	v58 =	vadd.f32 v5, v10;
	v5 =	vunpack.i.u.bf16.f32 v14;
	v8 =	vadd.f32 v8, v15  }
0x140: {  	v46 =	vld [tilespmem:s4+$0xD0];
	v5 =	vadd.f32 v5, v9;
	v6 =	vmul.f32 v22, v6  }
0x141: {  	v52 =	vmov v0;
	v0 =	vmul.f32 v63, v8;
	v8 =	vld [tilespmem:$0x1FF00]  }
0x142: {  	[tilespmem:s20+$0xFFFFFF50] =	vst v6;
	v6 =	vld [tilespmem:$0x1FF80];
	v5 =	vmul.f32 v12, v5  }
0x143: {  	v36 =	vld [tilespmem:$0x1FD40]  }
0x144: {  	v10 =	vunpack.i.l.bf16.f32 v14;
	[tilespmem:s20+$0xFFFFFFD0] =	vst v5;
	v5 =	vld [tilespmem:$0x1FFA0]  }
0x145: {  	v33 =	vld [tilespmem:$0x1FFD0]  }
0x146: {  	v25 =	vld [tilespmem:$0x1FD60];
	v14, _, _ =	vpop (xrf2);
	v9 =	vmov v61;
	v21 =	vadd.f32 v10, v8  }
0x147: {  	(v2sf) =	vpush v14, $0xF;
	[tilespmem:$0x1FF40] =	vst v9;
	v10 =	vmov v1;
	v1, _, _ =	vpop (xrf2);
	v9 =	vadd.f32 v11, v6  }
0x148: {  	v13 =	vunpack.i.u.bf16.f32 v46;
	[tilespmem:s20+$0xFFFFFF10] =	vst v0;
	(v2sf) =	vpush v1, $0xF;
	v1, _, _ =	vpop (xrf2);
	v0 =	vmul.f32 v36, v21  }
0x149: {  	(v2sf) =	vpush v1, $0xF;
	v1 =	vmul.f32 v26, v9;
	v5 =	vadd.f32 v13, v5  }
0x14a: {  	[tilespmem:s20+$0xFFFFFF90] =	vst v0  }
0x14b: {  	v8 =	vmov v62;
	v0 =	vmul.f32 v25, v7;
	v7 =	vld [tilespmem:$0x1FF90];
	[tilespmem:s20+$0x50] =	vst v1;
	v1 =	vmul.f32 v33, v5  }
0x14c: {  	[tilespmem:$0x1FF80] =	vst v8;
	v8 =	vld [tilespmem:s4+$0xFFFFFF60]  }
0x14d: {  	[tilespmem:s20+$0xD0] =	vst v1;
	v1 =	vld [tilespmem:$0x1FE90];
	_ =	sdelay $0x1  }
0x14e: {  	v32 =	vld [tilespmem:$0x1FD80];
	v15 =	vunpack.i.l.bf16.f32 v46;
	[tilespmem:$0x1FF00] =	vst v10;
	v6 =	vmov v54;
	v9 =	vmov v56  }
0x14f: {  	[tilespmem:$0x1FF70] =	vst v6;
	v10 =	vadd.f32 v15, v7;
	v7 =	vmov v57  }
0x150: {  	v6 =	vld [tilespmem:s4+$0xFFFFFFE0];
	[tilespmem:$0x1FF90] =	vst v7;
	v7 =	vunpack.i.l.bf16.f32 v8  }
0x151: {  	[tilespmem:$0x1FFA0] =	vst v9;
	v9 =	vmov v53;
	v1 =	vadd.f32 v7, v1;
	v7 =	vld [tilespmem:$0x1FEE0]  }
0x152: {  	[tilespmem:$0x1FEE0] =	vst v9;
	v9 =	vld [tilespmem:$0x1FF10]  }
0x153: {  	[tilespmem:s20+$0x10] =	vst v0;
	v0 =	vmul.f32 v32, v10;
	_ =	sdelay $0x1  }
0x154: {  	[tilespmem:s20+$0x90] =	vst v0;
	v0 =	vunpack.i.u.bf16.f32 v8;
	v8 =	vmov v50  }
0x155: {  	[tilespmem:$0x1FE90] =	vst v8;
	v8 =	vunpack.i.u.bf16.f32 v6;
	v6 =	vunpack.i.l.bf16.f32 v6  }
0x156: {  	v1 =	vmul.f32 v1, v63;
	v6 =	vadd.f32 v6, v9  }
0x157: {  	v5 =	vld [tilespmem:s4+$0x60]  }
0x158: {  	[tilespmem:s20+$0xFFFFFF20] =	vst v1;
	v1 =	vmul.f32 v6, v36;
	v6 =	vld [tilespmem:$0x1FF30];
	_ =	sdelay $0x3  }
0x159: {  	v13 =	vunpack.i.u.bf16.f32 v5;
	v5 =	vunpack.i.l.bf16.f32 v5;
	v9 =	vld [tilespmem:$0x1FF20]  }
0x15a: {  	v5 =	vadd.f32 v5, v6  }
0x15b: {  	v0 =	vadd.f32 v0, v7;
	v7 =	vld [tilespmem:s4+$0xE0]  }
0x15c: {  	[tilespmem:s20+$0xFFFFFFA0] =	vst v1;
	v1 =	vmul.f32 v5, v25;
	v5 =	vld [tilespmem:$0x1FF60];
	_ =	sdelay $0x1  }
0x15d: {  	v10 =	vmov v35;
	v0 =	vmul.f32 v0, v22;
	v8 =	vadd.f32 v8, v9  }
0x15e: {  	[tilespmem:$0x1FF10] =	vst v10  }
0x15f: {  	v10 =	vld [tilespmem:$0x1FD90];
	[tilespmem:s20+$0xFFFFFF60] =	vst v0;
	v0 =	vmul.f32 v8, v12;
	v8 =	vunpack.i.u.bf16.f32 v7;
	v7 =	vunpack.i.l.bf16.f32 v7  }
0x160: {  	v5 =	vadd.f32 v7, v5;
	v7 =	vld [tilespmem:$0x1FFB0];
	_ =	sdelay $0x1  }
0x161: {  	v9 =	vmov v49  }
0x162: {  	v6 =	vld [tilespmem:$0x1FF50]  }
0x163: {  	s9 =	spop (v2sf);
	v11 =	vmov v38;
	[tilespmem:$0x1FF20] =	vst v9  }
0x164: {  	s10 =	spop (v2sf);
	[tilespmem:$0x1FF50] =	vst v11;
	v9 =	vmov v10;
	v7 =	vadd.f32 v8, v7;
	v8 =	vld [tilespmem:$0x1FDA0]  }
0x165: {  	s29 =	spop (v2sf);
	[tilespmem:$0x1FF30] =	vst v9  }
0x166: {  	s29 =	smul.f32 $1.250000000e-01, s29;
	s2 =	spop (v2sf);
	[tilespmem:s20+$0xFFFFFFE0] =	vst v0  }
0x167: {  	s2 =	smul.f32 $1.250000000e-01, s2;
	v10 =	vmov v28;
	[tilespmem:s20+$0x20] =	vst v1;
	v13 =	vadd.f32 v13, v6;
	v1 =	vmul.f32 v5, v32  }
0x168: {  	s9 =	smul.f32 $1.250000000e-01, s9;
	[tilespmem:$0x1FFB0] =	vst v10  }
0x169: {  	s10 =	smul.f32 $1.250000000e-01, s10;
	s14 =	spop (v2sf);
	v11 =	vmov s2;
	v0 =	vmul.f32 v13, v26;
	v10 =	vmov s29;
	[tilespmem:s20+$0xA0] =	vst v1;
	v6 =	vmovc v8  }
0x16a: {  	s16 =	spop (v2sf);
	v9 =	vld [tilespmem:s4+$0xFFFFFF70];
	v1 =	vmul.f32 $1.442695020e+00, v10;
	v10 =	vmul.f32 $1.442695020e+00, v11;
	[tilespmem:$0x1FF60] =	vst v6;
	v6 =	vmov s9;
	s9 =	smul.f32 $1.250000000e-01, s14  }
0x16b: {  	s2 =	smul.f32 $1.250000000e-01, s16;
	[tilespmem:s20+$0x60] =	vst v0;
	v5 =	vmul.f32 v7, v33;
	v7 =	vmov s10;
	s14 =	spop (v2sf);
	v0 =	vmul.f32 $1.442695020e+00, v6  }
0x16c: {  	v1 =	vbroadcast v1, $0x0;
	v6 =	vmul.f32 $1.442695020e+00, v7;
	s16 =	smul.f32 $1.250000000e-01, s14;
	v7 =	vmov s9  }
0x16d: {  	v11 =	vmov s2;
	[tilespmem:s20+$0xE0] =	vst v5;
	v5 =	vmul.f32 $1.442695020e+00, v7;
	v0 =	vbroadcast v0, $0x0  }
0x16e: {  	v7 =	vmul.f32 $1.442695020e+00, v11;
	v11 =	vmov s16;
	v6 =	vbroadcast v6, $0x0  }
0x16f: {  	v15 =	vunpack.i.u.bf16.f32 v9;
	v11 =	vmul.f32 $1.442695020e+00, v11;
	(erf) = vpow2.f32 v0  }
0x170: {  	v0 =	vunpack.i.l.bf16.f32 v9;
	v9 =	vbroadcast v10, $0x0;
	(erf) = vpow2.f32 v6  }
0x171: {  	v5 =	vbroadcast v5, $0x0;
	(erf) = vpow2.f32 v1  }
0x172: {  	v37 =	vmov v12;
	v12 =	vld [tilespmem:s4+$0x70];
	v7 =	vbroadcast v7, $0x0;
	(erf) = vpow2.f32 v9  }
0x173: {  	v8 =	vld [tilespmem:s4+$0xFFFFFFF0];
	v9 =	vbroadcast v11, $0x0;
	(erf) = vpow2.f32 v5  }
0x174: {  	v13 =	vld [tilespmem:s4+$0xF0];
	(erf) = vpow2.f32 v7  }
0x175: {  	s29 =	spop (v2sf);
	(erf) = vpow2.f32 v9;
	v9 =	vld [tilespmem:$0x1FE70]  }
0x176: {  	s10 =	smul.f32 $1.250000000e-01, s29  }
0x177: {  	s25 =	sadd.s32 $0x200, s25  }
0x178: {  	v14 =	vmov s10;
	v6 =	vunpack.i.u.bf16.f32 v8;
	v11 =	vld [tilespmem:s25+$0xFFFFFF30]  }
0x179: {  	v1 =	vunpack.i.l.bf16.f32 v8;
	v8 =	vunpack.i.u.bf16.f32 v12;
	v5 =	vunpack.i.l.bf16.f32 v12;
	v12 =	vld [tilespmem:$0x1FDB0]  }
0x17a: {  	v7 =	vunpack.i.u.bf16.f32 v13;
	v0 =	vadd.f32 v0, v9;
	v9 =	vunpack.i.l.bf16.f32 v13;
	v13 =	vld [tilespmem:$0x1FDC0]  }
0x17b: {  	v47 =	vld [tilespmem:$0x1FE10];
	v14 =	vmul.f32 $1.442695020e+00, v14  }
0x17c: {  	v39 =	vmov v24;
	v24 =	vld [tilespmem:$0x1FE40]  }
0x17d: {  	v48 =	vld [tilespmem:$0x1FE20]  }
0x17e: {  	v10 =	vbroadcast v14, $0x0;
	[tilespmem:$0x1FFC0] =	vst v11;
	v11 =	vmov v12;
	v12 =	vld [tilespmem:$0x1FEA0]  }
0x17f: {  	v14 =	vmov v13;
	v13 =	vld [tilespmem:$0x1FDD0]  }
0x180: {  	s26 =	sadd.s32 $0x200, s26;
	(erf) = vpow2.f32 v10;
	v10 =	vld [tilespmem:$0x1FE80]  }
0x181: {  	s4 =	smov.u32 s1;
	s1 =	sadd.s32 $0x200, s1;
	v34 =	vld [tilespmem:s26+$0xB0]  }
0x182: {  	v16 =	vld [tilespmem:s1+$0xB0]  }
0x183: {  	[tilespmem:$0x1FE70] =	vst v11;
	v11 =	vld [tilespmem:s1+$0xFFFFFF30]  }
0x184: {  	v1 =	vadd.f32 v1, v12;
	v12 =	vmov v13;
	v13 =	vld [tilespmem:$0x1FDE0]  }
0x185: {  	v10 =	vadd.f32 v15, v10;
	[tilespmem:$0x1FE80] =	vst v14;
	v14 =	vld [tilespmem:$0x1FED0]  }
0x186: {  	v0 =	vmul.f32 v0, v63;
	v63 =	vld [tilespmem:s26+$0xA0]  }
0x187: {  	v40 =	vpop (erf);
	v10 =	vmul.f32 v10, v22;
	v22 =	vld [tilespmem:s1+$0x20]  }
0x188: {  	v28 =	vpop (erf);
	[tilespmem:$0x1FEA0] =	vst v12;
	v12 =	vld [tilespmem:s26+$0xFFFFFF30]  }
0x189: {  	v29 =	vmul.f32 v28, v2;
	v6 =	vadd.f32 v6, v13;
	v13 =	vld [tilespmem:$0x1FEC0]  }
0x18a: {  	v4 =	vmul.f32 v40, v4;
	v41 =	vpop (erf);
	v8 =	vadd.f32 v8, v14;
	v14 =	vld [tilespmem:$0x1FEF0];
	[tilespmem:s20+$0xFFFFFF30] =	vst v0  }
0x18b: {  	v15 =	vmov s31;
	v42 =	vpop (erf);
	v0 =	vmul.f32 v1, v36;
	v1 =	vld [tilespmem:$0x1FE00];
	[tilespmem:s0+$0xFFFFFF70] =	vst v10;
	s20 =	sadd.s32 $0x200, s20  }
0x18c: {  	v43 =	vlaneseq.u32;
	s14 =	sadd.s32 $0x3, s31;
	s29 =	sadd.s32 $0x2, s31;
	v46 =	vpop (erf);
	v10 =	vld [tilespmem:s26+$0x30];
	[tilespmem:s20+$0xFFFFFF00] =	vst v4  }
0x18d: {  	s16 =	sadd.s32 $0x1, s31;
	v45 =	vmov s29;
	v2 =	vpop (erf);
	v4 =	vmov s14;
	[tilespmem:s20+$0xFFFFFF40] =	vst v29;
	v29 =	vmov v24;
	v24 =	vld [tilespmem:$0x1FE50]  }
0x18e: {  	[tilespmem:$0x1FEB0] =	vst v51;
	v44 =	vmov s16;
	vm0 =	veq.s32 v15, v43;
	v15 =	vpop (erf);
	v5 =	vadd.f32 v5, v13;
	v13 =	vld [tilespmem:$0x1FDF0]  }
0x18f: {  	[tilespmem:$0x1FE60] =	vst v52;
	vm14 =	veq.s32 v45, v43;
	v54 =	vmul.f32 v15, v23;
	v9 =	vadd.f32 v9, v14;
	v14 =	vld [tilespmem:s26+$0xFFFFFFB0]  }
0x190: {  	v51 =	vmul.f32 v46, v55;
	vm15 =	veq.s32 v4, v43;
	v4 =	vpop (erf);
	[tilespmem:$0x1FEC0] =	vst v29;
	v1 =	vadd.f32 v7, v1;
	v7 =	vld [tilespmem:s1+$0x30]  }
0x191: {  	vm13 =	veq.s32 v44, v43;
	v3 =	vmul.f32 v41, v3;
	v55 =	vmul.f32 v4, v58;
	v58 =	vld [tilespmem:s1+$0xA0];
	[tilespmem:s20+$0x80] =	vst v54  }
0x192: {  	v18 =	vsel vm0, v40, v47;
	v19 =	vsel vm0, v28, v48;
	v53 =	vmov v24;
	v24 =	vld [tilespmem:s26+$0x20];
	[tilespmem:s20+$0x0] =	vst v51  }
0x193: {  	v49 =	vsel vm13, v42, v19;
	v27 =	vmov v13;
	v13 =	vld [tilespmem:s1+$0xFFFFFFB0];
	[tilespmem:s20+$0xFFFFFF80] =	vst v3;
	v3 =	vsel vm13, v41, v18  }
0x194: {  	[tilespmem:$0x1FEF0] =	vst v53;
	v9 =	vmul.f32 v9, v32;
	v30 =	vsel vm14, v46, v3;
	v3 =	vsel vm14, v2, v49  }
0x195: {  	v6 =	vmul.f32 v6, v37;
	[tilespmem:s20+$0xC0] =	vst v55;
	v61 =	vsel vm15, v4, v3;
	v3 =	vld [tilespmem:$0x1FE30]  }
0x196: {  	[tilespmem:s0+$0xB0] =	vst v9  }
0x197: {  	v19 =	vld [tilespmem:s26+$0xFFFFFF20];
	v17 =	vmul.f32 v1, v33;
	[tilespmem:s0+$0xFFFFFFF0] =	vst v6  }
0x198: {  	v50 =	vmul.f32 v42, v60;
	v60 =	vunpack.i.l.bf16.f32 v16;
	v20 =	vld [tilespmem:s1+$0xFFFFFF20];
	[tilespmem:s0+$0xFFFFFFB0] =	vst v0  }
0x199: {  	v47 =	vunpack.i.l.bf16.f32 v34;
	v26 =	vmul.f32 v8, v26;
	v8 =	vunpack.i.l.bf16.f32 v11;
	[tilespmem:s0+$0xF0] =	vst v17;
	v6 =	vld [tilespmem:s1+$0xFFFFFFA0]  }
0x19a: {  	v43 =	vunpack.i.u.bf16.f32 v12;
	v48 =	vunpack.i.l.bf16.f32 v12;
	v21 =	vld [tilespmem:s26+$0xFFFFFFA0];
	[tilespmem:s20+$0xFFFFFFC0] =	vst v50;
	v0 =	vmovc v3;
	v3 =	vmul.f32 v2, v59  }
0x19b: {  	v45 =	vunpack.i.u.bf16.f32 v10;
	v44 =	vunpack.i.l.bf16.f32 v10;
	v1 =	vld [tilespmem:s26+$0xFFFFFF10];
	v25 =	vmul.f32 v5, v25;
	[tilespmem:$0x1FED0] =	vst v0  }
0x19c: {  	v10 =	vunpack.i.l.bf16.f32 v22;
	v53 =	vunpack.i.u.bf16.f32 v19;
	v37 =	vunpack.i.l.bf16.f32 v14;
	v57 =	vld [tilespmem:s1+$0x90];
	[tilespmem:s20+$0x40] =	vst v3  }
0x19d: {  	p1 =	slt.u32 s28, $0xC;
	v55 =	vunpack.i.u.bf16.f32 v7;
	v5 =	vunpack.i.u.bf16.f32 v11;
	v38 =	vunpack.i.u.bf16.f32 v24;
	v56 =	vld [tilespmem:s1+$0xFFFFFF90];
	[tilespmem:s0+$0x30] =	vst v25  }
.Ltmp4:
0x19e: {  	v29 =	vunpack.i.l.bf16.f32 v24;
	v62 =	vld [tilespmem:s26+$0xFFFFFF90];
	v3 =	vunpack.i.l.bf16.f32 v7;
	v7 =	vunpack.i.u.bf16.f32 v16;
	[tilespmem:s0+$0x70] =	vst v26;
	(pc) =	sbr.rel @p1 .LBB2_11-.Ltmp4, $4  }
0x19f: {  	v52 =	vsel vm15, v15, v30;
	v50 =	vunpack.i.l.bf16.f32 v19;
	v30 =	vmovc v46;
	v46 =	vunpack.i.u.bf16.f32 v14;
	v0 =	vmovc v4;
	[tilespmem:$0x1FFE0] =	vst v7;
	v7 =	vld [tilespmem:s26+$0x90]  }
0x1a0: {  	v31 =	vmovc v2;
	v14 =	vunpack.i.l.bf16.f32 v20;
	v2 =	vunpack.i.l.bf16.f32 v13;
	v11 =	vunpack.i.u.bf16.f32 v6;
	[tilespmem:$0x1FFD0] =	vst v0;
	v0 =	vld [tilespmem:s1+$0xFFFFFF10]  }
0x1a1: {  	v12 =	vunpack.i.l.bf16.f32 v6;
	v49 =	vunpack.i.u.bf16.f32 v21;
	v35 =	vunpack.i.l.bf16.f32 v21;
	v9 =	vld [tilespmem:s1+$0x10]  }
0x1a2: {  	[tilespmem:$0x1FFF0] =	vst v34;
	s31 =	smov.u32 s28;
	s28 =	sadd.s32 $0x4, s28;
	v32 =	vmovc v15;
	v59 =	vunpack.i.u.bf16.f32 v22;
	v4 =	vunpack.i.u.bf16.f32 v13;
	v13 =	vunpack.i.u.bf16.f32 v20;
	s0 =	smov.u32 s20;
	v54 =	vld [tilespmem:s26+$0x10]  }
0x1a3: {  	v15 =	vld [tilespmem:s1+$0xFFFFFF00]  }
0x1a4: {  	v16 =	vld [tilespmem:s26+$0xFFFFFF00];
	_ =	sdelay $0x1  }
0x1a5: {  	v17 =	vld [tilespmem:s25+$0xFFFFFF00]  }
0x1a6: {  	v18 =	vld [tilespmem:s1+$0xFFFFFF80]  }
0x1a7: {  	v20 =	vld [tilespmem:s25+$0xFFFFFF10];
	v34 =	vunpack.i.l.bf16.f32 v1  }
0x1a8: {  	v21 =	vld [tilespmem:s25+$0xFFFFFF40];
	v14 =	vadd.f32 v50, v14;
	v19 =	vunpack.i.l.bf16.f32 v15;
	v6 =	vunpack.i.l.bf16.f32 v16  }
0x1a9: {  	v22 =	vld [tilespmem:s25+$0xFFFFFF20];
	v33 =	vunpack.i.u.bf16.f32 v1;
	v51 =	vunpack.i.l.bf16.f32 v0;
	v19 =	vadd.f32 v6, v19  }
0x1aa: {  	v23 =	vld [tilespmem:s25+$0xFFFFFF50];
	v0 =	vunpack.i.u.bf16.f32 v0;
	v15 =	vunpack.i.u.bf16.f32 v15;
	v36 =	vunpack.i.u.bf16.f32 v16  }
0x1ab: {  	v16 =	vadd.f32 v34, v51;
	v15 =	vadd.f32 v36, v15;
	v17 =	vmul.f32 v19, v17;
	v19 =	vld [tilespmem:s26+$0xFFFFFF80];
	[tilespmem:$0x1FB80] =	vst v33  }
0x1ac: {  	v13 =	vadd.f32 v53, v13;
	v0 =	vadd.f32 v33, v0;
	v1 =	vld [tilespmem:s25+$0xFFFFFF80]  }
0x1ad: {  	v16 =	vmul.f32 v16, v20;
	v15 =	vmul.f32 v21, v15;
	v21 =	vld [tilespmem:s25+$0xFFFFFF70];
	v17 =	vadd.f32 $0.0e+00, v17  }
0x1ae: {  	v5 =	vadd.f32 v43, v5;
	v12 =	vadd.f32 v35, v12;
	v33 =	vld [tilespmem:s25+$0xFFFFFF90]  }
0x1af: {  	v14 =	vmul.f32 v14, v22;
	v0 =	vmul.f32 v23, v0;
	v23 =	vld [tilespmem:s1+$0x0];
	v16 =	vadd.f32 v16, v17  }
0x1b0: {  	v51 =	vunpack.i.l.bf16.f32 v18;
	v20 =	vadd.f32 v48, v8;
	v17 =	vld [tilespmem:s25+$0xFFFFFF60];
	v8 =	vunpack.i.l.bf16.f32 v19  }
0x1b1: {  	v26 =	vunpack.i.l.bf16.f32 v62;
	v14 =	vadd.f32 v14, v16;
	v16 =	vadd.f32 v8, v51;
	v51 =	vld [tilespmem:$0x1FFC0]  }
0x1b2: {  	v62 =	vunpack.i.u.bf16.f32 v62;
	v11 =	vadd.f32 v49, v11;
	v24 =	vld [tilespmem:s25+$0xFFFFFFC0];
	v15 =	vadd.f32 $0.0e+00, v15  }
0x1b3: {  	v18 =	vunpack.i.u.bf16.f32 v18;
	v25 =	vld [tilespmem:s25+$0xFFFFFFE0];
	v16 =	vmul.f32 v16, v1;
	v1 =	vunpack.i.l.bf16.f32 v56  }
0x1b4: {  	v0 =	vadd.f32 v0, v15;
	v15 =	vadd.f32 v26, v1;
	v1 =	vunpack.i.u.bf16.f32 v19;
	v19 =	vld [tilespmem:s25+$0xFFFFFFD0]  }
0x1b5: {  	v13 =	vmul.f32 v17, v13;
	v17 =	vld [tilespmem:s26+$0x0];
	v18 =	vadd.f32 v1, v18;
	v16 =	vadd.f32 $0.0e+00, v16  }
0x1b6: {  	v20 =	vmul.f32 v20, v51;
	v15 =	vmul.f32 v15, v33;
	v33 =	vunpack.i.u.bf16.f32 v56;
	v51 =	vld [tilespmem:s25+$0xFFFFFFA0]  }
0x1b7: {  	v0 =	vadd.f32 v13, v0;
	v13 =	vmul.f32 v24, v18;
	v56 =	vadd.f32 v62, v33  }
0x1b8: {  	v10 =	vadd.f32 v29, v10;
	v15 =	vadd.f32 v15, v16;
	v16 =	vld [tilespmem:s25+$0x0]  }
0x1b9: {  	v5 =	vmul.f32 v21, v5;
	v18 =	vmul.f32 v19, v56;
	v13 =	vadd.f32 $0.0e+00, v13  }
0x1ba: {  	v21 =	vld [tilespmem:s25+$0x10];
	v11 =	vmul.f32 v25, v11;
	v33 =	vmovc v35;
	v35 =	vmovc v49;
	v49 =	vunpack.i.l.bf16.f32 v23;
	v56 =	vunpack.i.l.bf16.f32 v17  }
0x1bb: {  	v19 =	vld [tilespmem:s25+$0xFFFFFFB0];
	v12 =	vmul.f32 v12, v51;
	v13 =	vadd.f32 v18, v13;
	v18 =	vadd.f32 v56, v49  }
0x1bc: {  	v24 =	vld [tilespmem:s25+$0xFFFFFFF0];
	v51 =	vadd.f32 v37, v2;
	v49 =	vunpack.i.l.bf16.f32 v9;
	v2 =	vunpack.i.l.bf16.f32 v54  }
0x1bd: {  	v25 =	vadd.f32 v5, v0;
	v5 =	vadd.f32 v2, v49;
	v0 =	vmul.f32 v18, v16;
	v16 =	vld [tilespmem:s25+$0x20]  }
0x1be: {  	v14 =	vadd.f32 v20, v14;
	v49 =	vunpack.i.u.bf16.f32 v23;
	v11 =	vadd.f32 v11, v13;
	v13 =	vld [tilespmem:s25+$0x40]  }
0x1bf: {  	v20 =	vld [tilespmem:s26+$0x80];
	v12 =	vadd.f32 v12, v15;
	v5 =	vmul.f32 v5, v21;
	v0 =	vadd.f32 $0.0e+00, v0  }
0x1c0: {  	v15 =	vmul.f32 v51, v19;
	v51 =	vadd.f32 v46, v4;
	v4 =	vunpack.i.u.bf16.f32 v17;
	v17 =	vld [tilespmem:s25+$0x50]  }
0x1c1: {  	v9 =	vunpack.i.u.bf16.f32 v9;
	v19 =	vld [tilespmem:s1+$0x80];
	v0 =	vadd.f32 v5, v0;
	v5 =	vadd.f32 v4, v49  }
0x1c2: {  	v23 =	vunpack.i.u.bf16.f32 v54;
	v18 =	vmul.f32 v24, v51;
	v10 =	vmul.f32 v10, v16;
	v16 =	vld [tilespmem:s25+$0x30]  }
0x1c3: {  	v3 =	vadd.f32 v44, v3;
	v9 =	vadd.f32 v23, v9;
	v5 =	vmul.f32 v13, v5;
	v13 =	vld [tilespmem:s25+$0x60]  }
0x1c4: {  	v12 =	vadd.f32 v15, v12;
	v15 =	vld [tilespmem:s25+$0x80];
	v11 =	vadd.f32 v18, v11  }
0x1c5: {  	v10 =	vadd.f32 v10, v0;
	v0 =	vmul.f32 v17, v9;
	v9 =	vadd.f32 $0.0e+00, v5  }
0x1c6: {  	v54 =	vld [tilespmem:s25+$0x90];
	v51 =	vunpack.i.l.bf16.f32 v19;
	v17 =	vadd.f32 v38, v59;
	v5 =	vunpack.i.l.bf16.f32 v20  }
0x1c7: {  	v18 =	vld [tilespmem:s25+$0x70];
	v3 =	vmul.f32 v3, v16;
	v9 =	vadd.f32 v0, v9;
	v16 =	vadd.f32 v5, v51  }
0x1c8: {  	(xrf2) =	vadd.scan.msk.f32 $0xffff, v14;
	v14 =	vld [tilespmem:s25+$0xA0];
	v0 =	vunpack.i.l.bf16.f32 v7;
	v13 =	vmul.f32 v13, v17;
	v17 =	vunpack.i.l.bf16.f32 v57  }
0x1c9: {  	v15 =	vmul.f32 v16, v15;
	v10 =	vadd.f32 v3, v10;
	v3 =	vadd.f32 v0, v17  }
0x1ca: {  	v16 =	vadd.f32 v45, v55;
	v17 =	vunpack.i.l.bf16.f32 v58;
	v55 =	vunpack.i.l.bf16.f32 v63  }
0x1cb: {  	v17 =	vadd.f32 v55, v17;
	v3 =	vmul.f32 v3, v54;
	v15 =	vadd.f32 $0.0e+00, v15  }
0x1cc: {  	(xrf2) =	vadd.scan.msk.f32 $0xffff, v25;
	v49 =	vld [tilespmem:s25+$0xC0];
	v9 =	vadd.f32 v13, v9;
	v16 =	vmul.f32 v18, v16  }
0x1cd: {  	(xrf2) =	vadd.scan.msk.f32 $0xffff, v12;
	v59 =	vunpack.i.u.bf16.f32 v20;
	v51 =	vld [tilespmem:s25+$0xD0];
	v14 =	vmul.f32 v17, v14;
	v15 =	vadd.f32 v3, v15  }
0x1ce: {  	(xrf2) =	vadd.scan.msk.f32 $0xffff, v11;
	v13 =	vunpack.i.u.bf16.f32 v19;
	v3 =	vunpack.i.u.bf16.f32 v7;
	v7 =	vld [tilespmem:s25+$0xE0];
	v9 =	vadd.f32 v16, v9  }
0x1cf: {  	v13 =	vadd.f32 v59, v13;
	(xrf2) =	vadd.scan.msk.f32 $0xffff, v10;
	v10 =	vadd.f32 v14, v15;
	v15 =	vld [tilespmem:$0x1FFF0]  }
0x1d0: {  	v57 =	vunpack.i.u.bf16.f32 v57;
	(xrf2) =	vadd.scan.msk.f32 $0xffff, v9;
	v9 =	vld [tilespmem:$0x1FFE0]  }
0x1d1: {  	v54 =	vld [tilespmem:s25+$0xB0];
	v13 =	vmul.f32 v49, v13;
	v16 =	vadd.f32 v3, v57  }
0x1d2: {  	v12 =	vunpack.i.u.bf16.f32 v58;
	v58 =	vunpack.i.u.bf16.f32 v63;
	v63 =	vld [tilespmem:s25+$0xF0]  }
0x1d3: {  	v12 =	vadd.f32 v58, v12;
	v13 =	vadd.f32 $0.0e+00, v13;
	v11 =	vmul.f32 v51, v16  }
0x1d4: {  	v17 =	vadd.f32 v47, v60;
	v49 =	vunpack.i.u.bf16.f32 v15  }
0x1d5: {  	v11 =	vadd.f32 v11, v13;
	v7 =	vmul.f32 v7, v12;
	v9 =	vadd.f32 v49, v9  }
0x1d6: {  	v14 =	vmul.f32 v17, v54  }
0x1d7: {  	v12, _, _ =	vpop (xrf2);
	v7 =	vadd.f32 v7, v11;
	v9 =	vmul.f32 v63, v9  }
0x1d8: {  	v10 =	vadd.f32 v14, v10;
	(v2sf) =	vpush v12, $0xF  }
0x1d9: {  	v7 =	vadd.f32 v9, v7  }
0x1da: {  	(xrf2) =	vadd.scan.msk.f32 $0xffff, v10  }
0x1db: {  	(xrf2) =	vadd.scan.msk.f32 $0xffff, v7  }
0x1dc: {  	v11, _, _ =	vpop (xrf2)  }
0x1dd: {  	(v2sf) =	vpush v11, $0xF;
	v7, _, _ =	vpop (xrf2)  }
0x1de: {  	(v2sf) =	vpush v7, $0xF;
	v7, _, _ =	vpop (xrf2)  }
0x1df: {  	(v2sf) =	vpush v7, $0xF;
	v7, _, _ =	vpop (xrf2)  }
0x1e0: {  	(v2sf) =	vpush v7, $0xF;
	v7, _, _ =	vpop (xrf2)  }
0x1e1: {  	(v2sf) =	vpush v7, $0xF;
	v7 =	vld [tilespmem:s4+$0xFFFFFF50]  }
0x1e2: {  	v13 =	vld [tilespmem:$0x1FEB0]  }
0x1e3: {  	v16 =	vld [tilespmem:$0x1FF40]  }
0x1e4: {  	v12 =	vld [tilespmem:$0x1FE60];
	v9, _, _ =	vpop (xrf2)  }
0x1e5: {  	(v2sf) =	vpush v9, $0xF;
	v9 =	vld [tilespmem:s4+$0xFFFFFFD0];
	v10, _, _ =	vpop (xrf2)  }
0x1e6: {  	(v2sf) =	vpush v10, $0xF;
	v10 =	vld [tilespmem:s4+$0x50];
	v11 =	vunpack.i.l.bf16.f32 v7;
	v7 =	vunpack.i.u.bf16.f32 v7  }
0x1e7: {  	s2 =	spop (v2sf);
	v7 =	vadd.f32 v7, v13;
	v13 =	vld [tilespmem:$0x1FF00]  }
0x1e8: {  	v17 =	vld [tilespmem:$0x1FF70];
	s2 =	smul.f32 $1.250000000e-01, s2  }
0x1e9: {  	v11 =	vadd.f32 v11, v12  }
0x1ea: {  	v14 =	vmov s2  }
0x1eb: {  	v12 =	vunpack.i.l.bf16.f32 v9;
	v9 =	vunpack.i.u.bf16.f32 v9;
	v11 =	vmul.f32 v40, v11  }
0x1ec: {  	s9 =	spop (v2sf);
	v9 =	vadd.f32 v9, v16;
	v16 =	vunpack.i.l.bf16.f32 v10;
	v12 =	vadd.f32 v12, v13;
	v13 =	vld [tilespmem:s4+$0xD0]  }
0x1ed: {  	v14 =	vmul.f32 $1.442695020e+00, v14;
	s9 =	smul.f32 $1.250000000e-01, s9;
	v16 =	vadd.f32 v16, v17;
	v17 =	vld [tilespmem:$0x1FF80];
	[tilespmem:s20+$0xFFFFFF10] =	vst v11  }
0x1ee: {  	v7 =	vmul.f32 v28, v7;
	v11 =	vld [tilespmem:$0x1FF90]  }
0x1ef: {  	v14 =	vbroadcast v14, $0x0;
	v15 =	vmov s9;
	v9 =	vmul.f32 v42, v9  }
0x1f0: {  	v15 =	vmul.f32 $1.442695020e+00, v15;
	s16 =	spop (v2sf);
	[tilespmem:s20+$0xFFFFFF50] =	vst v7;
	v7 =	vmul.f32 v41, v12  }
0x1f1: {  	[tilespmem:s20+$0xFFFFFFD0] =	vst v9;
	s2 =	smul.f32 $1.250000000e-01, s16;
	s25 =	spop (v2sf)  }
0x1f2: {  	(erf) = vpow2.f32 v14;
	v15 =	vbroadcast v15, $0x0;
	s9 =	smul.f32 $1.250000000e-01, s25;
	s10 =	spop (v2sf);
	[tilespmem:s20+$0xFFFFFF90] =	vst v7;
	v14 =	vunpack.i.l.bf16.f32 v13  }
0x1f3: {  	v10 =	vunpack.i.u.bf16.f32 v10;
	s10 =	smul.f32 $1.250000000e-01, s10;
	s14 =	spop (v2sf);
	v9 =	vld [tilespmem:$0x1FFA0];
	v11 =	vadd.f32 v14, v11;
	v14 =	vmov s2  }
0x1f4: {  	(erf) = vpow2.f32 v15;
	s26 =	smul.f32 $1.250000000e-01, s14;
	v12 =	vmul.f32 $1.442695020e+00, v14;
	v14 =	vmov s9  }
0x1f5: {  	v10 =	vadd.f32 v10, v17;
	v17 =	vmov s10;
	v14 =	vmul.f32 $1.442695020e+00, v14  }
0x1f6: {  	v17 =	vmul.f32 $1.442695020e+00, v17;
	v22 =	vmov s26;
	v12 =	vbroadcast v12, $0x0  }
0x1f7: {  	v7 =	vunpack.i.u.bf16.f32 v13;
	v13 =	vmul.f32 $1.442695020e+00, v22;
	v14 =	vbroadcast v14, $0x0  }
0x1f8: {  	v7 =	vadd.f32 v7, v9;
	v9 =	vbroadcast v17, $0x0;
	(erf) = vpow2.f32 v12  }
0x1f9: {  	v12 =	vbroadcast v13, $0x0;
	(erf) = vpow2.f32 v14  }
0x1fa: {  	s29 =	spop (v2sf);
	v10 =	vmul.f32 v31, v10;
	(erf) = vpow2.f32 v9  }
0x1fb: {  	v51 =	vld [tilespmem:$0x1FEE0];
	s9 =	smul.f32 $1.250000000e-01, s29;
	(erf) = vpow2.f32 v12;
	v12 =	vmul.f32 v30, v16  }
0x1fc: {  	v17 =	vld [tilespmem:$0x1FE90];
	[tilespmem:s20+$0x50] =	vst v10  }
0x1fd: {  	v14 =	vmov s9;
	[tilespmem:s20+$0x10] =	vst v12  }
0x1fe: {  	v9 =	vmul.f32 $1.442695020e+00, v14;
	v54 =	vld [tilespmem:$0x1FFD0];
	_ =	sdelay $0x1  }
0x1ff: {  	v9 =	vbroadcast v9, $0x0;
	_ =	sdelay $0x1  }
0x200: {  	(erf) = vpow2.f32 v9;
	v9 =	vmul.f32 v32, v11  }
0x201: {  	v15 =	vld [tilespmem:s4+$0xFFFFFF60];
	v7 =	vmul.f32 v54, v7  }
0x202: {  	v10 =	vld [tilespmem:$0x1FF10];
	[tilespmem:s20+$0x90] =	vst v9  }
0x203: {  	v13 =	vld [tilespmem:s4+$0xFFFFFFE0];
	[tilespmem:s20+$0xD0] =	vst v7  }
0x204: {  	v7 =	vld [tilespmem:$0x1FF20]  }
0x205: {  	s10 =	spop (v2sf)  }
0x206: {  	s14 =	smul.f32 $1.250000000e-01, s10;
	v14 =	vunpack.i.l.bf16.f32 v15;
	v15 =	vunpack.i.u.bf16.f32 v15;
	v16 =	vld [tilespmem:s1+$0xFFFFFF40]  }
0x207: {  	v15 =	vadd.f32 v15, v51;
	v14 =	vadd.f32 v14, v17  }
0x208: {  	v17 =	vmov s14;
	v12 =	vunpack.i.l.bf16.f32 v13;
	v13 =	vunpack.i.u.bf16.f32 v13;
	v11 =	vld [tilespmem:s1+$0xFFFFFFC0]  }
0x209: {  	v17 =	vmul.f32 $1.442695020e+00, v17;
	v7 =	vadd.f32 v13, v7;
	v13 =	vmul.f32 v15, v28  }
0x20a: {  	v14 =	vmul.f32 v14, v40  }
0x20b: {  	v10 =	vadd.f32 v12, v10;
	v12 =	vbroadcast v17, $0x0;
	v17 =	vunpack.i.l.bf16.f32 v16  }
0x20c: {  	v6 =	vadd.f32 v17, v6;
	[tilespmem:s20+$0xFFFFFF20] =	vst v14;
	v15 =	vunpack.i.u.bf16.f32 v16  }
0x20d: {  	v9 =	vld [tilespmem:s1+$0x40];
	v14 =	vadd.f32 v15, v36;
	v15 =	vunpack.i.l.bf16.f32 v11;
	[tilespmem:s20+$0xFFFFFF60] =	vst v13;
	v13 =	vpop (erf)  }
0x20e: {  	v10 =	vmul.f32 v10, v41;
	v6 =	vmul.f32 v13, v6  }
0x20f: {  	v7 =	vmul.f32 v7, v42  }
0x210: {  	[tilespmem:s20+$0xFFFFFFA0] =	vst v10;
	v11 =	vunpack.i.u.bf16.f32 v11;
	v8 =	vadd.f32 v15, v8;
	v15 =	vpop (erf)  }
0x211: {  	s16 =	sadd.s32 $0x200, s20;
	v16 =	vld [tilespmem:s4+$0x60];
	v11 =	vadd.f32 v11, v1;
	[tilespmem:s20+$0xFFFFFFE0] =	vst v7;
	v7 =	vmul.f32 v15, v14;
	v1 =	vpop (erf)  }
0x212: {  	(erf) = vpow2.f32 v12;
	v12 =	vld [tilespmem:s1+$0xC0];
	v10 =	vunpack.i.l.bf16.f32 v9;
	[tilespmem:s16+$0xFFFFFF00] =	vst v6;
	v8 =	vmul.f32 v1, v8;
	v6 =	vpop (erf)  }
0x213: {  	v9 =	vunpack.i.u.bf16.f32 v9;
	v10 =	vadd.f32 v10, v56;
	[tilespmem:s16+$0xFFFFFF40] =	vst v7;
	v11 =	vmul.f32 v6, v11  }
0x214: {  	v9 =	vadd.f32 v9, v4;
	[tilespmem:s16+$0xFFFFFF80] =	vst v8;
	v4 =	vpop (erf)  }
0x215: {  	v10 =	vmul.f32 v4, v10;
	[tilespmem:s16+$0xFFFFFFC0] =	vst v11  }
0x216: {  	v8 =	vunpack.i.l.bf16.f32 v16;
	v11 =	vunpack.i.u.bf16.f32 v16;
	v16 =	vld [tilespmem:$0x1FF30]  }
0x217: {  	v14 =	vld [tilespmem:s4+$0xE0];
	v7 =	vunpack.i.u.bf16.f32 v12;
	[tilespmem:s16+$0x0] =	vst v10  }
0x218: {  	v17 =	vunpack.i.l.bf16.f32 v12;
	v57 =	vadd.f32 v7, v59;
	v59 =	vld [tilespmem:$0x1FF50]  }
0x219: {  	v12 =	vadd.f32 v17, v5;
	v5 =	vpop (erf)  }
0x21a: {  	v7 =	vpop (erf);
	v9 =	vmul.f32 v5, v9  }
0x21b: {  	v12 =	vmul.f32 v7, v12;
	v16 =	vadd.f32 v8, v16  }
0x21c: {  	v60 =	vunpack.i.l.bf16.f32 v14;
	v10 =	vld [tilespmem:s1+$0xFFFFFFD0];
	[tilespmem:s16+$0x40] =	vst v9;
	v9 =	vunpack.i.u.bf16.f32 v14;
	v8 =	vpop (erf)  }
0x21d: {  	v11 =	vadd.f32 v11, v59;
	v18 =	vmul.f32 v8, v57;
	v14 =	vmul.f32 v16, v30;
	v16 =	vld [tilespmem:$0x1FF60];
	[tilespmem:s16+$0x80] =	vst v12  }
0x21e: {  	v63 =	vld [tilespmem:$0x1FFB0]  }
0x21f: {  	v11 =	vmul.f32 v11, v31;
	[tilespmem:s16+$0xC0] =	vst v18  }
0x220: {  	v17 =	vld [tilespmem:s1+$0xFFFFFF50];
	[tilespmem:s20+$0x20] =	vst v14  }
0x221: {  	v12 =	vld [tilespmem:s1+$0x50];
	[tilespmem:s20+$0x60] =	vst v11;
	v11 =	vunpack.i.l.bf16.f32 v10  }
0x222: {  	v22 =	vld [tilespmem:$0x1FB80];
	v11 =	vadd.f32 v11, v26  }
0x223: {  	v9 =	vadd.f32 v9, v63  }
0x224: {  	v10 =	vunpack.i.u.bf16.f32 v10;
	v16 =	vadd.f32 v60, v16;
	v11 =	vmul.f32 v1, v11  }
0x225: {  	v21 =	vunpack.i.l.bf16.f32 v17;
	v10 =	vadd.f32 v10, v62;
	v9 =	vmul.f32 v9, v54  }
0x226: {  	v17 =	vunpack.i.u.bf16.f32 v17;
	v18 =	vadd.f32 v21, v34;
	v14 =	vmul.f32 v16, v32;
	[tilespmem:s16+$0xFFFFFF90] =	vst v11  }
0x227: {  	v10 =	vmul.f32 v6, v10;
	v16 =	vld [tilespmem:s1+$0xD0];
	v17 =	vadd.f32 v17, v22;
	[tilespmem:s20+$0xE0] =	vst v9;
	v9 =	vunpack.i.l.bf16.f32 v12  }
0x228: {  	[tilespmem:s20+$0xA0] =	vst v14;
	v14 =	vmul.f32 v13, v18;
	v2 =	vadd.f32 v9, v2  }
0x229: {  	[tilespmem:s16+$0xFFFFFFD0] =	vst v10;
	v12 =	vunpack.i.u.bf16.f32 v12;
	v17 =	vmul.f32 v15, v17  }
0x22a: {  	[tilespmem:s16+$0xFFFFFF10] =	vst v14;
	v12 =	vadd.f32 v12, v23;
	v2 =	vmul.f32 v4, v2  }
0x22b: {  	v34 =	vld [tilespmem:s4+$0xFFFFFF70];
	[tilespmem:s16+$0xFFFFFF50] =	vst v17  }
0x22c: {  	v14 =	vunpack.i.u.bf16.f32 v16;
	v10 =	vmul.f32 v5, v12;
	v12 =	vld [tilespmem:$0x1FE70];
	[tilespmem:s16+$0x10] =	vst v2  }
0x22d: {  	v3 =	vadd.f32 v14, v3;
	v14 =	vld [tilespmem:$0x1FE80];
	_ =	sdelay $0x1  }
0x22e: {  	v36 =	vld [tilespmem:s4+$0xFFFFFFF0]  }
0x22f: {  	v9 =	vunpack.i.l.bf16.f32 v16;
	v16 =	vld [tilespmem:s1+$0xFFFFFF60]  }
0x230: {  	v11 =	vunpack.i.u.bf16.f32 v34;
	v0 =	vadd.f32 v9, v0;
	v9 =	vunpack.i.l.bf16.f32 v34;
	[tilespmem:s16+$0x50] =	vst v10  }
0x231: {  	v9 =	vadd.f32 v9, v12;
	v11 =	vadd.f32 v11, v14;
	v14 =	vld [tilespmem:$0x1FEA0]  }
0x232: {  	v0 =	vmul.f32 v7, v0;
	v12 =	vld [tilespmem:s1+$0xFFFFFFE0]  }
0x233: {  	v10 =	vunpack.i.u.bf16.f32 v36;
	v9 =	vmul.f32 v9, v40  }
0x234: {  	[tilespmem:s16+$0x90] =	vst v0;
	v0 =	vadd.f32 v10, v27;
	v10 =	vmul.f32 v11, v28;
	v11 =	vunpack.i.l.bf16.f32 v16  }
0x235: {  	v2 =	vunpack.i.l.bf16.f32 v36;
	[tilespmem:s20+$0xFFFFFF30] =	vst v9;
	v9 =	vadd.f32 v11, v50  }
0x236: {  	v3 =	vmul.f32 v8, v3;
	v2 =	vadd.f32 v2, v14;
	v14 =	vld [tilespmem:s1+$0x60]  }
0x237: {  	[tilespmem:s0+$0xFFFFFF70] =	vst v10;
	v10 =	vunpack.i.l.bf16.f32 v12;
	v9 =	vmul.f32 v9, v13  }
0x238: {  	[tilespmem:s16+$0xD0] =	vst v3;
	v3 =	vunpack.i.u.bf16.f32 v16;
	v10 =	vadd.f32 v10, v33;
	v2 =	vmul.f32 v2, v41  }
0x239: {  	v3 =	vadd.f32 v3, v53;
	v0 =	vmul.f32 v0, v42;
	[tilespmem:s16+$0xFFFFFF20] =	vst v9  }
0x23a: {  	v9 =	vmul.f32 v10, v1;
	[tilespmem:s0+$0xFFFFFFB0] =	vst v2;
	v2 =	vunpack.i.u.bf16.f32 v12  }
0x23b: {  	v16 =	vld [tilespmem:s4+$0x70];
	[tilespmem:s0+$0xFFFFFFF0] =	vst v0;
	v0 =	vadd.f32 v2, v35;
	v2 =	vmul.f32 v3, v15;
	v3 =	vunpack.i.l.bf16.f32 v14  }
0x23c: {  	v11 =	vld [tilespmem:s1+$0xE0];
	v14 =	vunpack.i.u.bf16.f32 v14;
	v3 =	vadd.f32 v3, v29  }
0x23d: {  	v12 =	vld [tilespmem:s4+$0xF0];
	[tilespmem:s16+$0xFFFFFFA0] =	vst v9;
	v10 =	vadd.f32 v14, v38;
	v0 =	vmul.f32 v0, v6  }
0x23e: {  	[tilespmem:s16+$0xFFFFFF60] =	vst v2;
	v3 =	vmul.f32 v3, v4  }
0x23f: {  	[tilespmem:s16+$0xFFFFFFE0] =	vst v0;
	v0 =	vmul.f32 v10, v5  }
0x240: {  	v9 =	vunpack.i.l.bf16.f32 v16;
	v10 =	vunpack.i.u.bf16.f32 v16;
	v16 =	vld [tilespmem:$0x1FEC0];
	[tilespmem:s16+$0x20] =	vst v3  }
0x241: {  	v17 =	vld [tilespmem:$0x1FED0];
	[tilespmem:s16+$0x60] =	vst v0  }
0x242: {  	v2 =	vunpack.i.l.bf16.f32 v11;
	v3 =	vunpack.i.l.bf16.f32 v12;
	v0 =	vunpack.i.u.bf16.f32 v12;
	v12 =	vld [tilespmem:$0x1FEF0]  }
0x243: {  	v11 =	vunpack.i.u.bf16.f32 v11;
	v14 =	vld [tilespmem:s1+$0xFFFFFF70];
	v2 =	vadd.f32 v2, v55  }
0x244: {  	v11 =	vadd.f32 v11, v58  }
0x245: {  	v2 =	vmul.f32 v2, v7;
	v9 =	vadd.f32 v9, v16;
	v16 =	vld [tilespmem:s1+$0xFFFFFFF0]  }
0x246: {  	v11 =	vmul.f32 v11, v8;
	v10 =	vadd.f32 v10, v17  }
0x247: {  	[tilespmem:s16+$0xA0] =	vst v2;
	v3 =	vadd.f32 v3, v12;
	v9 =	vmul.f32 v9, v30;
	v12 =	vld [tilespmem:s1+$0x70]  }
0x248: {  	v0 =	vadd.f32 v0, v39;
	[tilespmem:s16+$0xE0] =	vst v11;
	v11 =	vunpack.i.u.bf16.f32 v14;
	v2 =	vmul.f32 v10, v31  }
0x249: {  	v11 =	vadd.f32 v11, v43;
	v10 =	vunpack.i.l.bf16.f32 v14;
	v3 =	vmul.f32 v3, v32;
	[tilespmem:s0+$0x30] =	vst v9;
	v9 =	vld [tilespmem:s1+$0xF0]  }
0x24a: {  	v0 =	vmul.f32 v0, v54;
	v10 =	vadd.f32 v10, v48;
	[tilespmem:s0+$0x70] =	vst v2;
	v2 =	vunpack.i.l.bf16.f32 v16  }
0x24b: {  	v11 =	vmul.f32 v11, v15;
	[tilespmem:s0+$0xB0] =	vst v3;
	v3 =	vunpack.i.u.bf16.f32 v16;
	v2 =	vadd.f32 v2, v37  }
0x24c: {  	[tilespmem:s0+$0xF0] =	vst v0;
	v10 =	vmul.f32 v10, v13;
	v0 =	vunpack.i.l.bf16.f32 v12;
	v3 =	vadd.f32 v3, v46  }
0x24d: {  	[tilespmem:s16+$0xFFFFFF70] =	vst v11;
	v12 =	vunpack.i.u.bf16.f32 v12;
	v0 =	vadd.f32 v0, v44;
	v2 =	vmul.f32 v2, v1  }
0x24e: {  	[tilespmem:s16+$0xFFFFFF30] =	vst v10;
	v12 =	vadd.f32 v12, v45;
	v10 =	vunpack.i.l.bf16.f32 v9;
	v3 =	vmul.f32 v3, v6  }
0x24f: {  	v9 =	vunpack.i.u.bf16.f32 v9;
	v10 =	vadd.f32 v10, v47;
	[tilespmem:s16+$0xFFFFFFB0] =	vst v2;
	v0 =	vmul.f32 v0, v4  }
0x250: {  	v2 =	vadd.f32 v9, v49;
	[tilespmem:s16+$0xFFFFFFF0] =	vst v3;
	v3 =	vmul.f32 v12, v5  }
0x251: {  	v9 =	vmul.f32 v10, v7;
	[tilespmem:s16+$0x30] =	vst v0  }
0x252: {  	v0 =	vmul.f32 v2, v8;
	[tilespmem:s16+$0x70] =	vst v3  }
0x253: {  	[tilespmem:s16+$0xB0] =	vst v9  }
0x254: {  	[tilespmem:s16+$0xF0] =	vst v0  }
0x255: {  	v0 =	vld [tilespmem:$0x80];
	_ =	sdelay $0x2  }
0x256: {  	s25 =	sadd.s32 $0x3, s31;
	v16 =	vlaneseq.u32;
	v2 =	vmov s31  }
0x257: {  	s26 =	sadd.s32 $0x1, s31;
	s29 =	sadd.s32 $0x2, s31;
	v3 =	vmov s25;
	vm0 =	veq.s32 v2, v16  }
0x258: {  	v2 =	vmov s26;
	v9 =	vmov s29;
	v0 =	vshll.u32 v0, $0x1  }
0x259: {  	v10 =	vsel vm0, v13, v52;
	vm1 =	veq.s32 v2, v16;
	v2 =	vor.u32 $0x1, v0  }
0x25a: {  	v11 =	vsel vm0, v15, v61;
	v1 =	vsel vm1, v1, v10;
	vm10 =	veq.s32 v9, v16  }
0x25b: {  	vm11 =	veq.s32 v3, v16;
	v6 =	vsel vm1, v6, v11;
	v1 =	vsel vm10, v4, v1  }
0x25c: {  	v3 =	vsel vm10, v5, v6;
	v1 =	vsel vm11, v7, v1  }
0x25d: {  	v3 =	vsel vm11, v8, v3;
	[tilespmem:v0+s13+$0x0] =	vst.idx.add.f32.msk $0xffff, v1  }
0x25e: {  	s20 =	simm.s32 $0x3A00;
	s1 =	simm.s32 $0x80;
	[tilespmem:v2+s13+$0x0] =	vst.idx.add.f32.msk $0xffff, v3  }
0x25f: {  	[spmem:s24] =	stream.indirect.scatter.add.f32 [tilespmem:s20], [sflag:$0x7], $0x80, s1, s23, $0xb8;
	[tilespmem:$0x1D080] =	vst v63  }
0x260: {  	s31 =	smov.u32 s24;
	s24 =	sadd.s32 $0x2, s30  }
0x261: {  	s25 =	sand.u32 $0x3E, s24;
	_ =	swait.ge [sflag:s21], $0x800;
	s0 =	sshll.u32 s24, $0x4  }
0x262: {  	p1 =	sne.s32 s25, $0x0;
	[sflag:s21] =	ssyncset.done $0x0;
	s2 =	rddreg [dreg:$0x7]  }
0x263: {  	s2 =	sadd.s32 @!p1 s2, s0;
	[sflag:s21] =	ssyncadd.s32 $0xFFFFF800  }
0x264: {  	s2 =	sshrl.u32 @!p1 s2, $0x3;
	s4 =	rddreg [dreg:$0x1]  }
0x265: {  	s9 =	simm.s32 @!p1 $0x0;
	s10 =	simm.s32 @!p1 $0x3200;
	s4 =	sadd.s32 @!p1 s4, s2  }
0x266: {  	[tilespmem:s10], [sflag:$0x7] =	stream.linear.gather @!p1 [hbm4b:s4+s9], $0x400, $0x38;
	[tilespmem:$0x1D080] =	vst v63  }
0x267: {  	s4 =	simm.s32 @!p1 $0x7  }
0x268: {  	_ =	swait.ge @!p1 [sflag:s4], $0x400  }
0x269: {  	[sflag:s4] =	ssyncset.done @!p1 $0x0;
	s10 =	rddreg [dreg:$0x6]  }
0x26a: {  	[sflag:s4] =	ssyncadd.s32 @!p1 $0xFFFFFC00;
	s2 =	sadd.s32 @!p1 s10, s2;
	s10 =	simm.s32 @!p1 $0x3600  }
0x26b: {  	[tilespmem:s10], [sflag:$0x7] =	stream.linear.gather @!p1 [hbm4b:s2+s9], $0x400, $0x38;
	[tilespmem:$0x1D080] =	vst v63  }
0x26c: {  	_ =	swait.ge @!p1 [sflag:s4], $0x400  }
0x26d: {  	[sflag:s4] =	ssyncset.done @!p1 $0x0  }
0x26e: {  	s0 =	sand.u32 $0x3E0, s0;
	[sflag:s4] =	ssyncadd.s32 @!p1 $0xFFFFFC00  }
0x26f: {  	v0 =	vld [tilespmem:s0+$0x3200];
	_ =	sdelay $0x4  }
0x270: {  	[tilespmem:$0x0] =	vst v0  }
0x271: {  	v0 =	vld [tilespmem:s0+$0x3600];
	_ =	sdelay $0x4  }
0x272: {  	s26 =	simm.s32 $0x100;
	[tilespmem:$0x80] =	vst v0  }
0x273: {  	[tilespmem:s26], [sflag:$0x1] =	stream.indirect.gather [hbm4b:s6+s23], $0x80, s1, s23, $0xb8;
	[tilespmem:$0x1D080] =	vst v63  }
0x274: {  	s1 =	sshll.u32 s24, $0xB  }
0x275: {  	s29 =	simm.s32 $0x900;
	s0 =	simm.s32 $0x0;
	s1 =	sadd.s32 s15, s1  }
0x276: {  	[tilespmem:s29], [sflag:$0x2] =	stream.indirect.gather [hbm4b:s7+s23], $0x80, s0, s23, $0xb8;
	[tilespmem:$0x1D080] =	vst v63  }
0x277: {  	s1 =	sshrl.u32 s1, $0x3  }
0x278: {  	s9 =	simm.s32 $0x4;
	s4 =	simm.s32 $0x1100;
	s1 =	sadd.s32 s8, s1  }
0x279: {  	[tilespmem:s4], [sflag:$0x3] =	stream.linear.gather [hbm4b:s1+s0], $0x800, $0x38;
	[tilespmem:$0x1D080] =	vst v63  }
0x27a: {  	_ =	swait.ge [sflag:s9], $0x800  }
0x27b: {  	[sflag:s9] =	ssyncset.done $0x0  }
0x27c: {  	[sflag:s9] =	ssyncadd.s32 $0xFFFFF800  }
0x27d: {  	_ =	swait.ge [sflag:s17], $0x800  }
0x27e: {  	[sflag:s17] =	ssyncset.done $0x0  }
0x27f: {  	[sflag:s17] =	ssyncadd.s32 $0xFFFFF800  }
0x280: {  	_ =	swait.ge [sflag:s11], $0x800  }
0x281: {  	[sflag:s11] =	ssyncset.done $0x0  }
0x282: {  	s10 =	simm.s32 $0x1B00;
	[sflag:s11] =	ssyncadd.s32 $0xFFFFF800  }
0x283: {  	s4 =	simm.s32 $0x2300;
	v6 =	vld [tilespmem:s10+$0xFFFFFF30]  }
0x284: {  	s14 =	simm.s32 $0x2B00;
	v0 =	vld [tilespmem:s4+$0xFFFFFF30]  }
0x285: {  	v1 =	vld [tilespmem:s14+$0xFFFFFF30]  }
0x286: {  	v2 =	vld [tilespmem:s4+$0xFFFFFFB0]  }
0x287: {  	v3 =	vld [tilespmem:s14+$0xFFFFFFB0]  }
0x288: {  	v5 =	vld [tilespmem:s4+$0x30]  }
0x289: {  	v7 =	vld [tilespmem:s14+$0x30]  }
0x28a: {  	v8 =	vld [tilespmem:s4+$0xB0]  }
0x28b: {  	v4 =	vld [tilespmem:s14+$0xB0]  }
0x28c: {  	v9 =	vld [tilespmem:s4+$0xFFFFFF20]  }
0x28d: {  	v10 =	vld [tilespmem:s14+$0xFFFFFF20]  }
0x28e: {  	v11 =	vld [tilespmem:s4+$0xFFFFFFA0]  }
0x28f: {  	v12 =	vld [tilespmem:s14+$0xFFFFFFA0]  }
0x290: {  	v13 =	vld [tilespmem:s4+$0x20]  }
0x291: {  	v14 =	vld [tilespmem:s14+$0x20]  }
0x292: {  	v15 =	vld [tilespmem:s4+$0xA0]  }
0x293: {  	v45 =	vld [tilespmem:s4+$0xFFFFFF10]  }
0x294: {  	v46 =	vld [tilespmem:s4+$0x10]  }
0x295: {  	v47 =	vld [tilespmem:s14+$0x10]  }
0x296: {  	v34 =	vld [tilespmem:s14+$0x90]  }
0x297: {  	v35 =	vld [tilespmem:s14+$0xFFFFFF00]  }
0x298: {  	v39 =	vld [tilespmem:s14+$0xFFFFFF80]  }
0x299: {  	v43 =	vld [tilespmem:s10+$0xFFFFFF70]  }
0x29a: {  	v49 =	vld [tilespmem:s10+$0xFFFFFF40];
	v26 =	vunpack.i.u.bf16.f32 v0;
	v27 =	vunpack.i.l.bf16.f32 v0  }
0x29b: {  	v0 =	vld [tilespmem:s14+$0xA0];
	v20 =	vunpack.i.u.bf16.f32 v1;
	v22 =	vunpack.i.l.bf16.f32 v1;
	v28 =	vunpack.i.u.bf16.f32 v2  }
0x29c: {  	v29 =	vunpack.i.l.bf16.f32 v2;
	v1 =	vld [tilespmem:s14+$0xFFFFFF10];
	v17 =	vunpack.i.u.bf16.f32 v3;
	v21 =	vunpack.i.l.bf16.f32 v3  }
0x29d: {  	v30 =	vunpack.i.u.bf16.f32 v5;
	v2 =	vld [tilespmem:s4+$0xFFFFFF90];
	v31 =	vunpack.i.l.bf16.f32 v5;
	v24 =	vunpack.i.u.bf16.f32 v7  }
0x29e: {  	v52 =	vunpack.i.l.bf16.f32 v7;
	v3 =	vld [tilespmem:s14+$0xFFFFFF90];
	v5 =	vunpack.i.u.bf16.f32 v8;
	v56 =	vunpack.i.u.bf16.f32 v12  }
0x29f: {  	v58 =	vunpack.i.l.bf16.f32 v12;
	v54 =	vunpack.i.u.bf16.f32 v14;
	v55 =	vunpack.i.l.bf16.f32 v14;
	v14 =	vld [tilespmem:s4+$0xFFFFFF00]  }
0x2a0: {  	v12 =	vld [tilespmem:s4+$0x90];
	v36 =	vunpack.i.u.bf16.f32 v45;
	v37 =	vunpack.i.l.bf16.f32 v45;
	v41 =	vunpack.i.u.bf16.f32 v46  }
0x2a1: {  	v42 =	vunpack.i.l.bf16.f32 v46;
	v59 =	vunpack.i.u.bf16.f32 v47;
	v45 =	vld [tilespmem:s10+$0xFFFFFF10];
	v53 =	vunpack.i.u.bf16.f32 v0  }
0x2a2: {  	v46 =	vld [tilespmem:s4+$0x0];
	v18 =	vunpack.i.l.bf16.f32 v0;
	v60 =	vunpack.i.u.bf16.f32 v1;
	v50 =	vunpack.i.l.bf16.f32 v1  }
0x2a3: {  	v0 =	vld [tilespmem:s4+$0xFFFFFF80];
	v38 =	vunpack.i.u.bf16.f32 v2;
	v40 =	vunpack.i.l.bf16.f32 v2;
	v61 =	vunpack.i.u.bf16.f32 v3  }
0x2a4: {  	v62 =	vunpack.i.l.bf16.f32 v3;
	v2 =	vld [tilespmem:s10+$0xFFFFFF00];
	v3 =	vunpack.i.l.bf16.f32 v14;
	v1 =	vunpack.i.l.bf16.f32 v35  }
0x2a5: {  	v63 =	vunpack.i.l.bf16.f32 v47;
	v47 =	vadd.f32 v1, v3;
	v3 =	vunpack.i.u.bf16.f32 v35;
	v35 =	vld [tilespmem:s10+$0xFFFFFF20];
	[tilespmem:$0x1FB90] =	vst v50  }
0x2a6: {  	v7 =	vunpack.i.l.bf16.f32 v8;
	v25 =	vunpack.i.l.bf16.f32 v4;
	v8 =	vunpack.i.u.bf16.f32 v9;
	[tilespmem:$0x1FBA0] =	vst v22  }
0x2a7: {  	v9 =	vunpack.i.l.bf16.f32 v9;
	v57 =	vunpack.i.u.bf16.f32 v10;
	v51 =	vunpack.i.l.bf16.f32 v10;
	[tilespmem:$0x1FBB0] =	vst v20  }
0x2a8: {  	v32 =	vunpack.i.u.bf16.f32 v11;
	v11 =	vunpack.i.l.bf16.f32 v11;
	v37 =	vadd.f32 v50, v37;
	v50 =	vld [tilespmem:s10+$0xFFFFFFB0]  }
0x2a9: {  	v33 =	vunpack.i.u.bf16.f32 v13;
	v27 =	vadd.f32 v22, v27;
	v2 =	vmul.f32 v47, v2;
	v47 =	vld [tilespmem:s10+$0xFFFFFF50];
	[tilespmem:$0x1FBC0] =	vst v51  }
0x2aa: {  	v26 =	vadd.f32 v20, v26;
	v9 =	vadd.f32 v51, v9;
	v37 =	vmul.f32 v37, v45;
	v45 =	vld [tilespmem:s14+$0x0];
	[tilespmem:$0x1FBD0] =	vst v21  }
0x2ab: {  	v13 =	vunpack.i.l.bf16.f32 v13;
	v29 =	vadd.f32 v21, v29;
	[tilespmem:$0x1FBE0] =	vst v60;
	v22 =	vadd.f32 $0.0e+00, v2  }
0x2ac: {  	v10 =	vunpack.i.u.bf16.f32 v15;
	v28 =	vadd.f32 v17, v28;
	v31 =	vadd.f32 v52, v31;
	v20 =	vld [tilespmem:s10+$0xFFFFFF80];
	[tilespmem:$0x1FBF0] =	vst v17  }
0x2ad: {  	v30 =	vadd.f32 v24, v30;
	v9 =	vmul.f32 v9, v35;
	v21 =	vld [tilespmem:s10+$0xFFFFFF60];
	[tilespmem:$0x1FC00] =	vst v52;
	v37 =	vadd.f32 v37, v22  }
0x2ae: {  	v15 =	vunpack.i.l.bf16.f32 v15;
	v8 =	vadd.f32 v57, v8;
	v11 =	vadd.f32 v58, v11;
	v22 =	vld [tilespmem:s10+$0xFFFFFF90]  }
0x2af: {  	v19 =	vunpack.i.u.bf16.f32 v34;
	v32 =	vadd.f32 v56, v32;
	v9 =	vadd.f32 v9, v37;
	v37 =	vld [tilespmem:s10+$0xFFFFFFF0];
	[tilespmem:$0x1FC10] =	vst v24  }
0x2b0: {  	v13 =	vadd.f32 v55, v13;
	v33 =	vadd.f32 v54, v33;
	v6 =	vmul.f32 v27, v6;
	v27 =	vld [tilespmem:s4+$0x80];
	[tilespmem:$0x1FC20] =	vst v57  }
0x2b1: {  	v23 =	vunpack.i.l.bf16.f32 v34;
	v42 =	vadd.f32 v63, v42;
	v41 =	vadd.f32 v59, v41;
	[tilespmem:$0x1FC30] =	vst v25  }
0x2b2: {  	v26 =	vmul.f32 v43, v26;
	v14 =	vunpack.i.u.bf16.f32 v14;
	v36 =	vadd.f32 v60, v36;
	[tilespmem:$0x1FC40] =	vst v62  }
0x2b3: {  	v15 =	vadd.f32 v18, v15;
	v48 =	vunpack.i.l.bf16.f32 v0;
	v2 =	vunpack.i.l.bf16.f32 v39;
	v57 =	vld [tilespmem:s10+$0xFFFFFFC0];
	[tilespmem:$0x1FC50] =	vst v58  }
0x2b4: {  	v44 =	vunpack.i.u.bf16.f32 v12;
	v14 =	vadd.f32 v3, v14;
	v48 =	vadd.f32 v2, v48;
	v60 =	vld [tilespmem:s10+$0xFFFFFFA0];
	[tilespmem:$0x1FC60] =	vst v56  }
0x2b5: {  	v12 =	vunpack.i.l.bf16.f32 v12;
	v51 =	vadd.f32 v25, v7;
	v7 =	vadd.f32 v62, v40;
	v62 =	vld [tilespmem:s10+$0xFFFFFFD0]  }
0x2b6: {  	v34 =	vunpack.i.u.bf16.f32 v0;
	v0 =	vunpack.i.u.bf16.f32 v39;
	v39 =	vmul.f32 v48, v20;
	v20 =	vld [tilespmem:s14+$0x80]  }
0x2b7: {  	v12 =	vadd.f32 v23, v12;
	v44 =	vadd.f32 v19, v44;
	v14 =	vmul.f32 v49, v14;
	v52 =	vld [tilespmem:s10+$0x30];
	[tilespmem:$0x1FC70] =	vst v55  }
0x2b8: {  	v49 =	vadd.f32 v6, v9;
	v9 =	vmul.f32 v7, v22;
	v39 =	vadd.f32 $0.0e+00, v39;
	[tilespmem:$0x1FC80] =	vst v61  }
0x2b9: {  	v14 =	vadd.f32 $0.0e+00, v14;
	v36 =	vmul.f32 v47, v36;
	v8 =	vmul.f32 v21, v8;
	v21 =	vld [tilespmem:s10+$0x0]  }
0x2ba: {  	v10 =	vadd.f32 v53, v10;
	v35 =	vunpack.i.u.bf16.f32 v46;
	v9 =	vadd.f32 v9, v39;
	v39 =	vld [tilespmem:s10+$0x70];
	[tilespmem:$0x1FC90] =	vst v54  }
0x2bb: {  	v46 =	vunpack.i.l.bf16.f32 v46;
	v34 =	vadd.f32 v0, v34;
	v14 =	vadd.f32 v36, v14;
	v54 =	vld [tilespmem:s10+$0xFFFFFFE0]  }
0x2bc: {  	v6 =	vunpack.i.u.bf16.f32 v45;
	v7 =	vunpack.i.l.bf16.f32 v45;
	v56 =	vld [tilespmem:s10+$0x10];
	[tilespmem:$0x1FCA0] =	vst v18;
	v11 =	vmul.f32 v11, v60  }
0x2bd: {  	v35 =	vadd.f32 v6, v35;
	v14 =	vadd.f32 v8, v14;
	v34 =	vmul.f32 v57, v34;
	v57 =	vld [tilespmem:s10+$0x40];
	[tilespmem:$0x1FCB0] =	vst v63  }
0x2be: {  	v29 =	vmul.f32 v29, v50;
	[tilespmem:$0x1FCC0] =	vst v59;
	v11 =	vadd.f32 v11, v9;
	v9 =	vadd.f32 v7, v46  }
0x2bf: {  	v8 =	vadd.f32 v61, v38;
	v28 =	vmul.f32 v37, v28;
	v22 =	vunpack.i.u.bf16.f32 v27;
	v58 =	vld [tilespmem:s10+$0x20];
	[tilespmem:$0x1FCD0] =	vst v23  }
0x2c0: {  	v27 =	vunpack.i.l.bf16.f32 v27;
	v14 =	vadd.f32 v26, v14;
	v59 =	vld [tilespmem:s10+$0x50];
	[tilespmem:$0x1FCE0] =	vst v19;
	v38 =	vmul.f32 v9, v21  }
0x2c1: {  	v55 =	vmul.f32 v62, v8;
	v8 =	vunpack.i.u.bf16.f32 v20;
	v34 =	vadd.f32 $0.0e+00, v34;
	v60 =	vld [tilespmem:s10+$0x80]  }
0x2c2: {  	v62 =	vld [tilespmem:s10+$0x60];
	v36 =	vadd.f32 v8, v22;
	v61 =	vmul.f32 v42, v56;
	v26 =	vadd.f32 $0.0e+00, v38  }
0x2c3: {  	v18 =	vld [tilespmem:s10+$0x90];
	v34 =	vadd.f32 v55, v34;
	v32 =	vmul.f32 v54, v32;
	v9 =	vunpack.i.l.bf16.f32 v20  }
0x2c4: {  	v19 =	vld [tilespmem:s10+$0xC0];
	v13 =	vmul.f32 v13, v58;
	v27 =	vadd.f32 v9, v27;
	v26 =	vadd.f32 v61, v26  }
0x2c5: {  	v11 =	vadd.f32 v29, v11;
	v63 =	vmul.f32 v57, v35;
	v21 =	vld [tilespmem:s10+$0xA0];
	v29 =	vadd.f32 v32, v34  }
0x2c6: {  	v27 =	vmul.f32 v27, v60;
	v13 =	vadd.f32 v13, v26;
	v26 =	vmul.f32 v31, v52;
	v31 =	vld [tilespmem:s10+$0xD0]  }
0x2c7: {  	v22 =	vld [tilespmem:s10+$0xB0];
	v34 =	vunpack.i.u.bf16.f32 v4;
	v32 =	vadd.f32 $0.0e+00, v63;
	v20 =	vmul.f32 v59, v41  }
0x2c8: {  	v28 =	vadd.f32 v28, v29;
	v12 =	vmul.f32 v12, v18;
	v29 =	vld [tilespmem:s10+$0xE0];
	v27 =	vadd.f32 $0.0e+00, v27  }
0x2c9: {  	v33 =	vmul.f32 v62, v33;
	v23 =	vmul.f32 v19, v36;
	v32 =	vadd.f32 v20, v32  }
0x2ca: {  	v15 =	vmul.f32 v15, v21;
	v12 =	vadd.f32 v12, v27;
	v27 =	vld [tilespmem:s10+$0xF0];
	v13 =	vadd.f32 v26, v13  }
0x2cb: {  	(xrf2) =	vadd.scan.msk.f32 $0xffff, v49;
	v26 =	vadd.f32 v33, v32;
	v32 =	vadd.f32 $0.0e+00, v23;
	v31 =	vmul.f32 v31, v44  }
0x2cc: {  	(xrf2) =	vadd.scan.msk.f32 $0xffff, v14;
	v30 =	vmul.f32 v39, v30;
	v5 =	vadd.f32 v34, v5;
	v4 =	vmul.f32 v51, v22  }
0x2cd: {  	(xrf2) =	vadd.scan.msk.f32 $0xffff, v11;
	v10 =	vmul.f32 v29, v10;
	v12 =	vadd.f32 v15, v12;
	v11 =	vadd.f32 v31, v32  }
0x2ce: {  	(xrf2) =	vadd.scan.msk.f32 $0xffff, v28;
	v14 =	vadd.f32 v30, v26  }
0x2cf: {  	(xrf2) =	vadd.scan.msk.f32 $0xffff, v13;
	v4 =	vadd.f32 v4, v12;
	v5 =	vmul.f32 v27, v5;
	v10 =	vadd.f32 v10, v11  }
0x2d0: {  	(xrf2) =	vadd.scan.msk.f32 $0xffff, v14  }
0x2d1: {  	(xrf2) =	vadd.scan.msk.f32 $0xffff, v4;
	v4 =	vadd.f32 v5, v10;
	_ =	sdelay $0x2  }
0x2d2: {  	(xrf2) =	vadd.scan.msk.f32 $0xffff, v4  }
0x2d3: {  	v4, _, _ =	vpop (xrf2)  }
0x2d4: {  	v5, _, _ =	vpop (xrf2);
	(v2sf) =	vpush v4, $0xF  }
0x2d5: {  	v4, _, _ =	vpop (xrf2);
	(v2sf) =	vpush v5, $0xF  }
0x2d6: {  	v5, _, _ =	vpop (xrf2);
	(v2sf) =	vpush v4, $0xF  }
0x2d7: {  	v4, _, _ =	vpop (xrf2);
	(v2sf) =	vpush v5, $0xF  }
0x2d8: {  	v5, _, _ =	vpop (xrf2);
	(v2sf) =	vpush v4, $0xF  }
0x2d9: {  	(v2sf) =	vpush v5, $0xF  }
0x2da: {  	v4, _, _ =	vpop (xrf2)  }
0x2db: {  	(v2sf) =	vpush v4, $0xF  }
0x2dc: {  	v4, _, _ =	vpop (xrf2)  }
0x2dd: {  	(v2sf) =	vpush v4, $0xF;
	_ =	sdelay $0x3  }
0x2de: {  	[tilespmem:$0x1FCF0] =	vst v53  }
0x2df: {  	v4 =	vld [tilespmem:s4+$0xFFFFFF40]  }
0x2e0: {  	s20 =	spop (v2sf)  }
0x2e1: {  	s1 =	smul.f32 $1.250000000e-01, s20;
	s24 =	spop (v2sf)  }
0x2e2: {  	s2 =	smul.f32 $1.250000000e-01, s24;
	s25 =	spop (v2sf)  }
0x2e3: {  	s9 =	smul.f32 $1.250000000e-01, s25;
	s26 =	spop (v2sf);
	v10 =	vmov s1  }
0x2e4: {  	v5 =	vunpack.i.u.bf16.f32 v4;
	s10 =	smul.f32 $1.250000000e-01, s26;
	s29 =	spop (v2sf);
	v11 =	vmov s2;
	v10 =	vmul.f32 $1.442695020e+00, v10  }
0x2e5: {  	v4 =	vunpack.i.l.bf16.f32 v4;
	s20 =	smul.f32 $1.250000000e-01, s29;
	s24 =	spop (v2sf);
	v12 =	vmov s9;
	v11 =	vmul.f32 $1.442695020e+00, v11  }
0x2e6: {  	v13 =	vmov s10;
	s25 =	smul.f32 $1.250000000e-01, s24;
	v12 =	vmul.f32 $1.442695020e+00, v12;
	v10 =	vbroadcast v10, $0x0  }
0x2e7: {  	s26 =	spop (v2sf);
	v14 =	vmov s20;
	v13 =	vmul.f32 $1.442695020e+00, v13;
	v11 =	vbroadcast v11, $0x0  }
0x2e8: {  	v26 =	vld [tilespmem:s4+$0xFFFFFFC0];
	s29 =	smul.f32 $1.250000000e-01, s26;
	v15 =	vmov s25;
	v14 =	vmul.f32 $1.442695020e+00, v14;
	(erf) = vpow2.f32 v10  }
0x2e9: {  	v1 =	vadd.f32 v4, v1;
	s10 =	spop (v2sf);
	v12 =	vbroadcast v12, $0x0;
	v15 =	vmul.f32 $1.442695020e+00, v15  }
0x2ea: {  	s1 =	simm.s32 $0x2500;
	s14 =	smul.f32 $1.250000000e-01, s10;
	v27 =	vmov s29;
	(erf) = vpow2.f32 v11;
	v13 =	vbroadcast v13, $0x0  }
0x2eb: {  	v3 =	vadd.f32 v5, v3;
	v17 =	vld [tilespmem:s1+$0x20];
	v27 =	vmul.f32 $1.442695020e+00, v27;
	v5 =	vbroadcast v14, $0x0  }
0x2ec: {  	s26 =	simm.s32 $0x2D00;
	v10 =	vld [tilespmem:s4+$0x40];
	(erf) = vpow2.f32 v12;
	v28 =	vmov s14;
	v14 =	vbroadcast v15, $0x0  }
0x2ed: {  	v32 =	vld [tilespmem:s26+$0xFFFFFF30];
	v12 =	vunpack.i.u.bf16.f32 v26;
	(erf) = vpow2.f32 v13;
	v4 =	vmul.f32 $1.442695020e+00, v28  }
0x2ee: {  	v43 =	vld [tilespmem:s26+$0xFFFFFF20];
	v15 =	vunpack.i.l.bf16.f32 v26;
	v26 =	vbroadcast v27, $0x0;
	(erf) = vpow2.f32 v5  }
0x2ef: {  	v23 =	vld [tilespmem:s26+$0xFFFFFFA0];
	(erf) = vpow2.f32 v14;
	v4 =	vbroadcast v4, $0x0  }
0x2f0: {  	s24 =	simm.s32 $0x2;
	v11 =	vld [tilespmem:s4+$0xC0];
	(erf) = vpow2.f32 v26  }
0x2f1: {  	v38 =	vld [tilespmem:s1+$0xFFFFFF20];
	v0 =	vadd.f32 v12, v0;
	v12 =	vmov s24;
	(erf) = vpow2.f32 v4  }
0x2f2: {  	v22 =	vld [tilespmem:s1+$0xFFFFFFA0];
	v60 =	vunpack.i.u.bf16.f32 v17;
	v2 =	vadd.f32 v15, v2;
	vm14 =	veq.s32 v12, v16  }
0x2f3: {  	v15 =	vld [tilespmem:s26+$0xFFFFFFB0];
	v5 =	vunpack.i.u.bf16.f32 v10;
	v10 =	vunpack.i.l.bf16.f32 v10;
	v44 =	vunpack.i.u.bf16.f32 v32;
	v39 =	vpop (erf)  }
0x2f4: {  	v14 =	vld [tilespmem:s1+$0xFFFFFFB0];
	v36 =	vunpack.i.l.bf16.f32 v32;
	v30 =	vunpack.i.l.bf16.f32 v43;
	v42 =	vunpack.i.u.bf16.f32 v23;
	v28 =	vpop (erf)  }
0x2f5: {  	v49 =	vld [tilespmem:s26+$0xB0];
	v26 =	vunpack.i.u.bf16.f32 v11;
	v11 =	vunpack.i.l.bf16.f32 v11;
	v7 =	vadd.f32 v10, v7;
	v40 =	vpop (erf)  }
0x2f6: {  	s25 =	simm.s32 $0x1D00;
	v61 =	vld [tilespmem:s26+$0x20];
	v5 =	vadd.f32 v5, v6;
	v10 =	vimm.f32 $0.0e+00;
	v9 =	vadd.f32 v11, v9;
	v41 =	vpop (erf)  }
0x2f7: {  	v51 =	vld [tilespmem:s25+$0xFFFFFF30];
	v8 =	vadd.f32 v26, v8;
	v37 =	vmul.f32 v28, v3;
	v3 =	vmov s0;
	v33 =	vpop (erf)  }
0x2f8: {  	s20 =	simm.s32 $0x1;
	v6 =	vld [tilespmem:s26+$0x30];
	v48 =	vunpack.i.u.bf16.f32 v15;
	v1 =	vmul.f32 v39, v1;
	vm12 =	veq.s32 v3, v16;
	v12 =	vpop (erf)  }
0x2f9: {  	v11 =	vld [tilespmem:s1+$0xB0];
	v55 =	vunpack.i.u.bf16.f32 v14;
	v3 =	vmov s20;
	v26 =	vsel vm12, v39, v10;
	v59 =	vpop (erf)  }
0x2fa: {  	s29 =	simm.s32 $0x3;
	v4 =	vld [tilespmem:s1+$0x30];
	v10 =	vsel vm12, v28, v10;
	vm13 =	veq.s32 v3, v16;
	v20 =	vmul.f32 v41, v0;
	v0 =	vpop (erf)  }
0x2fb: {  	v13 =	vld [tilespmem:s1+$0xFFFFFF30];
	v35 =	vmul.f32 v40, v2;
	v2 =	vmov s29;
	v10 =	vsel vm13, v41, v10;
	[tilespmem:$0x1FD00] =	vst v0  }
0x2fc: {  	v31 =	vunpack.i.l.bf16.f32 v14;
	vm15 =	veq.s32 v2, v16;
	v10 =	vsel vm14, v12, v10;
	v58 =	vld [tilespmem:s1+$0xA0]  }
0x2fd: {  	v14 =	vunpack.i.l.bf16.f32 v22;
	s20 =	simm.s32 $0x3B00;
	v50 =	vsel vm15, v0, v10;
	v21 =	vmul.f32 v0, v8;
	v0 =	vld [tilespmem:s26+$0xA0]  }
0x2fe: {  	v52 =	vunpack.i.u.bf16.f32 v6;
	v45 =	vunpack.i.l.bf16.f32 v6;
	v53 =	vunpack.i.u.bf16.f32 v11;
	[tilespmem:s20+$0xFFFFFF00] =	vst v1;
	v1 =	vld [tilespmem:s1+$0xFFFFFF10]  }
0x2ff: {  	v63 =	vunpack.i.u.bf16.f32 v4;
	v32 =	vunpack.i.l.bf16.f32 v4;
	v3 =	vsel vm13, v40, v26;
	[tilespmem:s20+$0xFFFFFF40] =	vst v37;
	v2 =	vld [tilespmem:s26+$0xFFFFFF10]  }
0x300: {  	v7 =	vmul.f32 v33, v7;
	v26 =	vunpack.i.u.bf16.f32 v61;
	v3 =	vsel vm14, v33, v3;
	[tilespmem:s20+$0xFFFFFF80] =	vst v35;
	v54 =	vld [tilespmem:s1+$0xFFFFFF90]  }
0x301: {  	v47 =	vmovc v12;
	v16 =	vmul.f32 v12, v5;
	v5 =	vunpack.i.u.bf16.f32 v13;
	v12 =	vunpack.i.l.bf16.f32 v13;
	[tilespmem:s20+$0xFFFFFFC0] =	vst v20;
	v56 =	vld [tilespmem:s26+$0xFFFFFF90]  }
0x302: {  	v29 =	vmovc v33;
	v13 =	vunpack.i.u.bf16.f32 v38;
	v33 =	vunpack.i.l.bf16.f32 v23;
	v9 =	vmul.f32 v59, v9;
	[tilespmem:s20+$0x0] =	vst v7;
	v10 =	vld [tilespmem:s1+$0x10]  }
0x303: {  	v27 =	vsel vm15, v59, v3;
	v46 =	vmovc v59;
	v3 =	vunpack.i.l.bf16.f32 v15;
	v59 =	vunpack.i.l.bf16.f32 v11;
	[tilespmem:s20+$0x40] =	vst v16;
	v57 =	vld [tilespmem:s26+$0x10]  }
0x304: {  	s28 =	simm.s32 $0x8;
	v15 =	vunpack.i.l.bf16.f32 v38;
	v38 =	vunpack.i.u.bf16.f32 v43;
	v11 =	vunpack.i.u.bf16.f32 v22;
	[tilespmem:s20+$0x80] =	vst v9;
	v7 =	vld [tilespmem:s1+$0x90]  }
0x305: {  	s16 =	simm.s32 $0x80;
	s30 =	simm.s32 $0x4;
	s0 =	simm.s32 $0x3B00;
	v43 =	vmovc v48;
	v48 =	vunpack.i.l.bf16.f32 v49;
	v8 =	vunpack.i.l.bf16.f32 v17;
	v37 =	vunpack.i.l.bf16.f32 v61;
	v9 =	vld [tilespmem:s26+$0x90];
	[tilespmem:s20+$0xC0] =	vst v21  }
.LBB2_13:
0x306: {  	[tilespmem:$0x1FA10] =	vst v53  }
0x307: {  	[tilespmem:$0x1FA20] =	vst v39  }
0x308: {  	[tilespmem:$0x1FA40] =	vst v40  }
0x309: {  	[tilespmem:$0x1FA30] =	vst v28  }
0x30a: {  	[tilespmem:$0x1FA60] =	vst v29  }
0x30b: {  	[tilespmem:$0x1FA70] =	vst v47;
	v16 =	vld [tilespmem:s1+$0xFFFFFF00];
	v28 =	vadd.f32 v36, v12  }
0x30c: {  	[tilespmem:$0x1FAF0] =	vst v44;
	v47 =	vld [tilespmem:s26+$0xFFFFFF00];
	v29 =	vadd.f32 v44, v5;
	v44 =	vadd.f32 v3, v31  }
0x30d: {  	v20 =	vld [tilespmem:s1+$0xFFFFFF80];
	v31 =	vadd.f32 v43, v55;
	[tilespmem:$0x1FB60] =	vst v45;
	v45 =	vadd.f32 v45, v32  }
0x30e: {  	[tilespmem:$0x1FB00] =	vst v3;
	v22 =	vld [tilespmem:s26+$0xFFFFFF80];
	v3 =	vadd.f32 v52, v63;
	v15 =	vadd.f32 v30, v15  }
0x30f: {  	v24 =	vld [tilespmem:s25+$0xFFFFFF70];
	[tilespmem:$0x1FA90] =	vst v30;
	v30 =	vadd.f32 v48, v59;
	v13 =	vadd.f32 v38, v13  }
0x310: {  	[tilespmem:$0x1FB30] =	vst v27;
	v27 =	vld [tilespmem:s1+$0x0];
	v14 =	vadd.f32 v33, v14;
	v59 =	vadd.f32 v42, v11  }
0x311: {  	[tilespmem:$0x1FB20] =	vst v34;
	v39 =	vld [tilespmem:s25+$0xFFFFFFB0];
	v4 =	vunpack.i.u.bf16.f32 v58;
	v17 =	vunpack.i.l.bf16.f32 v58;
	v34 =	vunpack.i.l.bf16.f32 v0  }
0x312: {  	v40 =	vld [tilespmem:s26+$0x0];
	[tilespmem:$0x1F9F0] =	vst v4;
	v4 =	vunpack.i.u.bf16.f32 v0;
	v17 =	vadd.f32 v34, v17;
	v18 =	vunpack.i.u.bf16.f32 v1  }
0x313: {  	[tilespmem:$0x1FA00] =	vst v49;
	v6 =	vld [tilespmem:s25+$0xFFFFFFF0];
	v19 =	vunpack.i.l.bf16.f32 v1;
	v61 =	vunpack.i.u.bf16.f32 v2;
	v62 =	vunpack.i.l.bf16.f32 v2  }
0x314: {  	[tilespmem:$0x1FB40] =	vst v50;
	v12 =	vld [tilespmem:s25+$0x30];
	v21 =	vunpack.i.u.bf16.f32 v54;
	v23 =	vunpack.i.l.bf16.f32 v54;
	v54 =	vunpack.i.u.bf16.f32 v56  }
0x315: {  	v63 =	vld [tilespmem:s26+$0x80];
	[tilespmem:$0x1F9E0] =	vst v4;
	v50 =	vunpack.i.l.bf16.f32 v56;
	v4 =	vunpack.i.u.bf16.f32 v10;
	v25 =	vunpack.i.l.bf16.f32 v10  }
0x316: {  	[tilespmem:$0x1FAE0] =	vst v36;
	v36 =	vld [tilespmem:s25+$0xFFFFFF00];
	v56 =	vunpack.i.u.bf16.f32 v57;
	v0 =	vunpack.i.l.bf16.f32 v57;
	v49 =	vunpack.i.u.bf16.f32 v7  }
0x317: {  	[tilespmem:$0x1FB70] =	vst v48;
	v48 =	vld [tilespmem:s25+$0x70];
	v2 =	vunpack.i.l.bf16.f32 v7;
	v53 =	vunpack.i.u.bf16.f32 v9;
	v57 =	vunpack.i.l.bf16.f32 v9  }
0x318: {  	[tilespmem:$0x1FA50] =	vst v41;
	v32 =	vld [tilespmem:s25+$0xFFFFFF40];
	v1 =	vunpack.i.u.bf16.f32 v16;
	v16 =	vunpack.i.l.bf16.f32 v16;
	v7 =	vunpack.i.u.bf16.f32 v47  }
0x319: {  	[tilespmem:$0x1FAA0] =	vst v33;
	v33 =	vld [tilespmem:s25+$0xFFFFFF50];
	v10 =	vunpack.i.l.bf16.f32 v47;
	v41 =	vunpack.i.u.bf16.f32 v20;
	v20 =	vunpack.i.l.bf16.f32 v20  }
0x31a: {  	[tilespmem:$0x1FB10] =	vst v43;
	v58 =	vunpack.i.u.bf16.f32 v22;
	v9 =	vunpack.i.u.bf16.f32 v40;
	v55 =	vunpack.i.l.bf16.f32 v40;
	v40 =	vld [tilespmem:s25+$0xFFFFFF10]  }
0x31b: {  	[tilespmem:$0x1FAD0] =	vst v34;
	v34 =	vld [tilespmem:s25+$0xFFFFFF80];
	v35 =	vunpack.i.l.bf16.f32 v22;
	v43 =	vunpack.i.u.bf16.f32 v27;
	v11 =	vadd.f32 v10, v16  }
0x31c: {  	[tilespmem:$0x1FA80] =	vst v46;
	v22 =	vld [tilespmem:s1+$0x80];
	v27 =	vunpack.i.l.bf16.f32 v27;
	v47 =	vadd.f32 v37, v8;
	v18 =	vadd.f32 v61, v18  }
0x31d: {  	[tilespmem:$0x1FB50] =	vst v52;
	v19 =	vadd.f32 v62, v19;
	v16 =	vadd.f32 v26, v60;
	v60 =	vld [tilespmem:s25+$0xFFFFFF20];
	v46 =	vmul.f32 v11, v36  }
0x31e: {  	v52 =	vmovc v38;
	v23 =	vadd.f32 v50, v23;
	v38 =	vadd.f32 v7, v1;
	v18 =	vmul.f32 v33, v18;
	v33 =	vld [tilespmem:s25+$0xFFFFFFA0]  }
0x31f: {  	v21 =	vadd.f32 v54, v21;
	v46 =	vadd.f32 $0.0e+00, v46;
	v19 =	vmul.f32 v19, v40;
	v40 =	vld [tilespmem:s25+$0xFFFFFF60]  }
0x320: {  	v25 =	vadd.f32 v0, v25;
	v20 =	vadd.f32 v35, v20;
	v32 =	vmul.f32 v32, v38;
	v38 =	vld [tilespmem:s25+$0xFFFFFF90]  }
0x321: {  	v8 =	vunpack.i.u.bf16.f32 v63;
	v27 =	vadd.f32 v55, v27;
	v19 =	vadd.f32 v19, v46;
	v46 =	vld [tilespmem:s25+$0xFFFFFFC0]  }
0x322: {  	v11 =	vunpack.i.l.bf16.f32 v63;
	v20 =	vmul.f32 v20, v34;
	v34 =	vld [tilespmem:s25+$0x0];
	v15 =	vmul.f32 v15, v60  }
0x323: {  	v63 =	vmovc v0;
	v36 =	vadd.f32 v53, v49;
	v0 =	vld [tilespmem:$0x1F9F0];
	v32 =	vadd.f32 $0.0e+00, v32;
	v60 =	vmul.f32 v28, v51  }
0x324: {  	v28 =	vld [tilespmem:s25+$0xFFFFFFD0];
	v15 =	vadd.f32 v15, v19;
	v13 =	vmul.f32 v40, v13;
	v40 =	vadd.f32 v58, v41  }
0x325: {  	v51 =	vld [tilespmem:s25+$0xFFFFFFE0];
	v18 =	vadd.f32 v18, v32;
	v49 =	vmul.f32 v23, v38;
	v41 =	vadd.f32 $0.0e+00, v20  }
0x326: {  	v32 =	vld [tilespmem:s25+$0x40];
	v15 =	vadd.f32 v60, v15;
	v60 =	vmul.f32 v24, v29;
	v24 =	vmul.f32 v46, v40  }
0x327: {  	[tilespmem:$0x1FAC0] =	vst v37;
	v37 =	vadd.f32 v57, v2;
	v14 =	vmul.f32 v14, v33;
	v29 =	vld [tilespmem:s25+$0x10];
	v13 =	vadd.f32 v13, v18  }
0x328: {  	v19 =	vadd.f32 v49, v41;
	(xrf2) =	vadd.scan.msk.f32 $0xffff, v15;
	v15 =	vadd.f32 $0.0e+00, v24;
	v24 =	vmul.f32 v27, v34;
	v27 =	vld [tilespmem:s25+$0x50]  }
0x329: {  	[tilespmem:$0x1FAB0] =	vst v26;
	v26 =	vadd.f32 v56, v4;
	v43 =	vadd.f32 v9, v43;
	v38 =	vld [tilespmem:s25+$0x20];
	v33 =	vmul.f32 v28, v21  }
0x32a: {  	v28 =	vld [tilespmem:s25+$0x80];
	v40 =	vmul.f32 v44, v39;
	v13 =	vadd.f32 v60, v13;
	v14 =	vadd.f32 v14, v19  }
0x32b: {  	v5 =	vunpack.i.u.bf16.f32 v22;
	v22 =	vunpack.i.l.bf16.f32 v22;
	v49 =	vld [tilespmem:s25+$0x90];
	v15 =	vadd.f32 v33, v15  }
0x32c: {  	v41 =	vmul.f32 v51, v59;
	(xrf2) =	vadd.scan.msk.f32 $0xffff, v13;
	v13 =	vadd.f32 v40, v14;
	v14 =	vadd.f32 $0.0e+00, v24;
	v24 =	vld [tilespmem:s25+$0x60]  }
0x32d: {  	v22 =	vadd.f32 v11, v22;
	v44 =	vmul.f32 v25, v29;
	v60 =	vmul.f32 v27, v26;
	v27 =	vld [tilespmem:$0x1F9E0]  }
0x32e: {  	v46 =	vmul.f32 v6, v31;
	v20 =	vmul.f32 v32, v43;
	v59 =	vld [tilespmem:s25+$0xC0];
	v15 =	vadd.f32 v41, v15  }
0x32f: {  	v32 =	vld [tilespmem:s25+$0xA0];
	v51 =	vmul.f32 v47, v38;
	v34 =	vadd.f32 v8, v5;
	v14 =	vadd.f32 v44, v14  }
0x330: {  	v39 =	vld [tilespmem:s25+$0xE0];
	v33 =	vmul.f32 v45, v12;
	(xrf2) =	vadd.scan.msk.f32 $0xffff, v13;
	v13 =	vadd.f32 v46, v15;
	v15 =	vadd.f32 $0.0e+00, v20  }
0x331: {  	v22 =	vmul.f32 v22, v28;
	v25 =	vld [tilespmem:s25+$0xD0];
	v38 =	vmul.f32 v37, v49;
	v14 =	vadd.f32 v51, v14  }
0x332: {  	v16 =	vmul.f32 v24, v16;
	v15 =	vadd.f32 v60, v15;
	v6 =	vadd.f32 v27, v0;
	v0 =	vld [tilespmem:$0x1FA00]  }
0x333: {  	v12 =	vmul.f32 v59, v34;
	v26 =	vld [tilespmem:s1+$0xFFFFFF40];
	(xrf2) =	vadd.scan.msk.f32 $0xffff, v13;
	v13 =	vadd.f32 v33, v14;
	v14 =	vadd.f32 $0.0e+00, v22  }
0x334: {  	v4 =	vmul.f32 v48, v3;
	v24 =	vld [tilespmem:s25+$0xB0];
	v15 =	vadd.f32 v16, v15  }
0x335: {  	v44 =	vld [tilespmem:s1+$0x40];
	v12 =	vadd.f32 $0.0e+00, v12;
	v14 =	vadd.f32 v38, v14  }
0x336: {  	v40, _, _ =	vpop (xrf2);
	v16 =	vmul.f32 v17, v32;
	(xrf2) =	vadd.scan.msk.f32 $0xffff, v13;
	v13 =	vld [tilespmem:s1+$0xFFFFFFC0];
	v4 =	vadd.f32 v4, v15;
	v15 =	vmul.f32 v25, v36  }
0x337: {  	v49 =	vunpack.i.u.bf16.f32 v0;
	v0 =	vld [tilespmem:$0x1FA10]  }
0x338: {  	v1 =	vadd.f32 v16, v14;
	v6 =	vmul.f32 v39, v6;
	v16 =	vld [tilespmem:s1+$0xC0];
	v12 =	vadd.f32 v15, v12  }
0x339: {  	v17 =	vld [tilespmem:s25+$0xF0];
	v45 =	vunpack.i.u.bf16.f32 v26;
	(v2sf) =	vpush v40, $0xF;
	v3 =	vmul.f32 v30, v24  }
0x33a: {  	v19 =	vunpack.i.l.bf16.f32 v44;
	v47 =	vadd.f32 v45, v7;
	v41, _, _ =	vpop (xrf2);
	(xrf2) =	vadd.scan.msk.f32 $0xffff, v4;
	v6 =	vadd.f32 v6, v12;
	v12 =	vld [tilespmem:s4+$0xFFFFFFD0]  }
0x33b: {  	v46 =	vld [tilespmem:s4+$0xFFFFFF50];
	(v2sf) =	vpush v41, $0xF;
	v4 =	vunpack.i.l.bf16.f32 v26;
	v3 =	vadd.f32 v3, v1  }
0x33c: {  	v1 =	vld [tilespmem:$0x1FC40];
	v7 =	vunpack.i.u.bf16.f32 v13;
	v13 =	vunpack.i.l.bf16.f32 v13;
	v15 =	vadd.f32 v49, v0  }
0x33d: {  	v14, _, _ =	vpop (xrf2);
	(xrf2) =	vadd.scan.msk.f32 $0xffff, v3;
	v3 =	vadd.f32 v13, v35;
	v5 =	vunpack.i.u.bf16.f32 v16;
	v13 =	vunpack.i.l.bf16.f32 v16;
	v16 =	vld [tilespmem:$0x1FB90]  }
0x33e: {  	v45 =	vld [tilespmem:$0x1FA20];
	v4 =	vadd.f32 v4, v10;
	(v2sf) =	vpush v14, $0xF;
	v0 =	vmul.f32 v17, v15  }
0x33f: {  	v15 =	vld [tilespmem:s4+$0x50];
	v17 =	vunpack.i.u.bf16.f32 v44;
	v44 =	vadd.f32 v5, v8;
	v8 =	vunpack.i.l.bf16.f32 v12  }
0x340: {  	v60 =	vadd.f32 v7, v58;
	v10, _, _ =	vpop (xrf2);
	v24 =	vadd.f32 v13, v11  }
0x341: {  	v14 =	vld [tilespmem:$0x1FA40];
	(v2sf) =	vpush v10, $0xF;
	v59 =	vadd.f32 v17, v9;
	v9 =	vunpack.i.l.bf16.f32 v46  }
0x342: {  	v7, _, _ =	vpop (xrf2);
	v17 =	vld [tilespmem:$0x1FBE0];
	v1 =	vadd.f32 v8, v1;
	v9 =	vadd.f32 v9, v16;
	v8 =	vmov v50  }
0x343: {  	(v2sf) =	vpush v7, $0xF;
	v5 =	vunpack.i.u.bf16.f32 v12;
	v6 =	vadd.f32 v0, v6;
	v0 =	vmovc v62;
	[tilespmem:$0x1FC40] =	vst v8;
	v8 =	vld [tilespmem:$0x1FC80]  }
0x344: {  	v11 =	vunpack.i.u.bf16.f32 v15;
	v12 =	vunpack.i.l.bf16.f32 v15;
	v15, _, _ =	vpop (xrf2);
	[tilespmem:$0x1FB90] =	vst v0;
	v0 =	vmul.f32 v45, v9  }
0x345: {  	(v2sf) =	vpush v15, $0xF;
	v15 =	vld [tilespmem:$0x1FA50]  }
0x346: {  	[tilespmem:s20+$0xFFFFFF10] =	vst v0;
	v0 =	vmul.f32 v14, v1;
	v1 =	vld [tilespmem:$0x1FCB0]  }
0x347: {  	(xrf2) =	vadd.scan.msk.f32 $0xffff, v6;
	v6 =	vunpack.i.u.bf16.f32 v46  }
0x348: {  	v26 =	vld [tilespmem:$0x1FA60];
	v6 =	vadd.f32 v6, v17;
	v17 =	vmov v61;
	v5 =	vadd.f32 v5, v8  }
0x349: {  	[tilespmem:$0x1FBE0] =	vst v17;
	v17 =	vld [tilespmem:$0x1FA30]  }
0x34a: {  	v5 =	vmul.f32 v15, v5  }
0x34b: {  	v43 =	vld [tilespmem:s4+$0xD0];
	v1 =	vadd.f32 v12, v1  }
0x34c: {  	[tilespmem:s20+$0xFFFFFFD0] =	vst v5;
	v5 =	vld [tilespmem:$0x1FCE0]  }
0x34d: {  	v8 =	vmov v54;
	[tilespmem:s20+$0xFFFFFF90] =	vst v0;
	v0 =	vmul.f32 v26, v1;
	v1 =	vld [tilespmem:$0x1FCD0]  }
0x34e: {  	v32 =	vld [tilespmem:$0x1FD00];
	v6 =	vmul.f32 v17, v6  }
0x34f: {  	v31 =	vld [tilespmem:$0x1FA80];
	[tilespmem:$0x1FC80] =	vst v8  }
0x350: {  	v13 =	vunpack.i.u.bf16.f32 v43;
	v8 =	vmov v53;
	[tilespmem:s20+$0xFFFFFF50] =	vst v6;
	v6 =	vld [tilespmem:$0x1FCC0]  }
0x351: {  	v7 =	vmov v56;
	v16 =	vunpack.i.l.bf16.f32 v43;
	[tilespmem:$0x1FCE0] =	vst v8;
	v8 =	vld [tilespmem:$0x1FA90];
	v5 =	vadd.f32 v13, v5  }
0x352: {  	[tilespmem:$0x1FCC0] =	vst v7;
	v7 =	vld [tilespmem:s4+$0xFFFFFF60];
	v10 =	vadd.f32 v16, v1;
	v1 =	vmov v57  }
0x353: {  	[tilespmem:$0x1FCD0] =	vst v1;
	v1 =	vmul.f32 v32, v5  }
0x354: {  	v29 =	vld [tilespmem:$0x1FA70];
	[tilespmem:s20+$0x10] =	vst v0  }
0x355: {  	v9 =	vadd.f32 v11, v6;
	v6 =	vmov v63;
	v0 =	vmul.f32 v31, v10;
	[tilespmem:s20+$0xD0] =	vst v1;
	v1 =	vld [tilespmem:$0x1FBC0]  }
0x356: {  	[tilespmem:$0x1FCB0] =	vst v6;
	v6 =	vld [tilespmem:s4+$0xFFFFFFE0]  }
0x357: {  	v5 =	vunpack.i.l.bf16.f32 v7;
	[tilespmem:s20+$0x90] =	vst v0;
	v0 =	vunpack.i.u.bf16.f32 v7;
	v7 =	vmov v8;
	v8 =	vld [tilespmem:$0x1FC50]  }
0x358: {  	v2, _, _ =	vpop (xrf2)  }
0x359: {  	(v2sf) =	vpush v2, $0xF;
	v2, _, _ =	vpop (xrf2)  }
0x35a: {  	(v2sf) =	vpush v2, $0xF;
	v2 =	vmul.f32 v29, v9;
	v1 =	vadd.f32 v5, v1  }
0x35b: {  	[tilespmem:$0x1FBC0] =	vst v7;
	v7 =	vunpack.i.u.bf16.f32 v6;
	v6 =	vunpack.i.l.bf16.f32 v6  }
0x35c: {  	[tilespmem:s20+$0x50] =	vst v2;
	v6 =	vadd.f32 v6, v8;
	v1 =	vmul.f32 v1, v45  }
0x35d: {  	v2 =	vld [tilespmem:s4+$0x60]  }
0x35e: {  	[tilespmem:s20+$0xFFFFFF20] =	vst v1;
	v1 =	vmul.f32 v6, v14;
	v6 =	vld [tilespmem:$0x1FC70]  }
0x35f: {  	v5 =	vld [tilespmem:$0x1FC20]  }
0x360: {  	v11 =	vld [tilespmem:$0x1FAA0];
	_ =	sdelay $0x1  }
0x361: {  	v9 =	vmov v52;
	v8 =	vld [tilespmem:$0x1FC60];
	v12 =	vunpack.i.u.bf16.f32 v2;
	v2 =	vunpack.i.l.bf16.f32 v2  }
0x362: {  	v2 =	vadd.f32 v2, v6  }
0x363: {  	[tilespmem:$0x1FC20] =	vst v9;
	v0 =	vadd.f32 v0, v5;
	v5 =	vld [tilespmem:s4+$0xE0]  }
0x364: {  	v9 =	vmov v11;
	[tilespmem:s20+$0xFFFFFFA0] =	vst v1;
	v1 =	vmul.f32 v2, v26;
	v2 =	vld [tilespmem:$0x1FCA0]  }
0x365: {  	[tilespmem:$0x1FC50] =	vst v9;
	v9 =	vld [tilespmem:$0x1FAB0]  }
0x366: {  	v7 =	vadd.f32 v7, v8;
	v0 =	vmul.f32 v0, v17;
	_ =	sdelay $0x1  }
0x367: {  	[tilespmem:s20+$0xFFFFFF60] =	vst v0;
	v0 =	vmul.f32 v7, v15;
	v7 =	vunpack.i.u.bf16.f32 v5;
	v5 =	vunpack.i.l.bf16.f32 v5  }
0x368: {  	v2 =	vadd.f32 v5, v2;
	v5 =	vld [tilespmem:$0x1FCF0]  }
0x369: {  	v10 =	vmov v9;
	v9 =	vld [tilespmem:$0x1FAC0];
	_ =	sdelay $0x1  }
0x36a: {  	v8 =	vmov v42;
	v6 =	vld [tilespmem:$0x1FC90]  }
0x36b: {  	s2 =	spop (v2sf);
	[tilespmem:$0x1FC60] =	vst v8  }
0x36c: {  	s9 =	spop (v2sf);
	[tilespmem:$0x1FC90] =	vst v10;
	v5 =	vadd.f32 v7, v5;
	v7 =	vld [tilespmem:$0x1FAD0]  }
0x36d: {  	s10 =	spop (v2sf);
	v8 =	vmov v9;
	[tilespmem:s20+$0xFFFFFFE0] =	vst v0  }
0x36e: {  	s10 =	smul.f32 $1.250000000e-01, s10;
	[tilespmem:$0x1FC70] =	vst v8  }
0x36f: {  	s2 =	smul.f32 $1.250000000e-01, s2;
	s14 =	spop (v2sf);
	v9 =	vmov v27;
	[tilespmem:s20+$0x20] =	vst v1;
	v11 =	vadd.f32 v12, v6;
	v1 =	vmul.f32 v2, v31  }
0x370: {  	s9 =	smul.f32 $1.250000000e-01, s9;
	s29 =	spop (v2sf);
	[tilespmem:$0x1FCF0] =	vst v9;
	v9 =	vmov s10  }
0x371: {  	s14 =	smul.f32 $1.250000000e-01, s14;
	s24 =	spop (v2sf);
	v0 =	vmul.f32 v11, v29;
	[tilespmem:s20+$0xA0] =	vst v1;
	v1 =	vmul.f32 $1.442695020e+00, v9;
	v6 =	vmov v7  }
0x372: {  	v8 =	vld [tilespmem:s4+$0xFFFFFF70];
	v2 =	vmul.f32 v5, v32;
	v5 =	vmov s9;
	s9 =	smul.f32 $1.250000000e-01, s24;
	[tilespmem:$0x1FCA0] =	vst v6;
	v6 =	vmov s2  }
0x373: {  	v10 =	vmov s14;
	s14 =	spop (v2sf);
	[tilespmem:s20+$0x60] =	vst v0;
	v5 =	vmul.f32 $1.442695020e+00, v5;
	s2 =	smul.f32 $1.250000000e-01, s29;
	v0 =	vmul.f32 $1.442695020e+00, v6  }
0x374: {  	v9 =	vmul.f32 $1.442695020e+00, v10;
	v1 =	vbroadcast v1, $0x0;
	s24 =	smul.f32 $1.250000000e-01, s14;
	v10 =	vmov s9  }
0x375: {  	v5 =	vbroadcast v5, $0x0;
	v6 =	vmov s2;
	v0 =	vbroadcast v0, $0x0  }
0x376: {  	[tilespmem:s20+$0xE0] =	vst v2;
	v2 =	vmul.f32 $1.442695020e+00, v6;
	v6 =	vmul.f32 $1.442695020e+00, v10;
	v10 =	vmov s24  }
0x377: {  	v16 =	vmovc v14;
	v14 =	vunpack.i.u.bf16.f32 v8;
	v10 =	vmul.f32 $1.442695020e+00, v10;
	(erf) = vpow2.f32 v0  }
0x378: {  	v0 =	vunpack.i.l.bf16.f32 v8;
	v8 =	vbroadcast v9, $0x0;
	(erf) = vpow2.f32 v5  }
0x379: {  	v2 =	vbroadcast v2, $0x0;
	(erf) = vpow2.f32 v1  }
0x37a: {  	v11 =	vld [tilespmem:s4+$0x70];
	v6 =	vbroadcast v6, $0x0;
	(erf) = vpow2.f32 v8  }
0x37b: {  	v7 =	vld [tilespmem:s4+$0xFFFFFFF0];
	v8 =	vbroadcast v10, $0x0;
	(erf) = vpow2.f32 v2  }
0x37c: {  	v12 =	vld [tilespmem:s4+$0xF0];
	(erf) = vpow2.f32 v6  }
0x37d: {  	s29 =	spop (v2sf);
	(erf) = vpow2.f32 v8;
	v8 =	vld [tilespmem:$0x1FBA0]  }
0x37e: {  	s10 =	smul.f32 $1.250000000e-01, s29;
	_ =	sdelay $0x1  }
0x37f: {  	v13 =	vmov s10;
	v5 =	vunpack.i.u.bf16.f32 v7  }
0x380: {  	v1 =	vunpack.i.l.bf16.f32 v7;
	v7 =	vunpack.i.u.bf16.f32 v11;
	v2 =	vunpack.i.l.bf16.f32 v11;
	v11 =	vld [tilespmem:$0x1FAE0]  }
0x381: {  	v6 =	vunpack.i.u.bf16.f32 v12;
	v0 =	vadd.f32 v0, v8;
	v8 =	vunpack.i.l.bf16.f32 v12;
	v12 =	vld [tilespmem:$0x1FAF0]  }
0x382: {  	v13 =	vmul.f32 $1.442695020e+00, v13;
	_ =	sdelay $0x2  }
0x383: {  	v10 =	vmov v11;
	v11 =	vld [tilespmem:$0x1FBD0]  }
0x384: {  	v9 =	vbroadcast v13, $0x0;
	v13 =	vmov v12;
	v12 =	vld [tilespmem:$0x1FB00];
	_ =	sdelay $0x4  }
0x385: {  	v1 =	vadd.f32 v1, v11;
	v11 =	vmov v12;
	v12 =	vld [tilespmem:$0x1FBF0];
	_ =	sdelay $0x2  }
0x386: {  	(erf) = vpow2.f32 v9;
	v9 =	vld [tilespmem:$0x1FBB0]  }
0x387: {  	[tilespmem:$0x1FBB0] =	vst v13;
	v13 =	vld [tilespmem:$0x1FB10]  }
0x388: {  	v5 =	vadd.f32 v5, v12;
	v12 =	vld [tilespmem:$0x1FC00];
	_ =	sdelay $0x4  }
0x389: {  	v2 =	vadd.f32 v2, v12;
	v12 =	vmov v13  }
0x38a: {  	[tilespmem:$0x1FBF0] =	vst v12;
	v12 =	vld [tilespmem:$0x1FC10]  }
0x38b: {  	v61 =	vld [tilespmem:$0x1FB70]  }
0x38c: {  	v54 =	vld [tilespmem:$0x1FB40]  }
0x38d: {  	s25 =	sadd.s32 $0x200, s25;
	v53 =	vld [tilespmem:$0x1FB30]  }
0x38e: {  	v51 =	vld [tilespmem:s25+$0xFFFFFF30]  }
0x38f: {  	s26 =	sadd.s32 $0x200, s26;
	v9 =	vadd.f32 v14, v9;
	v7 =	vadd.f32 v7, v12;
	v12 =	vld [tilespmem:$0x1FC30]  }
0x390: {  	v34 =	vmov v49;
	s4 =	smov.u32 s1;
	s1 =	sadd.s32 $0x200, s1;
	v49 =	vld [tilespmem:s26+$0xB0];
	v39 =	vpop (erf);
	[tilespmem:$0x1FBA0] =	vst v10;
	v0 =	vmul.f32 v0, v45  }
0x391: {  	v10 =	vld [tilespmem:s1+$0xFFFFFF30];
	v28 =	vpop (erf);
	v9 =	vmul.f32 v9, v17;
	[tilespmem:$0x1FBD0] =	vst v11  }
0x392: {  	v55 =	vadd.f32 v19, v55;
	s29 =	sadd.s32 $0x2, s30;
	v4 =	vmul.f32 v39, v4;
	v40 =	vpop (erf);
	v11 =	vld [tilespmem:s26+$0xFFFFFF30];
	[tilespmem:s20+$0xFFFFFF30] =	vst v0  }
0x393: {  	v22 =	vld [tilespmem:s1+$0x20];
	v52 =	vmov s29;
	v46 =	vmul.f32 v40, v3;
	[tilespmem:s0+$0xFFFFFF70] =	vst v9;
	s20 =	sadd.s32 $0x200, s20;
	v5 =	vmul.f32 v5, v15  }
0x394: {  	s14 =	sadd.s32 $0x3, s30;
	v14 =	vld [tilespmem:s26+$0xFFFFFFB0];
	v0 =	vmul.f32 v1, v16;
	[tilespmem:s20+$0xFFFFFF00] =	vst v4;
	v8 =	vadd.f32 v8, v12;
	v12 =	vmul.f32 v28, v47  }
0x395: {  	s24 =	sadd.s32 $0x1, s30;
	v41 =	vpop (erf);
	v4 =	vmov s14;
	v15 =	vmov s30;
	v13 =	vld [tilespmem:s1+$0xFFFFFFB0];
	[tilespmem:s0+$0xFFFFFFF0] =	vst v5;
	v47 =	vlaneseq.u32  }
0x396: {  	v17 =	vpop (erf);
	v1 =	vld [tilespmem:$0x1FB20];
	v5 =	vmul.f32 v41, v60;
	vm0 =	veq.s32 v15, v47;
	[tilespmem:s20+$0xFFFFFF40] =	vst v12;
	v12 =	vmov s24  }
0x397: {  	v3 =	vpop (erf);
	v60 =	vld [tilespmem:$0x1FB60];
	v18 =	vsel vm0, v39, v53;
	v19 =	vsel vm0, v28, v54;
	vm13 =	veq.s32 v12, v47  }
0x398: {  	v58 =	vld [tilespmem:s1+$0xA0];
	vm14 =	veq.s32 v52, v47;
	v15 =	vpop (erf);
	v12 =	vsel vm13, v40, v18;
	v56 =	vsel vm13, v41, v19  }
0x399: {  	v9 =	vld [tilespmem:s26+$0x30];
	vm15 =	veq.s32 v4, v47;
	v4 =	vpop (erf);
	v57 =	vsel vm14, v17, v12;
	v12 =	vsel vm14, v3, v56  }
0x39a: {  	v50 =	vsel vm15, v4, v12;
	v12 =	vld [tilespmem:$0x1FB50]  }
0x39b: {  	v16 =	vld [tilespmem:s1+$0xB0];
	[tilespmem:s20+$0xFFFFFF80] =	vst v46  }
0x39c: {  	v30 =	vmul.f32 v17, v55;
	v1 =	vadd.f32 v6, v1;
	v6 =	vld [tilespmem:s1+$0x30];
	[tilespmem:s0+$0xFFFFFFB0] =	vst v0;
	v25 =	vmov v60  }
0x39d: {  	v21 =	vld [tilespmem:s26+$0xFFFFFFA0];
	[tilespmem:$0x1FC00] =	vst v25  }
0x39e: {  	v25 =	vld [tilespmem:s26+$0x20];
	[tilespmem:s20+$0x0] =	vst v30  }
0x39f: {  	v48 =	vunpack.i.l.bf16.f32 v49;
	v18 =	vld [tilespmem:s1+$0xFFFFFFA0];
	[tilespmem:s20+$0xFFFFFFC0] =	vst v5;
	v0 =	vmov v12;
	v12 =	vmul.f32 v3, v59  }
0x3a0: {  	v43 =	vunpack.i.u.bf16.f32 v14;
	v36 =	vunpack.i.l.bf16.f32 v11;
	v26 =	vmul.f32 v2, v26;
	v20 =	vld [tilespmem:s1+$0xFFFFFF20];
	[tilespmem:$0x1FC10] =	vst v0  }
0x3a1: {  	v45 =	vunpack.i.l.bf16.f32 v9;
	v55 =	vunpack.i.u.bf16.f32 v13;
	v7 =	vmul.f32 v7, v29;
	v2 =	vld [tilespmem:s26+$0xFFFFFF10];
	[tilespmem:s20+$0x40] =	vst v12  }
0x3a2: {  	v60 =	vunpack.i.u.bf16.f32 v22;
	v42 =	vunpack.i.u.bf16.f32 v21;
	v33 =	vunpack.i.l.bf16.f32 v21;
	v29 =	vmovc v17;
	v19 =	vld [tilespmem:s26+$0xFFFFFF20];
	[tilespmem:s0+$0x30] =	vst v26  }
0x3a3: {  	v37 =	vunpack.i.l.bf16.f32 v25;
	v63 =	vmul.f32 v15, v24;
	v17 =	vmul.f32 v1, v32;
	v1 =	vld [tilespmem:s1+$0xFFFFFF10];
	v0 =	vmovc v4;
	[tilespmem:s0+$0x70] =	vst v7  }
0x3a4: {  	v52 =	vunpack.i.u.bf16.f32 v9;
	v8 =	vmul.f32 v8, v31;
	v24 =	vmul.f32 v4, v44;
	v54 =	vld [tilespmem:s1+$0xFFFFFF90];
	[tilespmem:$0x1FD00] =	vst v0  }
0x3a5: {  	p1 =	slt.u32 s28, $0xC;
	v31 =	vunpack.i.l.bf16.f32 v13;
	v53 =	vunpack.i.u.bf16.f32 v16;
	v44 =	vunpack.i.u.bf16.f32 v11;
	v0 =	vld [tilespmem:s26+$0xA0];
	[tilespmem:s20+$0x80] =	vst v63  }
.Ltmp5:
0x3a6: {  	v5 =	vunpack.i.u.bf16.f32 v10;
	v32 =	vunpack.i.l.bf16.f32 v6;
	v56 =	vld [tilespmem:s26+$0xFFFFFF90];
	v27 =	vsel vm15, v15, v57;
	[tilespmem:s20+$0xC0] =	vst v24;
	(pc) =	sbr.rel @p1 .LBB2_13-.Ltmp5, $4  }
0x3a7: {  	v46 =	vmovc v15;
	v13 =	vunpack.i.u.bf16.f32 v20;
	v15 =	vunpack.i.l.bf16.f32 v20;
	v12 =	vunpack.i.l.bf16.f32 v10;
	v10 =	vld [tilespmem:s1+$0x10];
	[tilespmem:s0+$0xB0] =	vst v8  }
0x3a8: {  	v38 =	vunpack.i.u.bf16.f32 v19;
	v30 =	vunpack.i.l.bf16.f32 v19;
	v11 =	vunpack.i.u.bf16.f32 v18;
	v57 =	vld [tilespmem:s26+$0x10];
	[tilespmem:s0+$0xF0] =	vst v17  }
0x3a9: {  	v62 =	vmovc v61;
	v47 =	vmovc v3;
	v3 =	vunpack.i.l.bf16.f32 v14;
	v59 =	vunpack.i.l.bf16.f32 v16;
	v14 =	vunpack.i.l.bf16.f32 v18;
	v7 =	vld [tilespmem:s1+$0x90]  }
0x3aa: {  	s30 =	smov.u32 s28;
	s28 =	sadd.s32 $0x4, s28;
	[tilespmem:$0x1FC30] =	vst v62;
	v26 =	vunpack.i.u.bf16.f32 v25;
	v63 =	vunpack.i.u.bf16.f32 v6;
	s0 =	smov.u32 s20;
	v8 =	vunpack.i.l.bf16.f32 v22;
	v9 =	vld [tilespmem:s26+$0x90]  }
0x3ab: {  	v6 =	vld [tilespmem:s1+$0xFFFFFF00]  }
0x3ac: {  	v16 =	vld [tilespmem:s26+$0xFFFFFF00];
	_ =	sdelay $0x2  }
0x3ad: {  	v17 =	vld [tilespmem:s25+$0xFFFFFF00];
	_ =	sdelay $0x1  }
0x3ae: {  	v19 =	vld [tilespmem:s25+$0xFFFFFF10];
	v18 =	vunpack.i.l.bf16.f32 v6;
	v24 =	vunpack.i.l.bf16.f32 v16  }
0x3af: {  	v62 =	vld [tilespmem:s25+$0xFFFFFF20];
	v18 =	vadd.f32 v24, v18  }
0x3b0: {  	v20 =	vld [tilespmem:s1+$0xFFFFFF80];
	v21 =	vunpack.i.l.bf16.f32 v1;
	v35 =	vunpack.i.l.bf16.f32 v2  }
0x3b1: {  	v22 =	vld [tilespmem:s25+$0xFFFFFF40];
	v15 =	vadd.f32 v30, v15;
	v17 =	vmul.f32 v18, v17;
	v18 =	vadd.f32 v35, v21  }
0x3b2: {  	v12 =	vadd.f32 v36, v12;
	v23 =	vadd.f32 v38, v13;
	v25 =	vunpack.i.u.bf16.f32 v16;
	v16 =	vld [tilespmem:s26+$0xFFFFFF80]  }
0x3b3: {  	v5 =	vadd.f32 v44, v5;
	v18 =	vmul.f32 v18, v19;
	v17 =	vadd.f32 $0.0e+00, v17  }
0x3b4: {  	v6 =	vunpack.i.u.bf16.f32 v6;
	v15 =	vmul.f32 v15, v62;
	v62 =	vunpack.i.u.bf16.f32 v2;
	v19 =	vld [tilespmem:s25+$0xFFFFFF50]  }
0x3b5: {  	v61 =	vunpack.i.u.bf16.f32 v1;
	v6 =	vadd.f32 v25, v6;
	v17 =	vadd.f32 v18, v17;
	v18 =	vld [tilespmem:s25+$0xFFFFFF80];
	[tilespmem:$0x1F9D0] =	vst v62  }
0x3b6: {  	v14 =	vadd.f32 v33, v14;
	v11 =	vadd.f32 v42, v11;
	v4 =	vunpack.i.l.bf16.f32 v20;
	v21 =	vld [tilespmem:s25+$0xFFFFFF60]  }
0x3b7: {  	v1 =	vadd.f32 v62, v61;
	v6 =	vmul.f32 v22, v6;
	v61 =	vunpack.i.l.bf16.f32 v16;
	v22 =	vld [tilespmem:s25+$0xFFFFFF70]  }
0x3b8: {  	v12 =	vmul.f32 v12, v51;
	v2 =	vadd.f32 v61, v4;
	v15 =	vadd.f32 v15, v17;
	v17 =	vld [tilespmem:s25+$0xFFFFFF90]  }
0x3b9: {  	v51 =	vunpack.i.l.bf16.f32 v56;
	v6 =	vadd.f32 $0.0e+00, v6;
	v1 =	vmul.f32 v19, v1;
	v19 =	vld [tilespmem:s25+$0xFFFFFFA0]  }
0x3ba: {  	v20 =	vunpack.i.u.bf16.f32 v20;
	v62 =	vunpack.i.l.bf16.f32 v54;
	v13 =	vld [tilespmem:s25+$0xFFFFFFC0];
	v18 =	vmul.f32 v2, v18  }
0x3bb: {  	v1 =	vadd.f32 v1, v6;
	v6 =	vadd.f32 v51, v62;
	v2 =	vunpack.i.u.bf16.f32 v16;
	v16 =	vld [tilespmem:s26+$0x0]  }
0x3bc: {  	v12 =	vadd.f32 v12, v15;
	v62 =	vadd.f32 v3, v31;
	v21 =	vmul.f32 v21, v23;
	v23 =	vld [tilespmem:s1+$0x0]  }
0x3bd: {  	v15 =	vld [tilespmem:s25+$0xFFFFFFD0];
	v5 =	vmul.f32 v22, v5;
	v6 =	vmul.f32 v6, v17;
	v18 =	vadd.f32 $0.0e+00, v18  }
0x3be: {  	v17 =	vadd.f32 v2, v20;
	v20 =	vld [tilespmem:s25+$0xFFFFFFB0];
	v1 =	vadd.f32 v21, v1;
	v14 =	vmul.f32 v14, v19  }
0x3bf: {  	v21 =	vunpack.i.u.bf16.f32 v54;
	v54 =	vunpack.i.u.bf16.f32 v56;
	v19 =	vld [tilespmem:s25+$0xFFFFFFE0];
	v6 =	vadd.f32 v6, v18  }
0x3c0: {  	v13 =	vmul.f32 v13, v17;
	v17 =	vld [tilespmem:s25+$0x0];
	v18 =	vadd.f32 v5, v1;
	v1 =	vadd.f32 v54, v21  }
0x3c1: {  	v56 =	vunpack.i.l.bf16.f32 v16;
	v21 =	vld [tilespmem:s25+$0xFFFFFFF0];
	v22 =	vunpack.i.l.bf16.f32 v23;
	v6 =	vadd.f32 v14, v6  }
0x3c2: {  	v4 =	vmovc v3;
	v3 =	vunpack.i.l.bf16.f32 v57;
	v13 =	vadd.f32 $0.0e+00, v13;
	v14 =	vld [tilespmem:s25+$0x10];
	v5 =	vadd.f32 v56, v22  }
0x3c3: {  	v1 =	vmul.f32 v15, v1;
	v15 =	vmul.f32 v62, v20;
	v62 =	vunpack.i.l.bf16.f32 v10;
	v20 =	vld [tilespmem:s25+$0x40]  }
0x3c4: {  	v11 =	vmul.f32 v19, v11;
	v19 =	vadd.f32 v43, v55;
	v55 =	vunpack.i.u.bf16.f32 v16;
	v16 =	vld [tilespmem:s26+$0x80]  }
0x3c5: {  	v5 =	vmul.f32 v5, v17;
	v17 =	vld [tilespmem:s1+$0x80];
	v1 =	vadd.f32 v1, v13;
	v13 =	vadd.f32 v3, v62  }
0x3c6: {  	v8 =	vadd.f32 v37, v8;
	v31 =	vmovc v4;
	v4 =	vunpack.i.u.bf16.f32 v23;
	v6 =	vadd.f32 v15, v6;
	v15 =	vld [tilespmem:s25+$0x20]  }
0x3c7: {  	v23 =	vadd.f32 v45, v32;
	v62 =	vadd.f32 v55, v4;
	v13 =	vmul.f32 v13, v14;
	v14 =	vld [tilespmem:s25+$0x50]  }
0x3c8: {  	v10 =	vunpack.i.u.bf16.f32 v10;
	v19 =	vmul.f32 v21, v19;
	v21 =	vld [tilespmem:s25+$0x30];
	v5 =	vadd.f32 $0.0e+00, v5  }
0x3c9: {  	v11 =	vadd.f32 v11, v1;
	v1 =	vmul.f32 v20, v62;
	v62 =	vunpack.i.u.bf16.f32 v57;
	v20 =	vld [tilespmem:s25+$0x80]  }
0x3ca: {  	v5 =	vadd.f32 v13, v5;
	v10 =	vadd.f32 v62, v10;
	v13 =	vld [tilespmem:s25+$0x60]  }
0x3cb: {  	v57 =	vunpack.i.l.bf16.f32 v16;
	v8 =	vmul.f32 v8, v15;
	v15 =	vunpack.i.l.bf16.f32 v17  }
0x3cc: {  	v32 =	vadd.f32 v57, v15;
	v10 =	vmul.f32 v14, v10;
	v14 =	vld [tilespmem:s25+$0x90]  }
0x3cd: {  	v4 =	vmul.f32 v23, v21;
	v15 =	vadd.f32 v26, v60;
	v21 =	vadd.f32 $0.0e+00, v1  }
0x3ce: {  	(xrf2) =	vadd.scan.msk.f32 $0xffff, v12;
	v1 =	vunpack.i.l.bf16.f32 v9;
	v20 =	vmul.f32 v32, v20;
	v32 =	vunpack.i.l.bf16.f32 v7  }
0x3cf: {  	v22 =	vld [tilespmem:s25+$0x70];
	v13 =	vmul.f32 v13, v15;
	v15 =	vadd.f32 v1, v32  }
0x3d0: {  	(xrf2) =	vadd.scan.msk.f32 $0xffff, v18;
	v11 =	vadd.f32 v19, v11;
	v60 =	vld [tilespmem:s25+$0xC0];
	v8 =	vadd.f32 v8, v5  }
0x3d1: {  	v5 =	vunpack.i.u.bf16.f32 v16;
	v16 =	vadd.f32 $0.0e+00, v20;
	v14 =	vmul.f32 v15, v14  }
0x3d2: {  	v17 =	vunpack.i.u.bf16.f32 v17;
	v10 =	vadd.f32 v10, v21;
	v21 =	vadd.f32 v52, v63  }
0x3d3: {  	v23 =	vunpack.i.u.bf16.f32 v7;
	v15 =	vadd.f32 v5, v17;
	v14 =	vadd.f32 v14, v16;
	v16 =	vld [tilespmem:s25+$0xA0]  }
0x3d4: {  	v8 =	vadd.f32 v4, v8;
	v10 =	vadd.f32 v13, v10;
	v12 =	vmul.f32 v22, v21;
	v13 =	vld [tilespmem:s25+$0xD0]  }
0x3d5: {  	(xrf2) =	vadd.scan.msk.f32 $0xffff, v6;
	v32 =	vunpack.i.l.bf16.f32 v58;
	v17 =	vld [tilespmem:s25+$0xB0];
	v15 =	vmul.f32 v60, v15;
	v60 =	vunpack.i.l.bf16.f32 v0  }
0x3d6: {  	(xrf2) =	vadd.scan.msk.f32 $0xffff, v11;
	v4 =	vunpack.i.u.bf16.f32 v9;
	v10 =	vadd.f32 v12, v10;
	v21 =	vadd.f32 v60, v32  }
0x3d7: {  	v7 =	vadd.f32 v4, v23;
	v20 =	vunpack.i.u.bf16.f32 v58;
	(xrf2) =	vadd.scan.msk.f32 $0xffff, v8  }
0x3d8: {  	v9 =	vld [tilespmem:s25+$0xE0];
	v63, _, _ =	vpop (xrf2);
	v58 =	vunpack.i.u.bf16.f32 v0;
	v32 =	vadd.f32 v48, v59;
	(xrf2) =	vadd.scan.msk.f32 $0xffff, v10;
	v0 =	vmul.f32 v21, v16  }
0x3d9: {  	(v2sf) =	vpush v63, $0xF;
	v6 =	vadd.f32 v58, v20  }
0x3da: {  	v22 =	vld [tilespmem:s25+$0xF0];
	v7 =	vmul.f32 v13, v7;
	v13, _, _ =	vpop (xrf2);
	v8 =	vmul.f32 v32, v17;
	v0 =	vadd.f32 v0, v14  }
0x3db: {  	v23 =	vadd.f32 $0.0e+00, v15;
	(v2sf) =	vpush v13, $0xF  }
0x3dc: {  	v49 =	vunpack.i.u.bf16.f32 v49;
	v0 =	vadd.f32 v8, v0  }
0x3dd: {  	v6 =	vmul.f32 v9, v6;
	v59 =	vadd.f32 v49, v53;
	v7 =	vadd.f32 v7, v23  }
0x3de: {  	(xrf2) =	vadd.scan.msk.f32 $0xffff, v0  }
0x3df: {  	v12 =	vmul.f32 v22, v59;
	v6 =	vadd.f32 v6, v7;
	v14, _, _ =	vpop (xrf2)  }
0x3e0: {  	(v2sf) =	vpush v14, $0xF;
	v20, _, _ =	vpop (xrf2)  }
0x3e1: {  	v6 =	vadd.f32 v12, v6;
	(v2sf) =	vpush v20, $0xF;
	v21, _, _ =	vpop (xrf2)  }
0x3e2: {  	(v2sf) =	vpush v21, $0xF;
	v22, _, _ =	vpop (xrf2)  }
0x3e3: {  	(xrf2) =	vadd.scan.msk.f32 $0xffff, v6;
	(v2sf) =	vpush v22, $0xF  }
0x3e4: {  	v23 =	vld [tilespmem:s4+$0xFFFFFF50]  }
0x3e5: {  	v13 =	vld [tilespmem:$0x1FB90]  }
0x3e6: {  	v32 =	vld [tilespmem:s4+$0xFFFFFFD0];
	_ =	sdelay $0x1  }
0x3e7: {  	v20 =	vld [tilespmem:$0x1FBE0];
	v53, _, _ =	vpop (xrf2)  }
0x3e8: {  	v12 =	vunpack.i.l.bf16.f32 v23;
	s2 =	spop (v2sf);
	(v2sf) =	vpush v53, $0xF  }
0x3e9: {  	v8 =	vadd.f32 v12, v13;
	v21 =	vld [tilespmem:$0x1FC40];
	s2 =	smul.f32 $1.250000000e-01, s2;
	s9 =	spop (v2sf)  }
0x3ea: {  	v14 =	vunpack.i.l.bf16.f32 v32;
	v6 =	vunpack.i.u.bf16.f32 v32;
	v32 =	vld [tilespmem:$0x1FC80];
	s9 =	smul.f32 $1.250000000e-01, s9  }
0x3eb: {  	v63 =	vld [tilespmem:s4+$0x50];
	v0 =	vunpack.i.u.bf16.f32 v23;
	v8 =	vmul.f32 v39, v8;
	v22 =	vmov s2  }
0x3ec: {  	v0 =	vadd.f32 v0, v20;
	v11 =	vmul.f32 $1.442695020e+00, v22;
	v23 =	vmov s9;
	v59, _, _ =	vpop (xrf2)  }
0x3ed: {  	v12 =	vmul.f32 $1.442695020e+00, v23;
	(v2sf) =	vpush v59, $0xF;
	v59 =	vld [tilespmem:$0x1FCB0];
	[tilespmem:s20+$0xFFFFFF10] =	vst v8  }
0x3ee: {  	v9 =	vadd.f32 v14, v21;
	v0 =	vmul.f32 v28, v0;
	v11 =	vbroadcast v11, $0x0;
	s25 =	spop (v2sf);
	v8 =	vld [tilespmem:$0x1FCC0]  }
0x3ef: {  	v6 =	vadd.f32 v6, v32;
	s2 =	smul.f32 $1.250000000e-01, s25;
	s26 =	spop (v2sf);
	v12 =	vbroadcast v12, $0x0  }
0x3f0: {  	v10 =	vld [tilespmem:s4+$0xD0];
	v7 =	vunpack.i.u.bf16.f32 v63;
	v9 =	vmul.f32 v40, v9;
	(erf) = vpow2.f32 v11;
	[tilespmem:s20+$0xFFFFFF50] =	vst v0;
	s9 =	smul.f32 $1.250000000e-01, s26;
	s10 =	spop (v2sf)  }
0x3f1: {  	v6 =	vmul.f32 v41, v6;
	v53 =	vunpack.i.l.bf16.f32 v63;
	v0 =	vld [tilespmem:$0x1FCD0];
	(erf) = vpow2.f32 v12;
	s10 =	smul.f32 $1.250000000e-01, s10;
	s14 =	spop (v2sf)  }
0x3f2: {  	[tilespmem:s20+$0xFFFFFF90] =	vst v9;
	v14 =	vmov s2;
	v20 =	vmov s9;
	v13 =	vadd.f32 v53, v59;
	s28 =	smul.f32 $1.250000000e-01, s14  }
0x3f3: {  	v11 =	vld [tilespmem:s4+$0xFFFFFF60];
	[tilespmem:s20+$0xFFFFFFD0] =	vst v6;
	v12 =	vmul.f32 $1.442695020e+00, v20;
	v21 =	vmov s10;
	v7 =	vadd.f32 v7, v8  }
0x3f4: {  	v59 =	vld [tilespmem:$0x1FCE0];
	v8 =	vmul.f32 $1.442695020e+00, v14;
	v22 =	vmul.f32 $1.442695020e+00, v21;
	v23 =	vmov s28  }
0x3f5: {  	v63 =	vunpack.i.l.bf16.f32 v10;
	v12 =	vbroadcast v12, $0x0;
	v53 =	vmul.f32 $1.442695020e+00, v23  }
0x3f6: {  	v9 =	vld [tilespmem:s4+$0xFFFFFFE0];
	v0 =	vadd.f32 v63, v0;
	v8 =	vbroadcast v8, $0x0;
	v63 =	vbroadcast v22, $0x0  }
0x3f7: {  	v32 =	vunpack.i.u.bf16.f32 v10;
	v21 =	vld [tilespmem:$0x1FBC0];
	v10 =	vbroadcast v53, $0x0;
	v53 =	vmul.f32 v29, v13;
	s10 =	spop (v2sf)  }
0x3f8: {  	v20 =	vunpack.i.l.bf16.f32 v11;
	v23 =	vld [tilespmem:$0x1FC20];
	v7 =	vmul.f32 v47, v7;
	(erf) = vpow2.f32 v8;
	s2 =	smul.f32 $1.250000000e-01, s10  }
0x3f9: {  	v0 =	vmul.f32 v46, v0;
	v6 =	vadd.f32 v32, v59;
	v59 =	vld [tilespmem:s1+$0xFFFFFF40];
	(erf) = vpow2.f32 v12;
	[tilespmem:s20+$0x10] =	vst v53  }
0x3fa: {  	v22 =	vunpack.i.u.bf16.f32 v11;
	(erf) = vpow2.f32 v63;
	v11 =	vld [tilespmem:$0x1FC50];
	[tilespmem:s20+$0x50] =	vst v7;
	v32 =	vmov s2  }
0x3fb: {  	(erf) = vpow2.f32 v10;
	v10 =	vmul.f32 $1.442695020e+00, v32;
	v32 =	vld [tilespmem:$0x1FD00];
	[tilespmem:s20+$0x90] =	vst v0  }
0x3fc: {  	v0 =	vld [tilespmem:$0x1FC60];
	_ =	sdelay $0x2  }
0x3fd: {  	v15 =	vunpack.i.l.bf16.f32 v9;
	v12 =	vadd.f32 v20, v21;
	v20 =	vunpack.i.u.bf16.f32 v9;
	s14 =	spop (v2sf)  }
0x3fe: {  	v8 =	vadd.f32 v22, v23;
	s9 =	smul.f32 $1.250000000e-01, s14;
	v11 =	vadd.f32 v15, v11;
	v15 =	vld [tilespmem:s1+$0xFFFFFFC0];
	v6 =	vmul.f32 v32, v6  }
0x3ff: {  	v22 =	vmul.f32 v12, v39;
	v23 =	vunpack.i.l.bf16.f32 v59;
	v0 =	vadd.f32 v20, v0  }
0x400: {  	v7 =	vld [tilespmem:s1+$0x40];
	v63 =	vmov s9;
	v10 =	vbroadcast v10, $0x0;
	[tilespmem:s20+$0xD0] =	vst v6;
	v6 =	vadd.f32 v23, v24  }
0x401: {  	v8 =	vmul.f32 v8, v28;
	v14 =	vmul.f32 $1.442695020e+00, v63  }
0x402: {  	v53 =	vunpack.i.u.bf16.f32 v59;
	[tilespmem:s20+$0xFFFFFF20] =	vst v22;
	v11 =	vmul.f32 v11, v40;
	(erf) = vpow2.f32 v10  }
0x403: {  	[tilespmem:s20+$0xFFFFFF60] =	vst v8;
	v10 =	vadd.f32 v53, v25;
	v59 =	vunpack.i.l.bf16.f32 v15;
	v63 =	vmul.f32 v0, v41;
	v0 =	vpop (erf)  }
0x404: {  	[tilespmem:s20+$0xFFFFFFA0] =	vst v11;
	v20 =	vunpack.i.u.bf16.f32 v15;
	v12 =	vadd.f32 v59, v61;
	v22 =	vmul.f32 v0, v6;
	v6 =	vpop (erf)  }
0x405: {  	s24 =	sadd.s32 $0x200, s20;
	v15 =	vadd.f32 v20, v2;
	v23 =	vunpack.i.l.bf16.f32 v7;
	[tilespmem:s20+$0xFFFFFFE0] =	vst v63;
	v24 =	vmul.f32 v6, v10;
	v2 =	vpop (erf)  }
0x406: {  	v25 =	vunpack.i.u.bf16.f32 v7;
	v16 =	vadd.f32 v23, v56;
	[tilespmem:s24+$0xFFFFFF00] =	vst v22;
	v53 =	vmul.f32 v2, v12;
	v7 =	vpop (erf)  }
0x407: {  	v21 =	vbroadcast v14, $0x0;
	[tilespmem:s24+$0xFFFFFF40] =	vst v24;
	v13 =	vpop (erf);
	v15 =	vmul.f32 v7, v15  }
0x408: {  	v9 =	vld [tilespmem:s1+$0xC0];
	[tilespmem:s24+$0xFFFFFF80] =	vst v53;
	v56 =	vmul.f32 v13, v16  }
0x409: {  	(erf) = vpow2.f32 v21;
	v21 =	vld [tilespmem:s4+$0x60];
	[tilespmem:s24+$0xFFFFFFC0] =	vst v15  }
0x40a: {  	v15 =	vld [tilespmem:$0x1FC70];
	[tilespmem:s24+$0x0] =	vst v56  }
0x40b: {  	v10 =	vadd.f32 v25, v55;
	v19 =	vld [tilespmem:$0x1FC90]  }
0x40c: {  	v8 =	vpop (erf)  }
0x40d: {  	v10 =	vmul.f32 v8, v10;
	_ =	sdelay $0x1  }
0x40e: {  	v17 =	vld [tilespmem:s4+$0xE0];
	v14 =	vunpack.i.u.bf16.f32 v21;
	v55 =	vunpack.i.l.bf16.f32 v9;
	[tilespmem:s24+$0x40] =	vst v10  }
0x40f: {  	v9 =	vunpack.i.u.bf16.f32 v9;
	v12 =	vadd.f32 v55, v57;
	v14 =	vadd.f32 v14, v19;
	v19 =	vld [tilespmem:$0x1FCA0]  }
0x410: {  	v18 =	vadd.f32 v9, v5;
	v5 =	vpop (erf)  }
0x411: {  	v12 =	vmul.f32 v5, v12;
	_ =	sdelay $0x1  }
0x412: {  	v61 =	vunpack.i.l.bf16.f32 v17;
	[tilespmem:s24+$0x80] =	vst v12  }
0x413: {  	v57 =	vunpack.i.l.bf16.f32 v21;
	v10 =	vadd.f32 v61, v19;
	v19 =	vld [tilespmem:$0x1FCF0]  }
0x414: {  	v9 =	vpop (erf);
	v15 =	vadd.f32 v57, v15  }
0x415: {  	v18 =	vmul.f32 v9, v18  }
0x416: {  	v16 =	vld [tilespmem:s1+$0xFFFFFF50];
	v15 =	vmul.f32 v15, v29  }
0x417: {  	v17 =	vunpack.i.u.bf16.f32 v17;
	v59 =	vld [tilespmem:s1+$0xFFFFFFD0];
	v14 =	vmul.f32 v14, v47;
	[tilespmem:s24+$0xC0] =	vst v18  }
0x418: {  	[tilespmem:s20+$0x20] =	vst v15;
	v17 =	vadd.f32 v17, v19  }
0x419: {  	[tilespmem:s20+$0x60] =	vst v14  }
0x41a: {  	v21 =	vmul.f32 v17, v32;
	v17 =	vld [tilespmem:$0x1F9D0]  }
0x41b: {  	v63 =	vld [tilespmem:s1+$0x50];
	v18 =	vunpack.i.l.bf16.f32 v16  }
0x41c: {  	v11 =	vunpack.i.u.bf16.f32 v59;
	v15 =	vadd.f32 v18, v35  }
0x41d: {  	v11 =	vadd.f32 v11, v54;
	v10 =	vmul.f32 v10, v46  }
0x41e: {  	v16 =	vunpack.i.u.bf16.f32 v16;
	v15 =	vmul.f32 v0, v15  }
0x41f: {  	v11 =	vmul.f32 v7, v11;
	[tilespmem:s20+$0xA0] =	vst v10;
	v16 =	vadd.f32 v16, v17;
	v17 =	vunpack.i.l.bf16.f32 v59  }
0x420: {  	v23 =	vunpack.i.l.bf16.f32 v63;
	[tilespmem:s24+$0xFFFFFF10] =	vst v15;
	v22 =	vadd.f32 v17, v51  }
0x421: {  	v3 =	vadd.f32 v23, v3;
	[tilespmem:s24+$0xFFFFFFD0] =	vst v11;
	v16 =	vmul.f32 v6, v16  }
0x422: {  	[tilespmem:s20+$0xE0] =	vst v21;
	v10 =	vmul.f32 v2, v22  }
0x423: {  	v3 =	vmul.f32 v13, v3;
	v18 =	vld [tilespmem:s1+$0xD0];
	[tilespmem:s24+$0xFFFFFF50] =	vst v16  }
0x424: {  	v17 =	vld [tilespmem:s4+$0xFFFFFF70];
	[tilespmem:s24+$0xFFFFFF90] =	vst v10  }
0x425: {  	v12 =	vunpack.i.u.bf16.f32 v63;
	v53 =	vld [tilespmem:$0x1FBA0];
	[tilespmem:s24+$0x10] =	vst v3  }
0x426: {  	v12 =	vadd.f32 v12, v62;
	v16 =	vld [tilespmem:$0x1FBB0];
	_ =	sdelay $0x1  }
0x427: {  	v51 =	vmul.f32 v8, v12  }
0x428: {  	v55 =	vld [tilespmem:s1+$0xFFFFFFE0]  }
0x429: {  	v24 =	vld [tilespmem:s4+$0xFFFFFFF0];
	v15 =	vunpack.i.l.bf16.f32 v18;
	v54 =	vunpack.i.u.bf16.f32 v17;
	[tilespmem:s24+$0x50] =	vst v51  }
0x42a: {  	v1 =	vadd.f32 v15, v1;
	v12 =	vadd.f32 v54, v16;
	v16 =	vld [tilespmem:$0x1FBD0]  }
0x42b: {  	v25 =	vunpack.i.u.bf16.f32 v18  }
0x42c: {  	v4 =	vadd.f32 v25, v4;
	v1 =	vmul.f32 v5, v1;
	v15 =	vld [tilespmem:s1+$0xFFFFFF60];
	v35 =	vunpack.i.l.bf16.f32 v17  }
0x42d: {  	v10 =	vadd.f32 v35, v53;
	v3 =	vunpack.i.u.bf16.f32 v55  }
0x42e: {  	v56 =	vunpack.i.l.bf16.f32 v24;
	v4 =	vmul.f32 v9, v4;
	[tilespmem:s24+$0x90] =	vst v1;
	v3 =	vadd.f32 v3, v42  }
0x42f: {  	v20 =	vunpack.i.l.bf16.f32 v55;
	v10 =	vmul.f32 v10, v39;
	v11 =	vadd.f32 v56, v16;
	v16 =	vld [tilespmem:$0x1FBF0]  }
0x430: {  	v21 =	vadd.f32 v20, v33;
	v3 =	vmul.f32 v3, v7;
	[tilespmem:s24+$0xD0] =	vst v4  }
0x431: {  	v59 =	vunpack.i.l.bf16.f32 v15;
	v12 =	vmul.f32 v12, v28;
	[tilespmem:s20+$0xFFFFFF30] =	vst v10  }
0x432: {  	v62 =	vunpack.i.u.bf16.f32 v15;
	v4 =	vadd.f32 v59, v30;
	v10 =	vmul.f32 v21, v2;
	[tilespmem:s24+$0xFFFFFFE0] =	vst v3  }
0x433: {  	v14 =	vunpack.i.u.bf16.f32 v24;
	v57 =	vld [tilespmem:s1+$0x60];
	[tilespmem:s0+$0xFFFFFF70] =	vst v12;
	v61 =	vmul.f32 v11, v40;
	v11 =	vadd.f32 v62, v38  }
0x434: {  	v4 =	vmul.f32 v4, v0;
	[tilespmem:s24+$0xFFFFFFA0] =	vst v10;
	v14 =	vadd.f32 v14, v16  }
0x435: {  	[tilespmem:s0+$0xFFFFFFB0] =	vst v61;
	v11 =	vmul.f32 v11, v6  }
0x436: {  	[tilespmem:s24+$0xFFFFFF20] =	vst v4;
	v63 =	vmul.f32 v14, v41  }
0x437: {  	[tilespmem:s24+$0xFFFFFF60] =	vst v11  }
0x438: {  	v22 =	vld [tilespmem:s4+$0x70];
	v23 =	vunpack.i.l.bf16.f32 v57;
	[tilespmem:s0+$0xFFFFFFF0] =	vst v63  }
0x439: {  	v24 =	vadd.f32 v23, v37;
	v16 =	vld [tilespmem:$0x1FC00]  }
0x43a: {  	v15 =	vld [tilespmem:s1+$0xE0]  }
0x43b: {  	v4 =	vmul.f32 v24, v13;
	_ =	sdelay $0x1  }
0x43c: {  	v25 =	vld [tilespmem:s4+$0xF0];
	v33 =	vunpack.i.l.bf16.f32 v22;
	v1 =	vunpack.i.u.bf16.f32 v57;
	[tilespmem:s24+$0x20] =	vst v4  }
0x43d: {  	v1 =	vadd.f32 v1, v26;
	v3 =	vadd.f32 v33, v16;
	v16 =	vld [tilespmem:$0x1FC10]  }
0x43e: {  	v35 =	vld [tilespmem:s1+$0xFFFFFFF0];
	v28 =	vunpack.i.l.bf16.f32 v15  }
0x43f: {  	v1 =	vmul.f32 v1, v8;
	v30 =	vunpack.i.u.bf16.f32 v15;
	v11 =	vadd.f32 v28, v60;
	v15 =	vld [tilespmem:s1+$0xFFFFFF70]  }
0x440: {  	v10 =	vadd.f32 v30, v58  }
0x441: {  	v14 =	vunpack.i.u.bf16.f32 v22;
	v11 =	vmul.f32 v11, v5;
	[tilespmem:s24+$0x60] =	vst v1  }
0x442: {  	v12 =	vunpack.i.u.bf16.f32 v25;
	v10 =	vmul.f32 v10, v9;
	v14 =	vadd.f32 v14, v16;
	v16 =	vld [tilespmem:$0x1FC30]  }
0x443: {  	v12 =	vadd.f32 v12, v34;
	v4 =	vunpack.i.u.bf16.f32 v35;
	[tilespmem:s24+$0xA0] =	vst v11  }
0x444: {  	v4 =	vadd.f32 v4, v43;
	v39 =	vunpack.i.l.bf16.f32 v15;
	v38 =	vld [tilespmem:s1+$0x70];
	v3 =	vmul.f32 v3, v29;
	[tilespmem:s24+$0xE0] =	vst v10  }
0x445: {  	v12 =	vmul.f32 v12, v32;
	v40 =	vadd.f32 v39, v36;
	v41 =	vld [tilespmem:s1+$0xF0]  }
0x446: {  	v37 =	vunpack.i.l.bf16.f32 v25;
	v4 =	vmul.f32 v4, v7;
	[tilespmem:s0+$0x30] =	vst v3  }
0x447: {  	v15 =	vunpack.i.u.bf16.f32 v15;
	v3 =	vmul.f32 v40, v0;
	[tilespmem:s0+$0xF0] =	vst v12;
	v1 =	vadd.f32 v37, v16  }
0x448: {  	v42 =	vadd.f32 v15, v44;
	v15 =	vunpack.i.l.bf16.f32 v35;
	[tilespmem:s24+$0xFFFFFFF0] =	vst v4;
	v14 =	vmul.f32 v14, v47  }
0x449: {  	v44 =	vadd.f32 v15, v31;
	[tilespmem:s24+$0xFFFFFF30] =	vst v3;
	v47 =	vunpack.i.u.bf16.f32 v38;
	v1 =	vmul.f32 v1, v46  }
0x44a: {  	v3 =	vadd.f32 v47, v52;
	[tilespmem:s0+$0x70] =	vst v14;
	v14 =	vmul.f32 v42, v6;
	v51 =	vunpack.i.l.bf16.f32 v41  }
0x44b: {  	v46 =	vunpack.i.l.bf16.f32 v38;
	v11 =	vadd.f32 v51, v48;
	[tilespmem:s0+$0xB0] =	vst v1;
	v1 =	vmul.f32 v44, v2  }
0x44c: {  	v3 =	vmul.f32 v3, v8;
	[tilespmem:s24+$0xFFFFFF70] =	vst v14;
	v52 =	vunpack.i.u.bf16.f32 v41;
	v12 =	vadd.f32 v46, v45  }
0x44d: {  	v54 =	vmul.f32 v11, v5;
	[tilespmem:s24+$0xFFFFFFB0] =	vst v1;
	v1 =	vadd.f32 v52, v49  }
0x44e: {  	[tilespmem:s24+$0x70] =	vst v3;
	v53 =	vmul.f32 v12, v13  }
0x44f: {  	[tilespmem:s24+$0xB0] =	vst v54;
	v1 =	vmul.f32 v1, v9  }
0x450: {  	[tilespmem:s24+$0x30] =	vst v53  }
0x451: {  	[tilespmem:s24+$0xF0] =	vst v1  }
0x452: {  	v1 =	vld [tilespmem:$0x1980];
	_ =	sdelay $0x2  }
0x453: {  	s25 =	sadd.s32 $0x1, s30;
	s26 =	sadd.s32 $0x2, s30;
	v55 =	vmov s30  }
0x454: {  	v57 =	vmov s25;
	v56 =	vlaneseq.u32;
	v59 =	vmov s26  }
0x455: {  	vm0 =	veq.s32 v55, v56;
	vm14 =	veq.s32 v57, v56;
	v1 =	vshll.u32 v1, $0x1  }
0x456: {  	s28 =	sadd.s32 $0x3, s30;
	vm1 =	veq.s32 v59, v56;
	v0 =	vsel vm0, v0, v27;
	v60 =	vor.u32 $0x1, v1  }
0x457: {  	v61 =	vmov s28;
	v58 =	vsel vm0, v6, v50;
	v0 =	vsel vm14, v2, v0  }
0x458: {  	vm15 =	veq.s32 v61, v56;
	v4 =	vsel vm14, v7, v58;
	v0 =	vsel vm1, v13, v0  }
0x459: {  	s18 =	sadd.s32 $0x1, s18;
	v62 =	vsel vm1, v8, v4;
	v0 =	vsel vm15, v5, v0  }
0x45a: {  	p1 =	sne.s32 s18, $0x138;
	v63 =	vsel vm15, v9, v62;
	[tilespmem:v1+s13+$0x0] =	vst.idx.add.f32.msk $0xffff, v0  }
.Ltmp6:
0x45b: {  	s29 =	simm.s32 $0x1980;
	s30 =	simm.s32 $0x3A00;
	[tilespmem:v60+s13+$0x0] =	vst.idx.add.f32.msk $0xffff, v63;
	(pc) =	sbr.rel @p1 .LBB2_10-.Ltmp6, $4  }
0x45c: {  	[spmem:s31] =	stream.indirect.scatter.add.f32 [tilespmem:s30], [sflag:$0x7], $0x80, s29, s23, $0xb8;
	[tilespmem:$0x1D080] =	vst v63  }
0x45d: {  	_ =	swait.ge [sflag:s21], $0x800  }
0x45e: {  	[sflag:s21] =	ssyncset.done $0x0  }
0x45f: {  	v16 =	vlaneseq.u32;
	[sflag:s21] =	ssyncadd.s32 $0xFFFFF800  }
0x460: {  	_ =	swait.ge [sflag:s22], $0x800  }
0x461: {  	[sflag:s22] =	ssyncset.done $0x0  }
0x462: {  	[sflag:s22] =	ssyncadd.s32 $0xFFFFF800  }
0x463: {  	_ =	swait.ge [sflag:s3], $0x800  }
0x464: {  	[sflag:s3] =	ssyncset.done $0x0  }
0x465: {  	[sflag:s3] =	ssyncadd.s32 $0xFFFFF800  }
0x466: {  	_ =	swait.ge [sflag:s12], $0x800  }
0x467: {  	[sflag:s12] =	ssyncset.done $0x0  }
0x468: {  	s0 =	simm.s32 $0x200;
	[sflag:s12] =	ssyncadd.s32 $0xFFFFF800  }
0x469: {  	s18 =	simm.s32 $0xA00;
	v6 =	vld [tilespmem:s0+$0xFFFFFF30]  }
0x46a: {  	s1 =	simm.s32 $0x1200;
	v0 =	vld [tilespmem:s18+$0xFFFFFF30]  }
0x46b: {  	v1 =	vld [tilespmem:s1+$0xFFFFFF30]  }
0x46c: {  	v2 =	vld [tilespmem:s18+$0xFFFFFFB0]  }
0x46d: {  	v3 =	vld [tilespmem:s1+$0xFFFFFFB0]  }
0x46e: {  	v5 =	vld [tilespmem:s18+$0x30]  }
0x46f: {  	v7 =	vld [tilespmem:s1+$0x30]  }
0x470: {  	v8 =	vld [tilespmem:s18+$0xB0]  }
0x471: {  	v4 =	vld [tilespmem:s1+$0xB0]  }
0x472: {  	v9 =	vld [tilespmem:s18+$0xFFFFFF20]  }
0x473: {  	v10 =	vld [tilespmem:s1+$0xFFFFFF20]  }
0x474: {  	v11 =	vld [tilespmem:s18+$0xFFFFFFA0]  }
0x475: {  	v12 =	vld [tilespmem:s1+$0xFFFFFFA0]  }
0x476: {  	v13 =	vld [tilespmem:s18+$0x20]  }
0x477: {  	v14 =	vld [tilespmem:s1+$0x20]  }
0x478: {  	v15 =	vld [tilespmem:s18+$0xA0]  }
0x479: {  	v18 =	vld [tilespmem:s18+$0xFFFFFF10]  }
0x47a: {  	v19 =	vld [tilespmem:s18+$0x10]  }
0x47b: {  	v23 =	vld [tilespmem:s1+$0x10]  }
0x47c: {  	v34 =	vld [tilespmem:s1+$0x90]  }
0x47d: {  	v35 =	vld [tilespmem:s1+$0xFFFFFF00]  }
0x47e: {  	v39 =	vld [tilespmem:s1+$0xFFFFFF80]  }
0x47f: {  	v43 =	vld [tilespmem:s0+$0xFFFFFF70]  }
0x480: {  	v45 =	vld [tilespmem:s0+$0xFFFFFF10];
	v26 =	vunpack.i.u.bf16.f32 v0;
	v27 =	vunpack.i.l.bf16.f32 v0  }
0x481: {  	v0 =	vld [tilespmem:s1+$0xA0];
	v20 =	vunpack.i.u.bf16.f32 v1;
	v22 =	vunpack.i.l.bf16.f32 v1;
	v28 =	vunpack.i.u.bf16.f32 v2  }
0x482: {  	v29 =	vunpack.i.l.bf16.f32 v2;
	v1 =	vld [tilespmem:s1+$0xFFFFFF10];
	v17 =	vunpack.i.u.bf16.f32 v3;
	v21 =	vunpack.i.l.bf16.f32 v3  }
0x483: {  	v30 =	vunpack.i.u.bf16.f32 v5;
	v2 =	vld [tilespmem:s18+$0xFFFFFF90];
	v31 =	vunpack.i.l.bf16.f32 v5;
	v24 =	vunpack.i.u.bf16.f32 v7  }
0x484: {  	v52 =	vunpack.i.l.bf16.f32 v7;
	v3 =	vld [tilespmem:s1+$0xFFFFFF90];
	v5 =	vunpack.i.u.bf16.f32 v8;
	v7 =	vunpack.i.l.bf16.f32 v8  }
0x485: {  	v25 =	vunpack.i.l.bf16.f32 v4;
	v54 =	vunpack.i.u.bf16.f32 v14;
	v55 =	vunpack.i.l.bf16.f32 v14;
	v14 =	vld [tilespmem:s18+$0xFFFFFF00]  }
0x486: {  	v46 =	vld [tilespmem:s18+$0x0];
	v8 =	vunpack.i.u.bf16.f32 v9;
	v56 =	vunpack.i.u.bf16.f32 v12;
	v58 =	vunpack.i.l.bf16.f32 v12  }
0x487: {  	v49 =	vld [tilespmem:s0+$0xFFFFFF40];
	v36 =	vunpack.i.u.bf16.f32 v18;
	v37 =	vunpack.i.l.bf16.f32 v18;
	v53 =	vunpack.i.u.bf16.f32 v0  }
0x488: {  	v12 =	vld [tilespmem:s18+$0x90];
	v18 =	vunpack.i.l.bf16.f32 v0;
	v60 =	vunpack.i.u.bf16.f32 v1;
	v50 =	vunpack.i.l.bf16.f32 v1  }
0x489: {  	v0 =	vld [tilespmem:s18+$0xFFFFFF80];
	v38 =	vunpack.i.u.bf16.f32 v2;
	v40 =	vunpack.i.l.bf16.f32 v2;
	v61 =	vunpack.i.u.bf16.f32 v3  }
0x48a: {  	v62 =	vunpack.i.l.bf16.f32 v3;
	v2 =	vld [tilespmem:s0+$0xFFFFFF00];
	v3 =	vunpack.i.l.bf16.f32 v14;
	v1 =	vunpack.i.l.bf16.f32 v35  }
0x48b: {  	v9 =	vunpack.i.l.bf16.f32 v9;
	v47 =	vadd.f32 v1, v3;
	v3 =	vunpack.i.u.bf16.f32 v35;
	v35 =	vld [tilespmem:s0+$0xFFFFFF20];
	[tilespmem:$0x1F850] =	vst v50  }
0x48c: {  	v57 =	vunpack.i.u.bf16.f32 v10;
	v51 =	vunpack.i.l.bf16.f32 v10;
	v32 =	vunpack.i.u.bf16.f32 v11;
	[tilespmem:$0x1F860] =	vst v22  }
0x48d: {  	v11 =	vunpack.i.l.bf16.f32 v11;
	v33 =	vunpack.i.u.bf16.f32 v13;
	v13 =	vunpack.i.l.bf16.f32 v13;
	[tilespmem:$0x1F870] =	vst v20  }
0x48e: {  	v10 =	vunpack.i.u.bf16.f32 v15;
	v15 =	vunpack.i.l.bf16.f32 v15;
	v37 =	vadd.f32 v50, v37;
	v50 =	vld [tilespmem:s0+$0xFFFFFFB0]  }
0x48f: {  	v41 =	vunpack.i.u.bf16.f32 v19;
	v27 =	vadd.f32 v22, v27;
	v2 =	vmul.f32 v47, v2;
	v47 =	vld [tilespmem:s0+$0xFFFFFF50];
	[tilespmem:$0x1F880] =	vst v51  }
0x490: {  	v26 =	vadd.f32 v20, v26;
	v9 =	vadd.f32 v51, v9;
	v37 =	vmul.f32 v37, v45;
	v45 =	vld [tilespmem:s1+$0x0];
	[tilespmem:$0x1F890] =	vst v21  }
0x491: {  	v42 =	vunpack.i.l.bf16.f32 v19;
	v29 =	vadd.f32 v21, v29;
	[tilespmem:$0x1F8A0] =	vst v60;
	v22 =	vadd.f32 $0.0e+00, v2  }
0x492: {  	v59 =	vunpack.i.u.bf16.f32 v23;
	v28 =	vadd.f32 v17, v28;
	v31 =	vadd.f32 v52, v31;
	v20 =	vld [tilespmem:s0+$0xFFFFFF80];
	[tilespmem:$0x1F8B0] =	vst v17  }
0x493: {  	v30 =	vadd.f32 v24, v30;
	v9 =	vmul.f32 v9, v35;
	v21 =	vld [tilespmem:s0+$0xFFFFFF60];
	[tilespmem:$0x1F8C0] =	vst v52;
	v37 =	vadd.f32 v37, v22  }
0x494: {  	v63 =	vunpack.i.l.bf16.f32 v23;
	v8 =	vadd.f32 v57, v8;
	v11 =	vadd.f32 v58, v11;
	v22 =	vld [tilespmem:s0+$0xFFFFFF90]  }
0x495: {  	v19 =	vunpack.i.u.bf16.f32 v34;
	v32 =	vadd.f32 v56, v32;
	v9 =	vadd.f32 v9, v37;
	v37 =	vld [tilespmem:s0+$0xFFFFFFF0];
	[tilespmem:$0x1F8D0] =	vst v24  }
0x496: {  	v13 =	vadd.f32 v55, v13;
	v33 =	vadd.f32 v54, v33;
	v6 =	vmul.f32 v27, v6;
	v27 =	vld [tilespmem:s18+$0x80];
	[tilespmem:$0x1F8E0] =	vst v57  }
0x497: {  	v23 =	vunpack.i.l.bf16.f32 v34;
	v42 =	vadd.f32 v63, v42;
	v41 =	vadd.f32 v59, v41;
	[tilespmem:$0x1F8F0] =	vst v25  }
0x498: {  	v26 =	vmul.f32 v43, v26;
	v14 =	vunpack.i.u.bf16.f32 v14;
	v36 =	vadd.f32 v60, v36;
	[tilespmem:$0x1F900] =	vst v62  }
0x499: {  	v15 =	vadd.f32 v18, v15;
	v48 =	vunpack.i.l.bf16.f32 v0;
	v2 =	vunpack.i.l.bf16.f32 v39;
	v57 =	vld [tilespmem:s0+$0xFFFFFFC0];
	[tilespmem:$0x1F910] =	vst v58  }
0x49a: {  	v44 =	vunpack.i.u.bf16.f32 v12;
	v14 =	vadd.f32 v3, v14;
	v48 =	vadd.f32 v2, v48;
	v60 =	vld [tilespmem:s0+$0xFFFFFFA0];
	[tilespmem:$0x1F920] =	vst v56  }
0x49b: {  	v12 =	vunpack.i.l.bf16.f32 v12;
	v51 =	vadd.f32 v25, v7;
	v7 =	vadd.f32 v62, v40;
	v62 =	vld [tilespmem:s0+$0xFFFFFFD0]  }
0x49c: {  	v34 =	vunpack.i.u.bf16.f32 v0;
	v0 =	vunpack.i.u.bf16.f32 v39;
	v39 =	vmul.f32 v48, v20;
	v20 =	vld [tilespmem:s1+$0x80]  }
0x49d: {  	v12 =	vadd.f32 v23, v12;
	v44 =	vadd.f32 v19, v44;
	v14 =	vmul.f32 v49, v14;
	v52 =	vld [tilespmem:s0+$0x30];
	[tilespmem:$0x1F930] =	vst v55  }
0x49e: {  	v49 =	vadd.f32 v6, v9;
	v9 =	vmul.f32 v7, v22;
	v39 =	vadd.f32 $0.0e+00, v39;
	[tilespmem:$0x1F940] =	vst v61  }
0x49f: {  	v14 =	vadd.f32 $0.0e+00, v14;
	v36 =	vmul.f32 v47, v36;
	v8 =	vmul.f32 v21, v8;
	v21 =	vld [tilespmem:s0+$0x0]  }
0x4a0: {  	v10 =	vadd.f32 v53, v10;
	v35 =	vunpack.i.u.bf16.f32 v46;
	v9 =	vadd.f32 v9, v39;
	v39 =	vld [tilespmem:s0+$0x70];
	[tilespmem:$0x1F950] =	vst v54  }
0x4a1: {  	v46 =	vunpack.i.l.bf16.f32 v46;
	v34 =	vadd.f32 v0, v34;
	v14 =	vadd.f32 v36, v14;
	v54 =	vld [tilespmem:s0+$0xFFFFFFE0]  }
0x4a2: {  	v6 =	vunpack.i.u.bf16.f32 v45;
	v7 =	vunpack.i.l.bf16.f32 v45;
	v56 =	vld [tilespmem:s0+$0x10];
	[tilespmem:$0x1F960] =	vst v18;
	v11 =	vmul.f32 v11, v60  }
0x4a3: {  	v35 =	vadd.f32 v6, v35;
	v14 =	vadd.f32 v8, v14;
	v34 =	vmul.f32 v57, v34;
	v57 =	vld [tilespmem:s0+$0x40];
	[tilespmem:$0x1F970] =	vst v63  }
0x4a4: {  	v29 =	vmul.f32 v29, v50;
	[tilespmem:$0x1F980] =	vst v59;
	v11 =	vadd.f32 v11, v9;
	v9 =	vadd.f32 v7, v46  }
0x4a5: {  	v8 =	vadd.f32 v61, v38;
	v28 =	vmul.f32 v37, v28;
	v22 =	vunpack.i.u.bf16.f32 v27;
	v58 =	vld [tilespmem:s0+$0x20];
	[tilespmem:$0x1F990] =	vst v23  }
0x4a6: {  	v27 =	vunpack.i.l.bf16.f32 v27;
	v14 =	vadd.f32 v26, v14;
	v59 =	vld [tilespmem:s0+$0x50];
	[tilespmem:$0x1F9A0] =	vst v19;
	v38 =	vmul.f32 v9, v21  }
0x4a7: {  	v55 =	vmul.f32 v62, v8;
	v8 =	vunpack.i.u.bf16.f32 v20;
	v34 =	vadd.f32 $0.0e+00, v34;
	v60 =	vld [tilespmem:s0+$0x80]  }
0x4a8: {  	v62 =	vld [tilespmem:s0+$0x60];
	v36 =	vadd.f32 v8, v22;
	v61 =	vmul.f32 v42, v56;
	v26 =	vadd.f32 $0.0e+00, v38  }
0x4a9: {  	v18 =	vld [tilespmem:s0+$0x90];
	v34 =	vadd.f32 v55, v34;
	v32 =	vmul.f32 v54, v32;
	v9 =	vunpack.i.l.bf16.f32 v20  }
0x4aa: {  	v19 =	vld [tilespmem:s0+$0xC0];
	v13 =	vmul.f32 v13, v58;
	v27 =	vadd.f32 v9, v27;
	v26 =	vadd.f32 v61, v26  }
0x4ab: {  	v11 =	vadd.f32 v29, v11;
	v63 =	vmul.f32 v57, v35;
	v21 =	vld [tilespmem:s0+$0xA0];
	v29 =	vadd.f32 v32, v34  }
0x4ac: {  	v27 =	vmul.f32 v27, v60;
	v13 =	vadd.f32 v13, v26;
	v26 =	vmul.f32 v31, v52;
	v31 =	vld [tilespmem:s0+$0xD0]  }
0x4ad: {  	v22 =	vld [tilespmem:s0+$0xB0];
	v34 =	vunpack.i.u.bf16.f32 v4;
	v32 =	vadd.f32 $0.0e+00, v63;
	v20 =	vmul.f32 v59, v41  }
0x4ae: {  	v28 =	vadd.f32 v28, v29;
	v12 =	vmul.f32 v12, v18;
	v29 =	vld [tilespmem:s0+$0xE0];
	v27 =	vadd.f32 $0.0e+00, v27  }
0x4af: {  	v33 =	vmul.f32 v62, v33;
	v23 =	vmul.f32 v19, v36;
	v32 =	vadd.f32 v20, v32  }
0x4b0: {  	v15 =	vmul.f32 v15, v21;
	v12 =	vadd.f32 v12, v27;
	v27 =	vld [tilespmem:s0+$0xF0];
	v13 =	vadd.f32 v26, v13  }
0x4b1: {  	(xrf2) =	vadd.scan.msk.f32 $0xffff, v49;
	v26 =	vadd.f32 v33, v32;
	v32 =	vadd.f32 $0.0e+00, v23;
	v31 =	vmul.f32 v31, v44  }
0x4b2: {  	(xrf2) =	vadd.scan.msk.f32 $0xffff, v14;
	v30 =	vmul.f32 v39, v30;
	v5 =	vadd.f32 v34, v5;
	v4 =	vmul.f32 v51, v22  }
0x4b3: {  	(xrf2) =	vadd.scan.msk.f32 $0xffff, v11;
	v10 =	vmul.f32 v29, v10;
	v12 =	vadd.f32 v15, v12;
	v11 =	vadd.f32 v31, v32  }
0x4b4: {  	(xrf2) =	vadd.scan.msk.f32 $0xffff, v28;
	v14 =	vadd.f32 v30, v26  }
0x4b5: {  	(xrf2) =	vadd.scan.msk.f32 $0xffff, v13;
	v4 =	vadd.f32 v4, v12;
	v5 =	vmul.f32 v27, v5;
	v10 =	vadd.f32 v10, v11  }
0x4b6: {  	(xrf2) =	vadd.scan.msk.f32 $0xffff, v14  }
0x4b7: {  	(xrf2) =	vadd.scan.msk.f32 $0xffff, v4;
	v4 =	vadd.f32 v5, v10;
	_ =	sdelay $0x2  }
0x4b8: {  	(xrf2) =	vadd.scan.msk.f32 $0xffff, v4  }
0x4b9: {  	v4, _, _ =	vpop (xrf2)  }
0x4ba: {  	v5, _, _ =	vpop (xrf2);
	(v2sf) =	vpush v4, $0xF  }
0x4bb: {  	v4, _, _ =	vpop (xrf2);
	(v2sf) =	vpush v5, $0xF  }
0x4bc: {  	v5, _, _ =	vpop (xrf2);
	(v2sf) =	vpush v4, $0xF  }
0x4bd: {  	v4, _, _ =	vpop (xrf2);
	(v2sf) =	vpush v5, $0xF  }
0x4be: {  	v5, _, _ =	vpop (xrf2);
	(v2sf) =	vpush v4, $0xF  }
0x4bf: {  	(v2sf) =	vpush v5, $0xF  }
0x4c0: {  	v4, _, _ =	vpop (xrf2)  }
0x4c1: {  	(v2sf) =	vpush v4, $0xF  }
0x4c2: {  	v4, _, _ =	vpop (xrf2)  }
0x4c3: {  	(v2sf) =	vpush v4, $0xF;
	_ =	sdelay $0x3  }
0x4c4: {  	[tilespmem:$0x1F9B0] =	vst v53  }
0x4c5: {  	v4 =	vld [tilespmem:s18+$0xFFFFFF40]  }
0x4c6: {  	s25 =	spop (v2sf)  }
0x4c7: {  	s0 =	smul.f32 $1.250000000e-01, s25;
	s26 =	spop (v2sf)  }
0x4c8: {  	s1 =	smul.f32 $1.250000000e-01, s26;
	s2 =	spop (v2sf)  }
0x4c9: {  	s2 =	smul.f32 $1.250000000e-01, s2;
	s4 =	spop (v2sf);
	v10 =	vmov s0  }
0x4ca: {  	v5 =	vunpack.i.u.bf16.f32 v4;
	s4 =	smul.f32 $1.250000000e-01, s4;
	s9 =	spop (v2sf);
	v11 =	vmov s1;
	v10 =	vmul.f32 $1.442695020e+00, v10  }
0x4cb: {  	v4 =	vunpack.i.l.bf16.f32 v4;
	s28 =	smul.f32 $1.250000000e-01, s9;
	s30 =	spop (v2sf);
	v12 =	vmov s2;
	v11 =	vmul.f32 $1.442695020e+00, v11  }
0x4cc: {  	v13 =	vmov s4;
	s9 =	smul.f32 $1.250000000e-01, s30;
	v12 =	vmul.f32 $1.442695020e+00, v12;
	v10 =	vbroadcast v10, $0x0  }
0x4cd: {  	s10 =	spop (v2sf);
	v14 =	vmov s28;
	v13 =	vmul.f32 $1.442695020e+00, v13;
	v11 =	vbroadcast v11, $0x0  }
0x4ce: {  	v26 =	vld [tilespmem:s18+$0xFFFFFFC0];
	s14 =	smul.f32 $1.250000000e-01, s10;
	v15 =	vmov s9;
	v14 =	vmul.f32 $1.442695020e+00, v14;
	(erf) = vpow2.f32 v10  }
0x4cf: {  	v1 =	vadd.f32 v4, v1;
	s19 =	spop (v2sf);
	v12 =	vbroadcast v12, $0x0;
	v15 =	vmul.f32 $1.442695020e+00, v15  }
0x4d0: {  	s25 =	simm.s32 $0x1400;
	s20 =	smul.f32 $1.250000000e-01, s19;
	v27 =	vmov s14;
	(erf) = vpow2.f32 v11;
	v13 =	vbroadcast v13, $0x0  }
0x4d1: {  	v3 =	vadd.f32 v5, v3;
	v32 =	vld [tilespmem:s25+$0xFFFFFF30];
	v27 =	vmul.f32 $1.442695020e+00, v27;
	v5 =	vbroadcast v14, $0x0  }
0x4d2: {  	v43 =	vld [tilespmem:s25+$0xFFFFFF20];
	(erf) = vpow2.f32 v12;
	v28 =	vmov s20;
	v14 =	vbroadcast v15, $0x0  }
0x4d3: {  	v23 =	vld [tilespmem:s25+$0xFFFFFFA0];
	s4 =	simm.s32 $0xC00;
	v12 =	vunpack.i.u.bf16.f32 v26;
	(erf) = vpow2.f32 v13;
	v4 =	vmul.f32 $1.442695020e+00, v28  }
0x4d4: {  	v17 =	vld [tilespmem:s4+$0x20];
	v15 =	vunpack.i.l.bf16.f32 v26;
	v26 =	vbroadcast v27, $0x0;
	(erf) = vpow2.f32 v5  }
0x4d5: {  	v10 =	vld [tilespmem:s18+$0x40];
	(erf) = vpow2.f32 v14;
	v4 =	vbroadcast v4, $0x0  }
0x4d6: {  	v11 =	vld [tilespmem:s18+$0xC0];
	(erf) = vpow2.f32 v26  }
0x4d7: {  	v49 =	vld [tilespmem:s25+$0xB0];
	s28 =	simm.s32 $0x2;
	v44 =	vunpack.i.u.bf16.f32 v32;
	v36 =	vunpack.i.l.bf16.f32 v32;
	(erf) = vpow2.f32 v4  }
0x4d8: {  	v61 =	vld [tilespmem:s25+$0x20];
	v30 =	vunpack.i.l.bf16.f32 v43;
	v0 =	vadd.f32 v12, v0;
	v12 =	vmov s28  }
0x4d9: {  	v42 =	vunpack.i.u.bf16.f32 v23;
	v2 =	vadd.f32 v15, v2;
	v15 =	vld [tilespmem:s25+$0xFFFFFFB0];
	vm14 =	veq.s32 v12, v16;
	v39 =	vpop (erf)  }
0x4da: {  	v60 =	vunpack.i.u.bf16.f32 v17;
	v5 =	vunpack.i.u.bf16.f32 v10;
	v14 =	vld [tilespmem:s4+$0xFFFFFFB0];
	v10 =	vunpack.i.l.bf16.f32 v10;
	v28 =	vpop (erf)  }
0x4db: {  	v38 =	vld [tilespmem:s4+$0xFFFFFF20];
	v26 =	vunpack.i.u.bf16.f32 v11;
	v11 =	vunpack.i.l.bf16.f32 v11;
	v7 =	vadd.f32 v10, v7;
	v40 =	vpop (erf)  }
0x4dc: {  	s24 =	simm.s32 $0x0;
	v22 =	vld [tilespmem:s4+$0xFFFFFFA0];
	v5 =	vadd.f32 v5, v6;
	v10 =	vimm.f32 $0.0e+00;
	v9 =	vadd.f32 v11, v9;
	v41 =	vpop (erf)  }
0x4dd: {  	v13 =	vld [tilespmem:s4+$0xFFFFFF30];
	v8 =	vadd.f32 v26, v8;
	v37 =	vmul.f32 v28, v3;
	v3 =	vmov s24;
	v33 =	vpop (erf)  }
0x4de: {  	s26 =	simm.s32 $0x1;
	v6 =	vld [tilespmem:s25+$0x30];
	v48 =	vunpack.i.u.bf16.f32 v15;
	v1 =	vmul.f32 v39, v1;
	vm0 =	veq.s32 v3, v16;
	v12 =	vpop (erf)  }
0x4df: {  	v11 =	vld [tilespmem:s4+$0xB0];
	v55 =	vunpack.i.u.bf16.f32 v14;
	v3 =	vmov s26;
	v26 =	vsel vm0, v39, v10;
	v59 =	vpop (erf)  }
0x4e0: {  	s30 =	simm.s32 $0x3;
	s20 =	simm.s32 $0x400;
	v4 =	vld [tilespmem:s4+$0x30];
	v10 =	vsel vm0, v28, v10;
	vm13 =	veq.s32 v3, v16;
	v20 =	vmul.f32 v41, v0;
	v0 =	vpop (erf)  }
0x4e1: {  	v51 =	vld [tilespmem:s20+$0xFFFFFF30];
	v35 =	vmul.f32 v40, v2;
	v2 =	vmov s30;
	v10 =	vsel vm13, v41, v10;
	[tilespmem:$0x1F9C0] =	vst v0  }
0x4e2: {  	v31 =	vunpack.i.l.bf16.f32 v14;
	vm15 =	veq.s32 v2, v16;
	v10 =	vsel vm14, v12, v10;
	v58 =	vld [tilespmem:s4+$0xA0]  }
0x4e3: {  	s19 =	simm.s32 $0x3B00;
	v14 =	vunpack.i.l.bf16.f32 v22;
	v50 =	vsel vm15, v0, v10;
	v21 =	vmul.f32 v0, v8;
	v0 =	vld [tilespmem:s25+$0xA0]  }
0x4e4: {  	v52 =	vunpack.i.u.bf16.f32 v6;
	v45 =	vunpack.i.l.bf16.f32 v6;
	v53 =	vunpack.i.u.bf16.f32 v11;
	[tilespmem:s19+$0xFFFFFF00] =	vst v1;
	v1 =	vld [tilespmem:s4+$0xFFFFFF10]  }
0x4e5: {  	v63 =	vunpack.i.u.bf16.f32 v4;
	v32 =	vunpack.i.l.bf16.f32 v4;
	v3 =	vsel vm13, v40, v26;
	[tilespmem:s19+$0xFFFFFF40] =	vst v37;
	v2 =	vld [tilespmem:s25+$0xFFFFFF10]  }
0x4e6: {  	v7 =	vmul.f32 v33, v7;
	v26 =	vunpack.i.u.bf16.f32 v61;
	v3 =	vsel vm14, v33, v3;
	[tilespmem:s19+$0xFFFFFF80] =	vst v35;
	v54 =	vld [tilespmem:s4+$0xFFFFFF90]  }
0x4e7: {  	v47 =	vmovc v12;
	v16 =	vmul.f32 v12, v5;
	v5 =	vunpack.i.u.bf16.f32 v13;
	v12 =	vunpack.i.l.bf16.f32 v13;
	[tilespmem:s19+$0xFFFFFFC0] =	vst v20;
	v56 =	vld [tilespmem:s25+$0xFFFFFF90]  }
0x4e8: {  	v29 =	vmovc v33;
	v13 =	vunpack.i.u.bf16.f32 v38;
	v33 =	vunpack.i.l.bf16.f32 v23;
	v9 =	vmul.f32 v59, v9;
	[tilespmem:s19+$0x0] =	vst v7;
	v10 =	vld [tilespmem:s4+$0x10]  }
0x4e9: {  	v27 =	vsel vm15, v59, v3;
	v46 =	vmovc v59;
	v3 =	vunpack.i.l.bf16.f32 v15;
	v59 =	vunpack.i.l.bf16.f32 v11;
	[tilespmem:s19+$0x40] =	vst v16;
	v57 =	vld [tilespmem:s25+$0x10]  }
0x4ea: {  	v15 =	vunpack.i.l.bf16.f32 v38;
	v38 =	vunpack.i.u.bf16.f32 v43;
	v11 =	vunpack.i.u.bf16.f32 v22;
	[tilespmem:s19+$0x80] =	vst v9;
	v7 =	vld [tilespmem:s4+$0x90]  }
0x4eb: {  	s0 =	simm.s32 $0x3B00;
	s1 =	simm.s32 $0x4;
	s26 =	simm.s32 $0x8;
	v43 =	vmovc v48;
	v48 =	vunpack.i.l.bf16.f32 v49;
	v8 =	vunpack.i.l.bf16.f32 v17;
	v37 =	vunpack.i.l.bf16.f32 v61;
	v9 =	vld [tilespmem:s25+$0x90];
	[tilespmem:s19+$0xC0] =	vst v21  }
.LBB2_16:
0x4ec: {  	[tilespmem:$0x1F6E0] =	vst v53  }
0x4ed: {  	[tilespmem:$0x1F6F0] =	vst v39  }
0x4ee: {  	[tilespmem:$0x1F710] =	vst v40  }
0x4ef: {  	[tilespmem:$0x1F700] =	vst v28  }
0x4f0: {  	[tilespmem:$0x1F730] =	vst v29  }
0x4f1: {  	[tilespmem:$0x1F740] =	vst v47;
	v16 =	vld [tilespmem:s4+$0xFFFFFF00];
	v28 =	vadd.f32 v36, v12  }
0x4f2: {  	[tilespmem:$0x1F7C0] =	vst v44;
	v47 =	vld [tilespmem:s25+$0xFFFFFF00];
	v29 =	vadd.f32 v44, v5;
	v44 =	vadd.f32 v3, v31  }
0x4f3: {  	v20 =	vld [tilespmem:s4+$0xFFFFFF80];
	v31 =	vadd.f32 v43, v55;
	[tilespmem:$0x1F830] =	vst v45;
	v45 =	vadd.f32 v45, v32  }
0x4f4: {  	[tilespmem:$0x1F7D0] =	vst v3;
	v22 =	vld [tilespmem:s25+$0xFFFFFF80];
	v3 =	vadd.f32 v52, v63;
	v15 =	vadd.f32 v30, v15  }
0x4f5: {  	v24 =	vld [tilespmem:s20+$0xFFFFFF70];
	[tilespmem:$0x1F760] =	vst v30;
	v30 =	vadd.f32 v48, v59;
	v13 =	vadd.f32 v38, v13  }
0x4f6: {  	[tilespmem:$0x1F800] =	vst v27;
	v27 =	vld [tilespmem:s4+$0x0];
	v14 =	vadd.f32 v33, v14;
	v59 =	vadd.f32 v42, v11  }
0x4f7: {  	[tilespmem:$0x1F7F0] =	vst v34;
	v39 =	vld [tilespmem:s20+$0xFFFFFFB0];
	v4 =	vunpack.i.u.bf16.f32 v58;
	v17 =	vunpack.i.l.bf16.f32 v58;
	v34 =	vunpack.i.l.bf16.f32 v0  }
0x4f8: {  	v40 =	vld [tilespmem:s25+$0x0];
	[tilespmem:$0x1F6C0] =	vst v4;
	v4 =	vunpack.i.u.bf16.f32 v0;
	v17 =	vadd.f32 v34, v17;
	v18 =	vunpack.i.u.bf16.f32 v1  }
0x4f9: {  	[tilespmem:$0x1F6D0] =	vst v49;
	v6 =	vld [tilespmem:s20+$0xFFFFFFF0];
	v19 =	vunpack.i.l.bf16.f32 v1;
	v61 =	vunpack.i.u.bf16.f32 v2;
	v62 =	vunpack.i.l.bf16.f32 v2  }
0x4fa: {  	[tilespmem:$0x1F810] =	vst v50;
	v12 =	vld [tilespmem:s20+$0x30];
	v21 =	vunpack.i.u.bf16.f32 v54;
	v23 =	vunpack.i.l.bf16.f32 v54;
	v54 =	vunpack.i.u.bf16.f32 v56  }
0x4fb: {  	v63 =	vld [tilespmem:s25+$0x80];
	[tilespmem:$0x1F6B0] =	vst v4;
	v50 =	vunpack.i.l.bf16.f32 v56;
	v25 =	vunpack.i.u.bf16.f32 v10;
	v4 =	vunpack.i.l.bf16.f32 v10  }
0x4fc: {  	[tilespmem:$0x1F7B0] =	vst v36;
	v36 =	vld [tilespmem:s20+$0xFFFFFF00];
	v56 =	vunpack.i.u.bf16.f32 v57;
	v0 =	vunpack.i.l.bf16.f32 v57;
	v49 =	vunpack.i.u.bf16.f32 v7  }
0x4fd: {  	[tilespmem:$0x1F840] =	vst v48;
	v48 =	vld [tilespmem:s20+$0x70];
	v2 =	vunpack.i.l.bf16.f32 v7;
	v53 =	vunpack.i.u.bf16.f32 v9;
	v57 =	vunpack.i.l.bf16.f32 v9  }
0x4fe: {  	[tilespmem:$0x1F720] =	vst v41;
	v32 =	vld [tilespmem:s20+$0xFFFFFF40];
	v1 =	vunpack.i.u.bf16.f32 v16;
	v16 =	vunpack.i.l.bf16.f32 v16;
	v7 =	vunpack.i.u.bf16.f32 v47  }
0x4ff: {  	[tilespmem:$0x1F770] =	vst v33;
	v33 =	vld [tilespmem:s20+$0xFFFFFF50];
	v10 =	vunpack.i.l.bf16.f32 v47;
	v41 =	vunpack.i.u.bf16.f32 v20;
	v20 =	vunpack.i.l.bf16.f32 v20  }
0x500: {  	[tilespmem:$0x1F7E0] =	vst v43;
	v58 =	vunpack.i.u.bf16.f32 v22;
	v9 =	vunpack.i.u.bf16.f32 v40;
	v55 =	vunpack.i.l.bf16.f32 v40;
	v40 =	vld [tilespmem:s20+$0xFFFFFF10]  }
0x501: {  	[tilespmem:$0x1F7A0] =	vst v34;
	v34 =	vld [tilespmem:s20+$0xFFFFFF80];
	v35 =	vunpack.i.l.bf16.f32 v22;
	v43 =	vunpack.i.u.bf16.f32 v27;
	v11 =	vadd.f32 v10, v16  }
0x502: {  	[tilespmem:$0x1F750] =	vst v46;
	v22 =	vld [tilespmem:s4+$0x80];
	v27 =	vunpack.i.l.bf16.f32 v27;
	v47 =	vadd.f32 v37, v8;
	v18 =	vadd.f32 v61, v18  }
0x503: {  	[tilespmem:$0x1F820] =	vst v52;
	v19 =	vadd.f32 v62, v19;
	v16 =	vadd.f32 v26, v60;
	v60 =	vld [tilespmem:s20+$0xFFFFFF20];
	v46 =	vmul.f32 v11, v36  }
0x504: {  	v52 =	vmovc v38;
	v23 =	vadd.f32 v50, v23;
	v38 =	vadd.f32 v7, v1;
	v18 =	vmul.f32 v33, v18;
	v33 =	vld [tilespmem:s20+$0xFFFFFFA0]  }
0x505: {  	v21 =	vadd.f32 v54, v21;
	v46 =	vadd.f32 $0.0e+00, v46;
	v19 =	vmul.f32 v19, v40;
	v40 =	vld [tilespmem:s20+$0xFFFFFF60]  }
0x506: {  	[tilespmem:$0x1F780] =	vst v26;
	v26 =	vadd.f32 v0, v4;
	v20 =	vadd.f32 v35, v20;
	v32 =	vmul.f32 v32, v38;
	v38 =	vld [tilespmem:s20+$0xFFFFFF90]  }
0x507: {  	v8 =	vunpack.i.u.bf16.f32 v63;
	v27 =	vadd.f32 v55, v27;
	v19 =	vadd.f32 v19, v46;
	v46 =	vld [tilespmem:s20+$0xFFFFFFC0]  }
0x508: {  	v11 =	vunpack.i.l.bf16.f32 v63;
	v20 =	vmul.f32 v20, v34;
	v34 =	vld [tilespmem:s20+$0x0];
	v15 =	vmul.f32 v15, v60  }
0x509: {  	v63 =	vmovc v0;
	v36 =	vadd.f32 v53, v49;
	v0 =	vld [tilespmem:$0x1F6C0];
	v32 =	vadd.f32 $0.0e+00, v32;
	v60 =	vmul.f32 v28, v51  }
0x50a: {  	v28 =	vld [tilespmem:s20+$0xFFFFFFD0];
	v15 =	vadd.f32 v15, v19;
	v13 =	vmul.f32 v40, v13;
	v40 =	vadd.f32 v58, v41  }
0x50b: {  	v51 =	vld [tilespmem:s20+$0xFFFFFFE0];
	v18 =	vadd.f32 v18, v32;
	v49 =	vmul.f32 v23, v38;
	v41 =	vadd.f32 $0.0e+00, v20  }
0x50c: {  	v32 =	vld [tilespmem:s20+$0x40];
	v15 =	vadd.f32 v60, v15;
	v60 =	vmul.f32 v24, v29;
	v24 =	vmul.f32 v46, v40  }
0x50d: {  	v25 =	vadd.f32 v56, v25;
	v14 =	vmul.f32 v14, v33;
	v29 =	vld [tilespmem:s20+$0x10];
	v13 =	vadd.f32 v13, v18  }
0x50e: {  	v19 =	vadd.f32 v49, v41;
	(xrf2) =	vadd.scan.msk.f32 $0xffff, v15;
	v15 =	vadd.f32 $0.0e+00, v24;
	v24 =	vmul.f32 v27, v34;
	v27 =	vld [tilespmem:s20+$0x50]  }
0x50f: {  	[tilespmem:$0x1F790] =	vst v37;
	v37 =	vadd.f32 v57, v2;
	v43 =	vadd.f32 v9, v43;
	v38 =	vld [tilespmem:s20+$0x20];
	v33 =	vmul.f32 v28, v21  }
0x510: {  	v28 =	vld [tilespmem:s20+$0x80];
	v40 =	vmul.f32 v44, v39;
	v13 =	vadd.f32 v60, v13;
	v14 =	vadd.f32 v14, v19  }
0x511: {  	v5 =	vunpack.i.u.bf16.f32 v22;
	v22 =	vunpack.i.l.bf16.f32 v22;
	v49 =	vld [tilespmem:s20+$0x90];
	v15 =	vadd.f32 v33, v15  }
0x512: {  	v41 =	vmul.f32 v51, v59;
	(xrf2) =	vadd.scan.msk.f32 $0xffff, v13;
	v13 =	vadd.f32 v40, v14;
	v14 =	vadd.f32 $0.0e+00, v24;
	v24 =	vld [tilespmem:s20+$0x60]  }
0x513: {  	v22 =	vadd.f32 v11, v22;
	v44 =	vmul.f32 v26, v29;
	v60 =	vmul.f32 v27, v25;
	v27 =	vld [tilespmem:$0x1F6B0]  }
0x514: {  	v46 =	vmul.f32 v6, v31;
	v20 =	vmul.f32 v32, v43;
	v59 =	vld [tilespmem:s20+$0xC0];
	v15 =	vadd.f32 v41, v15  }
0x515: {  	v32 =	vld [tilespmem:s20+$0xA0];
	v51 =	vmul.f32 v47, v38;
	v34 =	vadd.f32 v8, v5;
	v14 =	vadd.f32 v44, v14  }
0x516: {  	v33 =	vmul.f32 v45, v12;
	v26 =	vld [tilespmem:s4+$0xFFFFFF40];
	(xrf2) =	vadd.scan.msk.f32 $0xffff, v13;
	v13 =	vadd.f32 v46, v15;
	v15 =	vadd.f32 $0.0e+00, v20  }
0x517: {  	v22 =	vmul.f32 v22, v28;
	v38 =	vmul.f32 v37, v49;
	v25 =	vld [tilespmem:s20+$0xD0];
	v14 =	vadd.f32 v51, v14  }
0x518: {  	v16 =	vmul.f32 v24, v16;
	v15 =	vadd.f32 v60, v15;
	v6 =	vadd.f32 v27, v0;
	v0 =	vld [tilespmem:$0x1F6D0]  }
0x519: {  	v39 =	vld [tilespmem:s20+$0xE0];
	v12 =	vmul.f32 v59, v34;
	(xrf2) =	vadd.scan.msk.f32 $0xffff, v13;
	v13 =	vadd.f32 v33, v14;
	v14 =	vadd.f32 $0.0e+00, v22  }
0x51a: {  	v4 =	vmul.f32 v48, v3;
	v24 =	vld [tilespmem:s20+$0xB0];
	v15 =	vadd.f32 v16, v15  }
0x51b: {  	v44 =	vld [tilespmem:s4+$0x40];
	v12 =	vadd.f32 $0.0e+00, v12;
	v14 =	vadd.f32 v38, v14  }
0x51c: {  	v40, _, _ =	vpop (xrf2);
	v16 =	vmul.f32 v17, v32;
	(xrf2) =	vadd.scan.msk.f32 $0xffff, v13;
	v13 =	vld [tilespmem:s4+$0xFFFFFFC0];
	v4 =	vadd.f32 v4, v15;
	v15 =	vmul.f32 v25, v36  }
0x51d: {  	v45 =	vunpack.i.u.bf16.f32 v26;
	v49 =	vunpack.i.u.bf16.f32 v0;
	v0 =	vld [tilespmem:$0x1F6E0]  }
0x51e: {  	v1 =	vadd.f32 v16, v14;
	v6 =	vmul.f32 v39, v6;
	v16 =	vld [tilespmem:s4+$0xC0];
	v12 =	vadd.f32 v15, v12  }
0x51f: {  	v47 =	vadd.f32 v45, v7;
	v17 =	vld [tilespmem:s20+$0xF0];
	v3 =	vmul.f32 v30, v24  }
0x520: {  	v19 =	vunpack.i.l.bf16.f32 v44;
	(v2sf) =	vpush v40, $0xF;
	v41, _, _ =	vpop (xrf2);
	(xrf2) =	vadd.scan.msk.f32 $0xffff, v4;
	v6 =	vadd.f32 v6, v12;
	v12 =	vld [tilespmem:s18+$0xFFFFFFD0]  }
0x521: {  	v46 =	vld [tilespmem:s18+$0xFFFFFF50];
	(v2sf) =	vpush v41, $0xF;
	v4 =	vunpack.i.l.bf16.f32 v26;
	v3 =	vadd.f32 v3, v1  }
0x522: {  	v1 =	vld [tilespmem:$0x1F900];
	v7 =	vunpack.i.u.bf16.f32 v13;
	v13 =	vunpack.i.l.bf16.f32 v13;
	v15 =	vadd.f32 v49, v0  }
0x523: {  	v14, _, _ =	vpop (xrf2);
	(xrf2) =	vadd.scan.msk.f32 $0xffff, v3;
	v3 =	vadd.f32 v13, v35;
	v5 =	vunpack.i.u.bf16.f32 v16;
	v13 =	vunpack.i.l.bf16.f32 v16;
	v16 =	vld [tilespmem:$0x1F850]  }
0x524: {  	v45 =	vld [tilespmem:$0x1F6F0];
	v4 =	vadd.f32 v4, v10;
	(v2sf) =	vpush v14, $0xF;
	v0 =	vmul.f32 v17, v15  }
0x525: {  	v15 =	vld [tilespmem:s18+$0x50];
	v17 =	vunpack.i.u.bf16.f32 v44;
	v44 =	vadd.f32 v5, v8;
	v8 =	vunpack.i.l.bf16.f32 v12  }
0x526: {  	v60 =	vadd.f32 v7, v58;
	v10, _, _ =	vpop (xrf2);
	v24 =	vadd.f32 v13, v11  }
0x527: {  	v14 =	vld [tilespmem:$0x1F710];
	(v2sf) =	vpush v10, $0xF;
	v59 =	vadd.f32 v17, v9;
	v9 =	vunpack.i.l.bf16.f32 v46  }
0x528: {  	v7, _, _ =	vpop (xrf2);
	v17 =	vld [tilespmem:$0x1F8A0];
	v1 =	vadd.f32 v8, v1;
	v9 =	vadd.f32 v9, v16;
	v8 =	vmov v50  }
0x529: {  	(v2sf) =	vpush v7, $0xF;
	v5 =	vunpack.i.u.bf16.f32 v12;
	v6 =	vadd.f32 v0, v6;
	v0 =	vmovc v62;
	[tilespmem:$0x1F900] =	vst v8;
	v8 =	vld [tilespmem:$0x1F940]  }
0x52a: {  	v11 =	vunpack.i.u.bf16.f32 v15;
	v12 =	vunpack.i.l.bf16.f32 v15;
	v15, _, _ =	vpop (xrf2);
	[tilespmem:$0x1F850] =	vst v0;
	v0 =	vmul.f32 v45, v9  }
0x52b: {  	(v2sf) =	vpush v15, $0xF;
	v15 =	vld [tilespmem:$0x1F720]  }
0x52c: {  	[tilespmem:s19+$0xFFFFFF10] =	vst v0;
	v0 =	vmul.f32 v14, v1;
	v1 =	vld [tilespmem:$0x1F970]  }
0x52d: {  	(xrf2) =	vadd.scan.msk.f32 $0xffff, v6;
	v6 =	vunpack.i.u.bf16.f32 v46  }
0x52e: {  	v26 =	vld [tilespmem:$0x1F730];
	v6 =	vadd.f32 v6, v17;
	v17 =	vmov v61;
	v5 =	vadd.f32 v5, v8  }
0x52f: {  	[tilespmem:$0x1F8A0] =	vst v17;
	v17 =	vld [tilespmem:$0x1F700]  }
0x530: {  	v5 =	vmul.f32 v15, v5  }
0x531: {  	v43 =	vld [tilespmem:s18+$0xD0];
	v1 =	vadd.f32 v12, v1  }
0x532: {  	[tilespmem:s19+$0xFFFFFFD0] =	vst v5;
	v5 =	vld [tilespmem:$0x1F9A0]  }
0x533: {  	v8 =	vmov v54;
	[tilespmem:s19+$0xFFFFFF90] =	vst v0;
	v0 =	vmul.f32 v26, v1;
	v1 =	vld [tilespmem:$0x1F990]  }
0x534: {  	v32 =	vld [tilespmem:$0x1F9C0];
	v6 =	vmul.f32 v17, v6  }
0x535: {  	v31 =	vld [tilespmem:$0x1F750];
	[tilespmem:$0x1F940] =	vst v8  }
0x536: {  	v13 =	vunpack.i.u.bf16.f32 v43;
	v8 =	vmov v53;
	[tilespmem:s19+$0xFFFFFF50] =	vst v6;
	v6 =	vld [tilespmem:$0x1F980]  }
0x537: {  	v7 =	vmov v56;
	v16 =	vunpack.i.l.bf16.f32 v43;
	[tilespmem:$0x1F9A0] =	vst v8;
	v8 =	vld [tilespmem:$0x1F760];
	v5 =	vadd.f32 v13, v5  }
0x538: {  	[tilespmem:$0x1F980] =	vst v7;
	v7 =	vld [tilespmem:s18+$0xFFFFFF60];
	v10 =	vadd.f32 v16, v1;
	v1 =	vmov v57  }
0x539: {  	[tilespmem:$0x1F990] =	vst v1;
	v1 =	vmul.f32 v32, v5  }
0x53a: {  	v29 =	vld [tilespmem:$0x1F740];
	[tilespmem:s19+$0x10] =	vst v0  }
0x53b: {  	v9 =	vadd.f32 v11, v6;
	v6 =	vmov v63;
	v0 =	vmul.f32 v31, v10;
	[tilespmem:s19+$0xD0] =	vst v1;
	v1 =	vld [tilespmem:$0x1F880]  }
0x53c: {  	[tilespmem:$0x1F970] =	vst v6;
	v6 =	vld [tilespmem:s18+$0xFFFFFFE0]  }
0x53d: {  	v5 =	vunpack.i.l.bf16.f32 v7;
	[tilespmem:s19+$0x90] =	vst v0;
	v0 =	vunpack.i.u.bf16.f32 v7;
	v7 =	vmov v8;
	v8 =	vld [tilespmem:$0x1F910]  }
0x53e: {  	v2, _, _ =	vpop (xrf2)  }
0x53f: {  	(v2sf) =	vpush v2, $0xF;
	v2, _, _ =	vpop (xrf2)  }
0x540: {  	(v2sf) =	vpush v2, $0xF;
	v2 =	vmul.f32 v29, v9;
	v1 =	vadd.f32 v5, v1  }
0x541: {  	[tilespmem:$0x1F880] =	vst v7;
	v7 =	vunpack.i.u.bf16.f32 v6;
	v6 =	vunpack.i.l.bf16.f32 v6  }
0x542: {  	[tilespmem:s19+$0x50] =	vst v2;
	v6 =	vadd.f32 v6, v8;
	v1 =	vmul.f32 v1, v45  }
0x543: {  	v2 =	vld [tilespmem:s18+$0x60]  }
0x544: {  	[tilespmem:s19+$0xFFFFFF20] =	vst v1;
	v1 =	vmul.f32 v6, v14;
	v6 =	vld [tilespmem:$0x1F930]  }
0x545: {  	v5 =	vld [tilespmem:$0x1F8E0]  }
0x546: {  	v11 =	vld [tilespmem:$0x1F770];
	_ =	sdelay $0x1  }
0x547: {  	v9 =	vmov v52;
	v8 =	vld [tilespmem:$0x1F920];
	v12 =	vunpack.i.u.bf16.f32 v2;
	v2 =	vunpack.i.l.bf16.f32 v2  }
0x548: {  	v2 =	vadd.f32 v2, v6  }
0x549: {  	[tilespmem:$0x1F8E0] =	vst v9;
	v0 =	vadd.f32 v0, v5;
	v5 =	vld [tilespmem:s18+$0xE0]  }
0x54a: {  	v9 =	vmov v11;
	[tilespmem:s19+$0xFFFFFFA0] =	vst v1;
	v1 =	vmul.f32 v2, v26;
	v2 =	vld [tilespmem:$0x1F960]  }
0x54b: {  	[tilespmem:$0x1F910] =	vst v9;
	v9 =	vld [tilespmem:$0x1F780]  }
0x54c: {  	v7 =	vadd.f32 v7, v8;
	v0 =	vmul.f32 v0, v17;
	_ =	sdelay $0x1  }
0x54d: {  	[tilespmem:s19+$0xFFFFFF60] =	vst v0;
	v0 =	vmul.f32 v7, v15;
	v7 =	vunpack.i.u.bf16.f32 v5;
	v5 =	vunpack.i.l.bf16.f32 v5  }
0x54e: {  	v2 =	vadd.f32 v5, v2;
	v5 =	vld [tilespmem:$0x1F9B0]  }
0x54f: {  	v10 =	vmov v9;
	v9 =	vld [tilespmem:$0x1F790];
	_ =	sdelay $0x1  }
0x550: {  	v8 =	vmov v42;
	v6 =	vld [tilespmem:$0x1F950]  }
0x551: {  	s2 =	spop (v2sf);
	[tilespmem:$0x1F920] =	vst v8  }
0x552: {  	s9 =	spop (v2sf);
	[tilespmem:$0x1F950] =	vst v10;
	v5 =	vadd.f32 v7, v5;
	v7 =	vld [tilespmem:$0x1F7A0]  }
0x553: {  	s2 =	smul.f32 $1.250000000e-01, s2;
	s10 =	spop (v2sf);
	v8 =	vmov v9;
	[tilespmem:s19+$0xFFFFFFE0] =	vst v0  }
0x554: {  	s10 =	smul.f32 $1.250000000e-01, s10;
	s14 =	spop (v2sf);
	[tilespmem:$0x1F930] =	vst v8  }
0x555: {  	s14 =	smul.f32 $1.250000000e-01, s14;
	v9 =	vmov v27;
	[tilespmem:s19+$0x20] =	vst v1;
	v11 =	vadd.f32 v12, v6;
	v1 =	vmul.f32 v2, v31  }
0x556: {  	s9 =	smul.f32 $1.250000000e-01, s9;
	s28 =	spop (v2sf);
	[tilespmem:$0x1F9B0] =	vst v9;
	v9 =	vmov s10  }
0x557: {  	s30 =	spop (v2sf);
	v10 =	vmov s14;
	v0 =	vmul.f32 v11, v29;
	[tilespmem:s19+$0xA0] =	vst v1;
	v1 =	vmul.f32 $1.442695020e+00, v9;
	v6 =	vmovc v7  }
0x558: {  	s14 =	smul.f32 $1.250000000e-01, s30;
	v8 =	vld [tilespmem:s18+$0xFFFFFF70];
	v2 =	vmul.f32 v5, v32;
	v5 =	vmov s9;
	[tilespmem:$0x1F960] =	vst v6;
	v6 =	vmov s2  }
0x559: {  	s24 =	spop (v2sf);
	[tilespmem:s19+$0x60] =	vst v0;
	v5 =	vmul.f32 $1.442695020e+00, v5;
	s2 =	smul.f32 $1.250000000e-01, s28;
	v0 =	vmul.f32 $1.442695020e+00, v6  }
0x55a: {  	v9 =	vmul.f32 $1.442695020e+00, v10;
	v10 =	vmov s14;
	v1 =	vbroadcast v1, $0x0;
	s28 =	smul.f32 $1.250000000e-01, s24  }
0x55b: {  	v5 =	vbroadcast v5, $0x0;
	v6 =	vmov s2;
	v0 =	vbroadcast v0, $0x0  }
0x55c: {  	[tilespmem:s19+$0xE0] =	vst v2;
	v2 =	vmul.f32 $1.442695020e+00, v6;
	v6 =	vmul.f32 $1.442695020e+00, v10;
	v10 =	vmov s28  }
0x55d: {  	v16 =	vmovc v14;
	v14 =	vunpack.i.u.bf16.f32 v8;
	v10 =	vmul.f32 $1.442695020e+00, v10;
	(erf) = vpow2.f32 v0  }
0x55e: {  	v0 =	vunpack.i.l.bf16.f32 v8;
	v8 =	vbroadcast v9, $0x0;
	(erf) = vpow2.f32 v5  }
0x55f: {  	v2 =	vbroadcast v2, $0x0;
	(erf) = vpow2.f32 v1  }
0x560: {  	v11 =	vld [tilespmem:s18+$0x70];
	v6 =	vbroadcast v6, $0x0;
	(erf) = vpow2.f32 v8  }
0x561: {  	v7 =	vld [tilespmem:s18+$0xFFFFFFF0];
	v8 =	vbroadcast v10, $0x0;
	(erf) = vpow2.f32 v2  }
0x562: {  	v12 =	vld [tilespmem:s18+$0xF0];
	(erf) = vpow2.f32 v6  }
0x563: {  	s30 =	spop (v2sf);
	(erf) = vpow2.f32 v8;
	v8 =	vld [tilespmem:$0x1F860]  }
0x564: {  	s14 =	smul.f32 $1.250000000e-01, s30;
	_ =	sdelay $0x1  }
0x565: {  	v13 =	vmov s14;
	v5 =	vunpack.i.u.bf16.f32 v7  }
0x566: {  	v1 =	vunpack.i.l.bf16.f32 v7;
	v7 =	vunpack.i.u.bf16.f32 v11;
	v2 =	vunpack.i.l.bf16.f32 v11;
	v11 =	vld [tilespmem:$0x1F7B0]  }
0x567: {  	v6 =	vunpack.i.u.bf16.f32 v12;
	v0 =	vadd.f32 v0, v8;
	v8 =	vunpack.i.l.bf16.f32 v12;
	v12 =	vld [tilespmem:$0x1F7C0]  }
0x568: {  	v13 =	vmul.f32 $1.442695020e+00, v13;
	_ =	sdelay $0x2  }
0x569: {  	v10 =	vmov v11;
	v11 =	vld [tilespmem:$0x1F890]  }
0x56a: {  	v9 =	vbroadcast v13, $0x0;
	v13 =	vmov v12;
	v12 =	vld [tilespmem:$0x1F7D0];
	_ =	sdelay $0x4  }
0x56b: {  	v1 =	vadd.f32 v1, v11;
	v11 =	vmov v12;
	v12 =	vld [tilespmem:$0x1F8B0];
	_ =	sdelay $0x2  }
0x56c: {  	(erf) = vpow2.f32 v9;
	v9 =	vld [tilespmem:$0x1F870]  }
0x56d: {  	[tilespmem:$0x1F870] =	vst v13;
	v13 =	vld [tilespmem:$0x1F7E0]  }
0x56e: {  	v5 =	vadd.f32 v5, v12;
	v12 =	vld [tilespmem:$0x1F8C0];
	_ =	sdelay $0x4  }
0x56f: {  	v2 =	vadd.f32 v2, v12;
	v12 =	vmov v13  }
0x570: {  	[tilespmem:$0x1F8B0] =	vst v12;
	v12 =	vld [tilespmem:$0x1F8D0]  }
0x571: {  	v61 =	vld [tilespmem:$0x1F840]  }
0x572: {  	v54 =	vld [tilespmem:$0x1F810]  }
0x573: {  	s20 =	sadd.s32 $0x200, s20;
	v53 =	vld [tilespmem:$0x1F800]  }
0x574: {  	v51 =	vld [tilespmem:s20+$0xFFFFFF30]  }
0x575: {  	s25 =	sadd.s32 $0x200, s25;
	v9 =	vadd.f32 v14, v9;
	v7 =	vadd.f32 v7, v12;
	v12 =	vld [tilespmem:$0x1F8F0]  }
0x576: {  	v34 =	vmov v49;
	s18 =	smov.u32 s4;
	s4 =	sadd.s32 $0x200, s4;
	v49 =	vld [tilespmem:s25+$0xB0];
	v39 =	vpop (erf);
	[tilespmem:$0x1F860] =	vst v10;
	v0 =	vmul.f32 v0, v45  }
0x577: {  	v10 =	vld [tilespmem:s4+$0xFFFFFF30];
	v28 =	vpop (erf);
	v9 =	vmul.f32 v9, v17;
	[tilespmem:$0x1F890] =	vst v11  }
0x578: {  	v55 =	vadd.f32 v19, v55;
	s30 =	sadd.s32 $0x2, s1;
	v4 =	vmul.f32 v39, v4;
	v40 =	vpop (erf);
	v11 =	vld [tilespmem:s25+$0xFFFFFF30];
	[tilespmem:s19+$0xFFFFFF30] =	vst v0  }
0x579: {  	v52 =	vmov s30;
	v22 =	vld [tilespmem:s4+$0x20];
	v46 =	vmul.f32 v40, v3;
	[tilespmem:s0+$0xFFFFFF70] =	vst v9;
	s19 =	sadd.s32 $0x200, s19;
	v5 =	vmul.f32 v5, v15  }
0x57a: {  	s24 =	sadd.s32 $0x3, s1;
	v14 =	vld [tilespmem:s25+$0xFFFFFFB0];
	v0 =	vmul.f32 v1, v16;
	[tilespmem:s19+$0xFFFFFF00] =	vst v4;
	v8 =	vadd.f32 v8, v12;
	v12 =	vmul.f32 v28, v47  }
0x57b: {  	s28 =	sadd.s32 $0x1, s1;
	v41 =	vpop (erf);
	v4 =	vmov s24;
	v15 =	vmov s1;
	v13 =	vld [tilespmem:s4+$0xFFFFFFB0];
	[tilespmem:s0+$0xFFFFFFF0] =	vst v5;
	v47 =	vlaneseq.u32  }
0x57c: {  	v17 =	vpop (erf);
	v1 =	vld [tilespmem:$0x1F7F0];
	v5 =	vmul.f32 v41, v60;
	vm0 =	veq.s32 v15, v47;
	[tilespmem:s19+$0xFFFFFF40] =	vst v12;
	v12 =	vmov s28  }
0x57d: {  	v3 =	vpop (erf);
	v60 =	vld [tilespmem:$0x1F830];
	v18 =	vsel vm0, v39, v53;
	v19 =	vsel vm0, v28, v54;
	vm13 =	veq.s32 v12, v47  }
0x57e: {  	v58 =	vld [tilespmem:s4+$0xA0];
	vm14 =	veq.s32 v52, v47;
	v15 =	vpop (erf);
	v12 =	vsel vm13, v40, v18;
	v56 =	vsel vm13, v41, v19  }
0x57f: {  	v9 =	vld [tilespmem:s25+$0x30];
	vm15 =	veq.s32 v4, v47;
	v4 =	vpop (erf);
	v57 =	vsel vm14, v17, v12;
	v12 =	vsel vm14, v3, v56  }
0x580: {  	v50 =	vsel vm15, v4, v12;
	v12 =	vld [tilespmem:$0x1F820]  }
0x581: {  	v16 =	vld [tilespmem:s4+$0xB0];
	[tilespmem:s19+$0xFFFFFF80] =	vst v46  }
0x582: {  	v30 =	vmul.f32 v17, v55;
	v1 =	vadd.f32 v6, v1;
	v6 =	vld [tilespmem:s4+$0x30];
	[tilespmem:s0+$0xFFFFFFB0] =	vst v0;
	v25 =	vmov v60  }
0x583: {  	v21 =	vld [tilespmem:s25+$0xFFFFFFA0];
	[tilespmem:$0x1F8C0] =	vst v25  }
0x584: {  	v25 =	vld [tilespmem:s25+$0x20];
	[tilespmem:s19+$0x0] =	vst v30  }
0x585: {  	v48 =	vunpack.i.l.bf16.f32 v49;
	v18 =	vld [tilespmem:s4+$0xFFFFFFA0];
	[tilespmem:s19+$0xFFFFFFC0] =	vst v5;
	v0 =	vmov v12;
	v12 =	vmul.f32 v3, v59  }
0x586: {  	v43 =	vunpack.i.u.bf16.f32 v14;
	v36 =	vunpack.i.l.bf16.f32 v11;
	v26 =	vmul.f32 v2, v26;
	v20 =	vld [tilespmem:s4+$0xFFFFFF20];
	[tilespmem:$0x1F8D0] =	vst v0  }
0x587: {  	v45 =	vunpack.i.l.bf16.f32 v9;
	v55 =	vunpack.i.u.bf16.f32 v13;
	v7 =	vmul.f32 v7, v29;
	v2 =	vld [tilespmem:s25+$0xFFFFFF10];
	[tilespmem:s19+$0x40] =	vst v12  }
0x588: {  	v60 =	vunpack.i.u.bf16.f32 v22;
	v42 =	vunpack.i.u.bf16.f32 v21;
	v33 =	vunpack.i.l.bf16.f32 v21;
	v29 =	vmovc v17;
	v19 =	vld [tilespmem:s25+$0xFFFFFF20];
	[tilespmem:s0+$0x30] =	vst v26  }
0x589: {  	v37 =	vunpack.i.l.bf16.f32 v25;
	v63 =	vmul.f32 v15, v24;
	v17 =	vmul.f32 v1, v32;
	v1 =	vld [tilespmem:s4+$0xFFFFFF10];
	v0 =	vmovc v4;
	[tilespmem:s0+$0x70] =	vst v7  }
0x58a: {  	v52 =	vunpack.i.u.bf16.f32 v9;
	v8 =	vmul.f32 v8, v31;
	v24 =	vmul.f32 v4, v44;
	v54 =	vld [tilespmem:s4+$0xFFFFFF90];
	[tilespmem:$0x1F9C0] =	vst v0  }
0x58b: {  	p1 =	slt.u32 s26, $0xC;
	v31 =	vunpack.i.l.bf16.f32 v13;
	v53 =	vunpack.i.u.bf16.f32 v16;
	v44 =	vunpack.i.u.bf16.f32 v11;
	v0 =	vld [tilespmem:s25+$0xA0];
	[tilespmem:s19+$0x80] =	vst v63  }
.Ltmp7:
0x58c: {  	v5 =	vunpack.i.u.bf16.f32 v10;
	v32 =	vunpack.i.l.bf16.f32 v6;
	v56 =	vld [tilespmem:s25+$0xFFFFFF90];
	v27 =	vsel vm15, v15, v57;
	[tilespmem:s19+$0xC0] =	vst v24;
	(pc) =	sbr.rel @p1 .LBB2_16-.Ltmp7, $4  }
0x58d: {  	v46 =	vmovc v15;
	v13 =	vunpack.i.u.bf16.f32 v20;
	v15 =	vunpack.i.l.bf16.f32 v20;
	v12 =	vunpack.i.l.bf16.f32 v10;
	v10 =	vld [tilespmem:s4+$0x10];
	[tilespmem:s0+$0xB0] =	vst v8  }
0x58e: {  	v38 =	vunpack.i.u.bf16.f32 v19;
	v30 =	vunpack.i.l.bf16.f32 v19;
	v11 =	vunpack.i.u.bf16.f32 v18;
	v57 =	vld [tilespmem:s25+$0x10];
	[tilespmem:s0+$0xF0] =	vst v17  }
0x58f: {  	v62 =	vmovc v61;
	v47 =	vmovc v3;
	v3 =	vunpack.i.l.bf16.f32 v14;
	v59 =	vunpack.i.l.bf16.f32 v16;
	v14 =	vunpack.i.l.bf16.f32 v18;
	v7 =	vld [tilespmem:s4+$0x90]  }
0x590: {  	s1 =	smov.u32 s26;
	s26 =	sadd.s32 $0x4, s26;
	[tilespmem:$0x1F8F0] =	vst v62;
	v26 =	vunpack.i.u.bf16.f32 v25;
	v63 =	vunpack.i.u.bf16.f32 v6;
	s0 =	smov.u32 s19;
	v8 =	vunpack.i.l.bf16.f32 v22;
	v9 =	vld [tilespmem:s25+$0x90]  }
0x591: {  	v6 =	vld [tilespmem:s4+$0xFFFFFF00]  }
0x592: {  	v16 =	vld [tilespmem:s25+$0xFFFFFF00];
	_ =	sdelay $0x2  }
0x593: {  	v17 =	vld [tilespmem:s20+$0xFFFFFF00];
	_ =	sdelay $0x1  }
0x594: {  	v19 =	vld [tilespmem:s20+$0xFFFFFF10];
	v18 =	vunpack.i.l.bf16.f32 v6;
	v24 =	vunpack.i.l.bf16.f32 v16  }
0x595: {  	v62 =	vld [tilespmem:s20+$0xFFFFFF20];
	v18 =	vadd.f32 v24, v18  }
0x596: {  	v20 =	vld [tilespmem:s4+$0xFFFFFF80];
	v21 =	vunpack.i.l.bf16.f32 v1;
	v35 =	vunpack.i.l.bf16.f32 v2  }
0x597: {  	v22 =	vld [tilespmem:s20+$0xFFFFFF40];
	v15 =	vadd.f32 v30, v15;
	v17 =	vmul.f32 v18, v17;
	v18 =	vadd.f32 v35, v21  }
0x598: {  	v12 =	vadd.f32 v36, v12;
	v23 =	vadd.f32 v38, v13;
	v25 =	vunpack.i.u.bf16.f32 v16;
	v16 =	vld [tilespmem:s25+$0xFFFFFF80]  }
0x599: {  	v5 =	vadd.f32 v44, v5;
	v18 =	vmul.f32 v18, v19;
	v17 =	vadd.f32 $0.0e+00, v17  }
0x59a: {  	v6 =	vunpack.i.u.bf16.f32 v6;
	v15 =	vmul.f32 v15, v62;
	v62 =	vunpack.i.u.bf16.f32 v2;
	v19 =	vld [tilespmem:s20+$0xFFFFFF50]  }
0x59b: {  	v61 =	vunpack.i.u.bf16.f32 v1;
	v6 =	vadd.f32 v25, v6;
	v17 =	vadd.f32 v18, v17;
	v18 =	vld [tilespmem:s20+$0xFFFFFF80];
	[tilespmem:$0x1F6A0] =	vst v62  }
0x59c: {  	v14 =	vadd.f32 v33, v14;
	v11 =	vadd.f32 v42, v11;
	v4 =	vunpack.i.l.bf16.f32 v20;
	v21 =	vld [tilespmem:s20+$0xFFFFFF60]  }
0x59d: {  	v1 =	vadd.f32 v62, v61;
	v6 =	vmul.f32 v22, v6;
	v61 =	vunpack.i.l.bf16.f32 v16;
	v22 =	vld [tilespmem:s20+$0xFFFFFF70]  }
0x59e: {  	v12 =	vmul.f32 v12, v51;
	v2 =	vadd.f32 v61, v4;
	v15 =	vadd.f32 v15, v17;
	v17 =	vld [tilespmem:s20+$0xFFFFFF90]  }
0x59f: {  	v51 =	vunpack.i.l.bf16.f32 v56;
	v6 =	vadd.f32 $0.0e+00, v6;
	v1 =	vmul.f32 v19, v1;
	v19 =	vld [tilespmem:s20+$0xFFFFFFA0]  }
0x5a0: {  	v20 =	vunpack.i.u.bf16.f32 v20;
	v62 =	vunpack.i.l.bf16.f32 v54;
	v13 =	vld [tilespmem:s20+$0xFFFFFFC0];
	v18 =	vmul.f32 v2, v18  }
0x5a1: {  	v1 =	vadd.f32 v1, v6;
	v6 =	vadd.f32 v51, v62;
	v2 =	vunpack.i.u.bf16.f32 v16;
	v16 =	vld [tilespmem:s25+$0x0]  }
0x5a2: {  	v12 =	vadd.f32 v12, v15;
	v62 =	vadd.f32 v3, v31;
	v21 =	vmul.f32 v21, v23;
	v23 =	vld [tilespmem:s4+$0x0]  }
0x5a3: {  	v15 =	vld [tilespmem:s20+$0xFFFFFFD0];
	v5 =	vmul.f32 v22, v5;
	v6 =	vmul.f32 v6, v17;
	v18 =	vadd.f32 $0.0e+00, v18  }
0x5a4: {  	v17 =	vadd.f32 v2, v20;
	v20 =	vld [tilespmem:s20+$0xFFFFFFB0];
	v1 =	vadd.f32 v21, v1;
	v14 =	vmul.f32 v14, v19  }
0x5a5: {  	v21 =	vunpack.i.u.bf16.f32 v54;
	v54 =	vunpack.i.u.bf16.f32 v56;
	v19 =	vld [tilespmem:s20+$0xFFFFFFE0];
	v6 =	vadd.f32 v6, v18  }
0x5a6: {  	v13 =	vmul.f32 v13, v17;
	v17 =	vld [tilespmem:s20+$0x0];
	v18 =	vadd.f32 v5, v1;
	v1 =	vadd.f32 v54, v21  }
0x5a7: {  	v56 =	vunpack.i.l.bf16.f32 v16;
	v21 =	vld [tilespmem:s20+$0xFFFFFFF0];
	v22 =	vunpack.i.l.bf16.f32 v23;
	v6 =	vadd.f32 v14, v6  }
0x5a8: {  	v4 =	vmovc v3;
	v3 =	vunpack.i.l.bf16.f32 v57;
	v13 =	vadd.f32 $0.0e+00, v13;
	v14 =	vld [tilespmem:s20+$0x10];
	v5 =	vadd.f32 v56, v22  }
0x5a9: {  	v1 =	vmul.f32 v15, v1;
	v15 =	vmul.f32 v62, v20;
	v62 =	vunpack.i.l.bf16.f32 v10;
	v20 =	vld [tilespmem:s20+$0x40]  }
0x5aa: {  	v11 =	vmul.f32 v19, v11;
	v19 =	vadd.f32 v43, v55;
	v55 =	vunpack.i.u.bf16.f32 v16;
	v16 =	vld [tilespmem:s25+$0x80]  }
0x5ab: {  	v5 =	vmul.f32 v5, v17;
	v17 =	vld [tilespmem:s4+$0x80];
	v1 =	vadd.f32 v1, v13;
	v13 =	vadd.f32 v3, v62  }
0x5ac: {  	v8 =	vadd.f32 v37, v8;
	v31 =	vmovc v4;
	v4 =	vunpack.i.u.bf16.f32 v23;
	v6 =	vadd.f32 v15, v6;
	v15 =	vld [tilespmem:s20+$0x20]  }
0x5ad: {  	v23 =	vadd.f32 v45, v32;
	v62 =	vadd.f32 v55, v4;
	v13 =	vmul.f32 v13, v14;
	v14 =	vld [tilespmem:s20+$0x50]  }
0x5ae: {  	v10 =	vunpack.i.u.bf16.f32 v10;
	v19 =	vmul.f32 v21, v19;
	v21 =	vld [tilespmem:s20+$0x30];
	v5 =	vadd.f32 $0.0e+00, v5  }
0x5af: {  	v11 =	vadd.f32 v11, v1;
	v1 =	vmul.f32 v20, v62;
	v62 =	vunpack.i.u.bf16.f32 v57;
	v20 =	vld [tilespmem:s20+$0x80]  }
0x5b0: {  	v5 =	vadd.f32 v13, v5;
	v10 =	vadd.f32 v62, v10;
	v13 =	vld [tilespmem:s20+$0x60]  }
0x5b1: {  	v57 =	vunpack.i.l.bf16.f32 v16;
	v8 =	vmul.f32 v8, v15;
	v15 =	vunpack.i.l.bf16.f32 v17  }
0x5b2: {  	v32 =	vadd.f32 v57, v15;
	v10 =	vmul.f32 v14, v10;
	v14 =	vld [tilespmem:s20+$0x90]  }
0x5b3: {  	v4 =	vmul.f32 v23, v21;
	v15 =	vadd.f32 v26, v60;
	v21 =	vadd.f32 $0.0e+00, v1  }
0x5b4: {  	(xrf2) =	vadd.scan.msk.f32 $0xffff, v12;
	v1 =	vunpack.i.l.bf16.f32 v9;
	v20 =	vmul.f32 v32, v20;
	v32 =	vunpack.i.l.bf16.f32 v7  }
0x5b5: {  	v22 =	vld [tilespmem:s20+$0x70];
	v13 =	vmul.f32 v13, v15;
	v15 =	vadd.f32 v1, v32  }
0x5b6: {  	(xrf2) =	vadd.scan.msk.f32 $0xffff, v18;
	v11 =	vadd.f32 v19, v11;
	v60 =	vld [tilespmem:s20+$0xC0];
	v8 =	vadd.f32 v8, v5  }
0x5b7: {  	v5 =	vunpack.i.u.bf16.f32 v16;
	v16 =	vadd.f32 $0.0e+00, v20;
	v14 =	vmul.f32 v15, v14  }
0x5b8: {  	v17 =	vunpack.i.u.bf16.f32 v17;
	v10 =	vadd.f32 v10, v21;
	v21 =	vadd.f32 v52, v63  }
0x5b9: {  	v23 =	vunpack.i.u.bf16.f32 v7;
	v15 =	vadd.f32 v5, v17;
	v14 =	vadd.f32 v14, v16;
	v16 =	vld [tilespmem:s20+$0xA0]  }
0x5ba: {  	v8 =	vadd.f32 v4, v8;
	v10 =	vadd.f32 v13, v10;
	v12 =	vmul.f32 v22, v21;
	v13 =	vld [tilespmem:s20+$0xD0]  }
0x5bb: {  	(xrf2) =	vadd.scan.msk.f32 $0xffff, v6;
	v32 =	vunpack.i.l.bf16.f32 v58;
	v17 =	vld [tilespmem:s20+$0xB0];
	v15 =	vmul.f32 v60, v15;
	v60 =	vunpack.i.l.bf16.f32 v0  }
0x5bc: {  	(xrf2) =	vadd.scan.msk.f32 $0xffff, v11;
	v4 =	vunpack.i.u.bf16.f32 v9;
	v10 =	vadd.f32 v12, v10;
	v21 =	vadd.f32 v60, v32  }
0x5bd: {  	v7 =	vadd.f32 v4, v23;
	v20 =	vunpack.i.u.bf16.f32 v58;
	(xrf2) =	vadd.scan.msk.f32 $0xffff, v8  }
0x5be: {  	v9 =	vld [tilespmem:s20+$0xE0];
	v63, _, _ =	vpop (xrf2);
	v58 =	vunpack.i.u.bf16.f32 v0;
	v32 =	vadd.f32 v48, v59;
	(xrf2) =	vadd.scan.msk.f32 $0xffff, v10;
	v0 =	vmul.f32 v21, v16  }
0x5bf: {  	(v2sf) =	vpush v63, $0xF;
	v6 =	vadd.f32 v58, v20  }
0x5c0: {  	v22 =	vld [tilespmem:s20+$0xF0];
	v7 =	vmul.f32 v13, v7;
	v13, _, _ =	vpop (xrf2);
	v8 =	vmul.f32 v32, v17;
	v0 =	vadd.f32 v0, v14  }
0x5c1: {  	v23 =	vadd.f32 $0.0e+00, v15;
	(v2sf) =	vpush v13, $0xF  }
0x5c2: {  	v49 =	vunpack.i.u.bf16.f32 v49;
	v0 =	vadd.f32 v8, v0  }
0x5c3: {  	v6 =	vmul.f32 v9, v6;
	v59 =	vadd.f32 v49, v53;
	v7 =	vadd.f32 v7, v23  }
0x5c4: {  	(xrf2) =	vadd.scan.msk.f32 $0xffff, v0  }
0x5c5: {  	v12 =	vmul.f32 v22, v59;
	v6 =	vadd.f32 v6, v7;
	v14, _, _ =	vpop (xrf2)  }
0x5c6: {  	(v2sf) =	vpush v14, $0xF;
	v20, _, _ =	vpop (xrf2)  }
0x5c7: {  	v6 =	vadd.f32 v12, v6;
	(v2sf) =	vpush v20, $0xF;
	v21, _, _ =	vpop (xrf2)  }
0x5c8: {  	(v2sf) =	vpush v21, $0xF;
	v22, _, _ =	vpop (xrf2)  }
0x5c9: {  	(xrf2) =	vadd.scan.msk.f32 $0xffff, v6;
	(v2sf) =	vpush v22, $0xF  }
0x5ca: {  	v23 =	vld [tilespmem:s18+$0xFFFFFF50]  }
0x5cb: {  	v13 =	vld [tilespmem:$0x1F850]  }
0x5cc: {  	v32 =	vld [tilespmem:s18+$0xFFFFFFD0];
	_ =	sdelay $0x1  }
0x5cd: {  	v20 =	vld [tilespmem:$0x1F8A0];
	v53, _, _ =	vpop (xrf2)  }
0x5ce: {  	v12 =	vunpack.i.l.bf16.f32 v23;
	s2 =	spop (v2sf);
	(v2sf) =	vpush v53, $0xF  }
0x5cf: {  	v8 =	vadd.f32 v12, v13;
	v21 =	vld [tilespmem:$0x1F900];
	s2 =	smul.f32 $1.250000000e-01, s2;
	s9 =	spop (v2sf)  }
0x5d0: {  	v14 =	vunpack.i.l.bf16.f32 v32;
	v6 =	vunpack.i.u.bf16.f32 v32;
	v32 =	vld [tilespmem:$0x1F940];
	s9 =	smul.f32 $1.250000000e-01, s9  }
0x5d1: {  	v63 =	vld [tilespmem:s18+$0x50];
	v0 =	vunpack.i.u.bf16.f32 v23;
	v8 =	vmul.f32 v39, v8;
	v22 =	vmov s2  }
0x5d2: {  	v0 =	vadd.f32 v0, v20;
	v11 =	vmul.f32 $1.442695020e+00, v22;
	v23 =	vmov s9;
	v59, _, _ =	vpop (xrf2)  }
0x5d3: {  	v12 =	vmul.f32 $1.442695020e+00, v23;
	(v2sf) =	vpush v59, $0xF;
	v59 =	vld [tilespmem:$0x1F970];
	[tilespmem:s19+$0xFFFFFF10] =	vst v8  }
0x5d4: {  	v9 =	vadd.f32 v14, v21;
	v0 =	vmul.f32 v28, v0;
	v11 =	vbroadcast v11, $0x0;
	s26 =	spop (v2sf);
	v8 =	vld [tilespmem:$0x1F980]  }
0x5d5: {  	v6 =	vadd.f32 v6, v32;
	s2 =	smul.f32 $1.250000000e-01, s26;
	s28 =	spop (v2sf);
	v12 =	vbroadcast v12, $0x0  }
0x5d6: {  	v10 =	vld [tilespmem:s18+$0xD0];
	v7 =	vunpack.i.u.bf16.f32 v63;
	v9 =	vmul.f32 v40, v9;
	(erf) = vpow2.f32 v11;
	[tilespmem:s19+$0xFFFFFF50] =	vst v0;
	s9 =	smul.f32 $1.250000000e-01, s28;
	s10 =	spop (v2sf)  }
0x5d7: {  	v6 =	vmul.f32 v41, v6;
	v53 =	vunpack.i.l.bf16.f32 v63;
	v0 =	vld [tilespmem:$0x1F990];
	(erf) = vpow2.f32 v12;
	s10 =	smul.f32 $1.250000000e-01, s10;
	s14 =	spop (v2sf)  }
0x5d8: {  	[tilespmem:s19+$0xFFFFFF90] =	vst v9;
	v14 =	vmov s2;
	v20 =	vmov s9;
	v13 =	vadd.f32 v53, v59;
	s30 =	smul.f32 $1.250000000e-01, s14  }
0x5d9: {  	v11 =	vld [tilespmem:s18+$0xFFFFFF60];
	[tilespmem:s19+$0xFFFFFFD0] =	vst v6;
	v12 =	vmul.f32 $1.442695020e+00, v20;
	v21 =	vmov s10;
	v7 =	vadd.f32 v7, v8  }
0x5da: {  	v59 =	vld [tilespmem:$0x1F9A0];
	v8 =	vmul.f32 $1.442695020e+00, v14;
	v22 =	vmul.f32 $1.442695020e+00, v21;
	v23 =	vmov s30  }
0x5db: {  	v63 =	vunpack.i.l.bf16.f32 v10;
	v12 =	vbroadcast v12, $0x0;
	v53 =	vmul.f32 $1.442695020e+00, v23  }
0x5dc: {  	v9 =	vld [tilespmem:s18+$0xFFFFFFE0];
	v0 =	vadd.f32 v63, v0;
	v8 =	vbroadcast v8, $0x0;
	v63 =	vbroadcast v22, $0x0  }
0x5dd: {  	v32 =	vunpack.i.u.bf16.f32 v10;
	v21 =	vld [tilespmem:$0x1F880];
	v10 =	vbroadcast v53, $0x0;
	v53 =	vmul.f32 v29, v13;
	s9 =	spop (v2sf)  }
0x5de: {  	v20 =	vunpack.i.l.bf16.f32 v11;
	v23 =	vld [tilespmem:$0x1F8E0];
	v7 =	vmul.f32 v47, v7;
	(erf) = vpow2.f32 v8;
	s2 =	smul.f32 $1.250000000e-01, s9  }
0x5df: {  	v0 =	vmul.f32 v46, v0;
	v6 =	vadd.f32 v32, v59;
	v59 =	vld [tilespmem:s4+$0xFFFFFF40];
	(erf) = vpow2.f32 v12;
	[tilespmem:s19+$0x10] =	vst v53  }
0x5e0: {  	v22 =	vunpack.i.u.bf16.f32 v11;
	(erf) = vpow2.f32 v63;
	v11 =	vld [tilespmem:$0x1F910];
	[tilespmem:s19+$0x50] =	vst v7;
	v32 =	vmov s2  }
0x5e1: {  	(erf) = vpow2.f32 v10;
	v10 =	vmul.f32 $1.442695020e+00, v32;
	v32 =	vld [tilespmem:$0x1F9C0];
	[tilespmem:s19+$0x90] =	vst v0  }
0x5e2: {  	v0 =	vld [tilespmem:$0x1F920];
	_ =	sdelay $0x2  }
0x5e3: {  	v15 =	vunpack.i.l.bf16.f32 v9;
	v12 =	vadd.f32 v20, v21;
	v20 =	vunpack.i.u.bf16.f32 v9;
	s10 =	spop (v2sf)  }
0x5e4: {  	v8 =	vadd.f32 v22, v23;
	s9 =	smul.f32 $1.250000000e-01, s10;
	v11 =	vadd.f32 v15, v11;
	v15 =	vld [tilespmem:s4+$0xFFFFFFC0];
	v6 =	vmul.f32 v32, v6  }
0x5e5: {  	v22 =	vmul.f32 v12, v39;
	v23 =	vunpack.i.l.bf16.f32 v59;
	v0 =	vadd.f32 v20, v0  }
0x5e6: {  	v7 =	vld [tilespmem:s4+$0x40];
	v63 =	vmov s9;
	v10 =	vbroadcast v10, $0x0;
	[tilespmem:s19+$0xD0] =	vst v6;
	v6 =	vadd.f32 v23, v24  }
0x5e7: {  	v8 =	vmul.f32 v8, v28;
	v14 =	vmul.f32 $1.442695020e+00, v63  }
0x5e8: {  	v53 =	vunpack.i.u.bf16.f32 v59;
	[tilespmem:s19+$0xFFFFFF20] =	vst v22;
	v11 =	vmul.f32 v11, v40;
	(erf) = vpow2.f32 v10  }
0x5e9: {  	[tilespmem:s19+$0xFFFFFF60] =	vst v8;
	v10 =	vadd.f32 v53, v25;
	v59 =	vunpack.i.l.bf16.f32 v15;
	v63 =	vmul.f32 v0, v41;
	v0 =	vpop (erf)  }
0x5ea: {  	[tilespmem:s19+$0xFFFFFFA0] =	vst v11;
	v20 =	vunpack.i.u.bf16.f32 v15;
	v12 =	vadd.f32 v59, v61;
	v22 =	vmul.f32 v0, v6;
	v6 =	vpop (erf)  }
0x5eb: {  	s14 =	sadd.s32 $0x200, s19;
	v15 =	vadd.f32 v20, v2;
	v23 =	vunpack.i.l.bf16.f32 v7;
	[tilespmem:s19+$0xFFFFFFE0] =	vst v63;
	v24 =	vmul.f32 v6, v10;
	v2 =	vpop (erf)  }
0x5ec: {  	v25 =	vunpack.i.u.bf16.f32 v7;
	v16 =	vadd.f32 v23, v56;
	[tilespmem:s14+$0xFFFFFF00] =	vst v22;
	v53 =	vmul.f32 v2, v12;
	v7 =	vpop (erf)  }
0x5ed: {  	v21 =	vbroadcast v14, $0x0;
	[tilespmem:s14+$0xFFFFFF40] =	vst v24;
	v13 =	vpop (erf);
	v15 =	vmul.f32 v7, v15  }
0x5ee: {  	v9 =	vld [tilespmem:s4+$0xC0];
	[tilespmem:s14+$0xFFFFFF80] =	vst v53;
	v56 =	vmul.f32 v13, v16  }
0x5ef: {  	(erf) = vpow2.f32 v21;
	v21 =	vld [tilespmem:s18+$0x60];
	[tilespmem:s14+$0xFFFFFFC0] =	vst v15  }
0x5f0: {  	v15 =	vld [tilespmem:$0x1F930];
	[tilespmem:s14+$0x0] =	vst v56  }
0x5f1: {  	v10 =	vadd.f32 v25, v55;
	v19 =	vld [tilespmem:$0x1F950]  }
0x5f2: {  	v8 =	vpop (erf)  }
0x5f3: {  	v10 =	vmul.f32 v8, v10;
	_ =	sdelay $0x1  }
0x5f4: {  	v17 =	vld [tilespmem:s18+$0xE0];
	v14 =	vunpack.i.u.bf16.f32 v21;
	v55 =	vunpack.i.l.bf16.f32 v9;
	[tilespmem:s14+$0x40] =	vst v10  }
0x5f5: {  	v9 =	vunpack.i.u.bf16.f32 v9;
	v12 =	vadd.f32 v55, v57;
	v14 =	vadd.f32 v14, v19;
	v19 =	vld [tilespmem:$0x1F960]  }
0x5f6: {  	v18 =	vadd.f32 v9, v5;
	v5 =	vpop (erf)  }
0x5f7: {  	v12 =	vmul.f32 v5, v12;
	_ =	sdelay $0x1  }
0x5f8: {  	v61 =	vunpack.i.l.bf16.f32 v17;
	[tilespmem:s14+$0x80] =	vst v12  }
0x5f9: {  	v57 =	vunpack.i.l.bf16.f32 v21;
	v10 =	vadd.f32 v61, v19;
	v19 =	vld [tilespmem:$0x1F9B0]  }
0x5fa: {  	v9 =	vpop (erf);
	v15 =	vadd.f32 v57, v15  }
0x5fb: {  	v18 =	vmul.f32 v9, v18  }
0x5fc: {  	v16 =	vld [tilespmem:s4+$0xFFFFFF50];
	v15 =	vmul.f32 v15, v29  }
0x5fd: {  	v17 =	vunpack.i.u.bf16.f32 v17;
	v59 =	vld [tilespmem:s4+$0xFFFFFFD0];
	v14 =	vmul.f32 v14, v47;
	[tilespmem:s14+$0xC0] =	vst v18  }
0x5fe: {  	[tilespmem:s19+$0x20] =	vst v15;
	v17 =	vadd.f32 v17, v19  }
0x5ff: {  	[tilespmem:s19+$0x60] =	vst v14  }
0x600: {  	v21 =	vmul.f32 v17, v32;
	v17 =	vld [tilespmem:$0x1F6A0]  }
0x601: {  	v63 =	vld [tilespmem:s4+$0x50];
	v18 =	vunpack.i.l.bf16.f32 v16  }
0x602: {  	v11 =	vunpack.i.u.bf16.f32 v59;
	v15 =	vadd.f32 v18, v35  }
0x603: {  	v11 =	vadd.f32 v11, v54;
	v10 =	vmul.f32 v10, v46  }
0x604: {  	v16 =	vunpack.i.u.bf16.f32 v16;
	v15 =	vmul.f32 v0, v15  }
0x605: {  	v11 =	vmul.f32 v7, v11;
	[tilespmem:s19+$0xA0] =	vst v10;
	v16 =	vadd.f32 v16, v17;
	v17 =	vunpack.i.l.bf16.f32 v59  }
0x606: {  	v23 =	vunpack.i.l.bf16.f32 v63;
	[tilespmem:s14+$0xFFFFFF10] =	vst v15;
	v22 =	vadd.f32 v17, v51  }
0x607: {  	v3 =	vadd.f32 v23, v3;
	[tilespmem:s14+$0xFFFFFFD0] =	vst v11;
	v16 =	vmul.f32 v6, v16  }
0x608: {  	[tilespmem:s19+$0xE0] =	vst v21;
	v10 =	vmul.f32 v2, v22  }
0x609: {  	v3 =	vmul.f32 v13, v3;
	v18 =	vld [tilespmem:s4+$0xD0];
	[tilespmem:s14+$0xFFFFFF50] =	vst v16  }
0x60a: {  	v17 =	vld [tilespmem:s18+$0xFFFFFF70];
	[tilespmem:s14+$0xFFFFFF90] =	vst v10  }
0x60b: {  	v12 =	vunpack.i.u.bf16.f32 v63;
	v53 =	vld [tilespmem:$0x1F860];
	[tilespmem:s14+$0x10] =	vst v3  }
0x60c: {  	v12 =	vadd.f32 v12, v62;
	v16 =	vld [tilespmem:$0x1F870];
	_ =	sdelay $0x1  }
0x60d: {  	v51 =	vmul.f32 v8, v12  }
0x60e: {  	v55 =	vld [tilespmem:s4+$0xFFFFFFE0]  }
0x60f: {  	v24 =	vld [tilespmem:s18+$0xFFFFFFF0];
	v15 =	vunpack.i.l.bf16.f32 v18;
	v54 =	vunpack.i.u.bf16.f32 v17;
	[tilespmem:s14+$0x50] =	vst v51  }
0x610: {  	v1 =	vadd.f32 v15, v1;
	v12 =	vadd.f32 v54, v16;
	v16 =	vld [tilespmem:$0x1F890]  }
0x611: {  	v25 =	vunpack.i.u.bf16.f32 v18  }
0x612: {  	v4 =	vadd.f32 v25, v4;
	v1 =	vmul.f32 v5, v1;
	v15 =	vld [tilespmem:s4+$0xFFFFFF60];
	v35 =	vunpack.i.l.bf16.f32 v17  }
0x613: {  	v10 =	vadd.f32 v35, v53;
	v3 =	vunpack.i.u.bf16.f32 v55  }
0x614: {  	v56 =	vunpack.i.l.bf16.f32 v24;
	v4 =	vmul.f32 v9, v4;
	[tilespmem:s14+$0x90] =	vst v1;
	v3 =	vadd.f32 v3, v42  }
0x615: {  	v20 =	vunpack.i.l.bf16.f32 v55;
	v10 =	vmul.f32 v10, v39;
	v11 =	vadd.f32 v56, v16;
	v16 =	vld [tilespmem:$0x1F8B0]  }
0x616: {  	v21 =	vadd.f32 v20, v33;
	v3 =	vmul.f32 v3, v7;
	[tilespmem:s14+$0xD0] =	vst v4  }
0x617: {  	v59 =	vunpack.i.l.bf16.f32 v15;
	v12 =	vmul.f32 v12, v28;
	[tilespmem:s19+$0xFFFFFF30] =	vst v10  }
0x618: {  	v62 =	vunpack.i.u.bf16.f32 v15;
	v4 =	vadd.f32 v59, v30;
	v10 =	vmul.f32 v21, v2;
	[tilespmem:s14+$0xFFFFFFE0] =	vst v3  }
0x619: {  	v14 =	vunpack.i.u.bf16.f32 v24;
	v57 =	vld [tilespmem:s4+$0x60];
	[tilespmem:s0+$0xFFFFFF70] =	vst v12;
	v61 =	vmul.f32 v11, v40;
	v11 =	vadd.f32 v62, v38  }
0x61a: {  	v4 =	vmul.f32 v4, v0;
	[tilespmem:s14+$0xFFFFFFA0] =	vst v10;
	v14 =	vadd.f32 v14, v16  }
0x61b: {  	[tilespmem:s0+$0xFFFFFFB0] =	vst v61;
	v11 =	vmul.f32 v11, v6  }
0x61c: {  	[tilespmem:s14+$0xFFFFFF20] =	vst v4;
	v63 =	vmul.f32 v14, v41  }
0x61d: {  	[tilespmem:s14+$0xFFFFFF60] =	vst v11  }
0x61e: {  	v22 =	vld [tilespmem:s18+$0x70];
	v23 =	vunpack.i.l.bf16.f32 v57;
	[tilespmem:s0+$0xFFFFFFF0] =	vst v63  }
0x61f: {  	v24 =	vadd.f32 v23, v37;
	v16 =	vld [tilespmem:$0x1F8C0]  }
0x620: {  	v15 =	vld [tilespmem:s4+$0xE0]  }
0x621: {  	v4 =	vmul.f32 v24, v13;
	_ =	sdelay $0x1  }
0x622: {  	v25 =	vld [tilespmem:s18+$0xF0];
	v33 =	vunpack.i.l.bf16.f32 v22;
	v1 =	vunpack.i.u.bf16.f32 v57;
	[tilespmem:s14+$0x20] =	vst v4  }
0x623: {  	v1 =	vadd.f32 v1, v26;
	v3 =	vadd.f32 v33, v16;
	v16 =	vld [tilespmem:$0x1F8D0]  }
0x624: {  	v35 =	vld [tilespmem:s4+$0xFFFFFFF0];
	v28 =	vunpack.i.l.bf16.f32 v15  }
0x625: {  	v1 =	vmul.f32 v1, v8;
	v30 =	vunpack.i.u.bf16.f32 v15;
	v11 =	vadd.f32 v28, v60;
	v15 =	vld [tilespmem:s4+$0xFFFFFF70]  }
0x626: {  	v10 =	vadd.f32 v30, v58  }
0x627: {  	v14 =	vunpack.i.u.bf16.f32 v22;
	v11 =	vmul.f32 v11, v5;
	[tilespmem:s14+$0x60] =	vst v1  }
0x628: {  	v12 =	vunpack.i.u.bf16.f32 v25;
	v10 =	vmul.f32 v10, v9;
	v14 =	vadd.f32 v14, v16;
	v16 =	vld [tilespmem:$0x1F8F0]  }
0x629: {  	v12 =	vadd.f32 v12, v34;
	v4 =	vunpack.i.u.bf16.f32 v35;
	[tilespmem:s14+$0xA0] =	vst v11  }
0x62a: {  	v4 =	vadd.f32 v4, v43;
	v39 =	vunpack.i.l.bf16.f32 v15;
	v38 =	vld [tilespmem:s4+$0x70];
	v3 =	vmul.f32 v3, v29;
	[tilespmem:s14+$0xE0] =	vst v10  }
0x62b: {  	v12 =	vmul.f32 v12, v32;
	v40 =	vadd.f32 v39, v36;
	v41 =	vld [tilespmem:s4+$0xF0]  }
0x62c: {  	v37 =	vunpack.i.l.bf16.f32 v25;
	v4 =	vmul.f32 v4, v7;
	[tilespmem:s0+$0x30] =	vst v3  }
0x62d: {  	v15 =	vunpack.i.u.bf16.f32 v15;
	v3 =	vmul.f32 v40, v0;
	[tilespmem:s0+$0xF0] =	vst v12;
	v1 =	vadd.f32 v37, v16  }
0x62e: {  	v42 =	vadd.f32 v15, v44;
	v15 =	vunpack.i.l.bf16.f32 v35;
	[tilespmem:s14+$0xFFFFFFF0] =	vst v4;
	v14 =	vmul.f32 v14, v47  }
0x62f: {  	v44 =	vadd.f32 v15, v31;
	[tilespmem:s14+$0xFFFFFF30] =	vst v3;
	v47 =	vunpack.i.u.bf16.f32 v38;
	v1 =	vmul.f32 v1, v46  }
0x630: {  	v3 =	vadd.f32 v47, v52;
	[tilespmem:s0+$0x70] =	vst v14;
	v14 =	vmul.f32 v42, v6;
	v51 =	vunpack.i.l.bf16.f32 v41  }
0x631: {  	v46 =	vunpack.i.l.bf16.f32 v38;
	v11 =	vadd.f32 v51, v48;
	[tilespmem:s0+$0xB0] =	vst v1;
	v1 =	vmul.f32 v44, v2  }
0x632: {  	v3 =	vmul.f32 v3, v8;
	[tilespmem:s14+$0xFFFFFF70] =	vst v14;
	v52 =	vunpack.i.u.bf16.f32 v41;
	v12 =	vadd.f32 v46, v45  }
0x633: {  	v54 =	vmul.f32 v11, v5;
	[tilespmem:s14+$0xFFFFFFB0] =	vst v1;
	v1 =	vadd.f32 v52, v49  }
0x634: {  	[tilespmem:s14+$0x70] =	vst v3;
	v53 =	vmul.f32 v12, v13  }
0x635: {  	[tilespmem:s14+$0xB0] =	vst v54;
	v1 =	vmul.f32 v1, v9  }
0x636: {  	[tilespmem:s14+$0x30] =	vst v53  }
0x637: {  	[tilespmem:s14+$0xF0] =	vst v1  }
0x638: {  	v1 =	vld [tilespmem:$0x80];
	_ =	sdelay $0x2  }
0x639: {  	s18 =	sadd.s32 $0x1, s1;
	v55 =	vmov s1;
	v56 =	vlaneseq.u32  }
0x63a: {  	v57 =	vmov s18;
	s19 =	sadd.s32 $0x2, s1;
	vm0 =	veq.s32 v55, v56  }
0x63b: {  	v59 =	vmov s19;
	vm14 =	veq.s32 v57, v56;
	v1 =	vshll.u32 v1, $0x1  }
0x63c: {  	s20 =	sadd.s32 $0x3, s1;
	vm1 =	veq.s32 v59, v56;
	v0 =	vsel vm0, v0, v27;
	v60 =	vor.u32 $0x1, v1  }
0x63d: {  	v61 =	vmov s20;
	v58 =	vsel vm0, v6, v50;
	v0 =	vsel vm14, v2, v0  }
0x63e: {  	vm15 =	veq.s32 v61, v56;
	v4 =	vsel vm14, v7, v58;
	v0 =	vsel vm1, v13, v0  }
0x63f: {  	v62 =	vsel vm1, v8, v4;
	v0 =	vsel vm15, v5, v0  }
0x640: {  	v63 =	vsel vm15, v9, v62;
	[tilespmem:v1+s13+$0x0] =	vst.idx.add.f32.msk $0xffff, v0  }
0x641: {  	s24 =	simm.s32 $0x3A00;
	[tilespmem:v60+s13+$0x0] =	vst.idx.add.f32.msk $0xffff, v63  }
0x642: {  	[spmem:s31] =	stream.indirect.scatter.add.f32 [tilespmem:s24], [sflag:$0x7], $0x80, s16, s23, $0xb8;
	[tilespmem:$0x1D080] =	vst v63  }
0x643: {  	_ =	swait.ge [sflag:s21], $0x800  }
0x644: {  	[sflag:s21] =	ssyncset.done $0x0  }
0x645: {  	[sflag:s21] =	ssyncadd.s32 $0xFFFFF800  }
0x646: {  	s26 =	simm.s32 $0xA0;
	s28 =	simm.s32 $0x9200;
	s25 =	rddreg [dreg:$0x3]  }
0x647: {  	[spmem:s25] =	stream.indirect.scatter.add.f32 [tilespmem:s13], [sflag:$0x7], $0x80, s28, s26, $0xb8;
	[tilespmem:$0x1D080] =	vst v63  }
0x648: {  	_ =	swait.ge [sflag:s21], $0x5000  }
0x649: {  	[sflag:s21] =	ssyncset.done $0x0  }
0x64a: {  	[sflag:s21] =	ssyncadd.s32 $0xFFFFB000  }
0x64b: {  	[bflag:$0x0] =	sbarrier.arrive $0xFFFF  }
0x64c: {  	s0 =	sshll.u32 @!p0 s5, $0x6;
	s20 =	rddreg [dreg:$0x8]  }
0x64d: {  	s0 =	sor.u32 @!p0 $0x1C07, s0;
	s2 =	rddreg [dreg:$0xc];
	s1 =	sshrl.u32 @!p0 s20, $0x3  }
0x64e: {  	[hbm:s2], [sflag:s0] =	dma.local @!p0 [spmem:s1], $0x100  }
0x64f: {  	s30 =	sadd.s32 $0x0, s5;
	s0 =	simm.s32 @!p0 $0x7  }
0x650: {  	p1 =	sgt.u32 s30, $0x270;
	_ =	swait.ge @!p0 [sflag:s0], $0x100  }
0x651: {  	s18 =	simm.s32 @!p1 $0x7;
	[sflag:s0] =	ssyncset.done @!p0 $0x0  }
0x652: {  	s24 =	rddreg [dreg:$0xe];
	[sflag:s0] =	ssyncadd.s32 @!p0 $0xFFFFFF00;
	s0 =	sshll.u32 @!p1 s5, $0x6  }
0x653: {  	s2 =	rddreg [dreg:$0xf];
	s1 =	sshrl.u32 @!p1 s24, $0x3;
	s0 =	sor.u32 @!p1 $0x1C07, s0  }
0x654: {  	[hbm:s2], [sflag:s0] =	dma.local @!p1 [spmem:s1], $0x100  }
0x655: {  	s19 =	sadd.s32 $0x10, s5;
	s4 =	simm.s32 $0x20;
	_ =	swait.ge @!p1 [sflag:s18], $0x100  }
0x656: {  	v16 =	vlaneseq.u32;
	s0 =	sadd.s32 $0x8000, s24;
	s1 =	sadd.s32 $0x1000, s2;
	[sflag:s18] =	ssyncset.done @!p1 $0x0  }
.LBB2_18:
0x657: {  	s2 =	smov.u32 s4;
	s4 =	sadd.s32 $0x10, s4  }
0x658: {  	[sflag:s18] =	ssyncadd.s32 @!p1 $0xFFFFFF00;
	p1 =	sgt.u32 s19, $0x270;
	p2 =	sne.s32 s4, $0x280  }
.Ltmp8:
0x659: {  	s9 =	sshll.u32 @!p1 s5, $0x6;
	s10 =	sshrl.u32 @!p1 s0, $0x3;
	(pc) =	sbr.rel @p2 .LBB2_18-.Ltmp8, $4  }
0x65a: {  	s18 =	simm.s32 @!p1 $0x7;
	s9 =	sor.u32 @!p1 $0x1C07, s9  }
0x65b: {  	[hbm:s1], [sflag:s9] =	dma.local @!p1 [spmem:s10], $0x100  }
0x65c: {  	s0 =	sadd.s32 $0x8000, s0;
	_ =	swait.ge @!p1 [sflag:s18], $0x100  }
0x65d: {  	s19 =	sadd.s32 s2, s5;
	s1 =	sadd.s32 $0x1000, s1;
	[sflag:s18] =	ssyncset.done @!p1 $0x0  }
0x65e: {  	p2 =	sgt.u32 s19, $0x270  }
0x65f: {  	[sflag:s18] =	ssyncadd.s32 @!p1 $0xFFFFFF00;
	s2 =	sshll.u32 @!p2 s5, $0x6  }
0x660: {  	s0 =	sshrl.u32 @!p2 s0, $0x3;
	s4 =	simm.s32 @!p2 $0x7;
	s2 =	sor.u32 @!p2 $0x1C07, s2  }
0x661: {  	[hbm:s1], [sflag:s2] =	dma.local @!p2 [spmem:s0], $0x100  }
0x662: {  	_ =	swait.ge @!p2 [sflag:s4], $0x100  }
0x663: {  	s14 =	rddreg [dreg:$0x5]  }
0x664: {  	s30 =	rddreg [dreg:$0xd];
	s14 =	sadd.s32 $0x1, s14  }
0x665: {  	p1 =	sne.s32 s14, s30  }
.Ltmp9:
0x666: {  	_ = 	snop;
	(pc) =	sbr.rel @p1 .LBB2_1-.Ltmp9, $3  }
0x667: {  	_ =	sdelay $0x1  }
0x668: {  	[sflag:s4] =	ssyncset.done @!p2 $0x0  }
0x669: {  	v0 =	vimm.f32 $0.0e+00;
	[sflag:s4] =	ssyncadd.s32 @!p2 $0xFFFFFF00  }
0x66a: {  	_ =	sfence.sel $0x180000  }
0x66b: {  	[bflag:$0x0] =	sbarrier.arrive $0xFFFF  }
0x66c: {  	_ =	strace $0x90000047  }
0x66d: {  	[bflag:$0x2] =	sbarrier.arrive $0xFFFF  }
0x66e: {  	p0 =	sne.s32 s5, $0x0;
	s0 =	rddreg [dreg:$0x4]  }
0x66f: {  	s0 =	sadd.s32 @!p0 $0x100000, s0  }
0x670: {  	[sflag:s0] =	ssyncadd.tile.s32 @!p0 $0x1;
	_ =	shalt  }
.Lfunc_end2:
_tile_overlayer_lowered:
.L_overlay_start_2:
0x671: {  	(tag) =	ssettag $0x2  }
0x672: {  	s0 =	rddreg [dreg:$0x0];
	s2 =	stileid.u32  }
0x673: {  	s1 =	rddreg [dreg:$0x1];
	p0 =	sne.s32 s2, $0x0  }
0x674: {  	s3 =	rddreg [dreg:$0x2];
	[bflag:$0x3] =	sbarrier.arrive $0xFFFF;
	s2 =	simm.s32 @!p0 $0x1C07  }
0x675: {  	[timem:s3], [sflag:s2] =	dma.local @!p0 [hbm:s0], s1  }
0x676: {  	s0 =	simm.s32 @!p0 $0x7  }
0x677: {  	_ =	swait.ge @!p0 [sflag:s0], s1  }
0x678: {  	s1 =	ssub.s32 @!p0 $0x0, s1;
	[sflag:s0] =	ssyncset.done @!p0 $0x0  }
0x679: {  	[sflag:s0] =	ssyncadd.s32 @!p0 s1  }
0x67a: {  	[bflag:$0x3] =	sbarrier.arrive $0xFFFF  }
0x67b: {  	_ =	shalt  }

</sc_bundles>
